<compile_context>
chip_gen: v7x
topology: tpu7x:2x2x1
jax: 0.10.2.dev20260603
libtpu: 0.0.44.dev20260713+nightly
codegen_flags: <defaults>
</compile_context>

<pallas_src>
import functools

import jax
import jax.numpy as jnp
from jax import lax
from jax.experimental import pallas as pl
from jax.experimental.pallas import tpu as pltpu
from jax.experimental.pallas import tpu_sc as plsc

B = 64
C = 3
IMG = 512
P = 16
GRID = IMG // P
NUM_PATCHES = GRID * GRID
L = P * P
KEEP = 25
PAD = 32

NC = 2
NS = 16
NW = NC * NS
UNITS = B * GRID
UNITS_PER_W = UNITS // NW


def _vsort(k, descending):
    ks, _ = plsc.sort_key_val(k, k, descending=descending)
    return ks


@functools.partial(
    pl.kernel,
    mesh=plsc.VectorSubcoreMesh(core_axis_name="c", subcore_axis_name="s"),
    compiler_params=pltpu.CompilerParams(needs_layout_passes=False),
    out_type=(
        jax.ShapeDtypeStruct((B, C, NUM_PATCHES, PAD), jnp.float32),
        jax.ShapeDtypeStruct((B, C, NUM_PATCHES, PAD), jnp.int32),
    ),
    scratch_types=[
        pltpu.VMEM((2, GRID, L), jnp.float32),
        pltpu.VMEM((2, C * P, IMG), jnp.float32),
        pltpu.VMEM((2, C, GRID, PAD), jnp.float32),
        pltpu.VMEM((2, GRID, PAD), jnp.int32),
        pltpu.SemaphoreType.DMA((2,)),
        pltpu.SemaphoreType.DMA((2,)),
    ],
)
def _patch_embed_sc(x_hbm, noise_hbm, out_hbm, ids_hbm, nz, xs, ov, oi,
                    sem_in, sem_out):
    wid = lax.axis_index("s") * NC + lax.axis_index("c")

    def in_copies(t, par):
        u = wid * UNITS_PER_W + t
        b = u // GRID
        gy = u % GRID
        cps = [pltpu.make_async_copy(
            noise_hbm.at[b, pl.ds(gy * GRID, GRID), :], nz.at[par],
            sem_in.at[par])]
        for c in range(C):
            cps.append(pltpu.make_async_copy(
                x_hbm.at[b, c, pl.ds(gy * P, P), :],
                xs.at[par, pl.ds(c * P, P), :], sem_in.at[par]))
        return cps

    def out_copies(t, par):
        u = wid * UNITS_PER_W + t
        b = u // GRID
        gy = u % GRID
        cps = []
        for c in range(C):
            cps.append(pltpu.make_async_copy(
                ov.at[par, c], out_hbm.at[b, c, pl.ds(gy * GRID, GRID), :],
                sem_out.at[par]))
            cps.append(pltpu.make_async_copy(
                oi.at[par], ids_hbm.at[b, c, pl.ds(gy * GRID, GRID), :],
                sem_out.at[par]))
        return cps

    def topk_patch(par, j):
        leaves = []
        for i in range(P):
            v = nz[par, j, pl.ds(i * P, P)]
            q = (v * 8388608.0).astype(jnp.int32)
            key = jnp.left_shift(q, 8) | (lax.iota(jnp.int32, P) + i * P)
            key = lax.bitcast_convert_type(key, jnp.uint32)
            leaves.append(_vsort(key, descending=(i % 2 == 1)))
        lists = []
        for p in range(8):
            lo = jnp.minimum(leaves[2 * p], leaves[2 * p + 1])
            hi = jnp.maximum(leaves[2 * p], leaves[2 * p + 1])
            if p % 2 == 0:
                lists.append((_vsort(lo, False), _vsort(hi, False)))
            else:
                lists.append((_vsort(hi, True), _vsort(lo, True)))
        while len(lists) > 1:
            nxt = []
            for p in range(len(lists) // 2):
                a0, a1 = lists[2 * p]
                b0, b1 = lists[2 * p + 1]
                w0 = jnp.minimum(a0, b0)
                w1 = jnp.minimum(a1, b1)
                lo = jnp.minimum(w0, w1)
                hi = jnp.maximum(w0, w1)
                if p % 2 == 0:
                    nxt.append((_vsort(lo, False), _vsort(hi, False)))
                else:
                    nxt.append((_vsort(hi, True), _vsort(lo, True)))
            lists = nxt
        k0, k1 = lists[0]

        id0 = lax.bitcast_convert_type(k0, jnp.int32) & 255
        id1 = lax.bitcast_convert_type(k1, jnp.int32) & 255
        oi[par, j, pl.ds(0, P)] = id0
        oi[par, j, pl.ds(P, P)] = id1

        row0 = jnp.right_shift(id0, 4)
        row1 = jnp.right_shift(id1, 4)
        col0 = j * P + (id0 & 15)
        col1 = j * P + (id1 & 15)
        par_v = jnp.broadcast_to(par, (P,))
        for c in range(C):
            ov[par, c, j, pl.ds(0, P)] = plsc.load_gather(
                xs, [par_v, row0 + c * P, col0])
            ov[par, c, j, pl.ds(P, P)] = plsc.load_gather(
                xs, [par_v, row1 + c * P, col1])

    for cp in in_copies(0, 0):
        cp.start()

    def unit_body(t, carry):
        par = lax.rem(t, 2)

        @pl.when(t + 1 < UNITS_PER_W)
        def _prefetch():
            for cp in in_copies(t + 1, lax.rem(t + 1, 2)):
                cp.start()

        @pl.when(t >= 2)
        def _drain_out():
            for cp in out_copies(t - 2, par):
                cp.wait()

        for cp in in_copies(t, par):
            cp.wait()

        def patch_body(jj, pcarry):
            for k in range(4):
                topk_patch(par, 4 * jj + k)
            return pcarry

        lax.fori_loop(0, GRID // 4, patch_body, 0)

        for cp in out_copies(t, par):
            cp.start()
        return carry

    lax.fori_loop(0, UNITS_PER_W, unit_body, 0)

    for cp in out_copies(UNITS_PER_W - 2, 0):
        cp.wait()
    for cp in out_copies(UNITS_PER_W - 1, 1):
        cp.wait()


def kernel(x, noise):
    vals, ids = _patch_embed_sc(x, noise)
    return vals[..., :KEEP], ids[..., :KEEP]

# --- scband reference (transcript-rebuilt; emitter-appended) ---
"""Pipeline reference for scband-random-patch-embed-25958782337656 (READ-ONLY COPY).

The authoritative reference and input builder live on the scoring server;
editing this copy changes nothing except your own understanding.
"""

import jax, jax.numpy as jnp
import numpy as np

IMG = 512
P = 16
MASK = 0.9
GRID = IMG // P
NUM_PATCHES = GRID * GRID
L = P * P
KEEP = int(L * (1 - MASK))
B = 64
C = 3


def setup_inputs(seed: int = 0) -> dict:
    key = jax.random.key(seed)
    k1, k2 = jax.random.split(key)
    x = jax.random.normal(k1, (B, C, IMG, IMG), dtype=jnp.float32)
    # 'noise' plays the role of the internally-generated torch.rand tensor;
    # materialized here so the reference is deterministic.
    noise = jax.random.uniform(k2, (B, NUM_PATCHES, L), dtype=jnp.float32)
    return {"x": x, "noise": noise}


def reference(x, noise):
    b, c, H, W = x.shape
    g = H // P
    # random_mask
    ids_shuffle = jnp.argsort(noise, axis=2)
    ids_keep = ids_shuffle[:, :, :KEEP]
    # patchify: (B,C,g,P,g,P) -> swap dims 3,4 -> (B,C,g,g,P,P) -> (B,C,num_patches,L)
    x6 = x.reshape(b, c, g, P, g, P)
    x6 = jnp.transpose(x6, (0, 1, 2, 4, 3, 5))
    xf = x6.reshape(b, c, NUM_PATCHES, L)
    # expand ids over channel dim and gather along last axis
    ids = jnp.broadcast_to(ids_keep[:, None, :, :], (b, c, NUM_PATCHES, KEEP))
    out = jnp.take_along_axis(xf, ids, axis=-1)
    return (out, ids)

if __name__ == "__main__":
    import jax
    _d = setup_inputs()
    print(jax.jit(kernel)(*tuple(_d.values())))

</pallas_src>

<mosaic_0001>
#map = affine_map<(d0, d1) -> (0, 0, 0, 0)>
#map1 = affine_map<(d0, d1) -> (0, 0, 0)>
module attributes {stable_mosaic.version = 14 : i64} {
  func.func @_patch_embed_sc(%arg0: i32, %arg1: i32, %arg2: memref<64x3x512x512xf32, #tpu.memory_space<hbm>>, %arg3: memref<64x1024x256xf32, #tpu.memory_space<hbm>>, %arg4: memref<64x3x1024x32xf32, #tpu.memory_space<hbm>>, %arg5: memref<64x3x1024x32xi32, #tpu.memory_space<hbm>>, %arg6: memref<2x32x256xf32, #tpu.memory_space<vmem>>, %arg7: memref<2x48x512xf32, #tpu.memory_space<vmem>>, %arg8: memref<2x3x32x32xf32, #tpu.memory_space<vmem>>, %arg9: memref<2x32x32xi32, #tpu.memory_space<vmem>>, %arg10: memref<2x!tpu.dma_semaphore, #tpu.memory_space<semaphore_mem>>, %arg11: memref<2x!tpu.dma_semaphore, #tpu.memory_space<semaphore_mem>>) attributes {dimension_semantics = [#tpu.dimension_semantics<core_parallel>, #tpu.dimension_semantics<subcore_parallel>], iteration_bounds = array<i64: 2, 16>, scalar_prefetch = 0 : i64, scratch_operands = 6 : i64, tpu.core_type = #tpu.core_type<sc_vector_subcore>, window_params = [{transform_indices = #map}, {transform_indices = #map1}, {transform_indices = #map}, {transform_indices = #map}]} {
    %mul3A = arith.constant 2 : i32
    %mul3A_0 = arith.muli %arg1, %mul3A : i32
    %add3A = arith.addi %mul3A_0, %arg0 : i32
    %mul3A_1 = arith.constant 64 : i32
    %mul3A_2 = arith.muli %add3A, %mul3A_1 : i32
    %add3A_3 = arith.constant 0 : i32
    %add3A_4 = arith.addi %mul3A_2, %add3A_3 : i32
    %jit3A = arith.constant 32 : i32
    %div3A = arith.divsi %add3A_4, %jit3A : i32
    %sign3A = arith.constant 0 : i32
    %sign3A_5 = arith.cmpi sgt, %add3A_4, %sign3A : i32
    %sign3A_6 = arith.extui %sign3A_5 : i1 to i32
    %sign3A_7 = arith.constant 0 : i32
    %sign3A_8 = arith.cmpi slt, %add3A_4, %sign3A_7 : i32
    %sign3A_9 = arith.extui %sign3A_8 : i1 to i32
    %sign3A_10 = arith.subi %sign3A_6, %sign3A_9 : i32
    %sign3A_11 = arith.constant 0 : i32
    %sign3A_12 = arith.cmpi sgt, %jit3A, %sign3A_11 : i32
    %sign3A_13 = arith.extui %sign3A_12 : i1 to i32
    %sign3A_14 = arith.constant 0 : i32
    %sign3A_15 = arith.cmpi slt, %jit3A, %sign3A_14 : i32
    %sign3A_16 = arith.extui %sign3A_15 : i1 to i32
    %sign3A_17 = arith.subi %sign3A_13, %sign3A_16 : i32
    %ne3A = arith.cmpi ne, %sign3A_10, %sign3A_17 : i32
    %rem3A = arith.remsi %add3A_4, %jit3A : i32
    %ne3A_18 = arith.constant 0 : i32
    %ne3A_19 = arith.cmpi ne, %rem3A, %ne3A_18 : i32
    %and3A = arith.andi %ne3A, %ne3A_19 : i1
    %sub3A = arith.constant 1 : i32
    %sub3A_20 = arith.subi %div3A, %sub3A : i32
    %select_n3A = arith.select %and3A, %sub3A_20, %div3A : i32
    %jit3A_21 = arith.constant 32 : i32
    %eq3A = arith.constant 0 : i32
    %eq3A_22 = arith.cmpi eq, %jit3A_21, %eq3A : i32
    %jit3A_23 = arith.constant 1 : i32
    %select_n3A_24 = arith.select %eq3A_22, %jit3A_23, %jit3A_21 : i32
    %rem3A_25 = arith.remsi %add3A_4, %select_n3A_24 : i32
    %ne3A_26 = arith.constant 0 : i32
    %ne3A_27 = arith.cmpi ne, %rem3A_25, %ne3A_26 : i32
    %lt3A = arith.constant 0 : i32
    %lt3A_28 = arith.cmpi slt, %rem3A_25, %lt3A : i32
    %lt3A_29 = arith.constant 0 : i32
    %lt3A_30 = arith.cmpi slt, %select_n3A_24, %lt3A_29 : i32
    %ne3A_31 = arith.xori %lt3A_28, %lt3A_30 : i1
    %and3A_32 = arith.andi %ne3A_31, %ne3A_27 : i1
    %add3A_33 = arith.addi %rem3A_25, %select_n3A_24 : i32
    %select_n3A_34 = arith.select %and3A_32, %add3A_33, %rem3A_25 : i32
    %mul3A_35 = arith.constant 32 : i32
    %mul3A_36 = arith.muli %select_n3A_34, %mul3A_35 : i32
    %mul3A_37 = arith.constant 16 : i32
    %mul3A_38 = arith.muli %select_n3A_34, %mul3A_37 : i32
    %mul3A_39 = arith.constant 16 : i32
    %mul3A_40 = arith.muli %select_n3A_34, %mul3A_39 : i32
    %mul3A_41 = arith.constant 16 : i32
    %mul3A_42 = arith.muli %select_n3A_34, %mul3A_41 : i32
    %dma_start3A = arith.constant 0 : i32
    %dma_start3A_43 = arith.constant 0 : i32
    %dma_start3A_44 = arith.constant 0 : i32
    %dma_start3A_45 = arith.constant 0 : i32
    %dma_start3A_46 = tpu.memref_slice %arg6[%dma_start3A, %dma_start3A_44, %dma_start3A_45] : memref<2x32x256xf32, #tpu.memory_space<vmem>> -> memref<1x32x256xf32, #tpu.memory_space<vmem>>
    %dma_start3A_47 = tpu.memref_squeeze %dma_start3A_46 : memref<1x32x256xf32, #tpu.memory_space<vmem>> -> memref<32x256xf32, #tpu.memory_space<vmem>>
    %dma_start3A_48 = arith.constant 0 : i32
    %dma_start3A_49 = tpu.memref_slice %arg3[%select_n3A, %mul3A_36, %dma_start3A_48] : memref<64x1024x256xf32, #tpu.memory_space<hbm>> -> memref<1x32x256xf32, #tpu.memory_space<hbm>>
    %dma_start3A_50 = tpu.memref_squeeze %dma_start3A_49 : memref<1x32x256xf32, #tpu.memory_space<hbm>> -> memref<32x256xf32, #tpu.memory_space<hbm>>
    %dma_start3A_51 = tpu.memref_slice %arg10[%dma_start3A_43] : memref<2x!tpu.dma_semaphore, #tpu.memory_space<semaphore_mem>> -> memref<1x!tpu.dma_semaphore, #tpu.memory_space<semaphore_mem>>
    %dma_start3A_52 = tpu.memref_squeeze %dma_start3A_51 : memref<1x!tpu.dma_semaphore, #tpu.memory_space<semaphore_mem>> -> memref<!tpu.dma_semaphore, #tpu.memory_space<semaphore_mem>>
    %dma_start3A_53 = arith.constant 0 : i32
    %dma_start3A_54 = arith.constant 0 : i32
    %dma_start3A_55 = tpu.memref_slice %arg6[%dma_start3A, %dma_start3A_53, %dma_start3A_54] : memref<2x32x256xf32, #tpu.memory_space<vmem>> -> memref<1x32x256xf32, #tpu.memory_space<vmem>>
    %dma_start3A_56 = tpu.memref_squeeze %dma_start3A_55 : memref<1x32x256xf32, #tpu.memory_space<vmem>> -> memref<32x256xf32, #tpu.memory_space<vmem>>
    %dma_start3A_57 = arith.constant 0 : i32
    %dma_start3A_58 = tpu.memref_slice %arg3[%select_n3A, %mul3A_36, %dma_start3A_57] : memref<64x1024x256xf32, #tpu.memory_space<hbm>> -> memref<1x32x256xf32, #tpu.memory_space<hbm>>
    %dma_start3A_59 = tpu.memref_squeeze %dma_start3A_58 : memref<1x32x256xf32, #tpu.memory_space<hbm>> -> memref<32x256xf32, #tpu.memory_space<hbm>>
    tpu.enqueue_dma source(%dma_start3A_59 : memref<32x256xf32, #tpu.memory_space<hbm>>) target(%dma_start3A_56 : memref<32x256xf32, #tpu.memory_space<vmem>>) target_semaphore(%dma_start3A_52 : memref<!tpu.dma_semaphore, #tpu.memory_space<semaphore_mem>>)
    %dma_start3A_60 = arith.constant 0 : i32
    %dma_start3A_61 = arith.constant 0 : i32
    %dma_start3A_62 = arith.constant 0 : i32
    %dma_start3A_63 = arith.constant 0 : i32
    %dma_start3A_64 = arith.constant 0 : i32
    %dma_start3A_65 = tpu.memref_slice %arg7[%dma_start3A_61, %dma_start3A_63, %dma_start3A_64] : memref<2x48x512xf32, #tpu.memory_space<vmem>> -> memref<1x16x512xf32, #tpu.memory_space<vmem>>
    %dma_start3A_66 = tpu.memref_squeeze %dma_start3A_65 : memref<1x16x512xf32, #tpu.memory_space<vmem>> -> memref<16x512xf32, #tpu.memory_space<vmem>>
    %dma_start3A_67 = arith.constant 0 : i32
    %dma_start3A_68 = tpu.memref_slice %arg2[%select_n3A, %dma_start3A_60, %mul3A_38, %dma_start3A_67] : memref<64x3x512x512xf32, #tpu.memory_space<hbm>> -> memref<1x1x16x512xf32, #tpu.memory_space<hbm>>
    %dma_start3A_69 = tpu.memref_squeeze %dma_start3A_68 : memref<1x1x16x512xf32, #tpu.memory_space<hbm>> -> memref<16x512xf32, #tpu.memory_space<hbm>>
    %dma_start3A_70 = tpu.memref_slice %arg10[%dma_start3A_62] : memref<2x!tpu.dma_semaphore, #tpu.memory_space<semaphore_mem>> -> memref<1x!tpu.dma_semaphore, #tpu.memory_space<semaphore_mem>>
    %dma_start3A_71 = tpu.memref_squeeze %dma_start3A_70 : memref<1x!tpu.dma_semaphore, #tpu.memory_space<semaphore_mem>> -> memref<!tpu.dma_semaphore, #tpu.memory_space<semaphore_mem>>
    %dma_start3A_72 = arith.constant 0 : i32
    %dma_start3A_73 = arith.constant 0 : i32
    %dma_start3A_74 = tpu.memref_slice %arg7[%dma_start3A_61, %dma_start3A_72, %dma_start3A_73] : memref<2x48x512xf32, #tpu.memory_space<vmem>> -> memref<1x16x512xf32, #tpu.memory_space<vmem>>
    %dma_start3A_75 = tpu.memref_squeeze %dma_start3A_74 : memref<1x16x512xf32, #tpu.memory_space<vmem>> -> memref<16x512xf32, #tpu.memory_space<vmem>>
    %dma_start3A_76 = arith.constant 0 : i32
    %dma_start3A_77 = tpu.memref_slice %arg2[%select_n3A, %dma_start3A_60, %mul3A_38, %dma_start3A_76] : memref<64x3x512x512xf32, #tpu.memory_space<hbm>> -> memref<1x1x16x512xf32, #tpu.memory_space<hbm>>
    %dma_start3A_78 = tpu.memref_squeeze %dma_start3A_77 : memref<1x1x16x512xf32, #tpu.memory_space<hbm>> -> memref<16x512xf32, #tpu.memory_space<hbm>>
    tpu.enqueue_dma source(%dma_start3A_78 : memref<16x512xf32, #tpu.memory_space<hbm>>) target(%dma_start3A_75 : memref<16x512xf32, #tpu.memory_space<vmem>>) target_semaphore(%dma_start3A_71 : memref<!tpu.dma_semaphore, #tpu.memory_space<semaphore_mem>>)
    %dma_start3A_79 = arith.constant 1 : i32
    %dma_start3A_80 = arith.constant 0 : i32
    %dma_start3A_81 = arith.constant 0 : i32
    %dma_start3A_82 = arith.constant 16 : i32
    %dma_start3A_83 = arith.constant 0 : i32
    %dma_start3A_84 = tpu.memref_slice %arg7[%dma_start3A_80, %dma_start3A_82, %dma_start3A_83] : memref<2x48x512xf32, #tpu.memory_space<vmem>> -> memref<1x16x512xf32, #tpu.memory_space<vmem>>
    %dma_start3A_85 = tpu.memref_squeeze %dma_start3A_84 : memref<1x16x512xf32, #tpu.memory_space<vmem>> -> memref<16x512xf32, #tpu.memory_space<vmem>>
    %dma_start3A_86 = arith.constant 0 : i32
    %dma_start3A_87 = tpu.memref_slice %arg2[%select_n3A, %dma_start3A_79, %mul3A_40, %dma_start3A_86] : memref<64x3x512x512xf32, #tpu.memory_space<hbm>> -> memref<1x1x16x512xf32, #tpu.memory_space<hbm>>
    %dma_start3A_88 = tpu.memref_squeeze %dma_start3A_87 : memref<1x1x16x512xf32, #tpu.memory_space<hbm>> -> memref<16x512xf32, #tpu.memory_space<hbm>>
    %dma_start3A_89 = tpu.memref_slice %arg10[%dma_start3A_81] : memref<2x!tpu.dma_semaphore, #tpu.memory_space<semaphore_mem>> -> memref<1x!tpu.dma_semaphore, #tpu.memory_space<semaphore_mem>>
    %dma_start3A_90 = tpu.memref_squeeze %dma_start3A_89 : memref<1x!tpu.dma_semaphore, #tpu.memory_space<semaphore_mem>> -> memref<!tpu.dma_semaphore, #tpu.memory_space<semaphore_mem>>
    %dma_start3A_91 = arith.constant 16 : i32
    %dma_start3A_92 = arith.constant 0 : i32
    %dma_start3A_93 = tpu.memref_slice %arg7[%dma_start3A_80, %dma_start3A_91, %dma_start3A_92] : memref<2x48x512xf32, #tpu.memory_space<vmem>> -> memref<1x16x512xf32, #tpu.memory_space<vmem>>
    %dma_start3A_94 = tpu.memref_squeeze %dma_start3A_93 : memref<1x16x512xf32, #tpu.memory_space<vmem>> -> memref<16x512xf32, #tpu.memory_space<vmem>>
    %dma_start3A_95 = arith.constant 0 : i32
    %dma_start3A_96 = tpu.memref_slice %arg2[%select_n3A, %dma_start3A_79, %mul3A_40, %dma_start3A_95] : memref<64x3x512x512xf32, #tpu.memory_space<hbm>> -> memref<1x1x16x512xf32, #tpu.memory_space<hbm>>
    %dma_start3A_97 = tpu.memref_squeeze %dma_start3A_96 : memref<1x1x16x512xf32, #tpu.memory_space<hbm>> -> memref<16x512xf32, #tpu.memory_space<hbm>>
    tpu.enqueue_dma source(%dma_start3A_97 : memref<16x512xf32, #tpu.memory_space<hbm>>) target(%dma_start3A_94 : memref<16x512xf32, #tpu.memory_space<vmem>>) target_semaphore(%dma_start3A_90 : memref<!tpu.dma_semaphore, #tpu.memory_space<semaphore_mem>>)
    %dma_start3A_98 = arith.constant 2 : i32
    %dma_start3A_99 = arith.constant 0 : i32
    %dma_start3A_100 = arith.constant 0 : i32
    %dma_start3A_101 = arith.constant 32 : i32
    %dma_start3A_102 = arith.constant 0 : i32
    %dma_start3A_103 = tpu.memref_slice %arg7[%dma_start3A_99, %dma_start3A_101, %dma_start3A_102] : memref<2x48x512xf32, #tpu.memory_space<vmem>> -> memref<1x16x512xf32, #tpu.memory_space<vmem>>
    %dma_start3A_104 = tpu.memref_squeeze %dma_start3A_103 : memref<1x16x512xf32, #tpu.memory_space<vmem>> -> memref<16x512xf32, #tpu.memory_space<vmem>>
    %dma_start3A_105 = arith.constant 0 : i32
    %dma_start3A_106 = tpu.memref_slice %arg2[%select_n3A, %dma_start3A_98, %mul3A_42, %dma_start3A_105] : memref<64x3x512x512xf32, #tpu.memory_space<hbm>> -> memref<1x1x16x512xf32, #tpu.memory_space<hbm>>
    %dma_start3A_107 = tpu.memref_squeeze %dma_start3A_106 : memref<1x1x16x512xf32, #tpu.memory_space<hbm>> -> memref<16x512xf32, #tpu.memory_space<hbm>>
    %dma_start3A_108 = tpu.memref_slice %arg10[%dma_start3A_100] : memref<2x!tpu.dma_semaphore, #tpu.memory_space<semaphore_mem>> -> memref<1x!tpu.dma_semaphore, #tpu.memory_space<semaphore_mem>>
    %dma_start3A_109 = tpu.memref_squeeze %dma_start3A_108 : memref<1x!tpu.dma_semaphore, #tpu.memory_space<semaphore_mem>> -> memref<!tpu.dma_semaphore, #tpu.memory_space<semaphore_mem>>
    %dma_start3A_110 = arith.constant 32 : i32
    %dma_start3A_111 = arith.constant 0 : i32
    %dma_start3A_112 = tpu.memref_slice %arg7[%dma_start3A_99, %dma_start3A_110, %dma_start3A_111] : memref<2x48x512xf32, #tpu.memory_space<vmem>> -> memref<1x16x512xf32, #tpu.memory_space<vmem>>
    %dma_start3A_113 = tpu.memref_squeeze %dma_start3A_112 : memref<1x16x512xf32, #tpu.memory_space<vmem>> -> memref<16x512xf32, #tpu.memory_space<vmem>>
    %dma_start3A_114 = arith.constant 0 : i32
    %dma_start3A_115 = tpu.memref_slice %arg2[%select_n3A, %dma_start3A_98, %mul3A_42, %dma_start3A_114] : memref<64x3x512x512xf32, #tpu.memory_space<hbm>> -> memref<1x1x16x512xf32, #tpu.memory_space<hbm>>
    %dma_start3A_116 = tpu.memref_squeeze %dma_start3A_115 : memref<1x1x16x512xf32, #tpu.memory_space<hbm>> -> memref<16x512xf32, #tpu.memory_space<hbm>>
    tpu.enqueue_dma source(%dma_start3A_116 : memref<16x512xf32, #tpu.memory_space<hbm>>) target(%dma_start3A_113 : memref<16x512xf32, #tpu.memory_space<vmem>>) target_semaphore(%dma_start3A_109 : memref<!tpu.dma_semaphore, #tpu.memory_space<semaphore_mem>>)
    %scan3A = arith.constant 0 : i32
    %scan3A_117 = arith.constant 0 : i32
    %scan3A_118 = arith.constant 64 : i32
    %scan3A_119 = arith.addi %scan3A_117, %scan3A_118 : i32
    %scan3A_120 = arith.constant 1 : i32
    scf.for %scan3A_467 = %scan3A_117 to %scan3A_119 step %scan3A_120  : i32 {
      %rem3A_468 = arith.constant 2 : i32
      %rem3A_469 = arith.remsi %scan3A_467, %rem3A_468 : i32
      %add3A_470 = arith.constant 1 : i32
      %add3A_471 = arith.addi %scan3A_467, %add3A_470 : i32
      %lt3A_472 = arith.constant 64 : i32
      %lt3A_473 = arith.cmpi slt, %add3A_471, %lt3A_472 : i32
      %convert_element_type3A = arith.extui %lt3A_473 : i1 to i32
      %cond3A = arith.constant 0 : i32
      %cond3A_474 = arith.cmpi ne, %convert_element_type3A, %cond3A : i32
      scf.if %cond3A_474 {
        %add3A_763 = arith.constant 1 : i32
        %add3A_764 = arith.addi %scan3A_467, %add3A_763 : i32
        %add3A_765 = arith.constant 1 : i32
        %add3A_766 = arith.addi %scan3A_467, %add3A_765 : i32
        %rem3A_767 = arith.constant 2 : i32
        %rem3A_768 = arith.remsi %add3A_766, %rem3A_767 : i32
        %mul3A_769 = arith.constant 64 : i32
        %mul3A_770 = arith.muli %add3A, %mul3A_769 : i32
        %add3A_771 = arith.addi %mul3A_770, %add3A_764 : i32
        %jit3A_772 = arith.constant 32 : i32
        %div3A_773 = arith.divsi %add3A_771, %jit3A_772 : i32
        %sign3A_774 = arith.constant 0 : i32
        %sign3A_775 = arith.cmpi sgt, %add3A_771, %sign3A_774 : i32
        %sign3A_776 = arith.extui %sign3A_775 : i1 to i32
        %sign3A_777 = arith.constant 0 : i32
        %sign3A_778 = arith.cmpi slt, %add3A_771, %sign3A_777 : i32
        %sign3A_779 = arith.extui %sign3A_778 : i1 to i32
        %sign3A_780 = arith.subi %sign3A_776, %sign3A_779 : i32
        %sign3A_781 = arith.constant 0 : i32
        %sign3A_782 = arith.cmpi sgt, %jit3A_772, %sign3A_781 : i32
        %sign3A_783 = arith.extui %sign3A_782 : i1 to i32
        %sign3A_784 = arith.constant 0 : i32
        %sign3A_785 = arith.cmpi slt, %jit3A_772, %sign3A_784 : i32
        %sign3A_786 = arith.extui %sign3A_785 : i1 to i32
        %sign3A_787 = arith.subi %sign3A_783, %sign3A_786 : i32
        %ne3A_788 = arith.cmpi ne, %sign3A_780, %sign3A_787 : i32
        %rem3A_789 = arith.remsi %add3A_771, %jit3A_772 : i32
        %ne3A_790 = arith.constant 0 : i32
        %ne3A_791 = arith.cmpi ne, %rem3A_789, %ne3A_790 : i32
        %and3A_792 = arith.andi %ne3A_788, %ne3A_791 : i1
        %sub3A_793 = arith.constant 1 : i32
        %sub3A_794 = arith.subi %div3A_773, %sub3A_793 : i32
        %select_n3A_795 = arith.select %and3A_792, %sub3A_794, %div3A_773 : i32
        %jit3A_796 = arith.constant 32 : i32
        %eq3A_797 = arith.constant 0 : i32
        %eq3A_798 = arith.cmpi eq, %jit3A_796, %eq3A_797 : i32
        %jit3A_799 = arith.constant 1 : i32
        %select_n3A_800 = arith.select %eq3A_798, %jit3A_799, %jit3A_796 : i32
        %rem3A_801 = arith.remsi %add3A_771, %select_n3A_800 : i32
        %ne3A_802 = arith.constant 0 : i32
        %ne3A_803 = arith.cmpi ne, %rem3A_801, %ne3A_802 : i32
        %lt3A_804 = arith.constant 0 : i32
        %lt3A_805 = arith.cmpi slt, %rem3A_801, %lt3A_804 : i32
        %lt3A_806 = arith.constant 0 : i32
        %lt3A_807 = arith.cmpi slt, %select_n3A_800, %lt3A_806 : i32
        %ne3A_808 = arith.xori %lt3A_805, %lt3A_807 : i1
        %and3A_809 = arith.andi %ne3A_808, %ne3A_803 : i1
        %add3A_810 = arith.addi %rem3A_801, %select_n3A_800 : i32
        %select_n3A_811 = arith.select %and3A_809, %add3A_810, %rem3A_801 : i32
        %mul3A_812 = arith.constant 32 : i32
        %mul3A_813 = arith.muli %select_n3A_811, %mul3A_812 : i32
        %mul3A_814 = arith.constant 16 : i32
        %mul3A_815 = arith.muli %select_n3A_811, %mul3A_814 : i32
        %mul3A_816 = arith.constant 16 : i32
        %mul3A_817 = arith.muli %select_n3A_811, %mul3A_816 : i32
        %mul3A_818 = arith.constant 16 : i32
        %mul3A_819 = arith.muli %select_n3A_811, %mul3A_818 : i32
        %dma_start3A_820 = arith.constant 0 : i32
        %dma_start3A_821 = arith.constant 0 : i32
        %dma_start3A_822 = tpu.memref_slice %arg6[%rem3A_768, %dma_start3A_820, %dma_start3A_821] : memref<2x32x256xf32, #tpu.memory_space<vmem>> -> memref<1x32x256xf32, #tpu.memory_space<vmem>>
        %dma_start3A_823 = tpu.memref_squeeze %dma_start3A_822 : memref<1x32x256xf32, #tpu.memory_space<vmem>> -> memref<32x256xf32, #tpu.memory_space<vmem>>
        %dma_start3A_824 = arith.constant 0 : i32
        %dma_start3A_825 = tpu.memref_slice %arg3[%select_n3A_795, %mul3A_813, %dma_start3A_824] : memref<64x1024x256xf32, #tpu.memory_space<hbm>> -> memref<1x32x256xf32, #tpu.memory_space<hbm>>
        %dma_start3A_826 = tpu.memref_squeeze %dma_start3A_825 : memref<1x32x256xf32, #tpu.memory_space<hbm>> -> memref<32x256xf32, #tpu.memory_space<hbm>>
        %dma_start3A_827 = tpu.memref_slice %arg10[%rem3A_768] : memref<2x!tpu.dma_semaphore, #tpu.memory_space<semaphore_mem>> -> memref<1x!tpu.dma_semaphore, #tpu.memory_space<semaphore_mem>>
        %dma_start3A_828 = tpu.memref_squeeze %dma_start3A_827 : memref<1x!tpu.dma_semaphore, #tpu.memory_space<semaphore_mem>> -> memref<!tpu.dma_semaphore, #tpu.memory_space<semaphore_mem>>
        %dma_start3A_829 = arith.constant 0 : i32
        %dma_start3A_830 = arith.constant 0 : i32
        %dma_start3A_831 = tpu.memref_slice %arg6[%rem3A_768, %dma_start3A_829, %dma_start3A_830] : memref<2x32x256xf32, #tpu.memory_space<vmem>> -> memref<1x32x256xf32, #tpu.memory_space<vmem>>
        %dma_start3A_832 = tpu.memref_squeeze %dma_start3A_831 : memref<1x32x256xf32, #tpu.memory_space<vmem>> -> memref<32x256xf32, #tpu.memory_space<vmem>>
        %dma_start3A_833 = arith.constant 0 : i32
        %dma_start3A_834 = tpu.memref_slice %arg3[%select_n3A_795, %mul3A_813, %dma_start3A_833] : memref<64x1024x256xf32, #tpu.memory_space<hbm>> -> memref<1x32x256xf32, #tpu.memory_space<hbm>>
        %dma_start3A_835 = tpu.memref_squeeze %dma_start3A_834 : memref<1x32x256xf32, #tpu.memory_space<hbm>> -> memref<32x256xf32, #tpu.memory_space<hbm>>
        tpu.enqueue_dma source(%dma_start3A_835 : memref<32x256xf32, #tpu.memory_space<hbm>>) target(%dma_start3A_832 : memref<32x256xf32, #tpu.memory_space<vmem>>) target_semaphore(%dma_start3A_828 : memref<!tpu.dma_semaphore, #tpu.memory_space<semaphore_mem>>)
        %dma_start3A_836 = arith.constant 0 : i32
        %dma_start3A_837 = arith.constant 0 : i32
        %dma_start3A_838 = arith.constant 0 : i32
        %dma_start3A_839 = tpu.memref_slice %arg7[%rem3A_768, %dma_start3A_837, %dma_start3A_838] : memref<2x48x512xf32, #tpu.memory_space<vmem>> -> memref<1x16x512xf32, #tpu.memory_space<vmem>>
        %dma_start3A_840 = tpu.memref_squeeze %dma_start3A_839 : memref<1x16x512xf32, #tpu.memory_space<vmem>> -> memref<16x512xf32, #tpu.memory_space<vmem>>
        %dma_start3A_841 = arith.constant 0 : i32
        %dma_start3A_842 = tpu.memref_slice %arg2[%select_n3A_795, %dma_start3A_836, %mul3A_815, %dma_start3A_841] : memref<64x3x512x512xf32, #tpu.memory_space<hbm>> -> memref<1x1x16x512xf32, #tpu.memory_space<hbm>>
        %dma_start3A_843 = tpu.memref_squeeze %dma_start3A_842 : memref<1x1x16x512xf32, #tpu.memory_space<hbm>> -> memref<16x512xf32, #tpu.memory_space<hbm>>
        %dma_start3A_844 = tpu.memref_slice %arg10[%rem3A_768] : memref<2x!tpu.dma_semaphore, #tpu.memory_space<semaphore_mem>> -> memref<1x!tpu.dma_semaphore, #tpu.memory_space<semaphore_mem>>
        %dma_start3A_845 = tpu.memref_squeeze %dma_start3A_844 : memref<1x!tpu.dma_semaphore, #tpu.memory_space<semaphore_mem>> -> memref<!tpu.dma_semaphore, #tpu.memory_space<semaphore_mem>>
        %dma_start3A_846 = arith.constant 0 : i32
        %dma_start3A_847 = arith.constant 0 : i32
        %dma_start3A_848 = tpu.memref_slice %arg7[%rem3A_768, %dma_start3A_846, %dma_start3A_847] : memref<2x48x512xf32, #tpu.memory_space<vmem>> -> memref<1x16x512xf32, #tpu.memory_space<vmem>>
        %dma_start3A_849 = tpu.memref_squeeze %dma_start3A_848 : memref<1x16x512xf32, #tpu.memory_space<vmem>> -> memref<16x512xf32, #tpu.memory_space<vmem>>
        %dma_start3A_850 = arith.constant 0 : i32
        %dma_start3A_851 = tpu.memref_slice %arg2[%select_n3A_795, %dma_start3A_836, %mul3A_815, %dma_start3A_850] : memref<64x3x512x512xf32, #tpu.memory_space<hbm>> -> memref<1x1x16x512xf32, #tpu.memory_space<hbm>>
        %dma_start3A_852 = tpu.memref_squeeze %dma_start3A_851 : memref<1x1x16x512xf32, #tpu.memory_space<hbm>> -> memref<16x512xf32, #tpu.memory_space<hbm>>
        tpu.enqueue_dma source(%dma_start3A_852 : memref<16x512xf32, #tpu.memory_space<hbm>>) target(%dma_start3A_849 : memref<16x512xf32, #tpu.memory_space<vmem>>) target_semaphore(%dma_start3A_845 : memref<!tpu.dma_semaphore, #tpu.memory_space<semaphore_mem>>)
        %dma_start3A_853 = arith.constant 1 : i32
        %dma_start3A_854 = arith.constant 16 : i32
        %dma_start3A_855 = arith.constant 0 : i32
        %dma_start3A_856 = tpu.memref_slice %arg7[%rem3A_768, %dma_start3A_854, %dma_start3A_855] : memref<2x48x512xf32, #tpu.memory_space<vmem>> -> memref<1x16x512xf32, #tpu.memory_space<vmem>>
        %dma_start3A_857 = tpu.memref_squeeze %dma_start3A_856 : memref<1x16x512xf32, #tpu.memory_space<vmem>> -> memref<16x512xf32, #tpu.memory_space<vmem>>
        %dma_start3A_858 = arith.constant 0 : i32
        %dma_start3A_859 = tpu.memref_slice %arg2[%select_n3A_795, %dma_start3A_853, %mul3A_817, %dma_start3A_858] : memref<64x3x512x512xf32, #tpu.memory_space<hbm>> -> memref<1x1x16x512xf32, #tpu.memory_space<hbm>>
        %dma_start3A_860 = tpu.memref_squeeze %dma_start3A_859 : memref<1x1x16x512xf32, #tpu.memory_space<hbm>> -> memref<16x512xf32, #tpu.memory_space<hbm>>
        %dma_start3A_861 = tpu.memref_slice %arg10[%rem3A_768] : memref<2x!tpu.dma_semaphore, #tpu.memory_space<semaphore_mem>> -> memref<1x!tpu.dma_semaphore, #tpu.memory_space<semaphore_mem>>
        %dma_start3A_862 = tpu.memref_squeeze %dma_start3A_861 : memref<1x!tpu.dma_semaphore, #tpu.memory_space<semaphore_mem>> -> memref<!tpu.dma_semaphore, #tpu.memory_space<semaphore_mem>>
        %dma_start3A_863 = arith.constant 16 : i32
        %dma_start3A_864 = arith.constant 0 : i32
        %dma_start3A_865 = tpu.memref_slice %arg7[%rem3A_768, %dma_start3A_863, %dma_start3A_864] : memref<2x48x512xf32, #tpu.memory_space<vmem>> -> memref<1x16x512xf32, #tpu.memory_space<vmem>>
        %dma_start3A_866 = tpu.memref_squeeze %dma_start3A_865 : memref<1x16x512xf32, #tpu.memory_space<vmem>> -> memref<16x512xf32, #tpu.memory_space<vmem>>
        %dma_start3A_867 = arith.constant 0 : i32
        %dma_start3A_868 = tpu.memref_slice %arg2[%select_n3A_795, %dma_start3A_853, %mul3A_817, %dma_start3A_867] : memref<64x3x512x512xf32, #tpu.memory_space<hbm>> -> memref<1x1x16x512xf32, #tpu.memory_space<hbm>>
        %dma_start3A_869 = tpu.memref_squeeze %dma_start3A_868 : memref<1x1x16x512xf32, #tpu.memory_space<hbm>> -> memref<16x512xf32, #tpu.memory_space<hbm>>
        tpu.enqueue_dma source(%dma_start3A_869 : memref<16x512xf32, #tpu.memory_space<hbm>>) target(%dma_start3A_866 : memref<16x512xf32, #tpu.memory_space<vmem>>) target_semaphore(%dma_start3A_862 : memref<!tpu.dma_semaphore, #tpu.memory_space<semaphore_mem>>)
        %dma_start3A_870 = arith.constant 2 : i32
        %dma_start3A_871 = arith.constant 32 : i32
        %dma_start3A_872 = arith.constant 0 : i32
        %dma_start3A_873 = tpu.memref_slice %arg7[%rem3A_768, %dma_start3A_871, %dma_start3A_872] : memref<2x48x512xf32, #tpu.memory_space<vmem>> -> memref<1x16x512xf32, #tpu.memory_space<vmem>>
        %dma_start3A_874 = tpu.memref_squeeze %dma_start3A_873 : memref<1x16x512xf32, #tpu.memory_space<vmem>> -> memref<16x512xf32, #tpu.memory_space<vmem>>
        %dma_start3A_875 = arith.constant 0 : i32
        %dma_start3A_876 = tpu.memref_slice %arg2[%select_n3A_795, %dma_start3A_870, %mul3A_819, %dma_start3A_875] : memref<64x3x512x512xf32, #tpu.memory_space<hbm>> -> memref<1x1x16x512xf32, #tpu.memory_space<hbm>>
        %dma_start3A_877 = tpu.memref_squeeze %dma_start3A_876 : memref<1x1x16x512xf32, #tpu.memory_space<hbm>> -> memref<16x512xf32, #tpu.memory_space<hbm>>
        %dma_start3A_878 = tpu.memref_slice %arg10[%rem3A_768] : memref<2x!tpu.dma_semaphore, #tpu.memory_space<semaphore_mem>> -> memref<1x!tpu.dma_semaphore, #tpu.memory_space<semaphore_mem>>
        %dma_start3A_879 = tpu.memref_squeeze %dma_start3A_878 : memref<1x!tpu.dma_semaphore, #tpu.memory_space<semaphore_mem>> -> memref<!tpu.dma_semaphore, #tpu.memory_space<semaphore_mem>>
        %dma_start3A_880 = arith.constant 32 : i32
        %dma_start3A_881 = arith.constant 0 : i32
        %dma_start3A_882 = tpu.memref_slice %arg7[%rem3A_768, %dma_start3A_880, %dma_start3A_881] : memref<2x48x512xf32, #tpu.memory_space<vmem>> -> memref<1x16x512xf32, #tpu.memory_space<vmem>>
        %dma_start3A_883 = tpu.memref_squeeze %dma_start3A_882 : memref<1x16x512xf32, #tpu.memory_space<vmem>> -> memref<16x512xf32, #tpu.memory_space<vmem>>
        %dma_start3A_884 = arith.constant 0 : i32
        %dma_start3A_885 = tpu.memref_slice %arg2[%select_n3A_795, %dma_start3A_870, %mul3A_819, %dma_start3A_884] : memref<64x3x512x512xf32, #tpu.memory_space<hbm>> -> memref<1x1x16x512xf32, #tpu.memory_space<hbm>>
        %dma_start3A_886 = tpu.memref_squeeze %dma_start3A_885 : memref<1x1x16x512xf32, #tpu.memory_space<hbm>> -> memref<16x512xf32, #tpu.memory_space<hbm>>
        tpu.enqueue_dma source(%dma_start3A_886 : memref<16x512xf32, #tpu.memory_space<hbm>>) target(%dma_start3A_883 : memref<16x512xf32, #tpu.memory_space<vmem>>) target_semaphore(%dma_start3A_879 : memref<!tpu.dma_semaphore, #tpu.memory_space<semaphore_mem>>)
      } else {
      }
      %ge3A = arith.constant 2 : i32
      %ge3A_475 = arith.cmpi sge, %scan3A_467, %ge3A : i32
      %convert_element_type3A_476 = arith.extui %ge3A_475 : i1 to i32
      %cond3A_477 = arith.constant 0 : i32
      %cond3A_478 = arith.cmpi ne, %convert_element_type3A_476, %cond3A_477 : i32
      scf.if %cond3A_478 {
        %sub3A_763 = arith.constant 2 : i32
        %sub3A_764 = arith.subi %scan3A_467, %sub3A_763 : i32
        %mul3A_765 = arith.constant 64 : i32
        %mul3A_766 = arith.muli %add3A, %mul3A_765 : i32
        %add3A_767 = arith.addi %mul3A_766, %sub3A_764 : i32
        %jit3A_768 = arith.constant 32 : i32
        %div3A_769 = arith.divsi %add3A_767, %jit3A_768 : i32
        %sign3A_770 = arith.constant 0 : i32
        %sign3A_771 = arith.cmpi sgt, %add3A_767, %sign3A_770 : i32
        %sign3A_772 = arith.extui %sign3A_771 : i1 to i32
        %sign3A_773 = arith.constant 0 : i32
        %sign3A_774 = arith.cmpi slt, %add3A_767, %sign3A_773 : i32
        %sign3A_775 = arith.extui %sign3A_774 : i1 to i32
        %sign3A_776 = arith.subi %sign3A_772, %sign3A_775 : i32
        %sign3A_777 = arith.constant 0 : i32
        %sign3A_778 = arith.cmpi sgt, %jit3A_768, %sign3A_777 : i32
        %sign3A_779 = arith.extui %sign3A_778 : i1 to i32
        %sign3A_780 = arith.constant 0 : i32
        %sign3A_781 = arith.cmpi slt, %jit3A_768, %sign3A_780 : i32
        %sign3A_782 = arith.extui %sign3A_781 : i1 to i32
        %sign3A_783 = arith.subi %sign3A_779, %sign3A_782 : i32
        %ne3A_784 = arith.cmpi ne, %sign3A_776, %sign3A_783 : i32
        %rem3A_785 = arith.remsi %add3A_767, %jit3A_768 : i32
        %ne3A_786 = arith.constant 0 : i32
        %ne3A_787 = arith.cmpi ne, %rem3A_785, %ne3A_786 : i32
        %and3A_788 = arith.andi %ne3A_784, %ne3A_787 : i1
        %sub3A_789 = arith.constant 1 : i32
        %sub3A_790 = arith.subi %div3A_769, %sub3A_789 : i32
        %select_n3A_791 = arith.select %and3A_788, %sub3A_790, %div3A_769 : i32
        %jit3A_792 = arith.constant 32 : i32
        %eq3A_793 = arith.constant 0 : i32
        %eq3A_794 = arith.cmpi eq, %jit3A_792, %eq3A_793 : i32
        %jit3A_795 = arith.constant 1 : i32
        %select_n3A_796 = arith.select %eq3A_794, %jit3A_795, %jit3A_792 : i32
        %rem3A_797 = arith.remsi %add3A_767, %select_n3A_796 : i32
        %ne3A_798 = arith.constant 0 : i32
        %ne3A_799 = arith.cmpi ne, %rem3A_797, %ne3A_798 : i32
        %lt3A_800 = arith.constant 0 : i32
        %lt3A_801 = arith.cmpi slt, %rem3A_797, %lt3A_800 : i32
        %lt3A_802 = arith.constant 0 : i32
        %lt3A_803 = arith.cmpi slt, %select_n3A_796, %lt3A_802 : i32
        %ne3A_804 = arith.xori %lt3A_801, %lt3A_803 : i1
        %and3A_805 = arith.andi %ne3A_804, %ne3A_799 : i1
        %add3A_806 = arith.addi %rem3A_797, %select_n3A_796 : i32
        %select_n3A_807 = arith.select %and3A_805, %add3A_806, %rem3A_797 : i32
        %mul3A_808 = arith.constant 32 : i32
        %mul3A_809 = arith.muli %select_n3A_807, %mul3A_808 : i32
        %mul3A_810 = arith.constant 32 : i32
        %mul3A_811 = arith.muli %select_n3A_807, %mul3A_810 : i32
        %mul3A_812 = arith.constant 32 : i32
        %mul3A_813 = arith.muli %select_n3A_807, %mul3A_812 : i32
        %mul3A_814 = arith.constant 32 : i32
        %mul3A_815 = arith.muli %select_n3A_807, %mul3A_814 : i32
        %mul3A_816 = arith.constant 32 : i32
        %mul3A_817 = arith.muli %select_n3A_807, %mul3A_816 : i32
        %mul3A_818 = arith.constant 32 : i32
        %mul3A_819 = arith.muli %select_n3A_807, %mul3A_818 : i32
        %dma_wait3A_820 = arith.constant 0 : i32
        %dma_wait3A_821 = arith.constant 0 : i32
        %dma_wait3A_822 = arith.constant 0 : i32
        %dma_wait3A_823 = arith.constant 0 : i32
        %dma_wait3A_824 = tpu.memref_slice %arg8[%rem3A_469, %dma_wait3A_820, %dma_wait3A_822, %dma_wait3A_823] : memref<2x3x32x32xf32, #tpu.memory_space<vmem>> -> memref<1x1x32x32xf32, #tpu.memory_space<vmem>>
        %dma_wait3A_825 = tpu.memref_squeeze %dma_wait3A_824 : memref<1x1x32x32xf32, #tpu.memory_space<vmem>> -> memref<32x32xf32, #tpu.memory_space<vmem>>
        %dma_wait3A_826 = arith.constant 0 : i32
        %dma_wait3A_827 = tpu.memref_slice %arg4[%select_n3A_791, %dma_wait3A_821, %mul3A_809, %dma_wait3A_826] : memref<64x3x1024x32xf32, #tpu.memory_space<hbm>> -> memref<1x1x32x32xf32, #tpu.memory_space<hbm>>
        %dma_wait3A_828 = tpu.memref_squeeze %dma_wait3A_827 : memref<1x1x32x32xf32, #tpu.memory_space<hbm>> -> memref<32x32xf32, #tpu.memory_space<hbm>>
        %dma_wait3A_829 = tpu.memref_slice %arg11[%rem3A_469] : memref<2x!tpu.dma_semaphore, #tpu.memory_space<semaphore_mem>> -> memref<1x!tpu.dma_semaphore, #tpu.memory_space<semaphore_mem>>
        %dma_wait3A_830 = tpu.memref_squeeze %dma_wait3A_829 : memref<1x!tpu.dma_semaphore, #tpu.memory_space<semaphore_mem>> -> memref<!tpu.dma_semaphore, #tpu.memory_space<semaphore_mem>>
        %dma_wait3A_831 = arith.constant 0 : i32
        %dma_wait3A_832 = tpu.memref_slice %arg4[%select_n3A_791, %dma_wait3A_821, %mul3A_809, %dma_wait3A_831] : memref<64x3x1024x32xf32, #tpu.memory_space<hbm>> -> memref<1x1x32x32xf32, #tpu.memory_space<hbm>>
        %dma_wait3A_833 = tpu.memref_squeeze %dma_wait3A_832 : memref<1x1x32x32xf32, #tpu.memory_space<hbm>> -> memref<32x32xf32, #tpu.memory_space<hbm>>
        %dma_wait3A_834 = arith.constant 0 : i32
        %dma_wait3A_835 = arith.constant 0 : i32
        %dma_wait3A_836 = tpu.memref_slice %arg8[%rem3A_469, %dma_wait3A_820, %dma_wait3A_834, %dma_wait3A_835] : memref<2x3x32x32xf32, #tpu.memory_space<vmem>> -> memref<1x1x32x32xf32, #tpu.memory_space<vmem>>
        %dma_wait3A_837 = tpu.memref_squeeze %dma_wait3A_836 : memref<1x1x32x32xf32, #tpu.memory_space<vmem>> -> memref<32x32xf32, #tpu.memory_space<vmem>>
        tpu.wait_dma2 semaphore(%dma_wait3A_830 : memref<!tpu.dma_semaphore, #tpu.memory_space<semaphore_mem>>) src(%dma_wait3A_837 : memref<32x32xf32, #tpu.memory_space<vmem>>) dst(%dma_wait3A_833 : memref<32x32xf32, #tpu.memory_space<hbm>>)
        %dma_wait3A_838 = arith.constant 0 : i32
        %dma_wait3A_839 = arith.constant 0 : i32
        %dma_wait3A_840 = arith.constant 0 : i32
        %dma_wait3A_841 = tpu.memref_slice %arg9[%rem3A_469, %dma_wait3A_839, %dma_wait3A_840] : memref<2x32x32xi32, #tpu.memory_space<vmem>> -> memref<1x32x32xi32, #tpu.memory_space<vmem>>
        %dma_wait3A_842 = tpu.memref_squeeze %dma_wait3A_841 : memref<1x32x32xi32, #tpu.memory_space<vmem>> -> memref<32x32xi32, #tpu.memory_space<vmem>>
        %dma_wait3A_843 = arith.constant 0 : i32
        %dma_wait3A_844 = tpu.memref_slice %arg5[%select_n3A_791, %dma_wait3A_838, %mul3A_811, %dma_wait3A_843] : memref<64x3x1024x32xi32, #tpu.memory_space<hbm>> -> memref<1x1x32x32xi32, #tpu.memory_space<hbm>>
        %dma_wait3A_845 = tpu.memref_squeeze %dma_wait3A_844 : memref<1x1x32x32xi32, #tpu.memory_space<hbm>> -> memref<32x32xi32, #tpu.memory_space<hbm>>
        %dma_wait3A_846 = tpu.memref_slice %arg11[%rem3A_469] : memref<2x!tpu.dma_semaphore, #tpu.memory_space<semaphore_mem>> -> memref<1x!tpu.dma_semaphore, #tpu.memory_space<semaphore_mem>>
        %dma_wait3A_847 = tpu.memref_squeeze %dma_wait3A_846 : memref<1x!tpu.dma_semaphore, #tpu.memory_space<semaphore_mem>> -> memref<!tpu.dma_semaphore, #tpu.memory_space<semaphore_mem>>
        %dma_wait3A_848 = arith.constant 0 : i32
        %dma_wait3A_849 = tpu.memref_slice %arg5[%select_n3A_791, %dma_wait3A_838, %mul3A_811, %dma_wait3A_848] : memref<64x3x1024x32xi32, #tpu.memory_space<hbm>> -> memref<1x1x32x32xi32, #tpu.memory_space<hbm>>
        %dma_wait3A_850 = tpu.memref_squeeze %dma_wait3A_849 : memref<1x1x32x32xi32, #tpu.memory_space<hbm>> -> memref<32x32xi32, #tpu.memory_space<hbm>>
        %dma_wait3A_851 = arith.constant 0 : i32
        %dma_wait3A_852 = arith.constant 0 : i32
        %dma_wait3A_853 = tpu.memref_slice %arg9[%rem3A_469, %dma_wait3A_851, %dma_wait3A_852] : memref<2x32x32xi32, #tpu.memory_space<vmem>> -> memref<1x32x32xi32, #tpu.memory_space<vmem>>
        %dma_wait3A_854 = tpu.memref_squeeze %dma_wait3A_853 : memref<1x32x32xi32, #tpu.memory_space<vmem>> -> memref<32x32xi32, #tpu.memory_space<vmem>>
        tpu.wait_dma2 semaphore(%dma_wait3A_847 : memref<!tpu.dma_semaphore, #tpu.memory_space<semaphore_mem>>) src(%dma_wait3A_854 : memref<32x32xi32, #tpu.memory_space<vmem>>) dst(%dma_wait3A_850 : memref<32x32xi32, #tpu.memory_space<hbm>>)
        %dma_wait3A_855 = arith.constant 1 : i32
        %dma_wait3A_856 = arith.constant 1 : i32
        %dma_wait3A_857 = arith.constant 0 : i32
        %dma_wait3A_858 = arith.constant 0 : i32
        %dma_wait3A_859 = tpu.memref_slice %arg8[%rem3A_469, %dma_wait3A_855, %dma_wait3A_857, %dma_wait3A_858] : memref<2x3x32x32xf32, #tpu.memory_space<vmem>> -> memref<1x1x32x32xf32, #tpu.memory_space<vmem>>
        %dma_wait3A_860 = tpu.memref_squeeze %dma_wait3A_859 : memref<1x1x32x32xf32, #tpu.memory_space<vmem>> -> memref<32x32xf32, #tpu.memory_space<vmem>>
        %dma_wait3A_861 = arith.constant 0 : i32
        %dma_wait3A_862 = tpu.memref_slice %arg4[%select_n3A_791, %dma_wait3A_856, %mul3A_813, %dma_wait3A_861] : memref<64x3x1024x32xf32, #tpu.memory_space<hbm>> -> memref<1x1x32x32xf32, #tpu.memory_space<hbm>>
        %dma_wait3A_863 = tpu.memref_squeeze %dma_wait3A_862 : memref<1x1x32x32xf32, #tpu.memory_space<hbm>> -> memref<32x32xf32, #tpu.memory_space<hbm>>
        %dma_wait3A_864 = tpu.memref_slice %arg11[%rem3A_469] : memref<2x!tpu.dma_semaphore, #tpu.memory_space<semaphore_mem>> -> memref<1x!tpu.dma_semaphore, #tpu.memory_space<semaphore_mem>>
        %dma_wait3A_865 = tpu.memref_squeeze %dma_wait3A_864 : memref<1x!tpu.dma_semaphore, #tpu.memory_space<semaphore_mem>> -> memref<!tpu.dma_semaphore, #tpu.memory_space<semaphore_mem>>
        %dma_wait3A_866 = arith.constant 0 : i32
        %dma_wait3A_867 = tpu.memref_slice %arg4[%select_n3A_791, %dma_wait3A_856, %mul3A_813, %dma_wait3A_866] : memref<64x3x1024x32xf32, #tpu.memory_space<hbm>> -> memref<1x1x32x32xf32, #tpu.memory_space<hbm>>
        %dma_wait3A_868 = tpu.memref_squeeze %dma_wait3A_867 : memref<1x1x32x32xf32, #tpu.memory_space<hbm>> -> memref<32x32xf32, #tpu.memory_space<hbm>>
        %dma_wait3A_869 = arith.constant 0 : i32
        %dma_wait3A_870 = arith.constant 0 : i32
        %dma_wait3A_871 = tpu.memref_slice %arg8[%rem3A_469, %dma_wait3A_855, %dma_wait3A_869, %dma_wait3A_870] : memref<2x3x32x32xf32, #tpu.memory_space<vmem>> -> memref<1x1x32x32xf32, #tpu.memory_space<vmem>>
        %dma_wait3A_872 = tpu.memref_squeeze %dma_wait3A_871 : memref<1x1x32x32xf32, #tpu.memory_space<vmem>> -> memref<32x32xf32, #tpu.memory_space<vmem>>
        tpu.wait_dma2 semaphore(%dma_wait3A_865 : memref<!tpu.dma_semaphore, #tpu.memory_space<semaphore_mem>>) src(%dma_wait3A_872 : memref<32x32xf32, #tpu.memory_space<vmem>>) dst(%dma_wait3A_868 : memref<32x32xf32, #tpu.memory_space<hbm>>)
        %dma_wait3A_873 = arith.constant 1 : i32
        %dma_wait3A_874 = arith.constant 0 : i32
        %dma_wait3A_875 = arith.constant 0 : i32
        %dma_wait3A_876 = tpu.memref_slice %arg9[%rem3A_469, %dma_wait3A_874, %dma_wait3A_875] : memref<2x32x32xi32, #tpu.memory_space<vmem>> -> memref<1x32x32xi32, #tpu.memory_space<vmem>>
        %dma_wait3A_877 = tpu.memref_squeeze %dma_wait3A_876 : memref<1x32x32xi32, #tpu.memory_space<vmem>> -> memref<32x32xi32, #tpu.memory_space<vmem>>
        %dma_wait3A_878 = arith.constant 0 : i32
        %dma_wait3A_879 = tpu.memref_slice %arg5[%select_n3A_791, %dma_wait3A_873, %mul3A_815, %dma_wait3A_878] : memref<64x3x1024x32xi32, #tpu.memory_space<hbm>> -> memref<1x1x32x32xi32, #tpu.memory_space<hbm>>
        %dma_wait3A_880 = tpu.memref_squeeze %dma_wait3A_879 : memref<1x1x32x32xi32, #tpu.memory_space<hbm>> -> memref<32x32xi32, #tpu.memory_space<hbm>>
        %dma_wait3A_881 = tpu.memref_slice %arg11[%rem3A_469] : memref<2x!tpu.dma_semaphore, #tpu.memory_space<semaphore_mem>> -> memref<1x!tpu.dma_semaphore, #tpu.memory_space<semaphore_mem>>
        %dma_wait3A_882 = tpu.memref_squeeze %dma_wait3A_881 : memref<1x!tpu.dma_semaphore, #tpu.memory_space<semaphore_mem>> -> memref<!tpu.dma_semaphore, #tpu.memory_space<semaphore_mem>>
        %dma_wait3A_883 = arith.constant 0 : i32
        %dma_wait3A_884 = tpu.memref_slice %arg5[%select_n3A_791, %dma_wait3A_873, %mul3A_815, %dma_wait3A_883] : memref<64x3x1024x32xi32, #tpu.memory_space<hbm>> -> memref<1x1x32x32xi32, #tpu.memory_space<hbm>>
        %dma_wait3A_885 = tpu.memref_squeeze %dma_wait3A_884 : memref<1x1x32x32xi32, #tpu.memory_space<hbm>> -> memref<32x32xi32, #tpu.memory_space<hbm>>
        %dma_wait3A_886 = arith.constant 0 : i32
        %dma_wait3A_887 = arith.constant 0 : i32
        %dma_wait3A_888 = tpu.memref_slice %arg9[%rem3A_469, %dma_wait3A_886, %dma_wait3A_887] : memref<2x32x32xi32, #tpu.memory_space<vmem>> -> memref<1x32x32xi32, #tpu.memory_space<vmem>>
        %dma_wait3A_889 = tpu.memref_squeeze %dma_wait3A_888 : memref<1x32x32xi32, #tpu.memory_space<vmem>> -> memref<32x32xi32, #tpu.memory_space<vmem>>
        tpu.wait_dma2 semaphore(%dma_wait3A_882 : memref<!tpu.dma_semaphore, #tpu.memory_space<semaphore_mem>>) src(%dma_wait3A_889 : memref<32x32xi32, #tpu.memory_space<vmem>>) dst(%dma_wait3A_885 : memref<32x32xi32, #tpu.memory_space<hbm>>)
        %dma_wait3A_890 = arith.constant 2 : i32
        %dma_wait3A_891 = arith.constant 2 : i32
        %dma_wait3A_892 = arith.constant 0 : i32
        %dma_wait3A_893 = arith.constant 0 : i32
        %dma_wait3A_894 = tpu.memref_slice %arg8[%rem3A_469, %dma_wait3A_890, %dma_wait3A_892, %dma_wait3A_893] : memref<2x3x32x32xf32, #tpu.memory_space<vmem>> -> memref<1x1x32x32xf32, #tpu.memory_space<vmem>>
        %dma_wait3A_895 = tpu.memref_squeeze %dma_wait3A_894 : memref<1x1x32x32xf32, #tpu.memory_space<vmem>> -> memref<32x32xf32, #tpu.memory_space<vmem>>
        %dma_wait3A_896 = arith.constant 0 : i32
        %dma_wait3A_897 = tpu.memref_slice %arg4[%select_n3A_791, %dma_wait3A_891, %mul3A_817, %dma_wait3A_896] : memref<64x3x1024x32xf32, #tpu.memory_space<hbm>> -> memref<1x1x32x32xf32, #tpu.memory_space<hbm>>
        %dma_wait3A_898 = tpu.memref_squeeze %dma_wait3A_897 : memref<1x1x32x32xf32, #tpu.memory_space<hbm>> -> memref<32x32xf32, #tpu.memory_space<hbm>>
        %dma_wait3A_899 = tpu.memref_slice %arg11[%rem3A_469] : memref<2x!tpu.dma_semaphore, #tpu.memory_space<semaphore_mem>> -> memref<1x!tpu.dma_semaphore, #tpu.memory_space<semaphore_mem>>
        %dma_wait3A_900 = tpu.memref_squeeze %dma_wait3A_899 : memref<1x!tpu.dma_semaphore, #tpu.memory_space<semaphore_mem>> -> memref<!tpu.dma_semaphore, #tpu.memory_space<semaphore_mem>>
        %dma_wait3A_901 = arith.constant 0 : i32
        %dma_wait3A_902 = tpu.memref_slice %arg4[%select_n3A_791, %dma_wait3A_891, %mul3A_817, %dma_wait3A_901] : memref<64x3x1024x32xf32, #tpu.memory_space<hbm>> -> memref<1x1x32x32xf32, #tpu.memory_space<hbm>>
        %dma_wait3A_903 = tpu.memref_squeeze %dma_wait3A_902 : memref<1x1x32x32xf32, #tpu.memory_space<hbm>> -> memref<32x32xf32, #tpu.memory_space<hbm>>
        %dma_wait3A_904 = arith.constant 0 : i32
        %dma_wait3A_905 = arith.constant 0 : i32
        %dma_wait3A_906 = tpu.memref_slice %arg8[%rem3A_469, %dma_wait3A_890, %dma_wait3A_904, %dma_wait3A_905] : memref<2x3x32x32xf32, #tpu.memory_space<vmem>> -> memref<1x1x32x32xf32, #tpu.memory_space<vmem>>
        %dma_wait3A_907 = tpu.memref_squeeze %dma_wait3A_906 : memref<1x1x32x32xf32, #tpu.memory_space<vmem>> -> memref<32x32xf32, #tpu.memory_space<vmem>>
        tpu.wait_dma2 semaphore(%dma_wait3A_900 : memref<!tpu.dma_semaphore, #tpu.memory_space<semaphore_mem>>) src(%dma_wait3A_907 : memref<32x32xf32, #tpu.memory_space<vmem>>) dst(%dma_wait3A_903 : memref<32x32xf32, #tpu.memory_space<hbm>>)
        %dma_wait3A_908 = arith.constant 2 : i32
        %dma_wait3A_909 = arith.constant 0 : i32
        %dma_wait3A_910 = arith.constant 0 : i32
        %dma_wait3A_911 = tpu.memref_slice %arg9[%rem3A_469, %dma_wait3A_909, %dma_wait3A_910] : memref<2x32x32xi32, #tpu.memory_space<vmem>> -> memref<1x32x32xi32, #tpu.memory_space<vmem>>
        %dma_wait3A_912 = tpu.memref_squeeze %dma_wait3A_911 : memref<1x32x32xi32, #tpu.memory_space<vmem>> -> memref<32x32xi32, #tpu.memory_space<vmem>>
        %dma_wait3A_913 = arith.constant 0 : i32
        %dma_wait3A_914 = tpu.memref_slice %arg5[%select_n3A_791, %dma_wait3A_908, %mul3A_819, %dma_wait3A_913] : memref<64x3x1024x32xi32, #tpu.memory_space<hbm>> -> memref<1x1x32x32xi32, #tpu.memory_space<hbm>>
        %dma_wait3A_915 = tpu.memref_squeeze %dma_wait3A_914 : memref<1x1x32x32xi32, #tpu.memory_space<hbm>> -> memref<32x32xi32, #tpu.memory_space<hbm>>
        %dma_wait3A_916 = tpu.memref_slice %arg11[%rem3A_469] : memref<2x!tpu.dma_semaphore, #tpu.memory_space<semaphore_mem>> -> memref<1x!tpu.dma_semaphore, #tpu.memory_space<semaphore_mem>>
        %dma_wait3A_917 = tpu.memref_squeeze %dma_wait3A_916 : memref<1x!tpu.dma_semaphore, #tpu.memory_space<semaphore_mem>> -> memref<!tpu.dma_semaphore, #tpu.memory_space<semaphore_mem>>
        %dma_wait3A_918 = arith.constant 0 : i32
        %dma_wait3A_919 = tpu.memref_slice %arg5[%select_n3A_791, %dma_wait3A_908, %mul3A_819, %dma_wait3A_918] : memref<64x3x1024x32xi32, #tpu.memory_space<hbm>> -> memref<1x1x32x32xi32, #tpu.memory_space<hbm>>
        %dma_wait3A_920 = tpu.memref_squeeze %dma_wait3A_919 : memref<1x1x32x32xi32, #tpu.memory_space<hbm>> -> memref<32x32xi32, #tpu.memory_space<hbm>>
        %dma_wait3A_921 = arith.constant 0 : i32
        %dma_wait3A_922 = arith.constant 0 : i32
        %dma_wait3A_923 = tpu.memref_slice %arg9[%rem3A_469, %dma_wait3A_921, %dma_wait3A_922] : memref<2x32x32xi32, #tpu.memory_space<vmem>> -> memref<1x32x32xi32, #tpu.memory_space<vmem>>
        %dma_wait3A_924 = tpu.memref_squeeze %dma_wait3A_923 : memref<1x32x32xi32, #tpu.memory_space<vmem>> -> memref<32x32xi32, #tpu.memory_space<vmem>>
        tpu.wait_dma2 semaphore(%dma_wait3A_917 : memref<!tpu.dma_semaphore, #tpu.memory_space<semaphore_mem>>) src(%dma_wait3A_924 : memref<32x32xi32, #tpu.memory_space<vmem>>) dst(%dma_wait3A_920 : memref<32x32xi32, #tpu.memory_space<hbm>>)
      } else {
      }
      %mul3A_479 = arith.constant 64 : i32
      %mul3A_480 = arith.muli %add3A, %mul3A_479 : i32
      %add3A_481 = arith.addi %mul3A_480, %scan3A_467 : i32
      %jit3A_482 = arith.constant 32 : i32
      %div3A_483 = arith.divsi %add3A_481, %jit3A_482 : i32
      %sign3A_484 = arith.constant 0 : i32
      %sign3A_485 = arith.cmpi sgt, %add3A_481, %sign3A_484 : i32
      %sign3A_486 = arith.extui %sign3A_485 : i1 to i32
      %sign3A_487 = arith.constant 0 : i32
      %sign3A_488 = arith.cmpi slt, %add3A_481, %sign3A_487 : i32
      %sign3A_489 = arith.extui %sign3A_488 : i1 to i32
      %sign3A_490 = arith.subi %sign3A_486, %sign3A_489 : i32
      %sign3A_491 = arith.constant 0 : i32
      %sign3A_492 = arith.cmpi sgt, %jit3A_482, %sign3A_491 : i32
      %sign3A_493 = arith.extui %sign3A_492 : i1 to i32
      %sign3A_494 = arith.constant 0 : i32
      %sign3A_495 = arith.cmpi slt, %jit3A_482, %sign3A_494 : i32
      %sign3A_496 = arith.extui %sign3A_495 : i1 to i32
      %sign3A_497 = arith.subi %sign3A_493, %sign3A_496 : i32
      %ne3A_498 = arith.cmpi ne, %sign3A_490, %sign3A_497 : i32
      %rem3A_499 = arith.remsi %add3A_481, %jit3A_482 : i32
      %ne3A_500 = arith.constant 0 : i32
      %ne3A_501 = arith.cmpi ne, %rem3A_499, %ne3A_500 : i32
      %and3A_502 = arith.andi %ne3A_498, %ne3A_501 : i1
      %sub3A_503 = arith.constant 1 : i32
      %sub3A_504 = arith.subi %div3A_483, %sub3A_503 : i32
      %select_n3A_505 = arith.select %and3A_502, %sub3A_504, %div3A_483 : i32
      %jit3A_506 = arith.constant 32 : i32
      %eq3A_507 = arith.constant 0 : i32
      %eq3A_508 = arith.cmpi eq, %jit3A_506, %eq3A_507 : i32
      %jit3A_509 = arith.constant 1 : i32
      %select_n3A_510 = arith.select %eq3A_508, %jit3A_509, %jit3A_506 : i32
      %rem3A_511 = arith.remsi %add3A_481, %select_n3A_510 : i32
      %ne3A_512 = arith.constant 0 : i32
      %ne3A_513 = arith.cmpi ne, %rem3A_511, %ne3A_512 : i32
      %lt3A_514 = arith.constant 0 : i32
      %lt3A_515 = arith.cmpi slt, %rem3A_511, %lt3A_514 : i32
      %lt3A_516 = arith.constant 0 : i32
      %lt3A_517 = arith.cmpi slt, %select_n3A_510, %lt3A_516 : i32
      %ne3A_518 = arith.xori %lt3A_515, %lt3A_517 : i1
      %and3A_519 = arith.andi %ne3A_518, %ne3A_513 : i1
      %add3A_520 = arith.addi %rem3A_511, %select_n3A_510 : i32
      %select_n3A_521 = arith.select %and3A_519, %add3A_520, %rem3A_511 : i32
      %mul3A_522 = arith.constant 32 : i32
      %mul3A_523 = arith.muli %select_n3A_521, %mul3A_522 : i32
      %mul3A_524 = arith.constant 16 : i32
      %mul3A_525 = arith.muli %select_n3A_521, %mul3A_524 : i32
      %mul3A_526 = arith.constant 16 : i32
      %mul3A_527 = arith.muli %select_n3A_521, %mul3A_526 : i32
      %mul3A_528 = arith.constant 16 : i32
      %mul3A_529 = arith.muli %select_n3A_521, %mul3A_528 : i32
      %dma_wait3A_530 = arith.constant 0 : i32
      %dma_wait3A_531 = arith.constant 0 : i32
      %dma_wait3A_532 = tpu.memref_slice %arg6[%rem3A_469, %dma_wait3A_530, %dma_wait3A_531] : memref<2x32x256xf32, #tpu.memory_space<vmem>> -> memref<1x32x256xf32, #tpu.memory_space<vmem>>
      %dma_wait3A_533 = tpu.memref_squeeze %dma_wait3A_532 : memref<1x32x256xf32, #tpu.memory_space<vmem>> -> memref<32x256xf32, #tpu.memory_space<vmem>>
      %dma_wait3A_534 = arith.constant 0 : i32
      %dma_wait3A_535 = tpu.memref_slice %arg3[%select_n3A_505, %mul3A_523, %dma_wait3A_534] : memref<64x1024x256xf32, #tpu.memory_space<hbm>> -> memref<1x32x256xf32, #tpu.memory_space<hbm>>
      %dma_wait3A_536 = tpu.memref_squeeze %dma_wait3A_535 : memref<1x32x256xf32, #tpu.memory_space<hbm>> -> memref<32x256xf32, #tpu.memory_space<hbm>>
      %dma_wait3A_537 = tpu.memref_slice %arg10[%rem3A_469] : memref<2x!tpu.dma_semaphore, #tpu.memory_space<semaphore_mem>> -> memref<1x!tpu.dma_semaphore, #tpu.memory_space<semaphore_mem>>
      %dma_wait3A_538 = tpu.memref_squeeze %dma_wait3A_537 : memref<1x!tpu.dma_semaphore, #tpu.memory_space<semaphore_mem>> -> memref<!tpu.dma_semaphore, #tpu.memory_space<semaphore_mem>>
      %dma_wait3A_539 = arith.constant 0 : i32
      %dma_wait3A_540 = arith.constant 0 : i32
      %dma_wait3A_541 = tpu.memref_slice %arg6[%rem3A_469, %dma_wait3A_539, %dma_wait3A_540] : memref<2x32x256xf32, #tpu.memory_space<vmem>> -> memref<1x32x256xf32, #tpu.memory_space<vmem>>
      %dma_wait3A_542 = tpu.memref_squeeze %dma_wait3A_541 : memref<1x32x256xf32, #tpu.memory_space<vmem>> -> memref<32x256xf32, #tpu.memory_space<vmem>>
      %dma_wait3A_543 = arith.constant 0 : i32
      %dma_wait3A_544 = tpu.memref_slice %arg3[%select_n3A_505, %mul3A_523, %dma_wait3A_543] : memref<64x1024x256xf32, #tpu.memory_space<hbm>> -> memref<1x32x256xf32, #tpu.memory_space<hbm>>
      %dma_wait3A_545 = tpu.memref_squeeze %dma_wait3A_544 : memref<1x32x256xf32, #tpu.memory_space<hbm>> -> memref<32x256xf32, #tpu.memory_space<hbm>>
      tpu.wait_dma2 semaphore(%dma_wait3A_538 : memref<!tpu.dma_semaphore, #tpu.memory_space<semaphore_mem>>) src(%dma_wait3A_545 : memref<32x256xf32, #tpu.memory_space<hbm>>) dst(%dma_wait3A_542 : memref<32x256xf32, #tpu.memory_space<vmem>>)
      %dma_wait3A_546 = arith.constant 0 : i32
      %dma_wait3A_547 = arith.constant 0 : i32
      %dma_wait3A_548 = arith.constant 0 : i32
      %dma_wait3A_549 = tpu.memref_slice %arg7[%rem3A_469, %dma_wait3A_547, %dma_wait3A_548] : memref<2x48x512xf32, #tpu.memory_space<vmem>> -> memref<1x16x512xf32, #tpu.memory_space<vmem>>
      %dma_wait3A_550 = tpu.memref_squeeze %dma_wait3A_549 : memref<1x16x512xf32, #tpu.memory_space<vmem>> -> memref<16x512xf32, #tpu.memory_space<vmem>>
      %dma_wait3A_551 = arith.constant 0 : i32
      %dma_wait3A_552 = tpu.memref_slice %arg2[%select_n3A_505, %dma_wait3A_546, %mul3A_525, %dma_wait3A_551] : memref<64x3x512x512xf32, #tpu.memory_space<hbm>> -> memref<1x1x16x512xf32, #tpu.memory_space<hbm>>
      %dma_wait3A_553 = tpu.memref_squeeze %dma_wait3A_552 : memref<1x1x16x512xf32, #tpu.memory_space<hbm>> -> memref<16x512xf32, #tpu.memory_space<hbm>>
      %dma_wait3A_554 = tpu.memref_slice %arg10[%rem3A_469] : memref<2x!tpu.dma_semaphore, #tpu.memory_space<semaphore_mem>> -> memref<1x!tpu.dma_semaphore, #tpu.memory_space<semaphore_mem>>
      %dma_wait3A_555 = tpu.memref_squeeze %dma_wait3A_554 : memref<1x!tpu.dma_semaphore, #tpu.memory_space<semaphore_mem>> -> memref<!tpu.dma_semaphore, #tpu.memory_space<semaphore_mem>>
      %dma_wait3A_556 = arith.constant 0 : i32
      %dma_wait3A_557 = arith.constant 0 : i32
      %dma_wait3A_558 = tpu.memref_slice %arg7[%rem3A_469, %dma_wait3A_556, %dma_wait3A_557] : memref<2x48x512xf32, #tpu.memory_space<vmem>> -> memref<1x16x512xf32, #tpu.memory_space<vmem>>
      %dma_wait3A_559 = tpu.memref_squeeze %dma_wait3A_558 : memref<1x16x512xf32, #tpu.memory_space<vmem>> -> memref<16x512xf32, #tpu.memory_space<vmem>>
      %dma_wait3A_560 = arith.constant 0 : i32
      %dma_wait3A_561 = tpu.memref_slice %arg2[%select_n3A_505, %dma_wait3A_546, %mul3A_525, %dma_wait3A_560] : memref<64x3x512x512xf32, #tpu.memory_space<hbm>> -> memref<1x1x16x512xf32, #tpu.memory_space<hbm>>
      %dma_wait3A_562 = tpu.memref_squeeze %dma_wait3A_561 : memref<1x1x16x512xf32, #tpu.memory_space<hbm>> -> memref<16x512xf32, #tpu.memory_space<hbm>>
      tpu.wait_dma2 semaphore(%dma_wait3A_555 : memref<!tpu.dma_semaphore, #tpu.memory_space<semaphore_mem>>) src(%dma_wait3A_562 : memref<16x512xf32, #tpu.memory_space<hbm>>) dst(%dma_wait3A_559 : memref<16x512xf32, #tpu.memory_space<vmem>>)
      %dma_wait3A_563 = arith.constant 1 : i32
      %dma_wait3A_564 = arith.constant 16 : i32
      %dma_wait3A_565 = arith.constant 0 : i32
      %dma_wait3A_566 = tpu.memref_slice %arg7[%rem3A_469, %dma_wait3A_564, %dma_wait3A_565] : memref<2x48x512xf32, #tpu.memory_space<vmem>> -> memref<1x16x512xf32, #tpu.memory_space<vmem>>
      %dma_wait3A_567 = tpu.memref_squeeze %dma_wait3A_566 : memref<1x16x512xf32, #tpu.memory_space<vmem>> -> memref<16x512xf32, #tpu.memory_space<vmem>>
      %dma_wait3A_568 = arith.constant 0 : i32
      %dma_wait3A_569 = tpu.memref_slice %arg2[%select_n3A_505, %dma_wait3A_563, %mul3A_527, %dma_wait3A_568] : memref<64x3x512x512xf32, #tpu.memory_space<hbm>> -> memref<1x1x16x512xf32, #tpu.memory_space<hbm>>
      %dma_wait3A_570 = tpu.memref_squeeze %dma_wait3A_569 : memref<1x1x16x512xf32, #tpu.memory_space<hbm>> -> memref<16x512xf32, #tpu.memory_space<hbm>>
      %dma_wait3A_571 = tpu.memref_slice %arg10[%rem3A_469] : memref<2x!tpu.dma_semaphore, #tpu.memory_space<semaphore_mem>> -> memref<1x!tpu.dma_semaphore, #tpu.memory_space<semaphore_mem>>
      %dma_wait3A_572 = tpu.memref_squeeze %dma_wait3A_571 : memref<1x!tpu.dma_semaphore, #tpu.memory_space<semaphore_mem>> -> memref<!tpu.dma_semaphore, #tpu.memory_space<semaphore_mem>>
      %dma_wait3A_573 = arith.constant 16 : i32
      %dma_wait3A_574 = arith.constant 0 : i32
      %dma_wait3A_575 = tpu.memref_slice %arg7[%rem3A_469, %dma_wait3A_573, %dma_wait3A_574] : memref<2x48x512xf32, #tpu.memory_space<vmem>> -> memref<1x16x512xf32, #tpu.memory_space<vmem>>
      %dma_wait3A_576 = tpu.memref_squeeze %dma_wait3A_575 : memref<1x16x512xf32, #tpu.memory_space<vmem>> -> memref<16x512xf32, #tpu.memory_space<vmem>>
      %dma_wait3A_577 = arith.constant 0 : i32
      %dma_wait3A_578 = tpu.memref_slice %arg2[%select_n3A_505, %dma_wait3A_563, %mul3A_527, %dma_wait3A_577] : memref<64x3x512x512xf32, #tpu.memory_space<hbm>> -> memref<1x1x16x512xf32, #tpu.memory_space<hbm>>
      %dma_wait3A_579 = tpu.memref_squeeze %dma_wait3A_578 : memref<1x1x16x512xf32, #tpu.memory_space<hbm>> -> memref<16x512xf32, #tpu.memory_space<hbm>>
      tpu.wait_dma2 semaphore(%dma_wait3A_572 : memref<!tpu.dma_semaphore, #tpu.memory_space<semaphore_mem>>) src(%dma_wait3A_579 : memref<16x512xf32, #tpu.memory_space<hbm>>) dst(%dma_wait3A_576 : memref<16x512xf32, #tpu.memory_space<vmem>>)
      %dma_wait3A_580 = arith.constant 2 : i32
      %dma_wait3A_581 = arith.constant 32 : i32
      %dma_wait3A_582 = arith.constant 0 : i32
      %dma_wait3A_583 = tpu.memref_slice %arg7[%rem3A_469, %dma_wait3A_581, %dma_wait3A_582] : memref<2x48x512xf32, #tpu.memory_space<vmem>> -> memref<1x16x512xf32, #tpu.memory_space<vmem>>
      %dma_wait3A_584 = tpu.memref_squeeze %dma_wait3A_583 : memref<1x16x512xf32, #tpu.memory_space<vmem>> -> memref<16x512xf32, #tpu.memory_space<vmem>>
      %dma_wait3A_585 = arith.constant 0 : i32
      %dma_wait3A_586 = tpu.memref_slice %arg2[%select_n3A_505, %dma_wait3A_580, %mul3A_529, %dma_wait3A_585] : memref<64x3x512x512xf32, #tpu.memory_space<hbm>> -> memref<1x1x16x512xf32, #tpu.memory_space<hbm>>
      %dma_wait3A_587 = tpu.memref_squeeze %dma_wait3A_586 : memref<1x1x16x512xf32, #tpu.memory_space<hbm>> -> memref<16x512xf32, #tpu.memory_space<hbm>>
      %dma_wait3A_588 = tpu.memref_slice %arg10[%rem3A_469] : memref<2x!tpu.dma_semaphore, #tpu.memory_space<semaphore_mem>> -> memref<1x!tpu.dma_semaphore, #tpu.memory_space<semaphore_mem>>
      %dma_wait3A_589 = tpu.memref_squeeze %dma_wait3A_588 : memref<1x!tpu.dma_semaphore, #tpu.memory_space<semaphore_mem>> -> memref<!tpu.dma_semaphore, #tpu.memory_space<semaphore_mem>>
      %dma_wait3A_590 = arith.constant 32 : i32
      %dma_wait3A_591 = arith.constant 0 : i32
      %dma_wait3A_592 = tpu.memref_slice %arg7[%rem3A_469, %dma_wait3A_590, %dma_wait3A_591] : memref<2x48x512xf32, #tpu.memory_space<vmem>> -> memref<1x16x512xf32, #tpu.memory_space<vmem>>
      %dma_wait3A_593 = tpu.memref_squeeze %dma_wait3A_592 : memref<1x16x512xf32, #tpu.memory_space<vmem>> -> memref<16x512xf32, #tpu.memory_space<vmem>>
      %dma_wait3A_594 = arith.constant 0 : i32
      %dma_wait3A_595 = tpu.memref_slice %arg2[%select_n3A_505, %dma_wait3A_580, %mul3A_529, %dma_wait3A_594] : memref<64x3x512x512xf32, #tpu.memory_space<hbm>> -> memref<1x1x16x512xf32, #tpu.memory_space<hbm>>
      %dma_wait3A_596 = tpu.memref_squeeze %dma_wait3A_595 : memref<1x1x16x512xf32, #tpu.memory_space<hbm>> -> memref<16x512xf32, #tpu.memory_space<hbm>>
      tpu.wait_dma2 semaphore(%dma_wait3A_589 : memref<!tpu.dma_semaphore, #tpu.memory_space<semaphore_mem>>) src(%dma_wait3A_596 : memref<16x512xf32, #tpu.memory_space<hbm>>) dst(%dma_wait3A_593 : memref<16x512xf32, #tpu.memory_space<vmem>>)
      %scan3A_597 = arith.constant 0 : i32
      %scan3A_598 = arith.constant 0 : i32
      %scan3A_599 = arith.constant 8 : i32
      %scan3A_600 = arith.addi %scan3A_598, %scan3A_599 : i32
      %scan3A_601 = arith.constant 1 : i32
      scf.for %scan3A_763 = %scan3A_598 to %scan3A_600 step %scan3A_601  : i32 {
        %mul3A_764 = arith.constant 4 : i32
        %mul3A_765 = arith.muli %mul3A_764, %scan3A_763 : i32
        %add3A_766 = arith.constant 0 : i32
        %add3A_767 = arith.addi %mul3A_765, %add3A_766 : i32
        %get3A = arith.index_cast %rem3A_469 : i32 to index
        %get3A_768 = arith.index_cast %add3A_767 : i32 to index
        %get3A_769 = arith.constant 0 : index
        %get3A_770 = tpu.vector_load %arg6[%get3A, %get3A_768, %get3A_769] {strides = array<i32>} : memref<2x32x256xf32, #tpu.memory_space<vmem>>, vector<16xf32>,
        %mul3A_771 = arith.constant 0x4B000000 : f32
        %mul3A_772 = vector.broadcast %mul3A_771 : f32 to vector<16xf32>
        %mul3A_773 = arith.mulf %get3A_770, %mul3A_772 : vector<16xf32>
        %convert_element_type3A_774 = arith.fptosi %mul3A_773 : vector<16xf32> to vector<16xi32>
        %shift_left3A = arith.constant 8 : i32
        %shift_left3A_775 = vector.broadcast %shift_left3A : i32 to vector<16xi32>
        %shift_left3A_776 = arith.shli %convert_element_type3A_774, %shift_left3A_775 : vector<16xi32>
        %iota3A = tpu.iota {dimensions = array<i32: 0>} : vector<16xi32>
        %add3A_777 = arith.constant 0 : i32
        %add3A_778 = vector.broadcast %add3A_777 : i32 to vector<16xi32>
        %add3A_779 = arith.addi %iota3A, %add3A_778 : vector<16xi32>
        %or3A = arith.ori %shift_left3A_776, %add3A_779 : vector<16xi32>
        %bitcast_convert_type3A = tpu.bitcast %or3A : vector<16xi32> -> vector<16xi32>
        %masked_sort3A = arith.constant dense<true> : vector<16xi1>
        %masked_sort3A_780, %masked_sort3A_781, %masked_sort3A_782 = tpu.sort %bitcast_convert_type3A, %bitcast_convert_type3A masked %masked_sort3A : (vector<16xi32>, vector<16xi32>, vector<16xi1>) -> (vector<16xi1>, vector<16xi32>, vector<16xi32>)
        %get3A_783 = arith.index_cast %rem3A_469 : i32 to index
        %get3A_784 = arith.index_cast %add3A_767 : i32 to index
        %get3A_785 = arith.constant 16 : index
        %get3A_786 = tpu.vector_load %arg6[%get3A_783, %get3A_784, %get3A_785] {strides = array<i32>} : memref<2x32x256xf32, #tpu.memory_space<vmem>>, vector<16xf32>,
        %mul3A_787 = arith.constant 0x4B000000 : f32
        %mul3A_788 = vector.broadcast %mul3A_787 : f32 to vector<16xf32>
        %mul3A_789 = arith.mulf %get3A_786, %mul3A_788 : vector<16xf32>
        %convert_element_type3A_790 = arith.fptosi %mul3A_789 : vector<16xf32> to vector<16xi32>
        %shift_left3A_791 = arith.constant 8 : i32
        %shift_left3A_792 = vector.broadcast %shift_left3A_791 : i32 to vector<16xi32>
        %shift_left3A_793 = arith.shli %convert_element_type3A_790, %shift_left3A_792 : vector<16xi32>
        %iota3A_794 = tpu.iota {dimensions = array<i32: 0>} : vector<16xi32>
        %add3A_795 = arith.constant 16 : i32
        %add3A_796 = vector.broadcast %add3A_795 : i32 to vector<16xi32>
        %add3A_797 = arith.addi %iota3A_794, %add3A_796 : vector<16xi32>
        %or3A_798 = arith.ori %shift_left3A_793, %add3A_797 : vector<16xi32>
        %bitcast_convert_type3A_799 = tpu.bitcast %or3A_798 : vector<16xi32> -> vector<16xi32>
        %masked_sort3A_800 = arith.constant dense<true> : vector<16xi1>
        %masked_sort3A_801, %masked_sort3A_802, %masked_sort3A_803 = tpu.sort %bitcast_convert_type3A_799, %bitcast_convert_type3A_799 masked %masked_sort3A_800 {descending = true} : (vector<16xi32>, vector<16xi32>, vector<16xi1>) -> (vector<16xi1>, vector<16xi32>, vector<16xi32>)
        %get3A_804 = arith.index_cast %rem3A_469 : i32 to index
        %get3A_805 = arith.index_cast %add3A_767 : i32 to index
        %get3A_806 = arith.constant 32 : index
        %get3A_807 = tpu.vector_load %arg6[%get3A_804, %get3A_805, %get3A_806] {strides = array<i32>} : memref<2x32x256xf32, #tpu.memory_space<vmem>>, vector<16xf32>,
        %mul3A_808 = arith.constant 0x4B000000 : f32
        %mul3A_809 = vector.broadcast %mul3A_808 : f32 to vector<16xf32>
        %mul3A_810 = arith.mulf %get3A_807, %mul3A_809 : vector<16xf32>
        %convert_element_type3A_811 = arith.fptosi %mul3A_810 : vector<16xf32> to vector<16xi32>
        %shift_left3A_812 = arith.constant 8 : i32
        %shift_left3A_813 = vector.broadcast %shift_left3A_812 : i32 to vector<16xi32>
        %shift_left3A_814 = arith.shli %convert_element_type3A_811, %shift_left3A_813 : vector<16xi32>
        %iota3A_815 = tpu.iota {dimensions = array<i32: 0>} : vector<16xi32>
        %add3A_816 = arith.constant 32 : i32
        %add3A_817 = vector.broadcast %add3A_816 : i32 to vector<16xi32>
        %add3A_818 = arith.addi %iota3A_815, %add3A_817 : vector<16xi32>
        %or3A_819 = arith.ori %shift_left3A_814, %add3A_818 : vector<16xi32>
        %bitcast_convert_type3A_820 = tpu.bitcast %or3A_819 : vector<16xi32> -> vector<16xi32>
        %masked_sort3A_821 = arith.constant dense<true> : vector<16xi1>
        %masked_sort3A_822, %masked_sort3A_823, %masked_sort3A_824 = tpu.sort %bitcast_convert_type3A_820, %bitcast_convert_type3A_820 masked %masked_sort3A_821 : (vector<16xi32>, vector<16xi32>, vector<16xi1>) -> (vector<16xi1>, vector<16xi32>, vector<16xi32>)
        %get3A_825 = arith.index_cast %rem3A_469 : i32 to index
        %get3A_826 = arith.index_cast %add3A_767 : i32 to index
        %get3A_827 = arith.constant 48 : index
        %get3A_828 = tpu.vector_load %arg6[%get3A_825, %get3A_826, %get3A_827] {strides = array<i32>} : memref<2x32x256xf32, #tpu.memory_space<vmem>>, vector<16xf32>,
        %mul3A_829 = arith.constant 0x4B000000 : f32
        %mul3A_830 = vector.broadcast %mul3A_829 : f32 to vector<16xf32>
        %mul3A_831 = arith.mulf %get3A_828, %mul3A_830 : vector<16xf32>
        %convert_element_type3A_832 = arith.fptosi %mul3A_831 : vector<16xf32> to vector<16xi32>
        %shift_left3A_833 = arith.constant 8 : i32
        %shift_left3A_834 = vector.broadcast %shift_left3A_833 : i32 to vector<16xi32>
        %shift_left3A_835 = arith.shli %convert_element_type3A_832, %shift_left3A_834 : vector<16xi32>
        %iota3A_836 = tpu.iota {dimensions = array<i32: 0>} : vector<16xi32>
        %add3A_837 = arith.constant 48 : i32
        %add3A_838 = vector.broadcast %add3A_837 : i32 to vector<16xi32>
        %add3A_839 = arith.addi %iota3A_836, %add3A_838 : vector<16xi32>
        %or3A_840 = arith.ori %shift_left3A_835, %add3A_839 : vector<16xi32>
        %bitcast_convert_type3A_841 = tpu.bitcast %or3A_840 : vector<16xi32> -> vector<16xi32>
        %masked_sort3A_842 = arith.constant dense<true> : vector<16xi1>
        %masked_sort3A_843, %masked_sort3A_844, %masked_sort3A_845 = tpu.sort %bitcast_convert_type3A_841, %bitcast_convert_type3A_841 masked %masked_sort3A_842 {descending = true} : (vector<16xi32>, vector<16xi32>, vector<16xi1>) -> (vector<16xi1>, vector<16xi32>, vector<16xi32>)
        %get3A_846 = arith.index_cast %rem3A_469 : i32 to index
        %get3A_847 = arith.index_cast %add3A_767 : i32 to index
        %get3A_848 = arith.constant 64 : index
        %get3A_849 = tpu.vector_load %arg6[%get3A_846, %get3A_847, %get3A_848] {strides = array<i32>} : memref<2x32x256xf32, #tpu.memory_space<vmem>>, vector<16xf32>,
        %mul3A_850 = arith.constant 0x4B000000 : f32
        %mul3A_851 = vector.broadcast %mul3A_850 : f32 to vector<16xf32>
        %mul3A_852 = arith.mulf %get3A_849, %mul3A_851 : vector<16xf32>
        %convert_element_type3A_853 = arith.fptosi %mul3A_852 : vector<16xf32> to vector<16xi32>
        %shift_left3A_854 = arith.constant 8 : i32
        %shift_left3A_855 = vector.broadcast %shift_left3A_854 : i32 to vector<16xi32>
        %shift_left3A_856 = arith.shli %convert_element_type3A_853, %shift_left3A_855 : vector<16xi32>
        %iota3A_857 = tpu.iota {dimensions = array<i32: 0>} : vector<16xi32>
        %add3A_858 = arith.constant 64 : i32
        %add3A_859 = vector.broadcast %add3A_858 : i32 to vector<16xi32>
        %add3A_860 = arith.addi %iota3A_857, %add3A_859 : vector<16xi32>
        %or3A_861 = arith.ori %shift_left3A_856, %add3A_860 : vector<16xi32>
        %bitcast_convert_type3A_862 = tpu.bitcast %or3A_861 : vector<16xi32> -> vector<16xi32>
        %masked_sort3A_863 = arith.constant dense<true> : vector<16xi1>
        %masked_sort3A_864, %masked_sort3A_865, %masked_sort3A_866 = tpu.sort %bitcast_convert_type3A_862, %bitcast_convert_type3A_862 masked %masked_sort3A_863 : (vector<16xi32>, vector<16xi32>, vector<16xi1>) -> (vector<16xi1>, vector<16xi32>, vector<16xi32>)
        %get3A_867 = arith.index_cast %rem3A_469 : i32 to index
        %get3A_868 = arith.index_cast %add3A_767 : i32 to index
        %get3A_869 = arith.constant 80 : index
        %get3A_870 = tpu.vector_load %arg6[%get3A_867, %get3A_868, %get3A_869] {strides = array<i32>} : memref<2x32x256xf32, #tpu.memory_space<vmem>>, vector<16xf32>,
        %mul3A_871 = arith.constant 0x4B000000 : f32
        %mul3A_872 = vector.broadcast %mul3A_871 : f32 to vector<16xf32>
        %mul3A_873 = arith.mulf %get3A_870, %mul3A_872 : vector<16xf32>
        %convert_element_type3A_874 = arith.fptosi %mul3A_873 : vector<16xf32> to vector<16xi32>
        %shift_left3A_875 = arith.constant 8 : i32
        %shift_left3A_876 = vector.broadcast %shift_left3A_875 : i32 to vector<16xi32>
        %shift_left3A_877 = arith.shli %convert_element_type3A_874, %shift_left3A_876 : vector<16xi32>
        %iota3A_878 = tpu.iota {dimensions = array<i32: 0>} : vector<16xi32>
        %add3A_879 = arith.constant 80 : i32
        %add3A_880 = vector.broadcast %add3A_879 : i32 to vector<16xi32>
        %add3A_881 = arith.addi %iota3A_878, %add3A_880 : vector<16xi32>
        %or3A_882 = arith.ori %shift_left3A_877, %add3A_881 : vector<16xi32>
        %bitcast_convert_type3A_883 = tpu.bitcast %or3A_882 : vector<16xi32> -> vector<16xi32>
        %masked_sort3A_884 = arith.constant dense<true> : vector<16xi1>
        %masked_sort3A_885, %masked_sort3A_886, %masked_sort3A_887 = tpu.sort %bitcast_convert_type3A_883, %bitcast_convert_type3A_883 masked %masked_sort3A_884 {descending = true} : (vector<16xi32>, vector<16xi32>, vector<16xi1>) -> (vector<16xi1>, vector<16xi32>, vector<16xi32>)
        %get3A_888 = arith.index_cast %rem3A_469 : i32 to index
        %get3A_889 = arith.index_cast %add3A_767 : i32 to index
        %get3A_890 = arith.constant 96 : index
        %get3A_891 = tpu.vector_load %arg6[%get3A_888, %get3A_889, %get3A_890] {strides = array<i32>} : memref<2x32x256xf32, #tpu.memory_space<vmem>>, vector<16xf32>,
        %mul3A_892 = arith.constant 0x4B000000 : f32
        %mul3A_893 = vector.broadcast %mul3A_892 : f32 to vector<16xf32>
        %mul3A_894 = arith.mulf %get3A_891, %mul3A_893 : vector<16xf32>
        %convert_element_type3A_895 = arith.fptosi %mul3A_894 : vector<16xf32> to vector<16xi32>
        %shift_left3A_896 = arith.constant 8 : i32
        %shift_left3A_897 = vector.broadcast %shift_left3A_896 : i32 to vector<16xi32>
        %shift_left3A_898 = arith.shli %convert_element_type3A_895, %shift_left3A_897 : vector<16xi32>
        %iota3A_899 = tpu.iota {dimensions = array<i32: 0>} : vector<16xi32>
        %add3A_900 = arith.constant 96 : i32
        %add3A_901 = vector.broadcast %add3A_900 : i32 to vector<16xi32>
        %add3A_902 = arith.addi %iota3A_899, %add3A_901 : vector<16xi32>
        %or3A_903 = arith.ori %shift_left3A_898, %add3A_902 : vector<16xi32>
        %bitcast_convert_type3A_904 = tpu.bitcast %or3A_903 : vector<16xi32> -> vector<16xi32>
        %masked_sort3A_905 = arith.constant dense<true> : vector<16xi1>
        %masked_sort3A_906, %masked_sort3A_907, %masked_sort3A_908 = tpu.sort %bitcast_convert_type3A_904, %bitcast_convert_type3A_904 masked %masked_sort3A_905 : (vector<16xi32>, vector<16xi32>, vector<16xi1>) -> (vector<16xi1>, vector<16xi32>, vector<16xi32>)
        %get3A_909 = arith.index_cast %rem3A_469 : i32 to index
        %get3A_910 = arith.index_cast %add3A_767 : i32 to index
        %get3A_911 = arith.constant 112 : index
        %get3A_912 = tpu.vector_load %arg6[%get3A_909, %get3A_910, %get3A_911] {strides = array<i32>} : memref<2x32x256xf32, #tpu.memory_space<vmem>>, vector<16xf32>,
        %mul3A_913 = arith.constant 0x4B000000 : f32
        %mul3A_914 = vector.broadcast %mul3A_913 : f32 to vector<16xf32>
        %mul3A_915 = arith.mulf %get3A_912, %mul3A_914 : vector<16xf32>
        %convert_element_type3A_916 = arith.fptosi %mul3A_915 : vector<16xf32> to vector<16xi32>
        %shift_left3A_917 = arith.constant 8 : i32
        %shift_left3A_918 = vector.broadcast %shift_left3A_917 : i32 to vector<16xi32>
        %shift_left3A_919 = arith.shli %convert_element_type3A_916, %shift_left3A_918 : vector<16xi32>
        %iota3A_920 = tpu.iota {dimensions = array<i32: 0>} : vector<16xi32>
        %add3A_921 = arith.constant 112 : i32
        %add3A_922 = vector.broadcast %add3A_921 : i32 to vector<16xi32>
        %add3A_923 = arith.addi %iota3A_920, %add3A_922 : vector<16xi32>
        %or3A_924 = arith.ori %shift_left3A_919, %add3A_923 : vector<16xi32>
        %bitcast_convert_type3A_925 = tpu.bitcast %or3A_924 : vector<16xi32> -> vector<16xi32>
        %masked_sort3A_926 = arith.constant dense<true> : vector<16xi1>
        %masked_sort3A_927, %masked_sort3A_928, %masked_sort3A_929 = tpu.sort %bitcast_convert_type3A_925, %bitcast_convert_type3A_925 masked %masked_sort3A_926 {descending = true} : (vector<16xi32>, vector<16xi32>, vector<16xi1>) -> (vector<16xi1>, vector<16xi32>, vector<16xi32>)
        %get3A_930 = arith.index_cast %rem3A_469 : i32 to index
        %get3A_931 = arith.index_cast %add3A_767 : i32 to index
        %get3A_932 = arith.constant 128 : index
        %get3A_933 = tpu.vector_load %arg6[%get3A_930, %get3A_931, %get3A_932] {strides = array<i32>} : memref<2x32x256xf32, #tpu.memory_space<vmem>>, vector<16xf32>,
        %mul3A_934 = arith.constant 0x4B000000 : f32
        %mul3A_935 = vector.broadcast %mul3A_934 : f32 to vector<16xf32>
        %mul3A_936 = arith.mulf %get3A_933, %mul3A_935 : vector<16xf32>
        %convert_element_type3A_937 = arith.fptosi %mul3A_936 : vector<16xf32> to vector<16xi32>
        %shift_left3A_938 = arith.constant 8 : i32
        %shift_left3A_939 = vector.broadcast %shift_left3A_938 : i32 to vector<16xi32>
        %shift_left3A_940 = arith.shli %convert_element_type3A_937, %shift_left3A_939 : vector<16xi32>
        %iota3A_941 = tpu.iota {dimensions = array<i32: 0>} : vector<16xi32>
        %add3A_942 = arith.constant 128 : i32
        %add3A_943 = vector.broadcast %add3A_942 : i32 to vector<16xi32>
        %add3A_944 = arith.addi %iota3A_941, %add3A_943 : vector<16xi32>
        %or3A_945 = arith.ori %shift_left3A_940, %add3A_944 : vector<16xi32>
        %bitcast_convert_type3A_946 = tpu.bitcast %or3A_945 : vector<16xi32> -> vector<16xi32>
        %masked_sort3A_947 = arith.constant dense<true> : vector<16xi1>
        %masked_sort3A_948, %masked_sort3A_949, %masked_sort3A_950 = tpu.sort %bitcast_convert_type3A_946, %bitcast_convert_type3A_946 masked %masked_sort3A_947 : (vector<16xi32>, vector<16xi32>, vector<16xi1>) -> (vector<16xi1>, vector<16xi32>, vector<16xi32>)
        %get3A_951 = arith.index_cast %rem3A_469 : i32 to index
        %get3A_952 = arith.index_cast %add3A_767 : i32 to index
        %get3A_953 = arith.constant 144 : index
        %get3A_954 = tpu.vector_load %arg6[%get3A_951, %get3A_952, %get3A_953] {strides = array<i32>} : memref<2x32x256xf32, #tpu.memory_space<vmem>>, vector<16xf32>,
        %mul3A_955 = arith.constant 0x4B000000 : f32
        %mul3A_956 = vector.broadcast %mul3A_955 : f32 to vector<16xf32>
        %mul3A_957 = arith.mulf %get3A_954, %mul3A_956 : vector<16xf32>
        %convert_element_type3A_958 = arith.fptosi %mul3A_957 : vector<16xf32> to vector<16xi32>
        %shift_left3A_959 = arith.constant 8 : i32
        %shift_left3A_960 = vector.broadcast %shift_left3A_959 : i32 to vector<16xi32>
        %shift_left3A_961 = arith.shli %convert_element_type3A_958, %shift_left3A_960 : vector<16xi32>
        %iota3A_962 = tpu.iota {dimensions = array<i32: 0>} : vector<16xi32>
        %add3A_963 = arith.constant 144 : i32
        %add3A_964 = vector.broadcast %add3A_963 : i32 to vector<16xi32>
        %add3A_965 = arith.addi %iota3A_962, %add3A_964 : vector<16xi32>
        %or3A_966 = arith.ori %shift_left3A_961, %add3A_965 : vector<16xi32>
        %bitcast_convert_type3A_967 = tpu.bitcast %or3A_966 : vector<16xi32> -> vector<16xi32>
        %masked_sort3A_968 = arith.constant dense<true> : vector<16xi1>
        %masked_sort3A_969, %masked_sort3A_970, %masked_sort3A_971 = tpu.sort %bitcast_convert_type3A_967, %bitcast_convert_type3A_967 masked %masked_sort3A_968 {descending = true} : (vector<16xi32>, vector<16xi32>, vector<16xi1>) -> (vector<16xi1>, vector<16xi32>, vector<16xi32>)
        %get3A_972 = arith.index_cast %rem3A_469 : i32 to index
        %get3A_973 = arith.index_cast %add3A_767 : i32 to index
        %get3A_974 = arith.constant 160 : index
        %get3A_975 = tpu.vector_load %arg6[%get3A_972, %get3A_973, %get3A_974] {strides = array<i32>} : memref<2x32x256xf32, #tpu.memory_space<vmem>>, vector<16xf32>,
        %mul3A_976 = arith.constant 0x4B000000 : f32
        %mul3A_977 = vector.broadcast %mul3A_976 : f32 to vector<16xf32>
        %mul3A_978 = arith.mulf %get3A_975, %mul3A_977 : vector<16xf32>
        %convert_element_type3A_979 = arith.fptosi %mul3A_978 : vector<16xf32> to vector<16xi32>
        %shift_left3A_980 = arith.constant 8 : i32
        %shift_left3A_981 = vector.broadcast %shift_left3A_980 : i32 to vector<16xi32>
        %shift_left3A_982 = arith.shli %convert_element_type3A_979, %shift_left3A_981 : vector<16xi32>
        %iota3A_983 = tpu.iota {dimensions = array<i32: 0>} : vector<16xi32>
        %add3A_984 = arith.constant 160 : i32
        %add3A_985 = vector.broadcast %add3A_984 : i32 to vector<16xi32>
        %add3A_986 = arith.addi %iota3A_983, %add3A_985 : vector<16xi32>
        %or3A_987 = arith.ori %shift_left3A_982, %add3A_986 : vector<16xi32>
        %bitcast_convert_type3A_988 = tpu.bitcast %or3A_987 : vector<16xi32> -> vector<16xi32>
        %masked_sort3A_989 = arith.constant dense<true> : vector<16xi1>
        %masked_sort3A_990, %masked_sort3A_991, %masked_sort3A_992 = tpu.sort %bitcast_convert_type3A_988, %bitcast_convert_type3A_988 masked %masked_sort3A_989 : (vector<16xi32>, vector<16xi32>, vector<16xi1>) -> (vector<16xi1>, vector<16xi32>, vector<16xi32>)
        %get3A_993 = arith.index_cast %rem3A_469 : i32 to index
        %get3A_994 = arith.index_cast %add3A_767 : i32 to index
        %get3A_995 = arith.constant 176 : index
        %get3A_996 = tpu.vector_load %arg6[%get3A_993, %get3A_994, %get3A_995] {strides = array<i32>} : memref<2x32x256xf32, #tpu.memory_space<vmem>>, vector<16xf32>,
        %mul3A_997 = arith.constant 0x4B000000 : f32
        %mul3A_998 = vector.broadcast %mul3A_997 : f32 to vector<16xf32>
        %mul3A_999 = arith.mulf %get3A_996, %mul3A_998 : vector<16xf32>
        %convert_element_type3A_1000 = arith.fptosi %mul3A_999 : vector<16xf32> to vector<16xi32>
        %shift_left3A_1001 = arith.constant 8 : i32
        %shift_left3A_1002 = vector.broadcast %shift_left3A_1001 : i32 to vector<16xi32>
        %shift_left3A_1003 = arith.shli %convert_element_type3A_1000, %shift_left3A_1002 : vector<16xi32>
        %iota3A_1004 = tpu.iota {dimensions = array<i32: 0>} : vector<16xi32>
        %add3A_1005 = arith.constant 176 : i32
        %add3A_1006 = vector.broadcast %add3A_1005 : i32 to vector<16xi32>
        %add3A_1007 = arith.addi %iota3A_1004, %add3A_1006 : vector<16xi32>
        %or3A_1008 = arith.ori %shift_left3A_1003, %add3A_1007 : vector<16xi32>
        %bitcast_convert_type3A_1009 = tpu.bitcast %or3A_1008 : vector<16xi32> -> vector<16xi32>
        %masked_sort3A_1010 = arith.constant dense<true> : vector<16xi1>
        %masked_sort3A_1011, %masked_sort3A_1012, %masked_sort3A_1013 = tpu.sort %bitcast_convert_type3A_1009, %bitcast_convert_type3A_1009 masked %masked_sort3A_1010 {descending = true} : (vector<16xi32>, vector<16xi32>, vector<16xi1>) -> (vector<16xi1>, vector<16xi32>, vector<16xi32>)
        %get3A_1014 = arith.index_cast %rem3A_469 : i32 to index
        %get3A_1015 = arith.index_cast %add3A_767 : i32 to index
        %get3A_1016 = arith.constant 192 : index
        %get3A_1017 = tpu.vector_load %arg6[%get3A_1014, %get3A_1015, %get3A_1016] {strides = array<i32>} : memref<2x32x256xf32, #tpu.memory_space<vmem>>, vector<16xf32>,
        %mul3A_1018 = arith.constant 0x4B000000 : f32
        %mul3A_1019 = vector.broadcast %mul3A_1018 : f32 to vector<16xf32>
        %mul3A_1020 = arith.mulf %get3A_1017, %mul3A_1019 : vector<16xf32>
        %convert_element_type3A_1021 = arith.fptosi %mul3A_1020 : vector<16xf32> to vector<16xi32>
        %shift_left3A_1022 = arith.constant 8 : i32
        %shift_left3A_1023 = vector.broadcast %shift_left3A_1022 : i32 to vector<16xi32>
        %shift_left3A_1024 = arith.shli %convert_element_type3A_1021, %shift_left3A_1023 : vector<16xi32>
        %iota3A_1025 = tpu.iota {dimensions = array<i32: 0>} : vector<16xi32>
        %add3A_1026 = arith.constant 192 : i32
        %add3A_1027 = vector.broadcast %add3A_1026 : i32 to vector<16xi32>
        %add3A_1028 = arith.addi %iota3A_1025, %add3A_1027 : vector<16xi32>
        %or3A_1029 = arith.ori %shift_left3A_1024, %add3A_1028 : vector<16xi32>
        %bitcast_convert_type3A_1030 = tpu.bitcast %or3A_1029 : vector<16xi32> -> vector<16xi32>
        %masked_sort3A_1031 = arith.constant dense<true> : vector<16xi1>
        %masked_sort3A_1032, %masked_sort3A_1033, %masked_sort3A_1034 = tpu.sort %bitcast_convert_type3A_1030, %bitcast_convert_type3A_1030 masked %masked_sort3A_1031 : (vector<16xi32>, vector<16xi32>, vector<16xi1>) -> (vector<16xi1>, vector<16xi32>, vector<16xi32>)
        %get3A_1035 = arith.index_cast %rem3A_469 : i32 to index
        %get3A_1036 = arith.index_cast %add3A_767 : i32 to index
        %get3A_1037 = arith.constant 208 : index
        %get3A_1038 = tpu.vector_load %arg6[%get3A_1035, %get3A_1036, %get3A_1037] {strides = array<i32>} : memref<2x32x256xf32, #tpu.memory_space<vmem>>, vector<16xf32>,
        %mul3A_1039 = arith.constant 0x4B000000 : f32
        %mul3A_1040 = vector.broadcast %mul3A_1039 : f32 to vector<16xf32>
        %mul3A_1041 = arith.mulf %get3A_1038, %mul3A_1040 : vector<16xf32>
        %convert_element_type3A_1042 = arith.fptosi %mul3A_1041 : vector<16xf32> to vector<16xi32>
        %shift_left3A_1043 = arith.constant 8 : i32
        %shift_left3A_1044 = vector.broadcast %shift_left3A_1043 : i32 to vector<16xi32>
        %shift_left3A_1045 = arith.shli %convert_element_type3A_1042, %shift_left3A_1044 : vector<16xi32>
        %iota3A_1046 = tpu.iota {dimensions = array<i32: 0>} : vector<16xi32>
        %add3A_1047 = arith.constant 208 : i32
        %add3A_1048 = vector.broadcast %add3A_1047 : i32 to vector<16xi32>
        %add3A_1049 = arith.addi %iota3A_1046, %add3A_1048 : vector<16xi32>
        %or3A_1050 = arith.ori %shift_left3A_1045, %add3A_1049 : vector<16xi32>
        %bitcast_convert_type3A_1051 = tpu.bitcast %or3A_1050 : vector<16xi32> -> vector<16xi32>
        %masked_sort3A_1052 = arith.constant dense<true> : vector<16xi1>
        %masked_sort3A_1053, %masked_sort3A_1054, %masked_sort3A_1055 = tpu.sort %bitcast_convert_type3A_1051, %bitcast_convert_type3A_1051 masked %masked_sort3A_1052 {descending = true} : (vector<16xi32>, vector<16xi32>, vector<16xi1>) -> (vector<16xi1>, vector<16xi32>, vector<16xi32>)
        %get3A_1056 = arith.index_cast %rem3A_469 : i32 to index
        %get3A_1057 = arith.index_cast %add3A_767 : i32 to index
        %get3A_1058 = arith.constant 224 : index
        %get3A_1059 = tpu.vector_load %arg6[%get3A_1056, %get3A_1057, %get3A_1058] {strides = array<i32>} : memref<2x32x256xf32, #tpu.memory_space<vmem>>, vector<16xf32>,
        %mul3A_1060 = arith.constant 0x4B000000 : f32
        %mul3A_1061 = vector.broadcast %mul3A_1060 : f32 to vector<16xf32>
        %mul3A_1062 = arith.mulf %get3A_1059, %mul3A_1061 : vector<16xf32>
        %convert_element_type3A_1063 = arith.fptosi %mul3A_1062 : vector<16xf32> to vector<16xi32>
        %shift_left3A_1064 = arith.constant 8 : i32
        %shift_left3A_1065 = vector.broadcast %shift_left3A_1064 : i32 to vector<16xi32>
        %shift_left3A_1066 = arith.shli %convert_element_type3A_1063, %shift_left3A_1065 : vector<16xi32>
        %iota3A_1067 = tpu.iota {dimensions = array<i32: 0>} : vector<16xi32>
        %add3A_1068 = arith.constant 224 : i32
        %add3A_1069 = vector.broadcast %add3A_1068 : i32 to vector<16xi32>
        %add3A_1070 = arith.addi %iota3A_1067, %add3A_1069 : vector<16xi32>
        %or3A_1071 = arith.ori %shift_left3A_1066, %add3A_1070 : vector<16xi32>
        %bitcast_convert_type3A_1072 = tpu.bitcast %or3A_1071 : vector<16xi32> -> vector<16xi32>
        %masked_sort3A_1073 = arith.constant dense<true> : vector<16xi1>
        %masked_sort3A_1074, %masked_sort3A_1075, %masked_sort3A_1076 = tpu.sort %bitcast_convert_type3A_1072, %bitcast_convert_type3A_1072 masked %masked_sort3A_1073 : (vector<16xi32>, vector<16xi32>, vector<16xi1>) -> (vector<16xi1>, vector<16xi32>, vector<16xi32>)
        %get3A_1077 = arith.index_cast %rem3A_469 : i32 to index
        %get3A_1078 = arith.index_cast %add3A_767 : i32 to index
        %get3A_1079 = arith.constant 240 : index
        %get3A_1080 = tpu.vector_load %arg6[%get3A_1077, %get3A_1078, %get3A_1079] {strides = array<i32>} : memref<2x32x256xf32, #tpu.memory_space<vmem>>, vector<16xf32>,
        %mul3A_1081 = arith.constant 0x4B000000 : f32
        %mul3A_1082 = vector.broadcast %mul3A_1081 : f32 to vector<16xf32>
        %mul3A_1083 = arith.mulf %get3A_1080, %mul3A_1082 : vector<16xf32>
        %convert_element_type3A_1084 = arith.fptosi %mul3A_1083 : vector<16xf32> to vector<16xi32>
        %shift_left3A_1085 = arith.constant 8 : i32
        %shift_left3A_1086 = vector.broadcast %shift_left3A_1085 : i32 to vector<16xi32>
        %shift_left3A_1087 = arith.shli %convert_element_type3A_1084, %shift_left3A_1086 : vector<16xi32>
        %iota3A_1088 = tpu.iota {dimensions = array<i32: 0>} : vector<16xi32>
        %add3A_1089 = arith.constant 240 : i32
        %add3A_1090 = vector.broadcast %add3A_1089 : i32 to vector<16xi32>
        %add3A_1091 = arith.addi %iota3A_1088, %add3A_1090 : vector<16xi32>
        %or3A_1092 = arith.ori %shift_left3A_1087, %add3A_1091 : vector<16xi32>
        %bitcast_convert_type3A_1093 = tpu.bitcast %or3A_1092 : vector<16xi32> -> vector<16xi32>
        %masked_sort3A_1094 = arith.constant dense<true> : vector<16xi1>
        %masked_sort3A_1095, %masked_sort3A_1096, %masked_sort3A_1097 = tpu.sort %bitcast_convert_type3A_1093, %bitcast_convert_type3A_1093 masked %masked_sort3A_1094 {descending = true} : (vector<16xi32>, vector<16xi32>, vector<16xi1>) -> (vector<16xi1>, vector<16xi32>, vector<16xi32>)
        %min3A = arith.minui %masked_sort3A_781, %masked_sort3A_802 : vector<16xi32>
        %max3A = arith.maxui %masked_sort3A_781, %masked_sort3A_802 : vector<16xi32>
        %masked_sort3A_1098 = arith.constant dense<true> : vector<16xi1>
        %masked_sort3A_1099, %masked_sort3A_1100, %masked_sort3A_1101 = tpu.sort %min3A, %min3A masked %masked_sort3A_1098 : (vector<16xi32>, vector<16xi32>, vector<16xi1>) -> (vector<16xi1>, vector<16xi32>, vector<16xi32>)
        %masked_sort3A_1102 = arith.constant dense<true> : vector<16xi1>
        %masked_sort3A_1103, %masked_sort3A_1104, %masked_sort3A_1105 = tpu.sort %max3A, %max3A masked %masked_sort3A_1102 : (vector<16xi32>, vector<16xi32>, vector<16xi1>) -> (vector<16xi1>, vector<16xi32>, vector<16xi32>)
        %min3A_1106 = arith.minui %masked_sort3A_823, %masked_sort3A_844 : vector<16xi32>
        %max3A_1107 = arith.maxui %masked_sort3A_823, %masked_sort3A_844 : vector<16xi32>
        %masked_sort3A_1108 = arith.constant dense<true> : vector<16xi1>
        %masked_sort3A_1109, %masked_sort3A_1110, %masked_sort3A_1111 = tpu.sort %max3A_1107, %max3A_1107 masked %masked_sort3A_1108 {descending = true} : (vector<16xi32>, vector<16xi32>, vector<16xi1>) -> (vector<16xi1>, vector<16xi32>, vector<16xi32>)
        %masked_sort3A_1112 = arith.constant dense<true> : vector<16xi1>
        %masked_sort3A_1113, %masked_sort3A_1114, %masked_sort3A_1115 = tpu.sort %min3A_1106, %min3A_1106 masked %masked_sort3A_1112 {descending = true} : (vector<16xi32>, vector<16xi32>, vector<16xi1>) -> (vector<16xi1>, vector<16xi32>, vector<16xi32>)
        %min3A_1116 = arith.minui %masked_sort3A_865, %masked_sort3A_886 : vector<16xi32>
        %max3A_1117 = arith.maxui %masked_sort3A_865, %masked_sort3A_886 : vector<16xi32>
        %masked_sort3A_1118 = arith.constant dense<true> : vector<16xi1>
        %masked_sort3A_1119, %masked_sort3A_1120, %masked_sort3A_1121 = tpu.sort %min3A_1116, %min3A_1116 masked %masked_sort3A_1118 : (vector<16xi32>, vector<16xi32>, vector<16xi1>) -> (vector<16xi1>, vector<16xi32>, vector<16xi32>)
        %masked_sort3A_1122 = arith.constant dense<true> : vector<16xi1>
        %masked_sort3A_1123, %masked_sort3A_1124, %masked_sort3A_1125 = tpu.sort %max3A_1117, %max3A_1117 masked %masked_sort3A_1122 : (vector<16xi32>, vector<16xi32>, vector<16xi1>) -> (vector<16xi1>, vector<16xi32>, vector<16xi32>)
        %min3A_1126 = arith.minui %masked_sort3A_907, %masked_sort3A_928 : vector<16xi32>
        %max3A_1127 = arith.maxui %masked_sort3A_907, %masked_sort3A_928 : vector<16xi32>
        %masked_sort3A_1128 = arith.constant dense<true> : vector<16xi1>
        %masked_sort3A_1129, %masked_sort3A_1130, %masked_sort3A_1131 = tpu.sort %max3A_1127, %max3A_1127 masked %masked_sort3A_1128 {descending = true} : (vector<16xi32>, vector<16xi32>, vector<16xi1>) -> (vector<16xi1>, vector<16xi32>, vector<16xi32>)
        %masked_sort3A_1132 = arith.constant dense<true> : vector<16xi1>
        %masked_sort3A_1133, %masked_sort3A_1134, %masked_sort3A_1135 = tpu.sort %min3A_1126, %min3A_1126 masked %masked_sort3A_1132 {descending = true} : (vector<16xi32>, vector<16xi32>, vector<16xi1>) -> (vector<16xi1>, vector<16xi32>, vector<16xi32>)
        %min3A_1136 = arith.minui %masked_sort3A_949, %masked_sort3A_970 : vector<16xi32>
        %max3A_1137 = arith.maxui %masked_sort3A_949, %masked_sort3A_970 : vector<16xi32>
        %masked_sort3A_1138 = arith.constant dense<true> : vector<16xi1>
        %masked_sort3A_1139, %masked_sort3A_1140, %masked_sort3A_1141 = tpu.sort %min3A_1136, %min3A_1136 masked %masked_sort3A_1138 : (vector<16xi32>, vector<16xi32>, vector<16xi1>) -> (vector<16xi1>, vector<16xi32>, vector<16xi32>)
        %masked_sort3A_1142 = arith.constant dense<true> : vector<16xi1>
        %masked_sort3A_1143, %masked_sort3A_1144, %masked_sort3A_1145 = tpu.sort %max3A_1137, %max3A_1137 masked %masked_sort3A_1142 : (vector<16xi32>, vector<16xi32>, vector<16xi1>) -> (vector<16xi1>, vector<16xi32>, vector<16xi32>)
        %min3A_1146 = arith.minui %masked_sort3A_991, %masked_sort3A_1012 : vector<16xi32>
        %max3A_1147 = arith.maxui %masked_sort3A_991, %masked_sort3A_1012 : vector<16xi32>
        %masked_sort3A_1148 = arith.constant dense<true> : vector<16xi1>
        %masked_sort3A_1149, %masked_sort3A_1150, %masked_sort3A_1151 = tpu.sort %max3A_1147, %max3A_1147 masked %masked_sort3A_1148 {descending = true} : (vector<16xi32>, vector<16xi32>, vector<16xi1>) -> (vector<16xi1>, vector<16xi32>, vector<16xi32>)
        %masked_sort3A_1152 = arith.constant dense<true> : vector<16xi1>
        %masked_sort3A_1153, %masked_sort3A_1154, %masked_sort3A_1155 = tpu.sort %min3A_1146, %min3A_1146 masked %masked_sort3A_1152 {descending = true} : (vector<16xi32>, vector<16xi32>, vector<16xi1>) -> (vector<16xi1>, vector<16xi32>, vector<16xi32>)
        %min3A_1156 = arith.minui %masked_sort3A_1033, %masked_sort3A_1054 : vector<16xi32>
        %max3A_1157 = arith.maxui %masked_sort3A_1033, %masked_sort3A_1054 : vector<16xi32>
        %masked_sort3A_1158 = arith.constant dense<true> : vector<16xi1>
        %masked_sort3A_1159, %masked_sort3A_1160, %masked_sort3A_1161 = tpu.sort %min3A_1156, %min3A_1156 masked %masked_sort3A_1158 : (vector<16xi32>, vector<16xi32>, vector<16xi1>) -> (vector<16xi1>, vector<16xi32>, vector<16xi32>)
        %masked_sort3A_1162 = arith.constant dense<true> : vector<16xi1>
        %masked_sort3A_1163, %masked_sort3A_1164, %masked_sort3A_1165 = tpu.sort %max3A_1157, %max3A_1157 masked %masked_sort3A_1162 : (vector<16xi32>, vector<16xi32>, vector<16xi1>) -> (vector<16xi1>, vector<16xi32>, vector<16xi32>)
        %min3A_1166 = arith.minui %masked_sort3A_1075, %masked_sort3A_1096 : vector<16xi32>
        %max3A_1167 = arith.maxui %masked_sort3A_1075, %masked_sort3A_1096 : vector<16xi32>
        %masked_sort3A_1168 = arith.constant dense<true> : vector<16xi1>
        %masked_sort3A_1169, %masked_sort3A_1170, %masked_sort3A_1171 = tpu.sort %max3A_1167, %max3A_1167 masked %masked_sort3A_1168 {descending = true} : (vector<16xi32>, vector<16xi32>, vector<16xi1>) -> (vector<16xi1>, vector<16xi32>, vector<16xi32>)
        %masked_sort3A_1172 = arith.constant dense<true> : vector<16xi1>
        %masked_sort3A_1173, %masked_sort3A_1174, %masked_sort3A_1175 = tpu.sort %min3A_1166, %min3A_1166 masked %masked_sort3A_1172 {descending = true} : (vector<16xi32>, vector<16xi32>, vector<16xi1>) -> (vector<16xi1>, vector<16xi32>, vector<16xi32>)
        %min3A_1176 = arith.minui %masked_sort3A_1100, %masked_sort3A_1110 : vector<16xi32>
        %min3A_1177 = arith.minui %masked_sort3A_1104, %masked_sort3A_1114 : vector<16xi32>
        %min3A_1178 = arith.minui %min3A_1176, %min3A_1177 : vector<16xi32>
        %max3A_1179 = arith.maxui %min3A_1176, %min3A_1177 : vector<16xi32>
        %masked_sort3A_1180 = arith.constant dense<true> : vector<16xi1>
        %masked_sort3A_1181, %masked_sort3A_1182, %masked_sort3A_1183 = tpu.sort %min3A_1178, %min3A_1178 masked %masked_sort3A_1180 : (vector<16xi32>, vector<16xi32>, vector<16xi1>) -> (vector<16xi1>, vector<16xi32>, vector<16xi32>)
        %masked_sort3A_1184 = arith.constant dense<true> : vector<16xi1>
        %masked_sort3A_1185, %masked_sort3A_1186, %masked_sort3A_1187 = tpu.sort %max3A_1179, %max3A_1179 masked %masked_sort3A_1184 : (vector<16xi32>, vector<16xi32>, vector<16xi1>) -> (vector<16xi1>, vector<16xi32>, vector<16xi32>)
        %min3A_1188 = arith.minui %masked_sort3A_1120, %masked_sort3A_1130 : vector<16xi32>
        %min3A_1189 = arith.minui %masked_sort3A_1124, %masked_sort3A_1134 : vector<16xi32>
        %min3A_1190 = arith.minui %min3A_1188, %min3A_1189 : vector<16xi32>
        %max3A_1191 = arith.maxui %min3A_1188, %min3A_1189 : vector<16xi32>
        %masked_sort3A_1192 = arith.constant dense<true> : vector<16xi1>
        %masked_sort3A_1193, %masked_sort3A_1194, %masked_sort3A_1195 = tpu.sort %max3A_1191, %max3A_1191 masked %masked_sort3A_1192 {descending = true} : (vector<16xi32>, vector<16xi32>, vector<16xi1>) -> (vector<16xi1>, vector<16xi32>, vector<16xi32>)
        %masked_sort3A_1196 = arith.constant dense<true> : vector<16xi1>
        %masked_sort3A_1197, %masked_sort3A_1198, %masked_sort3A_1199 = tpu.sort %min3A_1190, %min3A_1190 masked %masked_sort3A_1196 {descending = true} : (vector<16xi32>, vector<16xi32>, vector<16xi1>) -> (vector<16xi1>, vector<16xi32>, vector<16xi32>)
        %min3A_1200 = arith.minui %masked_sort3A_1140, %masked_sort3A_1150 : vector<16xi32>
        %min3A_1201 = arith.minui %masked_sort3A_1144, %masked_sort3A_1154 : vector<16xi32>
        %min3A_1202 = arith.minui %min3A_1200, %min3A_1201 : vector<16xi32>
        %max3A_1203 = arith.maxui %min3A_1200, %min3A_1201 : vector<16xi32>
        %masked_sort3A_1204 = arith.constant dense<true> : vector<16xi1>
        %masked_sort3A_1205, %masked_sort3A_1206, %masked_sort3A_1207 = tpu.sort %min3A_1202, %min3A_1202 masked %masked_sort3A_1204 : (vector<16xi32>, vector<16xi32>, vector<16xi1>) -> (vector<16xi1>, vector<16xi32>, vector<16xi32>)
        %masked_sort3A_1208 = arith.constant dense<true> : vector<16xi1>
        %masked_sort3A_1209, %masked_sort3A_1210, %masked_sort3A_1211 = tpu.sort %max3A_1203, %max3A_1203 masked %masked_sort3A_1208 : (vector<16xi32>, vector<16xi32>, vector<16xi1>) -> (vector<16xi1>, vector<16xi32>, vector<16xi32>)
        %min3A_1212 = arith.minui %masked_sort3A_1160, %masked_sort3A_1170 : vector<16xi32>
        %min3A_1213 = arith.minui %masked_sort3A_1164, %masked_sort3A_1174 : vector<16xi32>
        %min3A_1214 = arith.minui %min3A_1212, %min3A_1213 : vector<16xi32>
        %max3A_1215 = arith.maxui %min3A_1212, %min3A_1213 : vector<16xi32>
        %masked_sort3A_1216 = arith.constant dense<true> : vector<16xi1>
        %masked_sort3A_1217, %masked_sort3A_1218, %masked_sort3A_1219 = tpu.sort %max3A_1215, %max3A_1215 masked %masked_sort3A_1216 {descending = true} : (vector<16xi32>, vector<16xi32>, vector<16xi1>) -> (vector<16xi1>, vector<16xi32>, vector<16xi32>)
        %masked_sort3A_1220 = arith.constant dense<true> : vector<16xi1>
        %masked_sort3A_1221, %masked_sort3A_1222, %masked_sort3A_1223 = tpu.sort %min3A_1214, %min3A_1214 masked %masked_sort3A_1220 {descending = true} : (vector<16xi32>, vector<16xi32>, vector<16xi1>) -> (vector<16xi1>, vector<16xi32>, vector<16xi32>)
        %min3A_1224 = arith.minui %masked_sort3A_1182, %masked_sort3A_1194 : vector<16xi32>
        %min3A_1225 = arith.minui %masked_sort3A_1186, %masked_sort3A_1198 : vector<16xi32>
        %min3A_1226 = arith.minui %min3A_1224, %min3A_1225 : vector<16xi32>
        %max3A_1227 = arith.maxui %min3A_1224, %min3A_1225 : vector<16xi32>
        %masked_sort3A_1228 = arith.constant dense<true> : vector<16xi1>
        %masked_sort3A_1229, %masked_sort3A_1230, %masked_sort3A_1231 = tpu.sort %min3A_1226, %min3A_1226 masked %masked_sort3A_1228 : (vector<16xi32>, vector<16xi32>, vector<16xi1>) -> (vector<16xi1>, vector<16xi32>, vector<16xi32>)
        %masked_sort3A_1232 = arith.constant dense<true> : vector<16xi1>
        %masked_sort3A_1233, %masked_sort3A_1234, %masked_sort3A_1235 = tpu.sort %max3A_1227, %max3A_1227 masked %masked_sort3A_1232 : (vector<16xi32>, vector<16xi32>, vector<16xi1>) -> (vector<16xi1>, vector<16xi32>, vector<16xi32>)
        %min3A_1236 = arith.minui %masked_sort3A_1206, %masked_sort3A_1218 : vector<16xi32>
        %min3A_1237 = arith.minui %masked_sort3A_1210, %masked_sort3A_1222 : vector<16xi32>
        %min3A_1238 = arith.minui %min3A_1236, %min3A_1237 : vector<16xi32>
        %max3A_1239 = arith.maxui %min3A_1236, %min3A_1237 : vector<16xi32>
        %masked_sort3A_1240 = arith.constant dense<true> : vector<16xi1>
        %masked_sort3A_1241, %masked_sort3A_1242, %masked_sort3A_1243 = tpu.sort %max3A_1239, %max3A_1239 masked %masked_sort3A_1240 {descending = true} : (vector<16xi32>, vector<16xi32>, vector<16xi1>) -> (vector<16xi1>, vector<16xi32>, vector<16xi32>)
        %masked_sort3A_1244 = arith.constant dense<true> : vector<16xi1>
        %masked_sort3A_1245, %masked_sort3A_1246, %masked_sort3A_1247 = tpu.sort %min3A_1238, %min3A_1238 masked %masked_sort3A_1244 {descending = true} : (vector<16xi32>, vector<16xi32>, vector<16xi1>) -> (vector<16xi1>, vector<16xi32>, vector<16xi32>)
        %min3A_1248 = arith.minui %masked_sort3A_1230, %masked_sort3A_1242 : vector<16xi32>
        %min3A_1249 = arith.minui %masked_sort3A_1234, %masked_sort3A_1246 : vector<16xi32>
        %min3A_1250 = arith.minui %min3A_1248, %min3A_1249 : vector<16xi32>
        %max3A_1251 = arith.maxui %min3A_1248, %min3A_1249 : vector<16xi32>
        %masked_sort3A_1252 = arith.constant dense<true> : vector<16xi1>
        %masked_sort3A_1253, %masked_sort3A_1254, %masked_sort3A_1255 = tpu.sort %min3A_1250, %min3A_1250 masked %masked_sort3A_1252 : (vector<16xi32>, vector<16xi32>, vector<16xi1>) -> (vector<16xi1>, vector<16xi32>, vector<16xi32>)
        %masked_sort3A_1256 = arith.constant dense<true> : vector<16xi1>
        %masked_sort3A_1257, %masked_sort3A_1258, %masked_sort3A_1259 = tpu.sort %max3A_1251, %max3A_1251 masked %masked_sort3A_1256 : (vector<16xi32>, vector<16xi32>, vector<16xi1>) -> (vector<16xi1>, vector<16xi32>, vector<16xi32>)
        %bitcast_convert_type3A_1260 = tpu.bitcast %masked_sort3A_1254 : vector<16xi32> -> vector<16xi32>
        %and3A_1261 = arith.constant 255 : i32
        %and3A_1262 = vector.broadcast %and3A_1261 : i32 to vector<16xi32>
        %and3A_1263 = arith.andi %bitcast_convert_type3A_1260, %and3A_1262 : vector<16xi32>
        %bitcast_convert_type3A_1264 = tpu.bitcast %masked_sort3A_1258 : vector<16xi32> -> vector<16xi32>
        %and3A_1265 = arith.constant 255 : i32
        %and3A_1266 = vector.broadcast %and3A_1265 : i32 to vector<16xi32>
        %and3A_1267 = arith.andi %bitcast_convert_type3A_1264, %and3A_1266 : vector<16xi32>
        %swap3A = arith.index_cast %rem3A_469 : i32 to index
        %swap3A_1268 = arith.index_cast %add3A_767 : i32 to index
        %swap3A_1269 = arith.constant 0 : index
        %swap3A_1270 = tpu.vector_load %arg9[%swap3A, %swap3A_1268, %swap3A_1269] {strides = array<i32>} : memref<2x32x32xi32, #tpu.memory_space<vmem>>, vector<16xi32>,
        tpu.vector_store %arg9[%swap3A, %swap3A_1268, %swap3A_1269], %and3A_1263 {strides = array<i32>} : memref<2x32x32xi32, #tpu.memory_space<vmem>>, vector<16xi32>,
        %swap3A_1271 = arith.index_cast %rem3A_469 : i32 to index
        %swap3A_1272 = arith.index_cast %add3A_767 : i32 to index
        %swap3A_1273 = arith.constant 16 : index
        %swap3A_1274 = tpu.vector_load %arg9[%swap3A_1271, %swap3A_1272, %swap3A_1273] {strides = array<i32>} : memref<2x32x32xi32, #tpu.memory_space<vmem>>, vector<16xi32>,
        tpu.vector_store %arg9[%swap3A_1271, %swap3A_1272, %swap3A_1273], %and3A_1267 {strides = array<i32>} : memref<2x32x32xi32, #tpu.memory_space<vmem>>, vector<16xi32>,
        %shift_right_arithmetic3A = arith.constant 4 : i32
        %shift_right_arithmetic3A_1275 = vector.broadcast %shift_right_arithmetic3A : i32 to vector<16xi32>
        %shift_right_arithmetic3A_1276 = arith.shrsi %and3A_1263, %shift_right_arithmetic3A_1275 : vector<16xi32>
        %shift_right_arithmetic3A_1277 = arith.constant 4 : i32
        %shift_right_arithmetic3A_1278 = vector.broadcast %shift_right_arithmetic3A_1277 : i32 to vector<16xi32>
        %shift_right_arithmetic3A_1279 = arith.shrsi %and3A_1267, %shift_right_arithmetic3A_1278 : vector<16xi32>
        %mul3A_1280 = arith.constant 16 : i32
        %mul3A_1281 = arith.muli %add3A_767, %mul3A_1280 : i32
        %and3A_1282 = arith.constant 15 : i32
        %and3A_1283 = vector.broadcast %and3A_1282 : i32 to vector<16xi32>
        %and3A_1284 = arith.andi %and3A_1263, %and3A_1283 : vector<16xi32>
        %add3A_1285 = vector.broadcast %mul3A_1281 : i32 to vector<16xi32>
        %add3A_1286 = arith.addi %add3A_1285, %and3A_1284 : vector<16xi32>
        %mul3A_1287 = arith.constant 16 : i32
        %mul3A_1288 = arith.muli %add3A_767, %mul3A_1287 : i32
        %and3A_1289 = arith.constant 15 : i32
        %and3A_1290 = vector.broadcast %and3A_1289 : i32 to vector<16xi32>
        %and3A_1291 = arith.andi %and3A_1267, %and3A_1290 : vector<16xi32>
        %add3A_1292 = vector.broadcast %mul3A_1288 : i32 to vector<16xi32>
        %add3A_1293 = arith.addi %add3A_1292, %and3A_1291 : vector<16xi32>
        %broadcast_in_dim3A = vector.broadcast %rem3A_469 : i32 to vector<16xi32>
        %add3A_1294 = arith.constant 0 : i32
        %add3A_1295 = vector.broadcast %add3A_1294 : i32 to vector<16xi32>
        %add3A_1296 = arith.addi %shift_right_arithmetic3A_1276, %add3A_1295 : vector<16xi32>
        %gather3A = tpu.vector_load_idx %arg7[%broadcast_in_dim3A, %add3A_1296, %add3A_1286] : memref<2x48x512xf32, #tpu.memory_space<vmem>>[vector<16xi32>, vector<16xi32>, vector<16xi32>], vector<16xf32>,
        %swap3A_1297 = arith.constant 0 : i32
        %swap3A_1298 = arith.index_cast %rem3A_469 : i32 to index
        %swap3A_1299 = arith.index_cast %swap3A_1297 : i32 to index
        %swap3A_1300 = arith.index_cast %add3A_767 : i32 to index
        %swap3A_1301 = arith.constant 0 : index
        %swap3A_1302 = tpu.vector_load %arg8[%swap3A_1298, %swap3A_1299, %swap3A_1300, %swap3A_1301] {strides = array<i32>} : memref<2x3x32x32xf32, #tpu.memory_space<vmem>>, vector<16xf32>,
        tpu.vector_store %arg8[%swap3A_1298, %swap3A_1299, %swap3A_1300, %swap3A_1301], %gather3A {strides = array<i32>} : memref<2x3x32x32xf32, #tpu.memory_space<vmem>>, vector<16xf32>,
        %add3A_1303 = arith.constant 0 : i32
        %add3A_1304 = vector.broadcast %add3A_1303 : i32 to vector<16xi32>
        %add3A_1305 = arith.addi %shift_right_arithmetic3A_1279, %add3A_1304 : vector<16xi32>
        %gather3A_1306 = tpu.vector_load_idx %arg7[%broadcast_in_dim3A, %add3A_1305, %add3A_1293] : memref<2x48x512xf32, #tpu.memory_space<vmem>>[vector<16xi32>, vector<16xi32>, vector<16xi32>], vector<16xf32>,
        %swap3A_1307 = arith.constant 0 : i32
        %swap3A_1308 = arith.index_cast %rem3A_469 : i32 to index
        %swap3A_1309 = arith.index_cast %swap3A_1307 : i32 to index
        %swap3A_1310 = arith.index_cast %add3A_767 : i32 to index
        %swap3A_1311 = arith.constant 16 : index
        %swap3A_1312 = tpu.vector_load %arg8[%swap3A_1308, %swap3A_1309, %swap3A_1310, %swap3A_1311] {strides = array<i32>} : memref<2x3x32x32xf32, #tpu.memory_space<vmem>>, vector<16xf32>,
        tpu.vector_store %arg8[%swap3A_1308, %swap3A_1309, %swap3A_1310, %swap3A_1311], %gather3A_1306 {strides = array<i32>} : memref<2x3x32x32xf32, #tpu.memory_space<vmem>>, vector<16xf32>,
        %add3A_1313 = arith.constant 16 : i32
        %add3A_1314 = vector.broadcast %add3A_1313 : i32 to vector<16xi32>
        %add3A_1315 = arith.addi %shift_right_arithmetic3A_1276, %add3A_1314 : vector<16xi32>
        %gather3A_1316 = tpu.vector_load_idx %arg7[%broadcast_in_dim3A, %add3A_1315, %add3A_1286] : memref<2x48x512xf32, #tpu.memory_space<vmem>>[vector<16xi32>, vector<16xi32>, vector<16xi32>], vector<16xf32>,
        %swap3A_1317 = arith.constant 1 : i32
        %swap3A_1318 = arith.index_cast %rem3A_469 : i32 to index
        %swap3A_1319 = arith.index_cast %swap3A_1317 : i32 to index
        %swap3A_1320 = arith.index_cast %add3A_767 : i32 to index
        %swap3A_1321 = arith.constant 0 : index
        %swap3A_1322 = tpu.vector_load %arg8[%swap3A_1318, %swap3A_1319, %swap3A_1320, %swap3A_1321] {strides = array<i32>} : memref<2x3x32x32xf32, #tpu.memory_space<vmem>>, vector<16xf32>,
        tpu.vector_store %arg8[%swap3A_1318, %swap3A_1319, %swap3A_1320, %swap3A_1321], %gather3A_1316 {strides = array<i32>} : memref<2x3x32x32xf32, #tpu.memory_space<vmem>>, vector<16xf32>,
        %add3A_1323 = arith.constant 16 : i32
        %add3A_1324 = vector.broadcast %add3A_1323 : i32 to vector<16xi32>
        %add3A_1325 = arith.addi %shift_right_arithmetic3A_1279, %add3A_1324 : vector<16xi32>
        %gather3A_1326 = tpu.vector_load_idx %arg7[%broadcast_in_dim3A, %add3A_1325, %add3A_1293] : memref<2x48x512xf32, #tpu.memory_space<vmem>>[vector<16xi32>, vector<16xi32>, vector<16xi32>], vector<16xf32>,
        %swap3A_1327 = arith.constant 1 : i32
        %swap3A_1328 = arith.index_cast %rem3A_469 : i32 to index
        %swap3A_1329 = arith.index_cast %swap3A_1327 : i32 to index
        %swap3A_1330 = arith.index_cast %add3A_767 : i32 to index
        %swap3A_1331 = arith.constant 16 : index
        %swap3A_1332 = tpu.vector_load %arg8[%swap3A_1328, %swap3A_1329, %swap3A_1330, %swap3A_1331] {strides = array<i32>} : memref<2x3x32x32xf32, #tpu.memory_space<vmem>>, vector<16xf32>,
        tpu.vector_store %arg8[%swap3A_1328, %swap3A_1329, %swap3A_1330, %swap3A_1331], %gather3A_1326 {strides = array<i32>} : memref<2x3x32x32xf32, #tpu.memory_space<vmem>>, vector<16xf32>,
        %add3A_1333 = arith.constant 32 : i32
        %add3A_1334 = vector.broadcast %add3A_1333 : i32 to vector<16xi32>
        %add3A_1335 = arith.addi %shift_right_arithmetic3A_1276, %add3A_1334 : vector<16xi32>
        %gather3A_1336 = tpu.vector_load_idx %arg7[%broadcast_in_dim3A, %add3A_1335, %add3A_1286] : memref<2x48x512xf32, #tpu.memory_space<vmem>>[vector<16xi32>, vector<16xi32>, vector<16xi32>], vector<16xf32>,
        %swap3A_1337 = arith.constant 2 : i32
        %swap3A_1338 = arith.index_cast %rem3A_469 : i32 to index
        %swap3A_1339 = arith.index_cast %swap3A_1337 : i32 to index
        %swap3A_1340 = arith.index_cast %add3A_767 : i32 to index
        %swap3A_1341 = arith.constant 0 : index
        %swap3A_1342 = tpu.vector_load %arg8[%swap3A_1338, %swap3A_1339, %swap3A_1340, %swap3A_1341] {strides = array<i32>} : memref<2x3x32x32xf32, #tpu.memory_space<vmem>>, vector<16xf32>,
        tpu.vector_store %arg8[%swap3A_1338, %swap3A_1339, %swap3A_1340, %swap3A_1341], %gather3A_1336 {strides = array<i32>} : memref<2x3x32x32xf32, #tpu.memory_space<vmem>>, vector<16xf32>,
        %add3A_1343 = arith.constant 32 : i32
        %add3A_1344 = vector.broadcast %add3A_1343 : i32 to vector<16xi32>
        %add3A_1345 = arith.addi %shift_right_arithmetic3A_1279, %add3A_1344 : vector<16xi32>
        %gather3A_1346 = tpu.vector_load_idx %arg7[%broadcast_in_dim3A, %add3A_1345, %add3A_1293] : memref<2x48x512xf32, #tpu.memory_space<vmem>>[vector<16xi32>, vector<16xi32>, vector<16xi32>], vector<16xf32>,
        %swap3A_1347 = arith.constant 2 : i32
        %swap3A_1348 = arith.index_cast %rem3A_469 : i32 to index
        %swap3A_1349 = arith.index_cast %swap3A_1347 : i32 to index
        %swap3A_1350 = arith.index_cast %add3A_767 : i32 to index
        %swap3A_1351 = arith.constant 16 : index
        %swap3A_1352 = tpu.vector_load %arg8[%swap3A_1348, %swap3A_1349, %swap3A_1350, %swap3A_1351] {strides = array<i32>} : memref<2x3x32x32xf32, #tpu.memory_space<vmem>>, vector<16xf32>,
        tpu.vector_store %arg8[%swap3A_1348, %swap3A_1349, %swap3A_1350, %swap3A_1351], %gather3A_1346 {strides = array<i32>} : memref<2x3x32x32xf32, #tpu.memory_space<vmem>>, vector<16xf32>,
        %mul3A_1353 = arith.constant 4 : i32
        %mul3A_1354 = arith.muli %mul3A_1353, %scan3A_763 : i32
        %add3A_1355 = arith.constant 1 : i32
        %add3A_1356 = arith.addi %mul3A_1354, %add3A_1355 : i32
        %get3A_1357 = arith.index_cast %rem3A_469 : i32 to index
        %get3A_1358 = arith.index_cast %add3A_1356 : i32 to index
        %get3A_1359 = arith.constant 0 : index
        %get3A_1360 = tpu.vector_load %arg6[%get3A_1357, %get3A_1358, %get3A_1359] {strides = array<i32>} : memref<2x32x256xf32, #tpu.memory_space<vmem>>, vector<16xf32>,
        %mul3A_1361 = arith.constant 0x4B000000 : f32
        %mul3A_1362 = vector.broadcast %mul3A_1361 : f32 to vector<16xf32>
        %mul3A_1363 = arith.mulf %get3A_1360, %mul3A_1362 : vector<16xf32>
        %convert_element_type3A_1364 = arith.fptosi %mul3A_1363 : vector<16xf32> to vector<16xi32>
        %shift_left3A_1365 = arith.constant 8 : i32
        %shift_left3A_1366 = vector.broadcast %shift_left3A_1365 : i32 to vector<16xi32>
        %shift_left3A_1367 = arith.shli %convert_element_type3A_1364, %shift_left3A_1366 : vector<16xi32>
        %iota3A_1368 = tpu.iota {dimensions = array<i32: 0>} : vector<16xi32>
        %add3A_1369 = arith.constant 0 : i32
        %add3A_1370 = vector.broadcast %add3A_1369 : i32 to vector<16xi32>
        %add3A_1371 = arith.addi %iota3A_1368, %add3A_1370 : vector<16xi32>
        %or3A_1372 = arith.ori %shift_left3A_1367, %add3A_1371 : vector<16xi32>
        %bitcast_convert_type3A_1373 = tpu.bitcast %or3A_1372 : vector<16xi32> -> vector<16xi32>
        %masked_sort3A_1374 = arith.constant dense<true> : vector<16xi1>
        %masked_sort3A_1375, %masked_sort3A_1376, %masked_sort3A_1377 = tpu.sort %bitcast_convert_type3A_1373, %bitcast_convert_type3A_1373 masked %masked_sort3A_1374 : (vector<16xi32>, vector<16xi32>, vector<16xi1>) -> (vector<16xi1>, vector<16xi32>, vector<16xi32>)
        %get3A_1378 = arith.index_cast %rem3A_469 : i32 to index
        %get3A_1379 = arith.index_cast %add3A_1356 : i32 to index
        %get3A_1380 = arith.constant 16 : index
        %get3A_1381 = tpu.vector_load %arg6[%get3A_1378, %get3A_1379, %get3A_1380] {strides = array<i32>} : memref<2x32x256xf32, #tpu.memory_space<vmem>>, vector<16xf32>,
        %mul3A_1382 = arith.constant 0x4B000000 : f32
        %mul3A_1383 = vector.broadcast %mul3A_1382 : f32 to vector<16xf32>
        %mul3A_1384 = arith.mulf %get3A_1381, %mul3A_1383 : vector<16xf32>
        %convert_element_type3A_1385 = arith.fptosi %mul3A_1384 : vector<16xf32> to vector<16xi32>
        %shift_left3A_1386 = arith.constant 8 : i32
        %shift_left3A_1387 = vector.broadcast %shift_left3A_1386 : i32 to vector<16xi32>
        %shift_left3A_1388 = arith.shli %convert_element_type3A_1385, %shift_left3A_1387 : vector<16xi32>
        %iota3A_1389 = tpu.iota {dimensions = array<i32: 0>} : vector<16xi32>
        %add3A_1390 = arith.constant 16 : i32
        %add3A_1391 = vector.broadcast %add3A_1390 : i32 to vector<16xi32>
        %add3A_1392 = arith.addi %iota3A_1389, %add3A_1391 : vector<16xi32>
        %or3A_1393 = arith.ori %shift_left3A_1388, %add3A_1392 : vector<16xi32>
        %bitcast_convert_type3A_1394 = tpu.bitcast %or3A_1393 : vector<16xi32> -> vector<16xi32>
        %masked_sort3A_1395 = arith.constant dense<true> : vector<16xi1>
        %masked_sort3A_1396, %masked_sort3A_1397, %masked_sort3A_1398 = tpu.sort %bitcast_convert_type3A_1394, %bitcast_convert_type3A_1394 masked %masked_sort3A_1395 {descending = true} : (vector<16xi32>, vector<16xi32>, vector<16xi1>) -> (vector<16xi1>, vector<16xi32>, vector<16xi32>)
        %get3A_1399 = arith.index_cast %rem3A_469 : i32 to index
        %get3A_1400 = arith.index_cast %add3A_1356 : i32 to index
        %get3A_1401 = arith.constant 32 : index
        %get3A_1402 = tpu.vector_load %arg6[%get3A_1399, %get3A_1400, %get3A_1401] {strides = array<i32>} : memref<2x32x256xf32, #tpu.memory_space<vmem>>, vector<16xf32>,
        %mul3A_1403 = arith.constant 0x4B000000 : f32
        %mul3A_1404 = vector.broadcast %mul3A_1403 : f32 to vector<16xf32>
        %mul3A_1405 = arith.mulf %get3A_1402, %mul3A_1404 : vector<16xf32>
        %convert_element_type3A_1406 = arith.fptosi %mul3A_1405 : vector<16xf32> to vector<16xi32>
        %shift_left3A_1407 = arith.constant 8 : i32
        %shift_left3A_1408 = vector.broadcast %shift_left3A_1407 : i32 to vector<16xi32>
        %shift_left3A_1409 = arith.shli %convert_element_type3A_1406, %shift_left3A_1408 : vector<16xi32>
        %iota3A_1410 = tpu.iota {dimensions = array<i32: 0>} : vector<16xi32>
        %add3A_1411 = arith.constant 32 : i32
        %add3A_1412 = vector.broadcast %add3A_1411 : i32 to vector<16xi32>
        %add3A_1413 = arith.addi %iota3A_1410, %add3A_1412 : vector<16xi32>
        %or3A_1414 = arith.ori %shift_left3A_1409, %add3A_1413 : vector<16xi32>
        %bitcast_convert_type3A_1415 = tpu.bitcast %or3A_1414 : vector<16xi32> -> vector<16xi32>
        %masked_sort3A_1416 = arith.constant dense<true> : vector<16xi1>
        %masked_sort3A_1417, %masked_sort3A_1418, %masked_sort3A_1419 = tpu.sort %bitcast_convert_type3A_1415, %bitcast_convert_type3A_1415 masked %masked_sort3A_1416 : (vector<16xi32>, vector<16xi32>, vector<16xi1>) -> (vector<16xi1>, vector<16xi32>, vector<16xi32>)
        %get3A_1420 = arith.index_cast %rem3A_469 : i32 to index
        %get3A_1421 = arith.index_cast %add3A_1356 : i32 to index
        %get3A_1422 = arith.constant 48 : index
        %get3A_1423 = tpu.vector_load %arg6[%get3A_1420, %get3A_1421, %get3A_1422] {strides = array<i32>} : memref<2x32x256xf32, #tpu.memory_space<vmem>>, vector<16xf32>,
        %mul3A_1424 = arith.constant 0x4B000000 : f32
        %mul3A_1425 = vector.broadcast %mul3A_1424 : f32 to vector<16xf32>
        %mul3A_1426 = arith.mulf %get3A_1423, %mul3A_1425 : vector<16xf32>
        %convert_element_type3A_1427 = arith.fptosi %mul3A_1426 : vector<16xf32> to vector<16xi32>
        %shift_left3A_1428 = arith.constant 8 : i32
        %shift_left3A_1429 = vector.broadcast %shift_left3A_1428 : i32 to vector<16xi32>
        %shift_left3A_1430 = arith.shli %convert_element_type3A_1427, %shift_left3A_1429 : vector<16xi32>
        %iota3A_1431 = tpu.iota {dimensions = array<i32: 0>} : vector<16xi32>
        %add3A_1432 = arith.constant 48 : i32
        %add3A_1433 = vector.broadcast %add3A_1432 : i32 to vector<16xi32>
        %add3A_1434 = arith.addi %iota3A_1431, %add3A_1433 : vector<16xi32>
        %or3A_1435 = arith.ori %shift_left3A_1430, %add3A_1434 : vector<16xi32>
        %bitcast_convert_type3A_1436 = tpu.bitcast %or3A_1435 : vector<16xi32> -> vector<16xi32>
        %masked_sort3A_1437 = arith.constant dense<true> : vector<16xi1>
        %masked_sort3A_1438, %masked_sort3A_1439, %masked_sort3A_1440 = tpu.sort %bitcast_convert_type3A_1436, %bitcast_convert_type3A_1436 masked %masked_sort3A_1437 {descending = true} : (vector<16xi32>, vector<16xi32>, vector<16xi1>) -> (vector<16xi1>, vector<16xi32>, vector<16xi32>)
        %get3A_1441 = arith.index_cast %rem3A_469 : i32 to index
        %get3A_1442 = arith.index_cast %add3A_1356 : i32 to index
        %get3A_1443 = arith.constant 64 : index
        %get3A_1444 = tpu.vector_load %arg6[%get3A_1441, %get3A_1442, %get3A_1443] {strides = array<i32>} : memref<2x32x256xf32, #tpu.memory_space<vmem>>, vector<16xf32>,
        %mul3A_1445 = arith.constant 0x4B000000 : f32
        %mul3A_1446 = vector.broadcast %mul3A_1445 : f32 to vector<16xf32>
        %mul3A_1447 = arith.mulf %get3A_1444, %mul3A_1446 : vector<16xf32>
        %convert_element_type3A_1448 = arith.fptosi %mul3A_1447 : vector<16xf32> to vector<16xi32>
        %shift_left3A_1449 = arith.constant 8 : i32
        %shift_left3A_1450 = vector.broadcast %shift_left3A_1449 : i32 to vector<16xi32>
        %shift_left3A_1451 = arith.shli %convert_element_type3A_1448, %shift_left3A_1450 : vector<16xi32>
        %iota3A_1452 = tpu.iota {dimensions = array<i32: 0>} : vector<16xi32>
        %add3A_1453 = arith.constant 64 : i32
        %add3A_1454 = vector.broadcast %add3A_1453 : i32 to vector<16xi32>
        %add3A_1455 = arith.addi %iota3A_1452, %add3A_1454 : vector<16xi32>
        %or3A_1456 = arith.ori %shift_left3A_1451, %add3A_1455 : vector<16xi32>
        %bitcast_convert_type3A_1457 = tpu.bitcast %or3A_1456 : vector<16xi32> -> vector<16xi32>
        %masked_sort3A_1458 = arith.constant dense<true> : vector<16xi1>
        %masked_sort3A_1459, %masked_sort3A_1460, %masked_sort3A_1461 = tpu.sort %bitcast_convert_type3A_1457, %bitcast_convert_type3A_1457 masked %masked_sort3A_1458 : (vector<16xi32>, vector<16xi32>, vector<16xi1>) -> (vector<16xi1>, vector<16xi32>, vector<16xi32>)
        %get3A_1462 = arith.index_cast %rem3A_469 : i32 to index
        %get3A_1463 = arith.index_cast %add3A_1356 : i32 to index
        %get3A_1464 = arith.constant 80 : index
        %get3A_1465 = tpu.vector_load %arg6[%get3A_1462, %get3A_1463, %get3A_1464] {strides = array<i32>} : memref<2x32x256xf32, #tpu.memory_space<vmem>>, vector<16xf32>,
        %mul3A_1466 = arith.constant 0x4B000000 : f32
        %mul3A_1467 = vector.broadcast %mul3A_1466 : f32 to vector<16xf32>
        %mul3A_1468 = arith.mulf %get3A_1465, %mul3A_1467 : vector<16xf32>
        %convert_element_type3A_1469 = arith.fptosi %mul3A_1468 : vector<16xf32> to vector<16xi32>
        %shift_left3A_1470 = arith.constant 8 : i32
        %shift_left3A_1471 = vector.broadcast %shift_left3A_1470 : i32 to vector<16xi32>
        %shift_left3A_1472 = arith.shli %convert_element_type3A_1469, %shift_left3A_1471 : vector<16xi32>
        %iota3A_1473 = tpu.iota {dimensions = array<i32: 0>} : vector<16xi32>
        %add3A_1474 = arith.constant 80 : i32
        %add3A_1475 = vector.broadcast %add3A_1474 : i32 to vector<16xi32>
        %add3A_1476 = arith.addi %iota3A_1473, %add3A_1475 : vector<16xi32>
        %or3A_1477 = arith.ori %shift_left3A_1472, %add3A_1476 : vector<16xi32>
        %bitcast_convert_type3A_1478 = tpu.bitcast %or3A_1477 : vector<16xi32> -> vector<16xi32>
        %masked_sort3A_1479 = arith.constant dense<true> : vector<16xi1>
        %masked_sort3A_1480, %masked_sort3A_1481, %masked_sort3A_1482 = tpu.sort %bitcast_convert_type3A_1478, %bitcast_convert_type3A_1478 masked %masked_sort3A_1479 {descending = true} : (vector<16xi32>, vector<16xi32>, vector<16xi1>) -> (vector<16xi1>, vector<16xi32>, vector<16xi32>)
        %get3A_1483 = arith.index_cast %rem3A_469 : i32 to index
        %get3A_1484 = arith.index_cast %add3A_1356 : i32 to index
        %get3A_1485 = arith.constant 96 : index
        %get3A_1486 = tpu.vector_load %arg6[%get3A_1483, %get3A_1484, %get3A_1485] {strides = array<i32>} : memref<2x32x256xf32, #tpu.memory_space<vmem>>, vector<16xf32>,
        %mul3A_1487 = arith.constant 0x4B000000 : f32
        %mul3A_1488 = vector.broadcast %mul3A_1487 : f32 to vector<16xf32>
        %mul3A_1489 = arith.mulf %get3A_1486, %mul3A_1488 : vector<16xf32>
        %convert_element_type3A_1490 = arith.fptosi %mul3A_1489 : vector<16xf32> to vector<16xi32>
        %shift_left3A_1491 = arith.constant 8 : i32
        %shift_left3A_1492 = vector.broadcast %shift_left3A_1491 : i32 to vector<16xi32>
        %shift_left3A_1493 = arith.shli %convert_element_type3A_1490, %shift_left3A_1492 : vector<16xi32>
        %iota3A_1494 = tpu.iota {dimensions = array<i32: 0>} : vector<16xi32>
        %add3A_1495 = arith.constant 96 : i32
        %add3A_1496 = vector.broadcast %add3A_1495 : i32 to vector<16xi32>
        %add3A_1497 = arith.addi %iota3A_1494, %add3A_1496 : vector<16xi32>
        %or3A_1498 = arith.ori %shift_left3A_1493, %add3A_1497 : vector<16xi32>
        %bitcast_convert_type3A_1499 = tpu.bitcast %or3A_1498 : vector<16xi32> -> vector<16xi32>
        %masked_sort3A_1500 = arith.constant dense<true> : vector<16xi1>
        %masked_sort3A_1501, %masked_sort3A_1502, %masked_sort3A_1503 = tpu.sort %bitcast_convert_type3A_1499, %bitcast_convert_type3A_1499 masked %masked_sort3A_1500 : (vector<16xi32>, vector<16xi32>, vector<16xi1>) -> (vector<16xi1>, vector<16xi32>, vector<16xi32>)
        %get3A_1504 = arith.index_cast %rem3A_469 : i32 to index
        %get3A_1505 = arith.index_cast %add3A_1356 : i32 to index
        %get3A_1506 = arith.constant 112 : index
        %get3A_1507 = tpu.vector_load %arg6[%get3A_1504, %get3A_1505, %get3A_1506] {strides = array<i32>} : memref<2x32x256xf32, #tpu.memory_space<vmem>>, vector<16xf32>,
        %mul3A_1508 = arith.constant 0x4B000000 : f32
        %mul3A_1509 = vector.broadcast %mul3A_1508 : f32 to vector<16xf32>
        %mul3A_1510 = arith.mulf %get3A_1507, %mul3A_1509 : vector<16xf32>
        %convert_element_type3A_1511 = arith.fptosi %mul3A_1510 : vector<16xf32> to vector<16xi32>
        %shift_left3A_1512 = arith.constant 8 : i32
        %shift_left3A_1513 = vector.broadcast %shift_left3A_1512 : i32 to vector<16xi32>
        %shift_left3A_1514 = arith.shli %convert_element_type3A_1511, %shift_left3A_1513 : vector<16xi32>
        %iota3A_1515 = tpu.iota {dimensions = array<i32: 0>} : vector<16xi32>
        %add3A_1516 = arith.constant 112 : i32
        %add3A_1517 = vector.broadcast %add3A_1516 : i32 to vector<16xi32>
        %add3A_1518 = arith.addi %iota3A_1515, %add3A_1517 : vector<16xi32>
        %or3A_1519 = arith.ori %shift_left3A_1514, %add3A_1518 : vector<16xi32>
        %bitcast_convert_type3A_1520 = tpu.bitcast %or3A_1519 : vector<16xi32> -> vector<16xi32>
        %masked_sort3A_1521 = arith.constant dense<true> : vector<16xi1>
        %masked_sort3A_1522, %masked_sort3A_1523, %masked_sort3A_1524 = tpu.sort %bitcast_convert_type3A_1520, %bitcast_convert_type3A_1520 masked %masked_sort3A_1521 {descending = true} : (vector<16xi32>, vector<16xi32>, vector<16xi1>) -> (vector<16xi1>, vector<16xi32>, vector<16xi32>)
        %get3A_1525 = arith.index_cast %rem3A_469 : i32 to index
        %get3A_1526 = arith.index_cast %add3A_1356 : i32 to index
        %get3A_1527 = arith.constant 128 : index
        %get3A_1528 = tpu.vector_load %arg6[%get3A_1525, %get3A_1526, %get3A_1527] {strides = array<i32>} : memref<2x32x256xf32, #tpu.memory_space<vmem>>, vector<16xf32>,
        %mul3A_1529 = arith.constant 0x4B000000 : f32
        %mul3A_1530 = vector.broadcast %mul3A_1529 : f32 to vector<16xf32>
        %mul3A_1531 = arith.mulf %get3A_1528, %mul3A_1530 : vector<16xf32>
        %convert_element_type3A_1532 = arith.fptosi %mul3A_1531 : vector<16xf32> to vector<16xi32>
        %shift_left3A_1533 = arith.constant 8 : i32
        %shift_left3A_1534 = vector.broadcast %shift_left3A_1533 : i32 to vector<16xi32>
        %shift_left3A_1535 = arith.shli %convert_element_type3A_1532, %shift_left3A_1534 : vector<16xi32>
        %iota3A_1536 = tpu.iota {dimensions = array<i32: 0>} : vector<16xi32>
        %add3A_1537 = arith.constant 128 : i32
        %add3A_1538 = vector.broadcast %add3A_1537 : i32 to vector<16xi32>
        %add3A_1539 = arith.addi %iota3A_1536, %add3A_1538 : vector<16xi32>
        %or3A_1540 = arith.ori %shift_left3A_1535, %add3A_1539 : vector<16xi32>
        %bitcast_convert_type3A_1541 = tpu.bitcast %or3A_1540 : vector<16xi32> -> vector<16xi32>
        %masked_sort3A_1542 = arith.constant dense<true> : vector<16xi1>
        %masked_sort3A_1543, %masked_sort3A_1544, %masked_sort3A_1545 = tpu.sort %bitcast_convert_type3A_1541, %bitcast_convert_type3A_1541 masked %masked_sort3A_1542 : (vector<16xi32>, vector<16xi32>, vector<16xi1>) -> (vector<16xi1>, vector<16xi32>, vector<16xi32>)
        %get3A_1546 = arith.index_cast %rem3A_469 : i32 to index
        %get3A_1547 = arith.index_cast %add3A_1356 : i32 to index
        %get3A_1548 = arith.constant 144 : index
        %get3A_1549 = tpu.vector_load %arg6[%get3A_1546, %get3A_1547, %get3A_1548] {strides = array<i32>} : memref<2x32x256xf32, #tpu.memory_space<vmem>>, vector<16xf32>,
        %mul3A_1550 = arith.constant 0x4B000000 : f32
        %mul3A_1551 = vector.broadcast %mul3A_1550 : f32 to vector<16xf32>
        %mul3A_1552 = arith.mulf %get3A_1549, %mul3A_1551 : vector<16xf32>
        %convert_element_type3A_1553 = arith.fptosi %mul3A_1552 : vector<16xf32> to vector<16xi32>
        %shift_left3A_1554 = arith.constant 8 : i32
        %shift_left3A_1555 = vector.broadcast %shift_left3A_1554 : i32 to vector<16xi32>
        %shift_left3A_1556 = arith.shli %convert_element_type3A_1553, %shift_left3A_1555 : vector<16xi32>
        %iota3A_1557 = tpu.iota {dimensions = array<i32: 0>} : vector<16xi32>
        %add3A_1558 = arith.constant 144 : i32
        %add3A_1559 = vector.broadcast %add3A_1558 : i32 to vector<16xi32>
        %add3A_1560 = arith.addi %iota3A_1557, %add3A_1559 : vector<16xi32>
        %or3A_1561 = arith.ori %shift_left3A_1556, %add3A_1560 : vector<16xi32>
        %bitcast_convert_type3A_1562 = tpu.bitcast %or3A_1561 : vector<16xi32> -> vector<16xi32>
        %masked_sort3A_1563 = arith.constant dense<true> : vector<16xi1>
        %masked_sort3A_1564, %masked_sort3A_1565, %masked_sort3A_1566 = tpu.sort %bitcast_convert_type3A_1562, %bitcast_convert_type3A_1562 masked %masked_sort3A_1563 {descending = true} : (vector<16xi32>, vector<16xi32>, vector<16xi1>) -> (vector<16xi1>, vector<16xi32>, vector<16xi32>)
        %get3A_1567 = arith.index_cast %rem3A_469 : i32 to index
        %get3A_1568 = arith.index_cast %add3A_1356 : i32 to index
        %get3A_1569 = arith.constant 160 : index
        %get3A_1570 = tpu.vector_load %arg6[%get3A_1567, %get3A_1568, %get3A_1569] {strides = array<i32>} : memref<2x32x256xf32, #tpu.memory_space<vmem>>, vector<16xf32>,
        %mul3A_1571 = arith.constant 0x4B000000 : f32
        %mul3A_1572 = vector.broadcast %mul3A_1571 : f32 to vector<16xf32>
        %mul3A_1573 = arith.mulf %get3A_1570, %mul3A_1572 : vector<16xf32>
        %convert_element_type3A_1574 = arith.fptosi %mul3A_1573 : vector<16xf32> to vector<16xi32>
        %shift_left3A_1575 = arith.constant 8 : i32
        %shift_left3A_1576 = vector.broadcast %shift_left3A_1575 : i32 to vector<16xi32>
        %shift_left3A_1577 = arith.shli %convert_element_type3A_1574, %shift_left3A_1576 : vector<16xi32>
        %iota3A_1578 = tpu.iota {dimensions = array<i32: 0>} : vector<16xi32>
        %add3A_1579 = arith.constant 160 : i32
        %add3A_1580 = vector.broadcast %add3A_1579 : i32 to vector<16xi32>
        %add3A_1581 = arith.addi %iota3A_1578, %add3A_1580 : vector<16xi32>
        %or3A_1582 = arith.ori %shift_left3A_1577, %add3A_1581 : vector<16xi32>
        %bitcast_convert_type3A_1583 = tpu.bitcast %or3A_1582 : vector<16xi32> -> vector<16xi32>
        %masked_sort3A_1584 = arith.constant dense<true> : vector<16xi1>
        %masked_sort3A_1585, %masked_sort3A_1586, %masked_sort3A_1587 = tpu.sort %bitcast_convert_type3A_1583, %bitcast_convert_type3A_1583 masked %masked_sort3A_1584 : (vector<16xi32>, vector<16xi32>, vector<16xi1>) -> (vector<16xi1>, vector<16xi32>, vector<16xi32>)
        %get3A_1588 = arith.index_cast %rem3A_469 : i32 to index
        %get3A_1589 = arith.index_cast %add3A_1356 : i32 to index
        %get3A_1590 = arith.constant 176 : index
        %get3A_1591 = tpu.vector_load %arg6[%get3A_1588, %get3A_1589, %get3A_1590] {strides = array<i32>} : memref<2x32x256xf32, #tpu.memory_space<vmem>>, vector<16xf32>,
        %mul3A_1592 = arith.constant 0x4B000000 : f32
        %mul3A_1593 = vector.broadcast %mul3A_1592 : f32 to vector<16xf32>
        %mul3A_1594 = arith.mulf %get3A_1591, %mul3A_1593 : vector<16xf32>
        %convert_element_type3A_1595 = arith.fptosi %mul3A_1594 : vector<16xf32> to vector<16xi32>
        %shift_left3A_1596 = arith.constant 8 : i32
        %shift_left3A_1597 = vector.broadcast %shift_left3A_1596 : i32 to vector<16xi32>
        %shift_left3A_1598 = arith.shli %convert_element_type3A_1595, %shift_left3A_1597 : vector<16xi32>
        %iota3A_1599 = tpu.iota {dimensions = array<i32: 0>} : vector<16xi32>
        %add3A_1600 = arith.constant 176 : i32
        %add3A_1601 = vector.broadcast %add3A_1600 : i32 to vector<16xi32>
        %add3A_1602 = arith.addi %iota3A_1599, %add3A_1601 : vector<16xi32>
        %or3A_1603 = arith.ori %shift_left3A_1598, %add3A_1602 : vector<16xi32>
        %bitcast_convert_type3A_1604 = tpu.bitcast %or3A_1603 : vector<16xi32> -> vector<16xi32>
        %masked_sort3A_1605 = arith.constant dense<true> : vector<16xi1>
        %masked_sort3A_1606, %masked_sort3A_1607, %masked_sort3A_1608 = tpu.sort %bitcast_convert_type3A_1604, %bitcast_convert_type3A_1604 masked %masked_sort3A_1605 {descending = true} : (vector<16xi32>, vector<16xi32>, vector<16xi1>) -> (vector<16xi1>, vector<16xi32>, vector<16xi32>)
        %get3A_1609 = arith.index_cast %rem3A_469 : i32 to index
        %get3A_1610 = arith.index_cast %add3A_1356 : i32 to index
        %get3A_1611 = arith.constant 192 : index
        %get3A_1612 = tpu.vector_load %arg6[%get3A_1609, %get3A_1610, %get3A_1611] {strides = array<i32>} : memref<2x32x256xf32, #tpu.memory_space<vmem>>, vector<16xf32>,
        %mul3A_1613 = arith.constant 0x4B000000 : f32
        %mul3A_1614 = vector.broadcast %mul3A_1613 : f32 to vector<16xf32>
        %mul3A_1615 = arith.mulf %get3A_1612, %mul3A_1614 : vector<16xf32>
        %convert_element_type3A_1616 = arith.fptosi %mul3A_1615 : vector<16xf32> to vector<16xi32>
        %shift_left3A_1617 = arith.constant 8 : i32
        %shift_left3A_1618 = vector.broadcast %shift_left3A_1617 : i32 to vector<16xi32>
        %shift_left3A_1619 = arith.shli %convert_element_type3A_1616, %shift_left3A_1618 : vector<16xi32>
        %iota3A_1620 = tpu.iota {dimensions = array<i32: 0>} : vector<16xi32>
        %add3A_1621 = arith.constant 192 : i32
        %add3A_1622 = vector.broadcast %add3A_1621 : i32 to vector<16xi32>
        %add3A_1623 = arith.addi %iota3A_1620, %add3A_1622 : vector<16xi32>
        %or3A_1624 = arith.ori %shift_left3A_1619, %add3A_1623 : vector<16xi32>
        %bitcast_convert_type3A_1625 = tpu.bitcast %or3A_1624 : vector<16xi32> -> vector<16xi32>
        %masked_sort3A_1626 = arith.constant dense<true> : vector<16xi1>
        %masked_sort3A_1627, %masked_sort3A_1628, %masked_sort3A_1629 = tpu.sort %bitcast_convert_type3A_1625, %bitcast_convert_type3A_1625 masked %masked_sort3A_1626 : (vector<16xi32>, vector<16xi32>, vector<16xi1>) -> (vector<16xi1>, vector<16xi32>, vector<16xi32>)
        %get3A_1630 = arith.index_cast %rem3A_469 : i32 to index
        %get3A_1631 = arith.index_cast %add3A_1356 : i32 to index
        %get3A_1632 = arith.constant 208 : index
        %get3A_1633 = tpu.vector_load %arg6[%get3A_1630, %get3A_1631, %get3A_1632] {strides = array<i32>} : memref<2x32x256xf32, #tpu.memory_space<vmem>>, vector<16xf32>,
        %mul3A_1634 = arith.constant 0x4B000000 : f32
        %mul3A_1635 = vector.broadcast %mul3A_1634 : f32 to vector<16xf32>
        %mul3A_1636 = arith.mulf %get3A_1633, %mul3A_1635 : vector<16xf32>
        %convert_element_type3A_1637 = arith.fptosi %mul3A_1636 : vector<16xf32> to vector<16xi32>
        %shift_left3A_1638 = arith.constant 8 : i32
        %shift_left3A_1639 = vector.broadcast %shift_left3A_1638 : i32 to vector<16xi32>
        %shift_left3A_1640 = arith.shli %convert_element_type3A_1637, %shift_left3A_1639 : vector<16xi32>
        %iota3A_1641 = tpu.iota {dimensions = array<i32: 0>} : vector<16xi32>
        %add3A_1642 = arith.constant 208 : i32
        %add3A_1643 = vector.broadcast %add3A_1642 : i32 to vector<16xi32>
        %add3A_1644 = arith.addi %iota3A_1641, %add3A_1643 : vector<16xi32>
        %or3A_1645 = arith.ori %shift_left3A_1640, %add3A_1644 : vector<16xi32>
        %bitcast_convert_type3A_1646 = tpu.bitcast %or3A_1645 : vector<16xi32> -> vector<16xi32>
        %masked_sort3A_1647 = arith.constant dense<true> : vector<16xi1>
        %masked_sort3A_1648, %masked_sort3A_1649, %masked_sort3A_1650 = tpu.sort %bitcast_convert_type3A_1646, %bitcast_convert_type3A_1646 masked %masked_sort3A_1647 {descending = true} : (vector<16xi32>, vector<16xi32>, vector<16xi1>) -> (vector<16xi1>, vector<16xi32>, vector<16xi32>)
        %get3A_1651 = arith.index_cast %rem3A_469 : i32 to index
        %get3A_1652 = arith.index_cast %add3A_1356 : i32 to index
        %get3A_1653 = arith.constant 224 : index
        %get3A_1654 = tpu.vector_load %arg6[%get3A_1651, %get3A_1652, %get3A_1653] {strides = array<i32>} : memref<2x32x256xf32, #tpu.memory_space<vmem>>, vector<16xf32>,
        %mul3A_1655 = arith.constant 0x4B000000 : f32
        %mul3A_1656 = vector.broadcast %mul3A_1655 : f32 to vector<16xf32>
        %mul3A_1657 = arith.mulf %get3A_1654, %mul3A_1656 : vector<16xf32>
        %convert_element_type3A_1658 = arith.fptosi %mul3A_1657 : vector<16xf32> to vector<16xi32>
        %shift_left3A_1659 = arith.constant 8 : i32
        %shift_left3A_1660 = vector.broadcast %shift_left3A_1659 : i32 to vector<16xi32>
        %shift_left3A_1661 = arith.shli %convert_element_type3A_1658, %shift_left3A_1660 : vector<16xi32>
        %iota3A_1662 = tpu.iota {dimensions = array<i32: 0>} : vector<16xi32>
        %add3A_1663 = arith.constant 224 : i32
        %add3A_1664 = vector.broadcast %add3A_1663 : i32 to vector<16xi32>
        %add3A_1665 = arith.addi %iota3A_1662, %add3A_1664 : vector<16xi32>
        %or3A_1666 = arith.ori %shift_left3A_1661, %add3A_1665 : vector<16xi32>
        %bitcast_convert_type3A_1667 = tpu.bitcast %or3A_1666 : vector<16xi32> -> vector<16xi32>
        %masked_sort3A_1668 = arith.constant dense<true> : vector<16xi1>
        %masked_sort3A_1669, %masked_sort3A_1670, %masked_sort3A_1671 = tpu.sort %bitcast_convert_type3A_1667, %bitcast_convert_type3A_1667 masked %masked_sort3A_1668 : (vector<16xi32>, vector<16xi32>, vector<16xi1>) -> (vector<16xi1>, vector<16xi32>, vector<16xi32>)
        %get3A_1672 = arith.index_cast %rem3A_469 : i32 to index
        %get3A_1673 = arith.index_cast %add3A_1356 : i32 to index
        %get3A_1674 = arith.constant 240 : index
        %get3A_1675 = tpu.vector_load %arg6[%get3A_1672, %get3A_1673, %get3A_1674] {strides = array<i32>} : memref<2x32x256xf32, #tpu.memory_space<vmem>>, vector<16xf32>,
        %mul3A_1676 = arith.constant 0x4B000000 : f32
        %mul3A_1677 = vector.broadcast %mul3A_1676 : f32 to vector<16xf32>
        %mul3A_1678 = arith.mulf %get3A_1675, %mul3A_1677 : vector<16xf32>
        %convert_element_type3A_1679 = arith.fptosi %mul3A_1678 : vector<16xf32> to vector<16xi32>
        %shift_left3A_1680 = arith.constant 8 : i32
        %shift_left3A_1681 = vector.broadcast %shift_left3A_1680 : i32 to vector<16xi32>
        %shift_left3A_1682 = arith.shli %convert_element_type3A_1679, %shift_left3A_1681 : vector<16xi32>
        %iota3A_1683 = tpu.iota {dimensions = array<i32: 0>} : vector<16xi32>
        %add3A_1684 = arith.constant 240 : i32
        %add3A_1685 = vector.broadcast %add3A_1684 : i32 to vector<16xi32>
        %add3A_1686 = arith.addi %iota3A_1683, %add3A_1685 : vector<16xi32>
        %or3A_1687 = arith.ori %shift_left3A_1682, %add3A_1686 : vector<16xi32>
        %bitcast_convert_type3A_1688 = tpu.bitcast %or3A_1687 : vector<16xi32> -> vector<16xi32>
        %masked_sort3A_1689 = arith.constant dense<true> : vector<16xi1>
        %masked_sort3A_1690, %masked_sort3A_1691, %masked_sort3A_1692 = tpu.sort %bitcast_convert_type3A_1688, %bitcast_convert_type3A_1688 masked %masked_sort3A_1689 {descending = true} : (vector<16xi32>, vector<16xi32>, vector<16xi1>) -> (vector<16xi1>, vector<16xi32>, vector<16xi32>)
        %min3A_1693 = arith.minui %masked_sort3A_1376, %masked_sort3A_1397 : vector<16xi32>
        %max3A_1694 = arith.maxui %masked_sort3A_1376, %masked_sort3A_1397 : vector<16xi32>
        %masked_sort3A_1695 = arith.constant dense<true> : vector<16xi1>
        %masked_sort3A_1696, %masked_sort3A_1697, %masked_sort3A_1698 = tpu.sort %min3A_1693, %min3A_1693 masked %masked_sort3A_1695 : (vector<16xi32>, vector<16xi32>, vector<16xi1>) -> (vector<16xi1>, vector<16xi32>, vector<16xi32>)
        %masked_sort3A_1699 = arith.constant dense<true> : vector<16xi1>
        %masked_sort3A_1700, %masked_sort3A_1701, %masked_sort3A_1702 = tpu.sort %max3A_1694, %max3A_1694 masked %masked_sort3A_1699 : (vector<16xi32>, vector<16xi32>, vector<16xi1>) -> (vector<16xi1>, vector<16xi32>, vector<16xi32>)
        %min3A_1703 = arith.minui %masked_sort3A_1418, %masked_sort3A_1439 : vector<16xi32>
        %max3A_1704 = arith.maxui %masked_sort3A_1418, %masked_sort3A_1439 : vector<16xi32>
        %masked_sort3A_1705 = arith.constant dense<true> : vector<16xi1>
        %masked_sort3A_1706, %masked_sort3A_1707, %masked_sort3A_1708 = tpu.sort %max3A_1704, %max3A_1704 masked %masked_sort3A_1705 {descending = true} : (vector<16xi32>, vector<16xi32>, vector<16xi1>) -> (vector<16xi1>, vector<16xi32>, vector<16xi32>)
        %masked_sort3A_1709 = arith.constant dense<true> : vector<16xi1>
        %masked_sort3A_1710, %masked_sort3A_1711, %masked_sort3A_1712 = tpu.sort %min3A_1703, %min3A_1703 masked %masked_sort3A_1709 {descending = true} : (vector<16xi32>, vector<16xi32>, vector<16xi1>) -> (vector<16xi1>, vector<16xi32>, vector<16xi32>)
        %min3A_1713 = arith.minui %masked_sort3A_1460, %masked_sort3A_1481 : vector<16xi32>
        %max3A_1714 = arith.maxui %masked_sort3A_1460, %masked_sort3A_1481 : vector<16xi32>
        %masked_sort3A_1715 = arith.constant dense<true> : vector<16xi1>
        %masked_sort3A_1716, %masked_sort3A_1717, %masked_sort3A_1718 = tpu.sort %min3A_1713, %min3A_1713 masked %masked_sort3A_1715 : (vector<16xi32>, vector<16xi32>, vector<16xi1>) -> (vector<16xi1>, vector<16xi32>, vector<16xi32>)
        %masked_sort3A_1719 = arith.constant dense<true> : vector<16xi1>
        %masked_sort3A_1720, %masked_sort3A_1721, %masked_sort3A_1722 = tpu.sort %max3A_1714, %max3A_1714 masked %masked_sort3A_1719 : (vector<16xi32>, vector<16xi32>, vector<16xi1>) -> (vector<16xi1>, vector<16xi32>, vector<16xi32>)
        %min3A_1723 = arith.minui %masked_sort3A_1502, %masked_sort3A_1523 : vector<16xi32>
        %max3A_1724 = arith.maxui %masked_sort3A_1502, %masked_sort3A_1523 : vector<16xi32>
        %masked_sort3A_1725 = arith.constant dense<true> : vector<16xi1>
        %masked_sort3A_1726, %masked_sort3A_1727, %masked_sort3A_1728 = tpu.sort %max3A_1724, %max3A_1724 masked %masked_sort3A_1725 {descending = true} : (vector<16xi32>, vector<16xi32>, vector<16xi1>) -> (vector<16xi1>, vector<16xi32>, vector<16xi32>)
        %masked_sort3A_1729 = arith.constant dense<true> : vector<16xi1>
        %masked_sort3A_1730, %masked_sort3A_1731, %masked_sort3A_1732 = tpu.sort %min3A_1723, %min3A_1723 masked %masked_sort3A_1729 {descending = true} : (vector<16xi32>, vector<16xi32>, vector<16xi1>) -> (vector<16xi1>, vector<16xi32>, vector<16xi32>)
        %min3A_1733 = arith.minui %masked_sort3A_1544, %masked_sort3A_1565 : vector<16xi32>
        %max3A_1734 = arith.maxui %masked_sort3A_1544, %masked_sort3A_1565 : vector<16xi32>
        %masked_sort3A_1735 = arith.constant dense<true> : vector<16xi1>
        %masked_sort3A_1736, %masked_sort3A_1737, %masked_sort3A_1738 = tpu.sort %min3A_1733, %min3A_1733 masked %masked_sort3A_1735 : (vector<16xi32>, vector<16xi32>, vector<16xi1>) -> (vector<16xi1>, vector<16xi32>, vector<16xi32>)
        %masked_sort3A_1739 = arith.constant dense<true> : vector<16xi1>
        %masked_sort3A_1740, %masked_sort3A_1741, %masked_sort3A_1742 = tpu.sort %max3A_1734, %max3A_1734 masked %masked_sort3A_1739 : (vector<16xi32>, vector<16xi32>, vector<16xi1>) -> (vector<16xi1>, vector<16xi32>, vector<16xi32>)
        %min3A_1743 = arith.minui %masked_sort3A_1586, %masked_sort3A_1607 : vector<16xi32>
        %max3A_1744 = arith.maxui %masked_sort3A_1586, %masked_sort3A_1607 : vector<16xi32>
        %masked_sort3A_1745 = arith.constant dense<true> : vector<16xi1>
        %masked_sort3A_1746, %masked_sort3A_1747, %masked_sort3A_1748 = tpu.sort %max3A_1744, %max3A_1744 masked %masked_sort3A_1745 {descending = true} : (vector<16xi32>, vector<16xi32>, vector<16xi1>) -> (vector<16xi1>, vector<16xi32>, vector<16xi32>)
        %masked_sort3A_1749 = arith.constant dense<true> : vector<16xi1>
        %masked_sort3A_1750, %masked_sort3A_1751, %masked_sort3A_1752 = tpu.sort %min3A_1743, %min3A_1743 masked %masked_sort3A_1749 {descending = true} : (vector<16xi32>, vector<16xi32>, vector<16xi1>) -> (vector<16xi1>, vector<16xi32>, vector<16xi32>)
        %min3A_1753 = arith.minui %masked_sort3A_1628, %masked_sort3A_1649 : vector<16xi32>
        %max3A_1754 = arith.maxui %masked_sort3A_1628, %masked_sort3A_1649 : vector<16xi32>
        %masked_sort3A_1755 = arith.constant dense<true> : vector<16xi1>
        %masked_sort3A_1756, %masked_sort3A_1757, %masked_sort3A_1758 = tpu.sort %min3A_1753, %min3A_1753 masked %masked_sort3A_1755 : (vector<16xi32>, vector<16xi32>, vector<16xi1>) -> (vector<16xi1>, vector<16xi32>, vector<16xi32>)
        %masked_sort3A_1759 = arith.constant dense<true> : vector<16xi1>
        %masked_sort3A_1760, %masked_sort3A_1761, %masked_sort3A_1762 = tpu.sort %max3A_1754, %max3A_1754 masked %masked_sort3A_1759 : (vector<16xi32>, vector<16xi32>, vector<16xi1>) -> (vector<16xi1>, vector<16xi32>, vector<16xi32>)
        %min3A_1763 = arith.minui %masked_sort3A_1670, %masked_sort3A_1691 : vector<16xi32>
        %max3A_1764 = arith.maxui %masked_sort3A_1670, %masked_sort3A_1691 : vector<16xi32>
        %masked_sort3A_1765 = arith.constant dense<true> : vector<16xi1>
        %masked_sort3A_1766, %masked_sort3A_1767, %masked_sort3A_1768 = tpu.sort %max3A_1764, %max3A_1764 masked %masked_sort3A_1765 {descending = true} : (vector<16xi32>, vector<16xi32>, vector<16xi1>) -> (vector<16xi1>, vector<16xi32>, vector<16xi32>)
        %masked_sort3A_1769 = arith.constant dense<true> : vector<16xi1>
        %masked_sort3A_1770, %masked_sort3A_1771, %masked_sort3A_1772 = tpu.sort %min3A_1763, %min3A_1763 masked %masked_sort3A_1769 {descending = true} : (vector<16xi32>, vector<16xi32>, vector<16xi1>) -> (vector<16xi1>, vector<16xi32>, vector<16xi32>)
        %min3A_1773 = arith.minui %masked_sort3A_1697, %masked_sort3A_1707 : vector<16xi32>
        %min3A_1774 = arith.minui %masked_sort3A_1701, %masked_sort3A_1711 : vector<16xi32>
        %min3A_1775 = arith.minui %min3A_1773, %min3A_1774 : vector<16xi32>
        %max3A_1776 = arith.maxui %min3A_1773, %min3A_1774 : vector<16xi32>
        %masked_sort3A_1777 = arith.constant dense<true> : vector<16xi1>
        %masked_sort3A_1778, %masked_sort3A_1779, %masked_sort3A_1780 = tpu.sort %min3A_1775, %min3A_1775 masked %masked_sort3A_1777 : (vector<16xi32>, vector<16xi32>, vector<16xi1>) -> (vector<16xi1>, vector<16xi32>, vector<16xi32>)
        %masked_sort3A_1781 = arith.constant dense<true> : vector<16xi1>
        %masked_sort3A_1782, %masked_sort3A_1783, %masked_sort3A_1784 = tpu.sort %max3A_1776, %max3A_1776 masked %masked_sort3A_1781 : (vector<16xi32>, vector<16xi32>, vector<16xi1>) -> (vector<16xi1>, vector<16xi32>, vector<16xi32>)
        %min3A_1785 = arith.minui %masked_sort3A_1717, %masked_sort3A_1727 : vector<16xi32>
        %min3A_1786 = arith.minui %masked_sort3A_1721, %masked_sort3A_1731 : vector<16xi32>
        %min3A_1787 = arith.minui %min3A_1785, %min3A_1786 : vector<16xi32>
        %max3A_1788 = arith.maxui %min3A_1785, %min3A_1786 : vector<16xi32>
        %masked_sort3A_1789 = arith.constant dense<true> : vector<16xi1>
        %masked_sort3A_1790, %masked_sort3A_1791, %masked_sort3A_1792 = tpu.sort %max3A_1788, %max3A_1788 masked %masked_sort3A_1789 {descending = true} : (vector<16xi32>, vector<16xi32>, vector<16xi1>) -> (vector<16xi1>, vector<16xi32>, vector<16xi32>)
        %masked_sort3A_1793 = arith.constant dense<true> : vector<16xi1>
        %masked_sort3A_1794, %masked_sort3A_1795, %masked_sort3A_1796 = tpu.sort %min3A_1787, %min3A_1787 masked %masked_sort3A_1793 {descending = true} : (vector<16xi32>, vector<16xi32>, vector<16xi1>) -> (vector<16xi1>, vector<16xi32>, vector<16xi32>)
        %min3A_1797 = arith.minui %masked_sort3A_1737, %masked_sort3A_1747 : vector<16xi32>
        %min3A_1798 = arith.minui %masked_sort3A_1741, %masked_sort3A_1751 : vector<16xi32>
        %min3A_1799 = arith.minui %min3A_1797, %min3A_1798 : vector<16xi32>
        %max3A_1800 = arith.maxui %min3A_1797, %min3A_1798 : vector<16xi32>
        %masked_sort3A_1801 = arith.constant dense<true> : vector<16xi1>
        %masked_sort3A_1802, %masked_sort3A_1803, %masked_sort3A_1804 = tpu.sort %min3A_1799, %min3A_1799 masked %masked_sort3A_1801 : (vector<16xi32>, vector<16xi32>, vector<16xi1>) -> (vector<16xi1>, vector<16xi32>, vector<16xi32>)
        %masked_sort3A_1805 = arith.constant dense<true> : vector<16xi1>
        %masked_sort3A_1806, %masked_sort3A_1807, %masked_sort3A_1808 = tpu.sort %max3A_1800, %max3A_1800 masked %masked_sort3A_1805 : (vector<16xi32>, vector<16xi32>, vector<16xi1>) -> (vector<16xi1>, vector<16xi32>, vector<16xi32>)
        %min3A_1809 = arith.minui %masked_sort3A_1757, %masked_sort3A_1767 : vector<16xi32>
        %min3A_1810 = arith.minui %masked_sort3A_1761, %masked_sort3A_1771 : vector<16xi32>
        %min3A_1811 = arith.minui %min3A_1809, %min3A_1810 : vector<16xi32>
        %max3A_1812 = arith.maxui %min3A_1809, %min3A_1810 : vector<16xi32>
        %masked_sort3A_1813 = arith.constant dense<true> : vector<16xi1>
        %masked_sort3A_1814, %masked_sort3A_1815, %masked_sort3A_1816 = tpu.sort %max3A_1812, %max3A_1812 masked %masked_sort3A_1813 {descending = true} : (vector<16xi32>, vector<16xi32>, vector<16xi1>) -> (vector<16xi1>, vector<16xi32>, vector<16xi32>)
        %masked_sort3A_1817 = arith.constant dense<true> : vector<16xi1>
        %masked_sort3A_1818, %masked_sort3A_1819, %masked_sort3A_1820 = tpu.sort %min3A_1811, %min3A_1811 masked %masked_sort3A_1817 {descending = true} : (vector<16xi32>, vector<16xi32>, vector<16xi1>) -> (vector<16xi1>, vector<16xi32>, vector<16xi32>)
        %min3A_1821 = arith.minui %masked_sort3A_1779, %masked_sort3A_1791 : vector<16xi32>
        %min3A_1822 = arith.minui %masked_sort3A_1783, %masked_sort3A_1795 : vector<16xi32>
        %min3A_1823 = arith.minui %min3A_1821, %min3A_1822 : vector<16xi32>
        %max3A_1824 = arith.maxui %min3A_1821, %min3A_1822 : vector<16xi32>
        %masked_sort3A_1825 = arith.constant dense<true> : vector<16xi1>
        %masked_sort3A_1826, %masked_sort3A_1827, %masked_sort3A_1828 = tpu.sort %min3A_1823, %min3A_1823 masked %masked_sort3A_1825 : (vector<16xi32>, vector<16xi32>, vector<16xi1>) -> (vector<16xi1>, vector<16xi32>, vector<16xi32>)
        %masked_sort3A_1829 = arith.constant dense<true> : vector<16xi1>
        %masked_sort3A_1830, %masked_sort3A_1831, %masked_sort3A_1832 = tpu.sort %max3A_1824, %max3A_1824 masked %masked_sort3A_1829 : (vector<16xi32>, vector<16xi32>, vector<16xi1>) -> (vector<16xi1>, vector<16xi32>, vector<16xi32>)
        %min3A_1833 = arith.minui %masked_sort3A_1803, %masked_sort3A_1815 : vector<16xi32>
        %min3A_1834 = arith.minui %masked_sort3A_1807, %masked_sort3A_1819 : vector<16xi32>
        %min3A_1835 = arith.minui %min3A_1833, %min3A_1834 : vector<16xi32>
        %max3A_1836 = arith.maxui %min3A_1833, %min3A_1834 : vector<16xi32>
        %masked_sort3A_1837 = arith.constant dense<true> : vector<16xi1>
        %masked_sort3A_1838, %masked_sort3A_1839, %masked_sort3A_1840 = tpu.sort %max3A_1836, %max3A_1836 masked %masked_sort3A_1837 {descending = true} : (vector<16xi32>, vector<16xi32>, vector<16xi1>) -> (vector<16xi1>, vector<16xi32>, vector<16xi32>)
        %masked_sort3A_1841 = arith.constant dense<true> : vector<16xi1>
        %masked_sort3A_1842, %masked_sort3A_1843, %masked_sort3A_1844 = tpu.sort %min3A_1835, %min3A_1835 masked %masked_sort3A_1841 {descending = true} : (vector<16xi32>, vector<16xi32>, vector<16xi1>) -> (vector<16xi1>, vector<16xi32>, vector<16xi32>)
        %min3A_1845 = arith.minui %masked_sort3A_1827, %masked_sort3A_1839 : vector<16xi32>
        %min3A_1846 = arith.minui %masked_sort3A_1831, %masked_sort3A_1843 : vector<16xi32>
        %min3A_1847 = arith.minui %min3A_1845, %min3A_1846 : vector<16xi32>
        %max3A_1848 = arith.maxui %min3A_1845, %min3A_1846 : vector<16xi32>
        %masked_sort3A_1849 = arith.constant dense<true> : vector<16xi1>
        %masked_sort3A_1850, %masked_sort3A_1851, %masked_sort3A_1852 = tpu.sort %min3A_1847, %min3A_1847 masked %masked_sort3A_1849 : (vector<16xi32>, vector<16xi32>, vector<16xi1>) -> (vector<16xi1>, vector<16xi32>, vector<16xi32>)
        %masked_sort3A_1853 = arith.constant dense<true> : vector<16xi1>
        %masked_sort3A_1854, %masked_sort3A_1855, %masked_sort3A_1856 = tpu.sort %max3A_1848, %max3A_1848 masked %masked_sort3A_1853 : (vector<16xi32>, vector<16xi32>, vector<16xi1>) -> (vector<16xi1>, vector<16xi32>, vector<16xi32>)
        %bitcast_convert_type3A_1857 = tpu.bitcast %masked_sort3A_1851 : vector<16xi32> -> vector<16xi32>
        %and3A_1858 = arith.constant 255 : i32
        %and3A_1859 = vector.broadcast %and3A_1858 : i32 to vector<16xi32>
        %and3A_1860 = arith.andi %bitcast_convert_type3A_1857, %and3A_1859 : vector<16xi32>
        %bitcast_convert_type3A_1861 = tpu.bitcast %masked_sort3A_1855 : vector<16xi32> -> vector<16xi32>
        %and3A_1862 = arith.constant 255 : i32
        %and3A_1863 = vector.broadcast %and3A_1862 : i32 to vector<16xi32>
        %and3A_1864 = arith.andi %bitcast_convert_type3A_1861, %and3A_1863 : vector<16xi32>
        %swap3A_1865 = arith.index_cast %rem3A_469 : i32 to index
        %swap3A_1866 = arith.index_cast %add3A_1356 : i32 to index
        %swap3A_1867 = arith.constant 0 : index
        %swap3A_1868 = tpu.vector_load %arg9[%swap3A_1865, %swap3A_1866, %swap3A_1867] {strides = array<i32>} : memref<2x32x32xi32, #tpu.memory_space<vmem>>, vector<16xi32>,
        tpu.vector_store %arg9[%swap3A_1865, %swap3A_1866, %swap3A_1867], %and3A_1860 {strides = array<i32>} : memref<2x32x32xi32, #tpu.memory_space<vmem>>, vector<16xi32>,
        %swap3A_1869 = arith.index_cast %rem3A_469 : i32 to index
        %swap3A_1870 = arith.index_cast %add3A_1356 : i32 to index
        %swap3A_1871 = arith.constant 16 : index
        %swap3A_1872 = tpu.vector_load %arg9[%swap3A_1869, %swap3A_1870, %swap3A_1871] {strides = array<i32>} : memref<2x32x32xi32, #tpu.memory_space<vmem>>, vector<16xi32>,
        tpu.vector_store %arg9[%swap3A_1869, %swap3A_1870, %swap3A_1871], %and3A_1864 {strides = array<i32>} : memref<2x32x32xi32, #tpu.memory_space<vmem>>, vector<16xi32>,
        %shift_right_arithmetic3A_1873 = arith.constant 4 : i32
        %shift_right_arithmetic3A_1874 = vector.broadcast %shift_right_arithmetic3A_1873 : i32 to vector<16xi32>
        %shift_right_arithmetic3A_1875 = arith.shrsi %and3A_1860, %shift_right_arithmetic3A_1874 : vector<16xi32>
        %shift_right_arithmetic3A_1876 = arith.constant 4 : i32
        %shift_right_arithmetic3A_1877 = vector.broadcast %shift_right_arithmetic3A_1876 : i32 to vector<16xi32>
        %shift_right_arithmetic3A_1878 = arith.shrsi %and3A_1864, %shift_right_arithmetic3A_1877 : vector<16xi32>
        %mul3A_1879 = arith.constant 16 : i32
        %mul3A_1880 = arith.muli %add3A_1356, %mul3A_1879 : i32
        %and3A_1881 = arith.constant 15 : i32
        %and3A_1882 = vector.broadcast %and3A_1881 : i32 to vector<16xi32>
        %and3A_1883 = arith.andi %and3A_1860, %and3A_1882 : vector<16xi32>
        %add3A_1884 = vector.broadcast %mul3A_1880 : i32 to vector<16xi32>
        %add3A_1885 = arith.addi %add3A_1884, %and3A_1883 : vector<16xi32>
        %mul3A_1886 = arith.constant 16 : i32
        %mul3A_1887 = arith.muli %add3A_1356, %mul3A_1886 : i32
        %and3A_1888 = arith.constant 15 : i32
        %and3A_1889 = vector.broadcast %and3A_1888 : i32 to vector<16xi32>
        %and3A_1890 = arith.andi %and3A_1864, %and3A_1889 : vector<16xi32>
        %add3A_1891 = vector.broadcast %mul3A_1887 : i32 to vector<16xi32>
        %add3A_1892 = arith.addi %add3A_1891, %and3A_1890 : vector<16xi32>
        %broadcast_in_dim3A_1893 = vector.broadcast %rem3A_469 : i32 to vector<16xi32>
        %add3A_1894 = arith.constant 0 : i32
        %add3A_1895 = vector.broadcast %add3A_1894 : i32 to vector<16xi32>
        %add3A_1896 = arith.addi %shift_right_arithmetic3A_1875, %add3A_1895 : vector<16xi32>
        %gather3A_1897 = tpu.vector_load_idx %arg7[%broadcast_in_dim3A_1893, %add3A_1896, %add3A_1885] : memref<2x48x512xf32, #tpu.memory_space<vmem>>[vector<16xi32>, vector<16xi32>, vector<16xi32>], vector<16xf32>,
        %swap3A_1898 = arith.constant 0 : i32
        %swap3A_1899 = arith.index_cast %rem3A_469 : i32 to index
        %swap3A_1900 = arith.index_cast %swap3A_1898 : i32 to index
        %swap3A_1901 = arith.index_cast %add3A_1356 : i32 to index
        %swap3A_1902 = arith.constant 0 : index
        %swap3A_1903 = tpu.vector_load %arg8[%swap3A_1899, %swap3A_1900, %swap3A_1901, %swap3A_1902] {strides = array<i32>} : memref<2x3x32x32xf32, #tpu.memory_space<vmem>>, vector<16xf32>,
        tpu.vector_store %arg8[%swap3A_1899, %swap3A_1900, %swap3A_1901, %swap3A_1902], %gather3A_1897 {strides = array<i32>} : memref<2x3x32x32xf32, #tpu.memory_space<vmem>>, vector<16xf32>,
        %add3A_1904 = arith.constant 0 : i32
        %add3A_1905 = vector.broadcast %add3A_1904 : i32 to vector<16xi32>
        %add3A_1906 = arith.addi %shift_right_arithmetic3A_1878, %add3A_1905 : vector<16xi32>
        %gather3A_1907 = tpu.vector_load_idx %arg7[%broadcast_in_dim3A_1893, %add3A_1906, %add3A_1892] : memref<2x48x512xf32, #tpu.memory_space<vmem>>[vector<16xi32>, vector<16xi32>, vector<16xi32>], vector<16xf32>,
        %swap3A_1908 = arith.constant 0 : i32
        %swap3A_1909 = arith.index_cast %rem3A_469 : i32 to index
        %swap3A_1910 = arith.index_cast %swap3A_1908 : i32 to index
        %swap3A_1911 = arith.index_cast %add3A_1356 : i32 to index
        %swap3A_1912 = arith.constant 16 : index
        %swap3A_1913 = tpu.vector_load %arg8[%swap3A_1909, %swap3A_1910, %swap3A_1911, %swap3A_1912] {strides = array<i32>} : memref<2x3x32x32xf32, #tpu.memory_space<vmem>>, vector<16xf32>,
        tpu.vector_store %arg8[%swap3A_1909, %swap3A_1910, %swap3A_1911, %swap3A_1912], %gather3A_1907 {strides = array<i32>} : memref<2x3x32x32xf32, #tpu.memory_space<vmem>>, vector<16xf32>,
        %add3A_1914 = arith.constant 16 : i32
        %add3A_1915 = vector.broadcast %add3A_1914 : i32 to vector<16xi32>
        %add3A_1916 = arith.addi %shift_right_arithmetic3A_1875, %add3A_1915 : vector<16xi32>
        %gather3A_1917 = tpu.vector_load_idx %arg7[%broadcast_in_dim3A_1893, %add3A_1916, %add3A_1885] : memref<2x48x512xf32, #tpu.memory_space<vmem>>[vector<16xi32>, vector<16xi32>, vector<16xi32>], vector<16xf32>,
        %swap3A_1918 = arith.constant 1 : i32
        %swap3A_1919 = arith.index_cast %rem3A_469 : i32 to index
        %swap3A_1920 = arith.index_cast %swap3A_1918 : i32 to index
        %swap3A_1921 = arith.index_cast %add3A_1356 : i32 to index
        %swap3A_1922 = arith.constant 0 : index
        %swap3A_1923 = tpu.vector_load %arg8[%swap3A_1919, %swap3A_1920, %swap3A_1921, %swap3A_1922] {strides = array<i32>} : memref<2x3x32x32xf32, #tpu.memory_space<vmem>>, vector<16xf32>,
        tpu.vector_store %arg8[%swap3A_1919, %swap3A_1920, %swap3A_1921, %swap3A_1922], %gather3A_1917 {strides = array<i32>} : memref<2x3x32x32xf32, #tpu.memory_space<vmem>>, vector<16xf32>,
        %add3A_1924 = arith.constant 16 : i32
        %add3A_1925 = vector.broadcast %add3A_1924 : i32 to vector<16xi32>
        %add3A_1926 = arith.addi %shift_right_arithmetic3A_1878, %add3A_1925 : vector<16xi32>
        %gather3A_1927 = tpu.vector_load_idx %arg7[%broadcast_in_dim3A_1893, %add3A_1926, %add3A_1892] : memref<2x48x512xf32, #tpu.memory_space<vmem>>[vector<16xi32>, vector<16xi32>, vector<16xi32>], vector<16xf32>,
        %swap3A_1928 = arith.constant 1 : i32
        %swap3A_1929 = arith.index_cast %rem3A_469 : i32 to index
        %swap3A_1930 = arith.index_cast %swap3A_1928 : i32 to index
        %swap3A_1931 = arith.index_cast %add3A_1356 : i32 to index
        %swap3A_1932 = arith.constant 16 : index
        %swap3A_1933 = tpu.vector_load %arg8[%swap3A_1929, %swap3A_1930, %swap3A_1931, %swap3A_1932] {strides = array<i32>} : memref<2x3x32x32xf32, #tpu.memory_space<vmem>>, vector<16xf32>,
        tpu.vector_store %arg8[%swap3A_1929, %swap3A_1930, %swap3A_1931, %swap3A_1932], %gather3A_1927 {strides = array<i32>} : memref<2x3x32x32xf32, #tpu.memory_space<vmem>>, vector<16xf32>,
        %add3A_1934 = arith.constant 32 : i32
        %add3A_1935 = vector.broadcast %add3A_1934 : i32 to vector<16xi32>
        %add3A_1936 = arith.addi %shift_right_arithmetic3A_1875, %add3A_1935 : vector<16xi32>
        %gather3A_1937 = tpu.vector_load_idx %arg7[%broadcast_in_dim3A_1893, %add3A_1936, %add3A_1885] : memref<2x48x512xf32, #tpu.memory_space<vmem>>[vector<16xi32>, vector<16xi32>, vector<16xi32>], vector<16xf32>,
        %swap3A_1938 = arith.constant 2 : i32
        %swap3A_1939 = arith.index_cast %rem3A_469 : i32 to index
        %swap3A_1940 = arith.index_cast %swap3A_1938 : i32 to index
        %swap3A_1941 = arith.index_cast %add3A_1356 : i32 to index
        %swap3A_1942 = arith.constant 0 : index
        %swap3A_1943 = tpu.vector_load %arg8[%swap3A_1939, %swap3A_1940, %swap3A_1941, %swap3A_1942] {strides = array<i32>} : memref<2x3x32x32xf32, #tpu.memory_space<vmem>>, vector<16xf32>,
        tpu.vector_store %arg8[%swap3A_1939, %swap3A_1940, %swap3A_1941, %swap3A_1942], %gather3A_1937 {strides = array<i32>} : memref<2x3x32x32xf32, #tpu.memory_space<vmem>>, vector<16xf32>,
        %add3A_1944 = arith.constant 32 : i32
        %add3A_1945 = vector.broadcast %add3A_1944 : i32 to vector<16xi32>
        %add3A_1946 = arith.addi %shift_right_arithmetic3A_1878, %add3A_1945 : vector<16xi32>
        %gather3A_1947 = tpu.vector_load_idx %arg7[%broadcast_in_dim3A_1893, %add3A_1946, %add3A_1892] : memref<2x48x512xf32, #tpu.memory_space<vmem>>[vector<16xi32>, vector<16xi32>, vector<16xi32>], vector<16xf32>,
        %swap3A_1948 = arith.constant 2 : i32
        %swap3A_1949 = arith.index_cast %rem3A_469 : i32 to index
        %swap3A_1950 = arith.index_cast %swap3A_1948 : i32 to index
        %swap3A_1951 = arith.index_cast %add3A_1356 : i32 to index
        %swap3A_1952 = arith.constant 16 : index
        %swap3A_1953 = tpu.vector_load %arg8[%swap3A_1949, %swap3A_1950, %swap3A_1951, %swap3A_1952] {strides = array<i32>} : memref<2x3x32x32xf32, #tpu.memory_space<vmem>>, vector<16xf32>,
        tpu.vector_store %arg8[%swap3A_1949, %swap3A_1950, %swap3A_1951, %swap3A_1952], %gather3A_1947 {strides = array<i32>} : memref<2x3x32x32xf32, #tpu.memory_space<vmem>>, vector<16xf32>,
        %mul3A_1954 = arith.constant 4 : i32
        %mul3A_1955 = arith.muli %mul3A_1954, %scan3A_763 : i32
        %add3A_1956 = arith.constant 2 : i32
        %add3A_1957 = arith.addi %mul3A_1955, %add3A_1956 : i32
        %get3A_1958 = arith.index_cast %rem3A_469 : i32 to index
        %get3A_1959 = arith.index_cast %add3A_1957 : i32 to index
        %get3A_1960 = arith.constant 0 : index
        %get3A_1961 = tpu.vector_load %arg6[%get3A_1958, %get3A_1959, %get3A_1960] {strides = array<i32>} : memref<2x32x256xf32, #tpu.memory_space<vmem>>, vector<16xf32>,
        %mul3A_1962 = arith.constant 0x4B000000 : f32
        %mul3A_1963 = vector.broadcast %mul3A_1962 : f32 to vector<16xf32>
        %mul3A_1964 = arith.mulf %get3A_1961, %mul3A_1963 : vector<16xf32>
        %convert_element_type3A_1965 = arith.fptosi %mul3A_1964 : vector<16xf32> to vector<16xi32>
        %shift_left3A_1966 = arith.constant 8 : i32
        %shift_left3A_1967 = vector.broadcast %shift_left3A_1966 : i32 to vector<16xi32>
        %shift_left3A_1968 = arith.shli %convert_element_type3A_1965, %shift_left3A_1967 : vector<16xi32>
        %iota3A_1969 = tpu.iota {dimensions = array<i32: 0>} : vector<16xi32>
        %add3A_1970 = arith.constant 0 : i32
        %add3A_1971 = vector.broadcast %add3A_1970 : i32 to vector<16xi32>
        %add3A_1972 = arith.addi %iota3A_1969, %add3A_1971 : vector<16xi32>
        %or3A_1973 = arith.ori %shift_left3A_1968, %add3A_1972 : vector<16xi32>
        %bitcast_convert_type3A_1974 = tpu.bitcast %or3A_1973 : vector<16xi32> -> vector<16xi32>
        %masked_sort3A_1975 = arith.constant dense<true> : vector<16xi1>
        %masked_sort3A_1976, %masked_sort3A_1977, %masked_sort3A_1978 = tpu.sort %bitcast_convert_type3A_1974, %bitcast_convert_type3A_1974 masked %masked_sort3A_1975 : (vector<16xi32>, vector<16xi32>, vector<16xi1>) -> (vector<16xi1>, vector<16xi32>, vector<16xi32>)
        %get3A_1979 = arith.index_cast %rem3A_469 : i32 to index
        %get3A_1980 = arith.index_cast %add3A_1957 : i32 to index
        %get3A_1981 = arith.constant 16 : index
        %get3A_1982 = tpu.vector_load %arg6[%get3A_1979, %get3A_1980, %get3A_1981] {strides = array<i32>} : memref<2x32x256xf32, #tpu.memory_space<vmem>>, vector<16xf32>,
        %mul3A_1983 = arith.constant 0x4B000000 : f32
        %mul3A_1984 = vector.broadcast %mul3A_1983 : f32 to vector<16xf32>
        %mul3A_1985 = arith.mulf %get3A_1982, %mul3A_1984 : vector<16xf32>
        %convert_element_type3A_1986 = arith.fptosi %mul3A_1985 : vector<16xf32> to vector<16xi32>
        %shift_left3A_1987 = arith.constant 8 : i32
        %shift_left3A_1988 = vector.broadcast %shift_left3A_1987 : i32 to vector<16xi32>
        %shift_left3A_1989 = arith.shli %convert_element_type3A_1986, %shift_left3A_1988 : vector<16xi32>
        %iota3A_1990 = tpu.iota {dimensions = array<i32: 0>} : vector<16xi32>
        %add3A_1991 = arith.constant 16 : i32
        %add3A_1992 = vector.broadcast %add3A_1991 : i32 to vector<16xi32>
        %add3A_1993 = arith.addi %iota3A_1990, %add3A_1992 : vector<16xi32>
        %or3A_1994 = arith.ori %shift_left3A_1989, %add3A_1993 : vector<16xi32>
        %bitcast_convert_type3A_1995 = tpu.bitcast %or3A_1994 : vector<16xi32> -> vector<16xi32>
        %masked_sort3A_1996 = arith.constant dense<true> : vector<16xi1>
        %masked_sort3A_1997, %masked_sort3A_1998, %masked_sort3A_1999 = tpu.sort %bitcast_convert_type3A_1995, %bitcast_convert_type3A_1995 masked %masked_sort3A_1996 {descending = true} : (vector<16xi32>, vector<16xi32>, vector<16xi1>) -> (vector<16xi1>, vector<16xi32>, vector<16xi32>)
        %get3A_2000 = arith.index_cast %rem3A_469 : i32 to index
        %get3A_2001 = arith.index_cast %add3A_1957 : i32 to index
        %get3A_2002 = arith.constant 32 : index
        %get3A_2003 = tpu.vector_load %arg6[%get3A_2000, %get3A_2001, %get3A_2002] {strides = array<i32>} : memref<2x32x256xf32, #tpu.memory_space<vmem>>, vector<16xf32>,
        %mul3A_2004 = arith.constant 0x4B000000 : f32
        %mul3A_2005 = vector.broadcast %mul3A_2004 : f32 to vector<16xf32>
        %mul3A_2006 = arith.mulf %get3A_2003, %mul3A_2005 : vector<16xf32>
        %convert_element_type3A_2007 = arith.fptosi %mul3A_2006 : vector<16xf32> to vector<16xi32>
        %shift_left3A_2008 = arith.constant 8 : i32
        %shift_left3A_2009 = vector.broadcast %shift_left3A_2008 : i32 to vector<16xi32>
        %shift_left3A_2010 = arith.shli %convert_element_type3A_2007, %shift_left3A_2009 : vector<16xi32>
        %iota3A_2011 = tpu.iota {dimensions = array<i32: 0>} : vector<16xi32>
        %add3A_2012 = arith.constant 32 : i32
        %add3A_2013 = vector.broadcast %add3A_2012 : i32 to vector<16xi32>
        %add3A_2014 = arith.addi %iota3A_2011, %add3A_2013 : vector<16xi32>
        %or3A_2015 = arith.ori %shift_left3A_2010, %add3A_2014 : vector<16xi32>
        %bitcast_convert_type3A_2016 = tpu.bitcast %or3A_2015 : vector<16xi32> -> vector<16xi32>
        %masked_sort3A_2017 = arith.constant dense<true> : vector<16xi1>
        %masked_sort3A_2018, %masked_sort3A_2019, %masked_sort3A_2020 = tpu.sort %bitcast_convert_type3A_2016, %bitcast_convert_type3A_2016 masked %masked_sort3A_2017 : (vector<16xi32>, vector<16xi32>, vector<16xi1>) -> (vector<16xi1>, vector<16xi32>, vector<16xi32>)
        %get3A_2021 = arith.index_cast %rem3A_469 : i32 to index
        %get3A_2022 = arith.index_cast %add3A_1957 : i32 to index
        %get3A_2023 = arith.constant 48 : index
        %get3A_2024 = tpu.vector_load %arg6[%get3A_2021, %get3A_2022, %get3A_2023] {strides = array<i32>} : memref<2x32x256xf32, #tpu.memory_space<vmem>>, vector<16xf32>,
        %mul3A_2025 = arith.constant 0x4B000000 : f32
        %mul3A_2026 = vector.broadcast %mul3A_2025 : f32 to vector<16xf32>
        %mul3A_2027 = arith.mulf %get3A_2024, %mul3A_2026 : vector<16xf32>
        %convert_element_type3A_2028 = arith.fptosi %mul3A_2027 : vector<16xf32> to vector<16xi32>
        %shift_left3A_2029 = arith.constant 8 : i32
        %shift_left3A_2030 = vector.broadcast %shift_left3A_2029 : i32 to vector<16xi32>
        %shift_left3A_2031 = arith.shli %convert_element_type3A_2028, %shift_left3A_2030 : vector<16xi32>
        %iota3A_2032 = tpu.iota {dimensions = array<i32: 0>} : vector<16xi32>
        %add3A_2033 = arith.constant 48 : i32
        %add3A_2034 = vector.broadcast %add3A_2033 : i32 to vector<16xi32>
        %add3A_2035 = arith.addi %iota3A_2032, %add3A_2034 : vector<16xi32>
        %or3A_2036 = arith.ori %shift_left3A_2031, %add3A_2035 : vector<16xi32>
        %bitcast_convert_type3A_2037 = tpu.bitcast %or3A_2036 : vector<16xi32> -> vector<16xi32>
        %masked_sort3A_2038 = arith.constant dense<true> : vector<16xi1>
        %masked_sort3A_2039, %masked_sort3A_2040, %masked_sort3A_2041 = tpu.sort %bitcast_convert_type3A_2037, %bitcast_convert_type3A_2037 masked %masked_sort3A_2038 {descending = true} : (vector<16xi32>, vector<16xi32>, vector<16xi1>) -> (vector<16xi1>, vector<16xi32>, vector<16xi32>)
        %get3A_2042 = arith.index_cast %rem3A_469 : i32 to index
        %get3A_2043 = arith.index_cast %add3A_1957 : i32 to index
        %get3A_2044 = arith.constant 64 : index
        %get3A_2045 = tpu.vector_load %arg6[%get3A_2042, %get3A_2043, %get3A_2044] {strides = array<i32>} : memref<2x32x256xf32, #tpu.memory_space<vmem>>, vector<16xf32>,
        %mul3A_2046 = arith.constant 0x4B000000 : f32
        %mul3A_2047 = vector.broadcast %mul3A_2046 : f32 to vector<16xf32>
        %mul3A_2048 = arith.mulf %get3A_2045, %mul3A_2047 : vector<16xf32>
        %convert_element_type3A_2049 = arith.fptosi %mul3A_2048 : vector<16xf32> to vector<16xi32>
        %shift_left3A_2050 = arith.constant 8 : i32
        %shift_left3A_2051 = vector.broadcast %shift_left3A_2050 : i32 to vector<16xi32>
        %shift_left3A_2052 = arith.shli %convert_element_type3A_2049, %shift_left3A_2051 : vector<16xi32>
        %iota3A_2053 = tpu.iota {dimensions = array<i32: 0>} : vector<16xi32>
        %add3A_2054 = arith.constant 64 : i32
        %add3A_2055 = vector.broadcast %add3A_2054 : i32 to vector<16xi32>
        %add3A_2056 = arith.addi %iota3A_2053, %add3A_2055 : vector<16xi32>
        %or3A_2057 = arith.ori %shift_left3A_2052, %add3A_2056 : vector<16xi32>
        %bitcast_convert_type3A_2058 = tpu.bitcast %or3A_2057 : vector<16xi32> -> vector<16xi32>
        %masked_sort3A_2059 = arith.constant dense<true> : vector<16xi1>
        %masked_sort3A_2060, %masked_sort3A_2061, %masked_sort3A_2062 = tpu.sort %bitcast_convert_type3A_2058, %bitcast_convert_type3A_2058 masked %masked_sort3A_2059 : (vector<16xi32>, vector<16xi32>, vector<16xi1>) -> (vector<16xi1>, vector<16xi32>, vector<16xi32>)
        %get3A_2063 = arith.index_cast %rem3A_469 : i32 to index
        %get3A_2064 = arith.index_cast %add3A_1957 : i32 to index
        %get3A_2065 = arith.constant 80 : index
        %get3A_2066 = tpu.vector_load %arg6[%get3A_2063, %get3A_2064, %get3A_2065] {strides = array<i32>} : memref<2x32x256xf32, #tpu.memory_space<vmem>>, vector<16xf32>,
        %mul3A_2067 = arith.constant 0x4B000000 : f32
        %mul3A_2068 = vector.broadcast %mul3A_2067 : f32 to vector<16xf32>
        %mul3A_2069 = arith.mulf %get3A_2066, %mul3A_2068 : vector<16xf32>
        %convert_element_type3A_2070 = arith.fptosi %mul3A_2069 : vector<16xf32> to vector<16xi32>
        %shift_left3A_2071 = arith.constant 8 : i32
        %shift_left3A_2072 = vector.broadcast %shift_left3A_2071 : i32 to vector<16xi32>
        %shift_left3A_2073 = arith.shli %convert_element_type3A_2070, %shift_left3A_2072 : vector<16xi32>
        %iota3A_2074 = tpu.iota {dimensions = array<i32: 0>} : vector<16xi32>
        %add3A_2075 = arith.constant 80 : i32
        %add3A_2076 = vector.broadcast %add3A_2075 : i32 to vector<16xi32>
        %add3A_2077 = arith.addi %iota3A_2074, %add3A_2076 : vector<16xi32>
        %or3A_2078 = arith.ori %shift_left3A_2073, %add3A_2077 : vector<16xi32>
        %bitcast_convert_type3A_2079 = tpu.bitcast %or3A_2078 : vector<16xi32> -> vector<16xi32>
        %masked_sort3A_2080 = arith.constant dense<true> : vector<16xi1>
        %masked_sort3A_2081, %masked_sort3A_2082, %masked_sort3A_2083 = tpu.sort %bitcast_convert_type3A_2079, %bitcast_convert_type3A_2079 masked %masked_sort3A_2080 {descending = true} : (vector<16xi32>, vector<16xi32>, vector<16xi1>) -> (vector<16xi1>, vector<16xi32>, vector<16xi32>)
        %get3A_2084 = arith.index_cast %rem3A_469 : i32 to index
        %get3A_2085 = arith.index_cast %add3A_1957 : i32 to index
        %get3A_2086 = arith.constant 96 : index
        %get3A_2087 = tpu.vector_load %arg6[%get3A_2084, %get3A_2085, %get3A_2086] {strides = array<i32>} : memref<2x32x256xf32, #tpu.memory_space<vmem>>, vector<16xf32>,
        %mul3A_2088 = arith.constant 0x4B000000 : f32
        %mul3A_2089 = vector.broadcast %mul3A_2088 : f32 to vector<16xf32>
        %mul3A_2090 = arith.mulf %get3A_2087, %mul3A_2089 : vector<16xf32>
        %convert_element_type3A_2091 = arith.fptosi %mul3A_2090 : vector<16xf32> to vector<16xi32>
        %shift_left3A_2092 = arith.constant 8 : i32
        %shift_left3A_2093 = vector.broadcast %shift_left3A_2092 : i32 to vector<16xi32>
        %shift_left3A_2094 = arith.shli %convert_element_type3A_2091, %shift_left3A_2093 : vector<16xi32>
        %iota3A_2095 = tpu.iota {dimensions = array<i32: 0>} : vector<16xi32>
        %add3A_2096 = arith.constant 96 : i32
        %add3A_2097 = vector.broadcast %add3A_2096 : i32 to vector<16xi32>
        %add3A_2098 = arith.addi %iota3A_2095, %add3A_2097 : vector<16xi32>
        %or3A_2099 = arith.ori %shift_left3A_2094, %add3A_2098 : vector<16xi32>
        %bitcast_convert_type3A_2100 = tpu.bitcast %or3A_2099 : vector<16xi32> -> vector<16xi32>
        %masked_sort3A_2101 = arith.constant dense<true> : vector<16xi1>
        %masked_sort3A_2102, %masked_sort3A_2103, %masked_sort3A_2104 = tpu.sort %bitcast_convert_type3A_2100, %bitcast_convert_type3A_2100 masked %masked_sort3A_2101 : (vector<16xi32>, vector<16xi32>, vector<16xi1>) -> (vector<16xi1>, vector<16xi32>, vector<16xi32>)
        %get3A_2105 = arith.index_cast %rem3A_469 : i32 to index
        %get3A_2106 = arith.index_cast %add3A_1957 : i32 to index
        %get3A_2107 = arith.constant 112 : index
        %get3A_2108 = tpu.vector_load %arg6[%get3A_2105, %get3A_2106, %get3A_2107] {strides = array<i32>} : memref<2x32x256xf32, #tpu.memory_space<vmem>>, vector<16xf32>,
        %mul3A_2109 = arith.constant 0x4B000000 : f32
        %mul3A_2110 = vector.broadcast %mul3A_2109 : f32 to vector<16xf32>
        %mul3A_2111 = arith.mulf %get3A_2108, %mul3A_2110 : vector<16xf32>
        %convert_element_type3A_2112 = arith.fptosi %mul3A_2111 : vector<16xf32> to vector<16xi32>
        %shift_left3A_2113 = arith.constant 8 : i32
        %shift_left3A_2114 = vector.broadcast %shift_left3A_2113 : i32 to vector<16xi32>
        %shift_left3A_2115 = arith.shli %convert_element_type3A_2112, %shift_left3A_2114 : vector<16xi32>
        %iota3A_2116 = tpu.iota {dimensions = array<i32: 0>} : vector<16xi32>
        %add3A_2117 = arith.constant 112 : i32
        %add3A_2118 = vector.broadcast %add3A_2117 : i32 to vector<16xi32>
        %add3A_2119 = arith.addi %iota3A_2116, %add3A_2118 : vector<16xi32>
        %or3A_2120 = arith.ori %shift_left3A_2115, %add3A_2119 : vector<16xi32>
        %bitcast_convert_type3A_2121 = tpu.bitcast %or3A_2120 : vector<16xi32> -> vector<16xi32>
        %masked_sort3A_2122 = arith.constant dense<true> : vector<16xi1>
        %masked_sort3A_2123, %masked_sort3A_2124, %masked_sort3A_2125 = tpu.sort %bitcast_convert_type3A_2121, %bitcast_convert_type3A_2121 masked %masked_sort3A_2122 {descending = true} : (vector<16xi32>, vector<16xi32>, vector<16xi1>) -> (vector<16xi1>, vector<16xi32>, vector<16xi32>)
        %get3A_2126 = arith.index_cast %rem3A_469 : i32 to index
        %get3A_2127 = arith.index_cast %add3A_1957 : i32 to index
        %get3A_2128 = arith.constant 128 : index
        %get3A_2129 = tpu.vector_load %arg6[%get3A_2126, %get3A_2127, %get3A_2128] {strides = array<i32>} : memref<2x32x256xf32, #tpu.memory_space<vmem>>, vector<16xf32>,
        %mul3A_2130 = arith.constant 0x4B000000 : f32
        %mul3A_2131 = vector.broadcast %mul3A_2130 : f32 to vector<16xf32>
        %mul3A_2132 = arith.mulf %get3A_2129, %mul3A_2131 : vector<16xf32>
        %convert_element_type3A_2133 = arith.fptosi %mul3A_2132 : vector<16xf32> to vector<16xi32>
        %shift_left3A_2134 = arith.constant 8 : i32
        %shift_left3A_2135 = vector.broadcast %shift_left3A_2134 : i32 to vector<16xi32>
        %shift_left3A_2136 = arith.shli %convert_element_type3A_2133, %shift_left3A_2135 : vector<16xi32>
        %iota3A_2137 = tpu.iota {dimensions = array<i32: 0>} : vector<16xi32>
        %add3A_2138 = arith.constant 128 : i32
        %add3A_2139 = vector.broadcast %add3A_2138 : i32 to vector<16xi32>
        %add3A_2140 = arith.addi %iota3A_2137, %add3A_2139 : vector<16xi32>
        %or3A_2141 = arith.ori %shift_left3A_2136, %add3A_2140 : vector<16xi32>
        %bitcast_convert_type3A_2142 = tpu.bitcast %or3A_2141 : vector<16xi32> -> vector<16xi32>
        %masked_sort3A_2143 = arith.constant dense<true> : vector<16xi1>
        %masked_sort3A_2144, %masked_sort3A_2145, %masked_sort3A_2146 = tpu.sort %bitcast_convert_type3A_2142, %bitcast_convert_type3A_2142 masked %masked_sort3A_2143 : (vector<16xi32>, vector<16xi32>, vector<16xi1>) -> (vector<16xi1>, vector<16xi32>, vector<16xi32>)
        %get3A_2147 = arith.index_cast %rem3A_469 : i32 to index
        %get3A_2148 = arith.index_cast %add3A_1957 : i32 to index
        %get3A_2149 = arith.constant 144 : index
        %get3A_2150 = tpu.vector_load %arg6[%get3A_2147, %get3A_2148, %get3A_2149] {strides = array<i32>} : memref<2x32x256xf32, #tpu.memory_space<vmem>>, vector<16xf32>,
        %mul3A_2151 = arith.constant 0x4B000000 : f32
        %mul3A_2152 = vector.broadcast %mul3A_2151 : f32 to vector<16xf32>
        %mul3A_2153 = arith.mulf %get3A_2150, %mul3A_2152 : vector<16xf32>
        %convert_element_type3A_2154 = arith.fptosi %mul3A_2153 : vector<16xf32> to vector<16xi32>
        %shift_left3A_2155 = arith.constant 8 : i32
        %shift_left3A_2156 = vector.broadcast %shift_left3A_2155 : i32 to vector<16xi32>
        %shift_left3A_2157 = arith.shli %convert_element_type3A_2154, %shift_left3A_2156 : vector<16xi32>
        %iota3A_2158 = tpu.iota {dimensions = array<i32: 0>} : vector<16xi32>
        %add3A_2159 = arith.constant 144 : i32
        %add3A_2160 = vector.broadcast %add3A_2159 : i32 to vector<16xi32>
        %add3A_2161 = arith.addi %iota3A_2158, %add3A_2160 : vector<16xi32>
        %or3A_2162 = arith.ori %shift_left3A_2157, %add3A_2161 : vector<16xi32>
        %bitcast_convert_type3A_2163 = tpu.bitcast %or3A_2162 : vector<16xi32> -> vector<16xi32>
        %masked_sort3A_2164 = arith.constant dense<true> : vector<16xi1>
        %masked_sort3A_2165, %masked_sort3A_2166, %masked_sort3A_2167 = tpu.sort %bitcast_convert_type3A_2163, %bitcast_convert_type3A_2163 masked %masked_sort3A_2164 {descending = true} : (vector<16xi32>, vector<16xi32>, vector<16xi1>) -> (vector<16xi1>, vector<16xi32>, vector<16xi32>)
        %get3A_2168 = arith.index_cast %rem3A_469 : i32 to index
        %get3A_2169 = arith.index_cast %add3A_1957 : i32 to index
        %get3A_2170 = arith.constant 160 : index
        %get3A_2171 = tpu.vector_load %arg6[%get3A_2168, %get3A_2169, %get3A_2170] {strides = array<i32>} : memref<2x32x256xf32, #tpu.memory_space<vmem>>, vector<16xf32>,
        %mul3A_2172 = arith.constant 0x4B000000 : f32
        %mul3A_2173 = vector.broadcast %mul3A_2172 : f32 to vector<16xf32>
        %mul3A_2174 = arith.mulf %get3A_2171, %mul3A_2173 : vector<16xf32>
        %convert_element_type3A_2175 = arith.fptosi %mul3A_2174 : vector<16xf32> to vector<16xi32>
        %shift_left3A_2176 = arith.constant 8 : i32
        %shift_left3A_2177 = vector.broadcast %shift_left3A_2176 : i32 to vector<16xi32>
        %shift_left3A_2178 = arith.shli %convert_element_type3A_2175, %shift_left3A_2177 : vector<16xi32>
        %iota3A_2179 = tpu.iota {dimensions = array<i32: 0>} : vector<16xi32>
        %add3A_2180 = arith.constant 160 : i32
        %add3A_2181 = vector.broadcast %add3A_2180 : i32 to vector<16xi32>
        %add3A_2182 = arith.addi %iota3A_2179, %add3A_2181 : vector<16xi32>
        %or3A_2183 = arith.ori %shift_left3A_2178, %add3A_2182 : vector<16xi32>
        %bitcast_convert_type3A_2184 = tpu.bitcast %or3A_2183 : vector<16xi32> -> vector<16xi32>
        %masked_sort3A_2185 = arith.constant dense<true> : vector<16xi1>
        %masked_sort3A_2186, %masked_sort3A_2187, %masked_sort3A_2188 = tpu.sort %bitcast_convert_type3A_2184, %bitcast_convert_type3A_2184 masked %masked_sort3A_2185 : (vector<16xi32>, vector<16xi32>, vector<16xi1>) -> (vector<16xi1>, vector<16xi32>, vector<16xi32>)
        %get3A_2189 = arith.index_cast %rem3A_469 : i32 to index
        %get3A_2190 = arith.index_cast %add3A_1957 : i32 to index
        %get3A_2191 = arith.constant 176 : index
        %get3A_2192 = tpu.vector_load %arg6[%get3A_2189, %get3A_2190, %get3A_2191] {strides = array<i32>} : memref<2x32x256xf32, #tpu.memory_space<vmem>>, vector<16xf32>,
        %mul3A_2193 = arith.constant 0x4B000000 : f32
        %mul3A_2194 = vector.broadcast %mul3A_2193 : f32 to vector<16xf32>
        %mul3A_2195 = arith.mulf %get3A_2192, %mul3A_2194 : vector<16xf32>
        %convert_element_type3A_2196 = arith.fptosi %mul3A_2195 : vector<16xf32> to vector<16xi32>
        %shift_left3A_2197 = arith.constant 8 : i32
        %shift_left3A_2198 = vector.broadcast %shift_left3A_2197 : i32 to vector<16xi32>
        %shift_left3A_2199 = arith.shli %convert_element_type3A_2196, %shift_left3A_2198 : vector<16xi32>
        %iota3A_2200 = tpu.iota {dimensions = array<i32: 0>} : vector<16xi32>
        %add3A_2201 = arith.constant 176 : i32
        %add3A_2202 = vector.broadcast %add3A_2201 : i32 to vector<16xi32>
        %add3A_2203 = arith.addi %iota3A_2200, %add3A_2202 : vector<16xi32>
        %or3A_2204 = arith.ori %shift_left3A_2199, %add3A_2203 : vector<16xi32>
        %bitcast_convert_type3A_2205 = tpu.bitcast %or3A_2204 : vector<16xi32> -> vector<16xi32>
        %masked_sort3A_2206 = arith.constant dense<true> : vector<16xi1>
        %masked_sort3A_2207, %masked_sort3A_2208, %masked_sort3A_2209 = tpu.sort %bitcast_convert_type3A_2205, %bitcast_convert_type3A_2205 masked %masked_sort3A_2206 {descending = true} : (vector<16xi32>, vector<16xi32>, vector<16xi1>) -> (vector<16xi1>, vector<16xi32>, vector<16xi32>)
        %get3A_2210 = arith.index_cast %rem3A_469 : i32 to index
        %get3A_2211 = arith.index_cast %add3A_1957 : i32 to index
        %get3A_2212 = arith.constant 192 : index
        %get3A_2213 = tpu.vector_load %arg6[%get3A_2210, %get3A_2211, %get3A_2212] {strides = array<i32>} : memref<2x32x256xf32, #tpu.memory_space<vmem>>, vector<16xf32>,
        %mul3A_2214 = arith.constant 0x4B000000 : f32
        %mul3A_2215 = vector.broadcast %mul3A_2214 : f32 to vector<16xf32>
        %mul3A_2216 = arith.mulf %get3A_2213, %mul3A_2215 : vector<16xf32>
        %convert_element_type3A_2217 = arith.fptosi %mul3A_2216 : vector<16xf32> to vector<16xi32>
        %shift_left3A_2218 = arith.constant 8 : i32
        %shift_left3A_2219 = vector.broadcast %shift_left3A_2218 : i32 to vector<16xi32>
        %shift_left3A_2220 = arith.shli %convert_element_type3A_2217, %shift_left3A_2219 : vector<16xi32>
        %iota3A_2221 = tpu.iota {dimensions = array<i32: 0>} : vector<16xi32>
        %add3A_2222 = arith.constant 192 : i32
        %add3A_2223 = vector.broadcast %add3A_2222 : i32 to vector<16xi32>
        %add3A_2224 = arith.addi %iota3A_2221, %add3A_2223 : vector<16xi32>
        %or3A_2225 = arith.ori %shift_left3A_2220, %add3A_2224 : vector<16xi32>
        %bitcast_convert_type3A_2226 = tpu.bitcast %or3A_2225 : vector<16xi32> -> vector<16xi32>
        %masked_sort3A_2227 = arith.constant dense<true> : vector<16xi1>
        %masked_sort3A_2228, %masked_sort3A_2229, %masked_sort3A_2230 = tpu.sort %bitcast_convert_type3A_2226, %bitcast_convert_type3A_2226 masked %masked_sort3A_2227 : (vector<16xi32>, vector<16xi32>, vector<16xi1>) -> (vector<16xi1>, vector<16xi32>, vector<16xi32>)
        %get3A_2231 = arith.index_cast %rem3A_469 : i32 to index
        %get3A_2232 = arith.index_cast %add3A_1957 : i32 to index
        %get3A_2233 = arith.constant 208 : index
        %get3A_2234 = tpu.vector_load %arg6[%get3A_2231, %get3A_2232, %get3A_2233] {strides = array<i32>} : memref<2x32x256xf32, #tpu.memory_space<vmem>>, vector<16xf32>,
        %mul3A_2235 = arith.constant 0x4B000000 : f32
        %mul3A_2236 = vector.broadcast %mul3A_2235 : f32 to vector<16xf32>
        %mul3A_2237 = arith.mulf %get3A_2234, %mul3A_2236 : vector<16xf32>
        %convert_element_type3A_2238 = arith.fptosi %mul3A_2237 : vector<16xf32> to vector<16xi32>
        %shift_left3A_2239 = arith.constant 8 : i32
        %shift_left3A_2240 = vector.broadcast %shift_left3A_2239 : i32 to vector<16xi32>
        %shift_left3A_2241 = arith.shli %convert_element_type3A_2238, %shift_left3A_2240 : vector<16xi32>
        %iota3A_2242 = tpu.iota {dimensions = array<i32: 0>} : vector<16xi32>
        %add3A_2243 = arith.constant 208 : i32
        %add3A_2244 = vector.broadcast %add3A_2243 : i32 to vector<16xi32>
        %add3A_2245 = arith.addi %iota3A_2242, %add3A_2244 : vector<16xi32>
        %or3A_2246 = arith.ori %shift_left3A_2241, %add3A_2245 : vector<16xi32>
        %bitcast_convert_type3A_2247 = tpu.bitcast %or3A_2246 : vector<16xi32> -> vector<16xi32>
        %masked_sort3A_2248 = arith.constant dense<true> : vector<16xi1>
        %masked_sort3A_2249, %masked_sort3A_2250, %masked_sort3A_2251 = tpu.sort %bitcast_convert_type3A_2247, %bitcast_convert_type3A_2247 masked %masked_sort3A_2248 {descending = true} : (vector<16xi32>, vector<16xi32>, vector<16xi1>) -> (vector<16xi1>, vector<16xi32>, vector<16xi32>)
        %get3A_2252 = arith.index_cast %rem3A_469 : i32 to index
        %get3A_2253 = arith.index_cast %add3A_1957 : i32 to index
        %get3A_2254 = arith.constant 224 : index
        %get3A_2255 = tpu.vector_load %arg6[%get3A_2252, %get3A_2253, %get3A_2254] {strides = array<i32>} : memref<2x32x256xf32, #tpu.memory_space<vmem>>, vector<16xf32>,
        %mul3A_2256 = arith.constant 0x4B000000 : f32
        %mul3A_2257 = vector.broadcast %mul3A_2256 : f32 to vector<16xf32>
        %mul3A_2258 = arith.mulf %get3A_2255, %mul3A_2257 : vector<16xf32>
        %convert_element_type3A_2259 = arith.fptosi %mul3A_2258 : vector<16xf32> to vector<16xi32>
        %shift_left3A_2260 = arith.constant 8 : i32
        %shift_left3A_2261 = vector.broadcast %shift_left3A_2260 : i32 to vector<16xi32>
        %shift_left3A_2262 = arith.shli %convert_element_type3A_2259, %shift_left3A_2261 : vector<16xi32>
        %iota3A_2263 = tpu.iota {dimensions = array<i32: 0>} : vector<16xi32>
        %add3A_2264 = arith.constant 224 : i32
        %add3A_2265 = vector.broadcast %add3A_2264 : i32 to vector<16xi32>
        %add3A_2266 = arith.addi %iota3A_2263, %add3A_2265 : vector<16xi32>
        %or3A_2267 = arith.ori %shift_left3A_2262, %add3A_2266 : vector<16xi32>
        %bitcast_convert_type3A_2268 = tpu.bitcast %or3A_2267 : vector<16xi32> -> vector<16xi32>
        %masked_sort3A_2269 = arith.constant dense<true> : vector<16xi1>
        %masked_sort3A_2270, %masked_sort3A_2271, %masked_sort3A_2272 = tpu.sort %bitcast_convert_type3A_2268, %bitcast_convert_type3A_2268 masked %masked_sort3A_2269 : (vector<16xi32>, vector<16xi32>, vector<16xi1>) -> (vector<16xi1>, vector<16xi32>, vector<16xi32>)
        %get3A_2273 = arith.index_cast %rem3A_469 : i32 to index
        %get3A_2274 = arith.index_cast %add3A_1957 : i32 to index
        %get3A_2275 = arith.constant 240 : index
        %get3A_2276 = tpu.vector_load %arg6[%get3A_2273, %get3A_2274, %get3A_2275] {strides = array<i32>} : memref<2x32x256xf32, #tpu.memory_space<vmem>>, vector<16xf32>,
        %mul3A_2277 = arith.constant 0x4B000000 : f32
        %mul3A_2278 = vector.broadcast %mul3A_2277 : f32 to vector<16xf32>
        %mul3A_2279 = arith.mulf %get3A_2276, %mul3A_2278 : vector<16xf32>
        %convert_element_type3A_2280 = arith.fptosi %mul3A_2279 : vector<16xf32> to vector<16xi32>
        %shift_left3A_2281 = arith.constant 8 : i32
        %shift_left3A_2282 = vector.broadcast %shift_left3A_2281 : i32 to vector<16xi32>
        %shift_left3A_2283 = arith.shli %convert_element_type3A_2280, %shift_left3A_2282 : vector<16xi32>
        %iota3A_2284 = tpu.iota {dimensions = array<i32: 0>} : vector<16xi32>
        %add3A_2285 = arith.constant 240 : i32
        %add3A_2286 = vector.broadcast %add3A_2285 : i32 to vector<16xi32>
        %add3A_2287 = arith.addi %iota3A_2284, %add3A_2286 : vector<16xi32>
        %or3A_2288 = arith.ori %shift_left3A_2283, %add3A_2287 : vector<16xi32>
        %bitcast_convert_type3A_2289 = tpu.bitcast %or3A_2288 : vector<16xi32> -> vector<16xi32>
        %masked_sort3A_2290 = arith.constant dense<true> : vector<16xi1>
        %masked_sort3A_2291, %masked_sort3A_2292, %masked_sort3A_2293 = tpu.sort %bitcast_convert_type3A_2289, %bitcast_convert_type3A_2289 masked %masked_sort3A_2290 {descending = true} : (vector<16xi32>, vector<16xi32>, vector<16xi1>) -> (vector<16xi1>, vector<16xi32>, vector<16xi32>)
        %min3A_2294 = arith.minui %masked_sort3A_1977, %masked_sort3A_1998 : vector<16xi32>
        %max3A_2295 = arith.maxui %masked_sort3A_1977, %masked_sort3A_1998 : vector<16xi32>
        %masked_sort3A_2296 = arith.constant dense<true> : vector<16xi1>
        %masked_sort3A_2297, %masked_sort3A_2298, %masked_sort3A_2299 = tpu.sort %min3A_2294, %min3A_2294 masked %masked_sort3A_2296 : (vector<16xi32>, vector<16xi32>, vector<16xi1>) -> (vector<16xi1>, vector<16xi32>, vector<16xi32>)
        %masked_sort3A_2300 = arith.constant dense<true> : vector<16xi1>
        %masked_sort3A_2301, %masked_sort3A_2302, %masked_sort3A_2303 = tpu.sort %max3A_2295, %max3A_2295 masked %masked_sort3A_2300 : (vector<16xi32>, vector<16xi32>, vector<16xi1>) -> (vector<16xi1>, vector<16xi32>, vector<16xi32>)
        %min3A_2304 = arith.minui %masked_sort3A_2019, %masked_sort3A_2040 : vector<16xi32>
        %max3A_2305 = arith.maxui %masked_sort3A_2019, %masked_sort3A_2040 : vector<16xi32>
        %masked_sort3A_2306 = arith.constant dense<true> : vector<16xi1>
        %masked_sort3A_2307, %masked_sort3A_2308, %masked_sort3A_2309 = tpu.sort %max3A_2305, %max3A_2305 masked %masked_sort3A_2306 {descending = true} : (vector<16xi32>, vector<16xi32>, vector<16xi1>) -> (vector<16xi1>, vector<16xi32>, vector<16xi32>)
        %masked_sort3A_2310 = arith.constant dense<true> : vector<16xi1>
        %masked_sort3A_2311, %masked_sort3A_2312, %masked_sort3A_2313 = tpu.sort %min3A_2304, %min3A_2304 masked %masked_sort3A_2310 {descending = true} : (vector<16xi32>, vector<16xi32>, vector<16xi1>) -> (vector<16xi1>, vector<16xi32>, vector<16xi32>)
        %min3A_2314 = arith.minui %masked_sort3A_2061, %masked_sort3A_2082 : vector<16xi32>
        %max3A_2315 = arith.maxui %masked_sort3A_2061, %masked_sort3A_2082 : vector<16xi32>
        %masked_sort3A_2316 = arith.constant dense<true> : vector<16xi1>
        %masked_sort3A_2317, %masked_sort3A_2318, %masked_sort3A_2319 = tpu.sort %min3A_2314, %min3A_2314 masked %masked_sort3A_2316 : (vector<16xi32>, vector<16xi32>, vector<16xi1>) -> (vector<16xi1>, vector<16xi32>, vector<16xi32>)
        %masked_sort3A_2320 = arith.constant dense<true> : vector<16xi1>
        %masked_sort3A_2321, %masked_sort3A_2322, %masked_sort3A_2323 = tpu.sort %max3A_2315, %max3A_2315 masked %masked_sort3A_2320 : (vector<16xi32>, vector<16xi32>, vector<16xi1>) -> (vector<16xi1>, vector<16xi32>, vector<16xi32>)
        %min3A_2324 = arith.minui %masked_sort3A_2103, %masked_sort3A_2124 : vector<16xi32>
        %max3A_2325 = arith.maxui %masked_sort3A_2103, %masked_sort3A_2124 : vector<16xi32>
        %masked_sort3A_2326 = arith.constant dense<true> : vector<16xi1>
        %masked_sort3A_2327, %masked_sort3A_2328, %masked_sort3A_2329 = tpu.sort %max3A_2325, %max3A_2325 masked %masked_sort3A_2326 {descending = true} : (vector<16xi32>, vector<16xi32>, vector<16xi1>) -> (vector<16xi1>, vector<16xi32>, vector<16xi32>)
        %masked_sort3A_2330 = arith.constant dense<true> : vector<16xi1>
        %masked_sort3A_2331, %masked_sort3A_2332, %masked_sort3A_2333 = tpu.sort %min3A_2324, %min3A_2324 masked %masked_sort3A_2330 {descending = true} : (vector<16xi32>, vector<16xi32>, vector<16xi1>) -> (vector<16xi1>, vector<16xi32>, vector<16xi32>)
        %min3A_2334 = arith.minui %masked_sort3A_2145, %masked_sort3A_2166 : vector<16xi32>
        %max3A_2335 = arith.maxui %masked_sort3A_2145, %masked_sort3A_2166 : vector<16xi32>
        %masked_sort3A_2336 = arith.constant dense<true> : vector<16xi1>
        %masked_sort3A_2337, %masked_sort3A_2338, %masked_sort3A_2339 = tpu.sort %min3A_2334, %min3A_2334 masked %masked_sort3A_2336 : (vector<16xi32>, vector<16xi32>, vector<16xi1>) -> (vector<16xi1>, vector<16xi32>, vector<16xi32>)
        %masked_sort3A_2340 = arith.constant dense<true> : vector<16xi1>
        %masked_sort3A_2341, %masked_sort3A_2342, %masked_sort3A_2343 = tpu.sort %max3A_2335, %max3A_2335 masked %masked_sort3A_2340 : (vector<16xi32>, vector<16xi32>, vector<16xi1>) -> (vector<16xi1>, vector<16xi32>, vector<16xi32>)
        %min3A_2344 = arith.minui %masked_sort3A_2187, %masked_sort3A_2208 : vector<16xi32>
        %max3A_2345 = arith.maxui %masked_sort3A_2187, %masked_sort3A_2208 : vector<16xi32>
        %masked_sort3A_2346 = arith.constant dense<true> : vector<16xi1>
        %masked_sort3A_2347, %masked_sort3A_2348, %masked_sort3A_2349 = tpu.sort %max3A_2345, %max3A_2345 masked %masked_sort3A_2346 {descending = true} : (vector<16xi32>, vector<16xi32>, vector<16xi1>) -> (vector<16xi1>, vector<16xi32>, vector<16xi32>)
        %masked_sort3A_2350 = arith.constant dense<true> : vector<16xi1>
        %masked_sort3A_2351, %masked_sort3A_2352, %masked_sort3A_2353 = tpu.sort %min3A_2344, %min3A_2344 masked %masked_sort3A_2350 {descending = true} : (vector<16xi32>, vector<16xi32>, vector<16xi1>) -> (vector<16xi1>, vector<16xi32>, vector<16xi32>)
        %min3A_2354 = arith.minui %masked_sort3A_2229, %masked_sort3A_2250 : vector<16xi32>
        %max3A_2355 = arith.maxui %masked_sort3A_2229, %masked_sort3A_2250 : vector<16xi32>
        %masked_sort3A_2356 = arith.constant dense<true> : vector<16xi1>
        %masked_sort3A_2357, %masked_sort3A_2358, %masked_sort3A_2359 = tpu.sort %min3A_2354, %min3A_2354 masked %masked_sort3A_2356 : (vector<16xi32>, vector<16xi32>, vector<16xi1>) -> (vector<16xi1>, vector<16xi32>, vector<16xi32>)
        %masked_sort3A_2360 = arith.constant dense<true> : vector<16xi1>
        %masked_sort3A_2361, %masked_sort3A_2362, %masked_sort3A_2363 = tpu.sort %max3A_2355, %max3A_2355 masked %masked_sort3A_2360 : (vector<16xi32>, vector<16xi32>, vector<16xi1>) -> (vector<16xi1>, vector<16xi32>, vector<16xi32>)
        %min3A_2364 = arith.minui %masked_sort3A_2271, %masked_sort3A_2292 : vector<16xi32>
        %max3A_2365 = arith.maxui %masked_sort3A_2271, %masked_sort3A_2292 : vector<16xi32>
        %masked_sort3A_2366 = arith.constant dense<true> : vector<16xi1>
        %masked_sort3A_2367, %masked_sort3A_2368, %masked_sort3A_2369 = tpu.sort %max3A_2365, %max3A_2365 masked %masked_sort3A_2366 {descending = true} : (vector<16xi32>, vector<16xi32>, vector<16xi1>) -> (vector<16xi1>, vector<16xi32>, vector<16xi32>)
        %masked_sort3A_2370 = arith.constant dense<true> : vector<16xi1>
        %masked_sort3A_2371, %masked_sort3A_2372, %masked_sort3A_2373 = tpu.sort %min3A_2364, %min3A_2364 masked %masked_sort3A_2370 {descending = true} : (vector<16xi32>, vector<16xi32>, vector<16xi1>) -> (vector<16xi1>, vector<16xi32>, vector<16xi32>)
        %min3A_2374 = arith.minui %masked_sort3A_2298, %masked_sort3A_2308 : vector<16xi32>
        %min3A_2375 = arith.minui %masked_sort3A_2302, %masked_sort3A_2312 : vector<16xi32>
        %min3A_2376 = arith.minui %min3A_2374, %min3A_2375 : vector<16xi32>
        %max3A_2377 = arith.maxui %min3A_2374, %min3A_2375 : vector<16xi32>
        %masked_sort3A_2378 = arith.constant dense<true> : vector<16xi1>
        %masked_sort3A_2379, %masked_sort3A_2380, %masked_sort3A_2381 = tpu.sort %min3A_2376, %min3A_2376 masked %masked_sort3A_2378 : (vector<16xi32>, vector<16xi32>, vector<16xi1>) -> (vector<16xi1>, vector<16xi32>, vector<16xi32>)
        %masked_sort3A_2382 = arith.constant dense<true> : vector<16xi1>
        %masked_sort3A_2383, %masked_sort3A_2384, %masked_sort3A_2385 = tpu.sort %max3A_2377, %max3A_2377 masked %masked_sort3A_2382 : (vector<16xi32>, vector<16xi32>, vector<16xi1>) -> (vector<16xi1>, vector<16xi32>, vector<16xi32>)
        %min3A_2386 = arith.minui %masked_sort3A_2318, %masked_sort3A_2328 : vector<16xi32>
        %min3A_2387 = arith.minui %masked_sort3A_2322, %masked_sort3A_2332 : vector<16xi32>
        %min3A_2388 = arith.minui %min3A_2386, %min3A_2387 : vector<16xi32>
        %max3A_2389 = arith.maxui %min3A_2386, %min3A_2387 : vector<16xi32>
        %masked_sort3A_2390 = arith.constant dense<true> : vector<16xi1>
        %masked_sort3A_2391, %masked_sort3A_2392, %masked_sort3A_2393 = tpu.sort %max3A_2389, %max3A_2389 masked %masked_sort3A_2390 {descending = true} : (vector<16xi32>, vector<16xi32>, vector<16xi1>) -> (vector<16xi1>, vector<16xi32>, vector<16xi32>)
        %masked_sort3A_2394 = arith.constant dense<true> : vector<16xi1>
        %masked_sort3A_2395, %masked_sort3A_2396, %masked_sort3A_2397 = tpu.sort %min3A_2388, %min3A_2388 masked %masked_sort3A_2394 {descending = true} : (vector<16xi32>, vector<16xi32>, vector<16xi1>) -> (vector<16xi1>, vector<16xi32>, vector<16xi32>)
        %min3A_2398 = arith.minui %masked_sort3A_2338, %masked_sort3A_2348 : vector<16xi32>
        %min3A_2399 = arith.minui %masked_sort3A_2342, %masked_sort3A_2352 : vector<16xi32>
        %min3A_2400 = arith.minui %min3A_2398, %min3A_2399 : vector<16xi32>
        %max3A_2401 = arith.maxui %min3A_2398, %min3A_2399 : vector<16xi32>
        %masked_sort3A_2402 = arith.constant dense<true> : vector<16xi1>
        %masked_sort3A_2403, %masked_sort3A_2404, %masked_sort3A_2405 = tpu.sort %min3A_2400, %min3A_2400 masked %masked_sort3A_2402 : (vector<16xi32>, vector<16xi32>, vector<16xi1>) -> (vector<16xi1>, vector<16xi32>, vector<16xi32>)
        %masked_sort3A_2406 = arith.constant dense<true> : vector<16xi1>
        %masked_sort3A_2407, %masked_sort3A_2408, %masked_sort3A_2409 = tpu.sort %max3A_2401, %max3A_2401 masked %masked_sort3A_2406 : (vector<16xi32>, vector<16xi32>, vector<16xi1>) -> (vector<16xi1>, vector<16xi32>, vector<16xi32>)
        %min3A_2410 = arith.minui %masked_sort3A_2358, %masked_sort3A_2368 : vector<16xi32>
        %min3A_2411 = arith.minui %masked_sort3A_2362, %masked_sort3A_2372 : vector<16xi32>
        %min3A_2412 = arith.minui %min3A_2410, %min3A_2411 : vector<16xi32>
        %max3A_2413 = arith.maxui %min3A_2410, %min3A_2411 : vector<16xi32>
        %masked_sort3A_2414 = arith.constant dense<true> : vector<16xi1>
        %masked_sort3A_2415, %masked_sort3A_2416, %masked_sort3A_2417 = tpu.sort %max3A_2413, %max3A_2413 masked %masked_sort3A_2414 {descending = true} : (vector<16xi32>, vector<16xi32>, vector<16xi1>) -> (vector<16xi1>, vector<16xi32>, vector<16xi32>)
        %masked_sort3A_2418 = arith.constant dense<true> : vector<16xi1>
        %masked_sort3A_2419, %masked_sort3A_2420, %masked_sort3A_2421 = tpu.sort %min3A_2412, %min3A_2412 masked %masked_sort3A_2418 {descending = true} : (vector<16xi32>, vector<16xi32>, vector<16xi1>) -> (vector<16xi1>, vector<16xi32>, vector<16xi32>)
        %min3A_2422 = arith.minui %masked_sort3A_2380, %masked_sort3A_2392 : vector<16xi32>
        %min3A_2423 = arith.minui %masked_sort3A_2384, %masked_sort3A_2396 : vector<16xi32>
        %min3A_2424 = arith.minui %min3A_2422, %min3A_2423 : vector<16xi32>
        %max3A_2425 = arith.maxui %min3A_2422, %min3A_2423 : vector<16xi32>
        %masked_sort3A_2426 = arith.constant dense<true> : vector<16xi1>
        %masked_sort3A_2427, %masked_sort3A_2428, %masked_sort3A_2429 = tpu.sort %min3A_2424, %min3A_2424 masked %masked_sort3A_2426 : (vector<16xi32>, vector<16xi32>, vector<16xi1>) -> (vector<16xi1>, vector<16xi32>, vector<16xi32>)
        %masked_sort3A_2430 = arith.constant dense<true> : vector<16xi1>
        %masked_sort3A_2431, %masked_sort3A_2432, %masked_sort3A_2433 = tpu.sort %max3A_2425, %max3A_2425 masked %masked_sort3A_2430 : (vector<16xi32>, vector<16xi32>, vector<16xi1>) -> (vector<16xi1>, vector<16xi32>, vector<16xi32>)
        %min3A_2434 = arith.minui %masked_sort3A_2404, %masked_sort3A_2416 : vector<16xi32>
        %min3A_2435 = arith.minui %masked_sort3A_2408, %masked_sort3A_2420 : vector<16xi32>
        %min3A_2436 = arith.minui %min3A_2434, %min3A_2435 : vector<16xi32>
        %max3A_2437 = arith.maxui %min3A_2434, %min3A_2435 : vector<16xi32>
        %masked_sort3A_2438 = arith.constant dense<true> : vector<16xi1>
        %masked_sort3A_2439, %masked_sort3A_2440, %masked_sort3A_2441 = tpu.sort %max3A_2437, %max3A_2437 masked %masked_sort3A_2438 {descending = true} : (vector<16xi32>, vector<16xi32>, vector<16xi1>) -> (vector<16xi1>, vector<16xi32>, vector<16xi32>)
        %masked_sort3A_2442 = arith.constant dense<true> : vector<16xi1>
        %masked_sort3A_2443, %masked_sort3A_2444, %masked_sort3A_2445 = tpu.sort %min3A_2436, %min3A_2436 masked %masked_sort3A_2442 {descending = true} : (vector<16xi32>, vector<16xi32>, vector<16xi1>) -> (vector<16xi1>, vector<16xi32>, vector<16xi32>)
        %min3A_2446 = arith.minui %masked_sort3A_2428, %masked_sort3A_2440 : vector<16xi32>
        %min3A_2447 = arith.minui %masked_sort3A_2432, %masked_sort3A_2444 : vector<16xi32>
        %min3A_2448 = arith.minui %min3A_2446, %min3A_2447 : vector<16xi32>
        %max3A_2449 = arith.maxui %min3A_2446, %min3A_2447 : vector<16xi32>
        %masked_sort3A_2450 = arith.constant dense<true> : vector<16xi1>
        %masked_sort3A_2451, %masked_sort3A_2452, %masked_sort3A_2453 = tpu.sort %min3A_2448, %min3A_2448 masked %masked_sort3A_2450 : (vector<16xi32>, vector<16xi32>, vector<16xi1>) -> (vector<16xi1>, vector<16xi32>, vector<16xi32>)
        %masked_sort3A_2454 = arith.constant dense<true> : vector<16xi1>
        %masked_sort3A_2455, %masked_sort3A_2456, %masked_sort3A_2457 = tpu.sort %max3A_2449, %max3A_2449 masked %masked_sort3A_2454 : (vector<16xi32>, vector<16xi32>, vector<16xi1>) -> (vector<16xi1>, vector<16xi32>, vector<16xi32>)
        %bitcast_convert_type3A_2458 = tpu.bitcast %masked_sort3A_2452 : vector<16xi32> -> vector<16xi32>
        %and3A_2459 = arith.constant 255 : i32
        %and3A_2460 = vector.broadcast %and3A_2459 : i32 to vector<16xi32>
        %and3A_2461 = arith.andi %bitcast_convert_type3A_2458, %and3A_2460 : vector<16xi32>
        %bitcast_convert_type3A_2462 = tpu.bitcast %masked_sort3A_2456 : vector<16xi32> -> vector<16xi32>
        %and3A_2463 = arith.constant 255 : i32
        %and3A_2464 = vector.broadcast %and3A_2463 : i32 to vector<16xi32>
        %and3A_2465 = arith.andi %bitcast_convert_type3A_2462, %and3A_2464 : vector<16xi32>
        %swap3A_2466 = arith.index_cast %rem3A_469 : i32 to index
        %swap3A_2467 = arith.index_cast %add3A_1957 : i32 to index
        %swap3A_2468 = arith.constant 0 : index
        %swap3A_2469 = tpu.vector_load %arg9[%swap3A_2466, %swap3A_2467, %swap3A_2468] {strides = array<i32>} : memref<2x32x32xi32, #tpu.memory_space<vmem>>, vector<16xi32>,
        tpu.vector_store %arg9[%swap3A_2466, %swap3A_2467, %swap3A_2468], %and3A_2461 {strides = array<i32>} : memref<2x32x32xi32, #tpu.memory_space<vmem>>, vector<16xi32>,
        %swap3A_2470 = arith.index_cast %rem3A_469 : i32 to index
        %swap3A_2471 = arith.index_cast %add3A_1957 : i32 to index
        %swap3A_2472 = arith.constant 16 : index
        %swap3A_2473 = tpu.vector_load %arg9[%swap3A_2470, %swap3A_2471, %swap3A_2472] {strides = array<i32>} : memref<2x32x32xi32, #tpu.memory_space<vmem>>, vector<16xi32>,
        tpu.vector_store %arg9[%swap3A_2470, %swap3A_2471, %swap3A_2472], %and3A_2465 {strides = array<i32>} : memref<2x32x32xi32, #tpu.memory_space<vmem>>, vector<16xi32>,
        %shift_right_arithmetic3A_2474 = arith.constant 4 : i32
        %shift_right_arithmetic3A_2475 = vector.broadcast %shift_right_arithmetic3A_2474 : i32 to vector<16xi32>
        %shift_right_arithmetic3A_2476 = arith.shrsi %and3A_2461, %shift_right_arithmetic3A_2475 : vector<16xi32>
        %shift_right_arithmetic3A_2477 = arith.constant 4 : i32
        %shift_right_arithmetic3A_2478 = vector.broadcast %shift_right_arithmetic3A_2477 : i32 to vector<16xi32>
        %shift_right_arithmetic3A_2479 = arith.shrsi %and3A_2465, %shift_right_arithmetic3A_2478 : vector<16xi32>
        %mul3A_2480 = arith.constant 16 : i32
        %mul3A_2481 = arith.muli %add3A_1957, %mul3A_2480 : i32
        %and3A_2482 = arith.constant 15 : i32
        %and3A_2483 = vector.broadcast %and3A_2482 : i32 to vector<16xi32>
        %and3A_2484 = arith.andi %and3A_2461, %and3A_2483 : vector<16xi32>
        %add3A_2485 = vector.broadcast %mul3A_2481 : i32 to vector<16xi32>
        %add3A_2486 = arith.addi %add3A_2485, %and3A_2484 : vector<16xi32>
        %mul3A_2487 = arith.constant 16 : i32
        %mul3A_2488 = arith.muli %add3A_1957, %mul3A_2487 : i32
        %and3A_2489 = arith.constant 15 : i32
        %and3A_2490 = vector.broadcast %and3A_2489 : i32 to vector<16xi32>
        %and3A_2491 = arith.andi %and3A_2465, %and3A_2490 : vector<16xi32>
        %add3A_2492 = vector.broadcast %mul3A_2488 : i32 to vector<16xi32>
        %add3A_2493 = arith.addi %add3A_2492, %and3A_2491 : vector<16xi32>
        %broadcast_in_dim3A_2494 = vector.broadcast %rem3A_469 : i32 to vector<16xi32>
        %add3A_2495 = arith.constant 0 : i32
        %add3A_2496 = vector.broadcast %add3A_2495 : i32 to vector<16xi32>
        %add3A_2497 = arith.addi %shift_right_arithmetic3A_2476, %add3A_2496 : vector<16xi32>
        %gather3A_2498 = tpu.vector_load_idx %arg7[%broadcast_in_dim3A_2494, %add3A_2497, %add3A_2486] : memref<2x48x512xf32, #tpu.memory_space<vmem>>[vector<16xi32>, vector<16xi32>, vector<16xi32>], vector<16xf32>,
        %swap3A_2499 = arith.constant 0 : i32
        %swap3A_2500 = arith.index_cast %rem3A_469 : i32 to index
        %swap3A_2501 = arith.index_cast %swap3A_2499 : i32 to index
        %swap3A_2502 = arith.index_cast %add3A_1957 : i32 to index
        %swap3A_2503 = arith.constant 0 : index
        %swap3A_2504 = tpu.vector_load %arg8[%swap3A_2500, %swap3A_2501, %swap3A_2502, %swap3A_2503] {strides = array<i32>} : memref<2x3x32x32xf32, #tpu.memory_space<vmem>>, vector<16xf32>,
        tpu.vector_store %arg8[%swap3A_2500, %swap3A_2501, %swap3A_2502, %swap3A_2503], %gather3A_2498 {strides = array<i32>} : memref<2x3x32x32xf32, #tpu.memory_space<vmem>>, vector<16xf32>,
        %add3A_2505 = arith.constant 0 : i32
        %add3A_2506 = vector.broadcast %add3A_2505 : i32 to vector<16xi32>
        %add3A_2507 = arith.addi %shift_right_arithmetic3A_2479, %add3A_2506 : vector<16xi32>
        %gather3A_2508 = tpu.vector_load_idx %arg7[%broadcast_in_dim3A_2494, %add3A_2507, %add3A_2493] : memref<2x48x512xf32, #tpu.memory_space<vmem>>[vector<16xi32>, vector<16xi32>, vector<16xi32>], vector<16xf32>,
        %swap3A_2509 = arith.constant 0 : i32
        %swap3A_2510 = arith.index_cast %rem3A_469 : i32 to index
        %swap3A_2511 = arith.index_cast %swap3A_2509 : i32 to index
        %swap3A_2512 = arith.index_cast %add3A_1957 : i32 to index
        %swap3A_2513 = arith.constant 16 : index
        %swap3A_2514 = tpu.vector_load %arg8[%swap3A_2510, %swap3A_2511, %swap3A_2512, %swap3A_2513] {strides = array<i32>} : memref<2x3x32x32xf32, #tpu.memory_space<vmem>>, vector<16xf32>,
        tpu.vector_store %arg8[%swap3A_2510, %swap3A_2511, %swap3A_2512, %swap3A_2513], %gather3A_2508 {strides = array<i32>} : memref<2x3x32x32xf32, #tpu.memory_space<vmem>>, vector<16xf32>,
        %add3A_2515 = arith.constant 16 : i32
        %add3A_2516 = vector.broadcast %add3A_2515 : i32 to vector<16xi32>
        %add3A_2517 = arith.addi %shift_right_arithmetic3A_2476, %add3A_2516 : vector<16xi32>
        %gather3A_2518 = tpu.vector_load_idx %arg7[%broadcast_in_dim3A_2494, %add3A_2517, %add3A_2486] : memref<2x48x512xf32, #tpu.memory_space<vmem>>[vector<16xi32>, vector<16xi32>, vector<16xi32>], vector<16xf32>,
        %swap3A_2519 = arith.constant 1 : i32
        %swap3A_2520 = arith.index_cast %rem3A_469 : i32 to index
        %swap3A_2521 = arith.index_cast %swap3A_2519 : i32 to index
        %swap3A_2522 = arith.index_cast %add3A_1957 : i32 to index
        %swap3A_2523 = arith.constant 0 : index
        %swap3A_2524 = tpu.vector_load %arg8[%swap3A_2520, %swap3A_2521, %swap3A_2522, %swap3A_2523] {strides = array<i32>} : memref<2x3x32x32xf32, #tpu.memory_space<vmem>>, vector<16xf32>,
        tpu.vector_store %arg8[%swap3A_2520, %swap3A_2521, %swap3A_2522, %swap3A_2523], %gather3A_2518 {strides = array<i32>} : memref<2x3x32x32xf32, #tpu.memory_space<vmem>>, vector<16xf32>,
        %add3A_2525 = arith.constant 16 : i32
        %add3A_2526 = vector.broadcast %add3A_2525 : i32 to vector<16xi32>
        %add3A_2527 = arith.addi %shift_right_arithmetic3A_2479, %add3A_2526 : vector<16xi32>
        %gather3A_2528 = tpu.vector_load_idx %arg7[%broadcast_in_dim3A_2494, %add3A_2527, %add3A_2493] : memref<2x48x512xf32, #tpu.memory_space<vmem>>[vector<16xi32>, vector<16xi32>, vector<16xi32>], vector<16xf32>,
        %swap3A_2529 = arith.constant 1 : i32
        %swap3A_2530 = arith.index_cast %rem3A_469 : i32 to index
        %swap3A_2531 = arith.index_cast %swap3A_2529 : i32 to index
        %swap3A_2532 = arith.index_cast %add3A_1957 : i32 to index
        %swap3A_2533 = arith.constant 16 : index
        %swap3A_2534 = tpu.vector_load %arg8[%swap3A_2530, %swap3A_2531, %swap3A_2532, %swap3A_2533] {strides = array<i32>} : memref<2x3x32x32xf32, #tpu.memory_space<vmem>>, vector<16xf32>,
        tpu.vector_store %arg8[%swap3A_2530, %swap3A_2531, %swap3A_2532, %swap3A_2533], %gather3A_2528 {strides = array<i32>} : memref<2x3x32x32xf32, #tpu.memory_space<vmem>>, vector<16xf32>,
        %add3A_2535 = arith.constant 32 : i32
        %add3A_2536 = vector.broadcast %add3A_2535 : i32 to vector<16xi32>
        %add3A_2537 = arith.addi %shift_right_arithmetic3A_2476, %add3A_2536 : vector<16xi32>
        %gather3A_2538 = tpu.vector_load_idx %arg7[%broadcast_in_dim3A_2494, %add3A_2537, %add3A_2486] : memref<2x48x512xf32, #tpu.memory_space<vmem>>[vector<16xi32>, vector<16xi32>, vector<16xi32>], vector<16xf32>,
        %swap3A_2539 = arith.constant 2 : i32
        %swap3A_2540 = arith.index_cast %rem3A_469 : i32 to index
        %swap3A_2541 = arith.index_cast %swap3A_2539 : i32 to index
        %swap3A_2542 = arith.index_cast %add3A_1957 : i32 to index
        %swap3A_2543 = arith.constant 0 : index
        %swap3A_2544 = tpu.vector_load %arg8[%swap3A_2540, %swap3A_2541, %swap3A_2542, %swap3A_2543] {strides = array<i32>} : memref<2x3x32x32xf32, #tpu.memory_space<vmem>>, vector<16xf32>,
        tpu.vector_store %arg8[%swap3A_2540, %swap3A_2541, %swap3A_2542, %swap3A_2543], %gather3A_2538 {strides = array<i32>} : memref<2x3x32x32xf32, #tpu.memory_space<vmem>>, vector<16xf32>,
        %add3A_2545 = arith.constant 32 : i32
        %add3A_2546 = vector.broadcast %add3A_2545 : i32 to vector<16xi32>
        %add3A_2547 = arith.addi %shift_right_arithmetic3A_2479, %add3A_2546 : vector<16xi32>
        %gather3A_2548 = tpu.vector_load_idx %arg7[%broadcast_in_dim3A_2494, %add3A_2547, %add3A_2493] : memref<2x48x512xf32, #tpu.memory_space<vmem>>[vector<16xi32>, vector<16xi32>, vector<16xi32>], vector<16xf32>,
        %swap3A_2549 = arith.constant 2 : i32
        %swap3A_2550 = arith.index_cast %rem3A_469 : i32 to index
        %swap3A_2551 = arith.index_cast %swap3A_2549 : i32 to index
        %swap3A_2552 = arith.index_cast %add3A_1957 : i32 to index
        %swap3A_2553 = arith.constant 16 : index
        %swap3A_2554 = tpu.vector_load %arg8[%swap3A_2550, %swap3A_2551, %swap3A_2552, %swap3A_2553] {strides = array<i32>} : memref<2x3x32x32xf32, #tpu.memory_space<vmem>>, vector<16xf32>,
        tpu.vector_store %arg8[%swap3A_2550, %swap3A_2551, %swap3A_2552, %swap3A_2553], %gather3A_2548 {strides = array<i32>} : memref<2x3x32x32xf32, #tpu.memory_space<vmem>>, vector<16xf32>,
        %mul3A_2555 = arith.constant 4 : i32
        %mul3A_2556 = arith.muli %mul3A_2555, %scan3A_763 : i32
        %add3A_2557 = arith.constant 3 : i32
        %add3A_2558 = arith.addi %mul3A_2556, %add3A_2557 : i32
        %get3A_2559 = arith.index_cast %rem3A_469 : i32 to index
        %get3A_2560 = arith.index_cast %add3A_2558 : i32 to index
        %get3A_2561 = arith.constant 0 : index
        %get3A_2562 = tpu.vector_load %arg6[%get3A_2559, %get3A_2560, %get3A_2561] {strides = array<i32>} : memref<2x32x256xf32, #tpu.memory_space<vmem>>, vector<16xf32>,
        %mul3A_2563 = arith.constant 0x4B000000 : f32
        %mul3A_2564 = vector.broadcast %mul3A_2563 : f32 to vector<16xf32>
        %mul3A_2565 = arith.mulf %get3A_2562, %mul3A_2564 : vector<16xf32>
        %convert_element_type3A_2566 = arith.fptosi %mul3A_2565 : vector<16xf32> to vector<16xi32>
        %shift_left3A_2567 = arith.constant 8 : i32
        %shift_left3A_2568 = vector.broadcast %shift_left3A_2567 : i32 to vector<16xi32>
        %shift_left3A_2569 = arith.shli %convert_element_type3A_2566, %shift_left3A_2568 : vector<16xi32>
        %iota3A_2570 = tpu.iota {dimensions = array<i32: 0>} : vector<16xi32>
        %add3A_2571 = arith.constant 0 : i32
        %add3A_2572 = vector.broadcast %add3A_2571 : i32 to vector<16xi32>
        %add3A_2573 = arith.addi %iota3A_2570, %add3A_2572 : vector<16xi32>
        %or3A_2574 = arith.ori %shift_left3A_2569, %add3A_2573 : vector<16xi32>
        %bitcast_convert_type3A_2575 = tpu.bitcast %or3A_2574 : vector<16xi32> -> vector<16xi32>
        %masked_sort3A_2576 = arith.constant dense<true> : vector<16xi1>
        %masked_sort3A_2577, %masked_sort3A_2578, %masked_sort3A_2579 = tpu.sort %bitcast_convert_type3A_2575, %bitcast_convert_type3A_2575 masked %masked_sort3A_2576 : (vector<16xi32>, vector<16xi32>, vector<16xi1>) -> (vector<16xi1>, vector<16xi32>, vector<16xi32>)
        %get3A_2580 = arith.index_cast %rem3A_469 : i32 to index
        %get3A_2581 = arith.index_cast %add3A_2558 : i32 to index
        %get3A_2582 = arith.constant 16 : index
        %get3A_2583 = tpu.vector_load %arg6[%get3A_2580, %get3A_2581, %get3A_2582] {strides = array<i32>} : memref<2x32x256xf32, #tpu.memory_space<vmem>>, vector<16xf32>,
        %mul3A_2584 = arith.constant 0x4B000000 : f32
        %mul3A_2585 = vector.broadcast %mul3A_2584 : f32 to vector<16xf32>
        %mul3A_2586 = arith.mulf %get3A_2583, %mul3A_2585 : vector<16xf32>
        %convert_element_type3A_2587 = arith.fptosi %mul3A_2586 : vector<16xf32> to vector<16xi32>
        %shift_left3A_2588 = arith.constant 8 : i32
        %shift_left3A_2589 = vector.broadcast %shift_left3A_2588 : i32 to vector<16xi32>
        %shift_left3A_2590 = arith.shli %convert_element_type3A_2587, %shift_left3A_2589 : vector<16xi32>
        %iota3A_2591 = tpu.iota {dimensions = array<i32: 0>} : vector<16xi32>
        %add3A_2592 = arith.constant 16 : i32
        %add3A_2593 = vector.broadcast %add3A_2592 : i32 to vector<16xi32>
        %add3A_2594 = arith.addi %iota3A_2591, %add3A_2593 : vector<16xi32>
        %or3A_2595 = arith.ori %shift_left3A_2590, %add3A_2594 : vector<16xi32>
        %bitcast_convert_type3A_2596 = tpu.bitcast %or3A_2595 : vector<16xi32> -> vector<16xi32>
        %masked_sort3A_2597 = arith.constant dense<true> : vector<16xi1>
        %masked_sort3A_2598, %masked_sort3A_2599, %masked_sort3A_2600 = tpu.sort %bitcast_convert_type3A_2596, %bitcast_convert_type3A_2596 masked %masked_sort3A_2597 {descending = true} : (vector<16xi32>, vector<16xi32>, vector<16xi1>) -> (vector<16xi1>, vector<16xi32>, vector<16xi32>)
        %get3A_2601 = arith.index_cast %rem3A_469 : i32 to index
        %get3A_2602 = arith.index_cast %add3A_2558 : i32 to index
        %get3A_2603 = arith.constant 32 : index
        %get3A_2604 = tpu.vector_load %arg6[%get3A_2601, %get3A_2602, %get3A_2603] {strides = array<i32>} : memref<2x32x256xf32, #tpu.memory_space<vmem>>, vector<16xf32>,
        %mul3A_2605 = arith.constant 0x4B000000 : f32
        %mul3A_2606 = vector.broadcast %mul3A_2605 : f32 to vector<16xf32>
        %mul3A_2607 = arith.mulf %get3A_2604, %mul3A_2606 : vector<16xf32>
        %convert_element_type3A_2608 = arith.fptosi %mul3A_2607 : vector<16xf32> to vector<16xi32>
        %shift_left3A_2609 = arith.constant 8 : i32
        %shift_left3A_2610 = vector.broadcast %shift_left3A_2609 : i32 to vector<16xi32>
        %shift_left3A_2611 = arith.shli %convert_element_type3A_2608, %shift_left3A_2610 : vector<16xi32>
        %iota3A_2612 = tpu.iota {dimensions = array<i32: 0>} : vector<16xi32>
        %add3A_2613 = arith.constant 32 : i32
        %add3A_2614 = vector.broadcast %add3A_2613 : i32 to vector<16xi32>
        %add3A_2615 = arith.addi %iota3A_2612, %add3A_2614 : vector<16xi32>
        %or3A_2616 = arith.ori %shift_left3A_2611, %add3A_2615 : vector<16xi32>
        %bitcast_convert_type3A_2617 = tpu.bitcast %or3A_2616 : vector<16xi32> -> vector<16xi32>
        %masked_sort3A_2618 = arith.constant dense<true> : vector<16xi1>
        %masked_sort3A_2619, %masked_sort3A_2620, %masked_sort3A_2621 = tpu.sort %bitcast_convert_type3A_2617, %bitcast_convert_type3A_2617 masked %masked_sort3A_2618 : (vector<16xi32>, vector<16xi32>, vector<16xi1>) -> (vector<16xi1>, vector<16xi32>, vector<16xi32>)
        %get3A_2622 = arith.index_cast %rem3A_469 : i32 to index
        %get3A_2623 = arith.index_cast %add3A_2558 : i32 to index
        %get3A_2624 = arith.constant 48 : index
        %get3A_2625 = tpu.vector_load %arg6[%get3A_2622, %get3A_2623, %get3A_2624] {strides = array<i32>} : memref<2x32x256xf32, #tpu.memory_space<vmem>>, vector<16xf32>,
        %mul3A_2626 = arith.constant 0x4B000000 : f32
        %mul3A_2627 = vector.broadcast %mul3A_2626 : f32 to vector<16xf32>
        %mul3A_2628 = arith.mulf %get3A_2625, %mul3A_2627 : vector<16xf32>
        %convert_element_type3A_2629 = arith.fptosi %mul3A_2628 : vector<16xf32> to vector<16xi32>
        %shift_left3A_2630 = arith.constant 8 : i32
        %shift_left3A_2631 = vector.broadcast %shift_left3A_2630 : i32 to vector<16xi32>
        %shift_left3A_2632 = arith.shli %convert_element_type3A_2629, %shift_left3A_2631 : vector<16xi32>
        %iota3A_2633 = tpu.iota {dimensions = array<i32: 0>} : vector<16xi32>
        %add3A_2634 = arith.constant 48 : i32
        %add3A_2635 = vector.broadcast %add3A_2634 : i32 to vector<16xi32>
        %add3A_2636 = arith.addi %iota3A_2633, %add3A_2635 : vector<16xi32>
        %or3A_2637 = arith.ori %shift_left3A_2632, %add3A_2636 : vector<16xi32>
        %bitcast_convert_type3A_2638 = tpu.bitcast %or3A_2637 : vector<16xi32> -> vector<16xi32>
        %masked_sort3A_2639 = arith.constant dense<true> : vector<16xi1>
        %masked_sort3A_2640, %masked_sort3A_2641, %masked_sort3A_2642 = tpu.sort %bitcast_convert_type3A_2638, %bitcast_convert_type3A_2638 masked %masked_sort3A_2639 {descending = true} : (vector<16xi32>, vector<16xi32>, vector<16xi1>) -> (vector<16xi1>, vector<16xi32>, vector<16xi32>)
        %get3A_2643 = arith.index_cast %rem3A_469 : i32 to index
        %get3A_2644 = arith.index_cast %add3A_2558 : i32 to index
        %get3A_2645 = arith.constant 64 : index
        %get3A_2646 = tpu.vector_load %arg6[%get3A_2643, %get3A_2644, %get3A_2645] {strides = array<i32>} : memref<2x32x256xf32, #tpu.memory_space<vmem>>, vector<16xf32>,
        %mul3A_2647 = arith.constant 0x4B000000 : f32
        %mul3A_2648 = vector.broadcast %mul3A_2647 : f32 to vector<16xf32>
        %mul3A_2649 = arith.mulf %get3A_2646, %mul3A_2648 : vector<16xf32>
        %convert_element_type3A_2650 = arith.fptosi %mul3A_2649 : vector<16xf32> to vector<16xi32>
        %shift_left3A_2651 = arith.constant 8 : i32
        %shift_left3A_2652 = vector.broadcast %shift_left3A_2651 : i32 to vector<16xi32>
        %shift_left3A_2653 = arith.shli %convert_element_type3A_2650, %shift_left3A_2652 : vector<16xi32>
        %iota3A_2654 = tpu.iota {dimensions = array<i32: 0>} : vector<16xi32>
        %add3A_2655 = arith.constant 64 : i32
        %add3A_2656 = vector.broadcast %add3A_2655 : i32 to vector<16xi32>
        %add3A_2657 = arith.addi %iota3A_2654, %add3A_2656 : vector<16xi32>
        %or3A_2658 = arith.ori %shift_left3A_2653, %add3A_2657 : vector<16xi32>
        %bitcast_convert_type3A_2659 = tpu.bitcast %or3A_2658 : vector<16xi32> -> vector<16xi32>
        %masked_sort3A_2660 = arith.constant dense<true> : vector<16xi1>
        %masked_sort3A_2661, %masked_sort3A_2662, %masked_sort3A_2663 = tpu.sort %bitcast_convert_type3A_2659, %bitcast_convert_type3A_2659 masked %masked_sort3A_2660 : (vector<16xi32>, vector<16xi32>, vector<16xi1>) -> (vector<16xi1>, vector<16xi32>, vector<16xi32>)
        %get3A_2664 = arith.index_cast %rem3A_469 : i32 to index
        %get3A_2665 = arith.index_cast %add3A_2558 : i32 to index
        %get3A_2666 = arith.constant 80 : index
        %get3A_2667 = tpu.vector_load %arg6[%get3A_2664, %get3A_2665, %get3A_2666] {strides = array<i32>} : memref<2x32x256xf32, #tpu.memory_space<vmem>>, vector<16xf32>,
        %mul3A_2668 = arith.constant 0x4B000000 : f32
        %mul3A_2669 = vector.broadcast %mul3A_2668 : f32 to vector<16xf32>
        %mul3A_2670 = arith.mulf %get3A_2667, %mul3A_2669 : vector<16xf32>
        %convert_element_type3A_2671 = arith.fptosi %mul3A_2670 : vector<16xf32> to vector<16xi32>
        %shift_left3A_2672 = arith.constant 8 : i32
        %shift_left3A_2673 = vector.broadcast %shift_left3A_2672 : i32 to vector<16xi32>
        %shift_left3A_2674 = arith.shli %convert_element_type3A_2671, %shift_left3A_2673 : vector<16xi32>
        %iota3A_2675 = tpu.iota {dimensions = array<i32: 0>} : vector<16xi32>
        %add3A_2676 = arith.constant 80 : i32
        %add3A_2677 = vector.broadcast %add3A_2676 : i32 to vector<16xi32>
        %add3A_2678 = arith.addi %iota3A_2675, %add3A_2677 : vector<16xi32>
        %or3A_2679 = arith.ori %shift_left3A_2674, %add3A_2678 : vector<16xi32>
        %bitcast_convert_type3A_2680 = tpu.bitcast %or3A_2679 : vector<16xi32> -> vector<16xi32>
        %masked_sort3A_2681 = arith.constant dense<true> : vector<16xi1>
        %masked_sort3A_2682, %masked_sort3A_2683, %masked_sort3A_2684 = tpu.sort %bitcast_convert_type3A_2680, %bitcast_convert_type3A_2680 masked %masked_sort3A_2681 {descending = true} : (vector<16xi32>, vector<16xi32>, vector<16xi1>) -> (vector<16xi1>, vector<16xi32>, vector<16xi32>)
        %get3A_2685 = arith.index_cast %rem3A_469 : i32 to index
        %get3A_2686 = arith.index_cast %add3A_2558 : i32 to index
        %get3A_2687 = arith.constant 96 : index
        %get3A_2688 = tpu.vector_load %arg6[%get3A_2685, %get3A_2686, %get3A_2687] {strides = array<i32>} : memref<2x32x256xf32, #tpu.memory_space<vmem>>, vector<16xf32>,
        %mul3A_2689 = arith.constant 0x4B000000 : f32
        %mul3A_2690 = vector.broadcast %mul3A_2689 : f32 to vector<16xf32>
        %mul3A_2691 = arith.mulf %get3A_2688, %mul3A_2690 : vector<16xf32>
        %convert_element_type3A_2692 = arith.fptosi %mul3A_2691 : vector<16xf32> to vector<16xi32>
        %shift_left3A_2693 = arith.constant 8 : i32
        %shift_left3A_2694 = vector.broadcast %shift_left3A_2693 : i32 to vector<16xi32>
        %shift_left3A_2695 = arith.shli %convert_element_type3A_2692, %shift_left3A_2694 : vector<16xi32>
        %iota3A_2696 = tpu.iota {dimensions = array<i32: 0>} : vector<16xi32>
        %add3A_2697 = arith.constant 96 : i32
        %add3A_2698 = vector.broadcast %add3A_2697 : i32 to vector<16xi32>
        %add3A_2699 = arith.addi %iota3A_2696, %add3A_2698 : vector<16xi32>
        %or3A_2700 = arith.ori %shift_left3A_2695, %add3A_2699 : vector<16xi32>
        %bitcast_convert_type3A_2701 = tpu.bitcast %or3A_2700 : vector<16xi32> -> vector<16xi32>
        %masked_sort3A_2702 = arith.constant dense<true> : vector<16xi1>
        %masked_sort3A_2703, %masked_sort3A_2704, %masked_sort3A_2705 = tpu.sort %bitcast_convert_type3A_2701, %bitcast_convert_type3A_2701 masked %masked_sort3A_2702 : (vector<16xi32>, vector<16xi32>, vector<16xi1>) -> (vector<16xi1>, vector<16xi32>, vector<16xi32>)
        %get3A_2706 = arith.index_cast %rem3A_469 : i32 to index
        %get3A_2707 = arith.index_cast %add3A_2558 : i32 to index
        %get3A_2708 = arith.constant 112 : index
        %get3A_2709 = tpu.vector_load %arg6[%get3A_2706, %get3A_2707, %get3A_2708] {strides = array<i32>} : memref<2x32x256xf32, #tpu.memory_space<vmem>>, vector<16xf32>,
        %mul3A_2710 = arith.constant 0x4B000000 : f32
        %mul3A_2711 = vector.broadcast %mul3A_2710 : f32 to vector<16xf32>
        %mul3A_2712 = arith.mulf %get3A_2709, %mul3A_2711 : vector<16xf32>
        %convert_element_type3A_2713 = arith.fptosi %mul3A_2712 : vector<16xf32> to vector<16xi32>
        %shift_left3A_2714 = arith.constant 8 : i32
        %shift_left3A_2715 = vector.broadcast %shift_left3A_2714 : i32 to vector<16xi32>
        %shift_left3A_2716 = arith.shli %convert_element_type3A_2713, %shift_left3A_2715 : vector<16xi32>
        %iota3A_2717 = tpu.iota {dimensions = array<i32: 0>} : vector<16xi32>
        %add3A_2718 = arith.constant 112 : i32
        %add3A_2719 = vector.broadcast %add3A_2718 : i32 to vector<16xi32>
        %add3A_2720 = arith.addi %iota3A_2717, %add3A_2719 : vector<16xi32>
        %or3A_2721 = arith.ori %shift_left3A_2716, %add3A_2720 : vector<16xi32>
        %bitcast_convert_type3A_2722 = tpu.bitcast %or3A_2721 : vector<16xi32> -> vector<16xi32>
        %masked_sort3A_2723 = arith.constant dense<true> : vector<16xi1>
        %masked_sort3A_2724, %masked_sort3A_2725, %masked_sort3A_2726 = tpu.sort %bitcast_convert_type3A_2722, %bitcast_convert_type3A_2722 masked %masked_sort3A_2723 {descending = true} : (vector<16xi32>, vector<16xi32>, vector<16xi1>) -> (vector<16xi1>, vector<16xi32>, vector<16xi32>)
        %get3A_2727 = arith.index_cast %rem3A_469 : i32 to index
        %get3A_2728 = arith.index_cast %add3A_2558 : i32 to index
        %get3A_2729 = arith.constant 128 : index
        %get3A_2730 = tpu.vector_load %arg6[%get3A_2727, %get3A_2728, %get3A_2729] {strides = array<i32>} : memref<2x32x256xf32, #tpu.memory_space<vmem>>, vector<16xf32>,
        %mul3A_2731 = arith.constant 0x4B000000 : f32
        %mul3A_2732 = vector.broadcast %mul3A_2731 : f32 to vector<16xf32>
        %mul3A_2733 = arith.mulf %get3A_2730, %mul3A_2732 : vector<16xf32>
        %convert_element_type3A_2734 = arith.fptosi %mul3A_2733 : vector<16xf32> to vector<16xi32>
        %shift_left3A_2735 = arith.constant 8 : i32
        %shift_left3A_2736 = vector.broadcast %shift_left3A_2735 : i32 to vector<16xi32>
        %shift_left3A_2737 = arith.shli %convert_element_type3A_2734, %shift_left3A_2736 : vector<16xi32>
        %iota3A_2738 = tpu.iota {dimensions = array<i32: 0>} : vector<16xi32>
        %add3A_2739 = arith.constant 128 : i32
        %add3A_2740 = vector.broadcast %add3A_2739 : i32 to vector<16xi32>
        %add3A_2741 = arith.addi %iota3A_2738, %add3A_2740 : vector<16xi32>
        %or3A_2742 = arith.ori %shift_left3A_2737, %add3A_2741 : vector<16xi32>
        %bitcast_convert_type3A_2743 = tpu.bitcast %or3A_2742 : vector<16xi32> -> vector<16xi32>
        %masked_sort3A_2744 = arith.constant dense<true> : vector<16xi1>
        %masked_sort3A_2745, %masked_sort3A_2746, %masked_sort3A_2747 = tpu.sort %bitcast_convert_type3A_2743, %bitcast_convert_type3A_2743 masked %masked_sort3A_2744 : (vector<16xi32>, vector<16xi32>, vector<16xi1>) -> (vector<16xi1>, vector<16xi32>, vector<16xi32>)
        %get3A_2748 = arith.index_cast %rem3A_469 : i32 to index
        %get3A_2749 = arith.index_cast %add3A_2558 : i32 to index
        %get3A_2750 = arith.constant 144 : index
        %get3A_2751 = tpu.vector_load %arg6[%get3A_2748, %get3A_2749, %get3A_2750] {strides = array<i32>} : memref<2x32x256xf32, #tpu.memory_space<vmem>>, vector<16xf32>,
        %mul3A_2752 = arith.constant 0x4B000000 : f32
        %mul3A_2753 = vector.broadcast %mul3A_2752 : f32 to vector<16xf32>
        %mul3A_2754 = arith.mulf %get3A_2751, %mul3A_2753 : vector<16xf32>
        %convert_element_type3A_2755 = arith.fptosi %mul3A_2754 : vector<16xf32> to vector<16xi32>
        %shift_left3A_2756 = arith.constant 8 : i32
        %shift_left3A_2757 = vector.broadcast %shift_left3A_2756 : i32 to vector<16xi32>
        %shift_left3A_2758 = arith.shli %convert_element_type3A_2755, %shift_left3A_2757 : vector<16xi32>
        %iota3A_2759 = tpu.iota {dimensions = array<i32: 0>} : vector<16xi32>
        %add3A_2760 = arith.constant 144 : i32
        %add3A_2761 = vector.broadcast %add3A_2760 : i32 to vector<16xi32>
        %add3A_2762 = arith.addi %iota3A_2759, %add3A_2761 : vector<16xi32>
        %or3A_2763 = arith.ori %shift_left3A_2758, %add3A_2762 : vector<16xi32>
        %bitcast_convert_type3A_2764 = tpu.bitcast %or3A_2763 : vector<16xi32> -> vector<16xi32>
        %masked_sort3A_2765 = arith.constant dense<true> : vector<16xi1>
        %masked_sort3A_2766, %masked_sort3A_2767, %masked_sort3A_2768 = tpu.sort %bitcast_convert_type3A_2764, %bitcast_convert_type3A_2764 masked %masked_sort3A_2765 {descending = true} : (vector<16xi32>, vector<16xi32>, vector<16xi1>) -> (vector<16xi1>, vector<16xi32>, vector<16xi32>)
        %get3A_2769 = arith.index_cast %rem3A_469 : i32 to index
        %get3A_2770 = arith.index_cast %add3A_2558 : i32 to index
        %get3A_2771 = arith.constant 160 : index
        %get3A_2772 = tpu.vector_load %arg6[%get3A_2769, %get3A_2770, %get3A_2771] {strides = array<i32>} : memref<2x32x256xf32, #tpu.memory_space<vmem>>, vector<16xf32>,
        %mul3A_2773 = arith.constant 0x4B000000 : f32
        %mul3A_2774 = vector.broadcast %mul3A_2773 : f32 to vector<16xf32>
        %mul3A_2775 = arith.mulf %get3A_2772, %mul3A_2774 : vector<16xf32>
        %convert_element_type3A_2776 = arith.fptosi %mul3A_2775 : vector<16xf32> to vector<16xi32>
        %shift_left3A_2777 = arith.constant 8 : i32
        %shift_left3A_2778 = vector.broadcast %shift_left3A_2777 : i32 to vector<16xi32>
        %shift_left3A_2779 = arith.shli %convert_element_type3A_2776, %shift_left3A_2778 : vector<16xi32>
        %iota3A_2780 = tpu.iota {dimensions = array<i32: 0>} : vector<16xi32>
        %add3A_2781 = arith.constant 160 : i32
        %add3A_2782 = vector.broadcast %add3A_2781 : i32 to vector<16xi32>
        %add3A_2783 = arith.addi %iota3A_2780, %add3A_2782 : vector<16xi32>
        %or3A_2784 = arith.ori %shift_left3A_2779, %add3A_2783 : vector<16xi32>
        %bitcast_convert_type3A_2785 = tpu.bitcast %or3A_2784 : vector<16xi32> -> vector<16xi32>
        %masked_sort3A_2786 = arith.constant dense<true> : vector<16xi1>
        %masked_sort3A_2787, %masked_sort3A_2788, %masked_sort3A_2789 = tpu.sort %bitcast_convert_type3A_2785, %bitcast_convert_type3A_2785 masked %masked_sort3A_2786 : (vector<16xi32>, vector<16xi32>, vector<16xi1>) -> (vector<16xi1>, vector<16xi32>, vector<16xi32>)
        %get3A_2790 = arith.index_cast %rem3A_469 : i32 to index
        %get3A_2791 = arith.index_cast %add3A_2558 : i32 to index
        %get3A_2792 = arith.constant 176 : index
        %get3A_2793 = tpu.vector_load %arg6[%get3A_2790, %get3A_2791, %get3A_2792] {strides = array<i32>} : memref<2x32x256xf32, #tpu.memory_space<vmem>>, vector<16xf32>,
        %mul3A_2794 = arith.constant 0x4B000000 : f32
        %mul3A_2795 = vector.broadcast %mul3A_2794 : f32 to vector<16xf32>
        %mul3A_2796 = arith.mulf %get3A_2793, %mul3A_2795 : vector<16xf32>
        %convert_element_type3A_2797 = arith.fptosi %mul3A_2796 : vector<16xf32> to vector<16xi32>
        %shift_left3A_2798 = arith.constant 8 : i32
        %shift_left3A_2799 = vector.broadcast %shift_left3A_2798 : i32 to vector<16xi32>
        %shift_left3A_2800 = arith.shli %convert_element_type3A_2797, %shift_left3A_2799 : vector<16xi32>
        %iota3A_2801 = tpu.iota {dimensions = array<i32: 0>} : vector<16xi32>
        %add3A_2802 = arith.constant 176 : i32
        %add3A_2803 = vector.broadcast %add3A_2802 : i32 to vector<16xi32>
        %add3A_2804 = arith.addi %iota3A_2801, %add3A_2803 : vector<16xi32>
        %or3A_2805 = arith.ori %shift_left3A_2800, %add3A_2804 : vector<16xi32>
        %bitcast_convert_type3A_2806 = tpu.bitcast %or3A_2805 : vector<16xi32> -> vector<16xi32>
        %masked_sort3A_2807 = arith.constant dense<true> : vector<16xi1>
        %masked_sort3A_2808, %masked_sort3A_2809, %masked_sort3A_2810 = tpu.sort %bitcast_convert_type3A_2806, %bitcast_convert_type3A_2806 masked %masked_sort3A_2807 {descending = true} : (vector<16xi32>, vector<16xi32>, vector<16xi1>) -> (vector<16xi1>, vector<16xi32>, vector<16xi32>)
        %get3A_2811 = arith.index_cast %rem3A_469 : i32 to index
        %get3A_2812 = arith.index_cast %add3A_2558 : i32 to index
        %get3A_2813 = arith.constant 192 : index
        %get3A_2814 = tpu.vector_load %arg6[%get3A_2811, %get3A_2812, %get3A_2813] {strides = array<i32>} : memref<2x32x256xf32, #tpu.memory_space<vmem>>, vector<16xf32>,
        %mul3A_2815 = arith.constant 0x4B000000 : f32
        %mul3A_2816 = vector.broadcast %mul3A_2815 : f32 to vector<16xf32>
        %mul3A_2817 = arith.mulf %get3A_2814, %mul3A_2816 : vector<16xf32>
        %convert_element_type3A_2818 = arith.fptosi %mul3A_2817 : vector<16xf32> to vector<16xi32>
        %shift_left3A_2819 = arith.constant 8 : i32
        %shift_left3A_2820 = vector.broadcast %shift_left3A_2819 : i32 to vector<16xi32>
        %shift_left3A_2821 = arith.shli %convert_element_type3A_2818, %shift_left3A_2820 : vector<16xi32>
        %iota3A_2822 = tpu.iota {dimensions = array<i32: 0>} : vector<16xi32>
        %add3A_2823 = arith.constant 192 : i32
        %add3A_2824 = vector.broadcast %add3A_2823 : i32 to vector<16xi32>
        %add3A_2825 = arith.addi %iota3A_2822, %add3A_2824 : vector<16xi32>
        %or3A_2826 = arith.ori %shift_left3A_2821, %add3A_2825 : vector<16xi32>
        %bitcast_convert_type3A_2827 = tpu.bitcast %or3A_2826 : vector<16xi32> -> vector<16xi32>
        %masked_sort3A_2828 = arith.constant dense<true> : vector<16xi1>
        %masked_sort3A_2829, %masked_sort3A_2830, %masked_sort3A_2831 = tpu.sort %bitcast_convert_type3A_2827, %bitcast_convert_type3A_2827 masked %masked_sort3A_2828 : (vector<16xi32>, vector<16xi32>, vector<16xi1>) -> (vector<16xi1>, vector<16xi32>, vector<16xi32>)
        %get3A_2832 = arith.index_cast %rem3A_469 : i32 to index
        %get3A_2833 = arith.index_cast %add3A_2558 : i32 to index
        %get3A_2834 = arith.constant 208 : index
        %get3A_2835 = tpu.vector_load %arg6[%get3A_2832, %get3A_2833, %get3A_2834] {strides = array<i32>} : memref<2x32x256xf32, #tpu.memory_space<vmem>>, vector<16xf32>,
        %mul3A_2836 = arith.constant 0x4B000000 : f32
        %mul3A_2837 = vector.broadcast %mul3A_2836 : f32 to vector<16xf32>
        %mul3A_2838 = arith.mulf %get3A_2835, %mul3A_2837 : vector<16xf32>
        %convert_element_type3A_2839 = arith.fptosi %mul3A_2838 : vector<16xf32> to vector<16xi32>
        %shift_left3A_2840 = arith.constant 8 : i32
        %shift_left3A_2841 = vector.broadcast %shift_left3A_2840 : i32 to vector<16xi32>
        %shift_left3A_2842 = arith.shli %convert_element_type3A_2839, %shift_left3A_2841 : vector<16xi32>
        %iota3A_2843 = tpu.iota {dimensions = array<i32: 0>} : vector<16xi32>
        %add3A_2844 = arith.constant 208 : i32
        %add3A_2845 = vector.broadcast %add3A_2844 : i32 to vector<16xi32>
        %add3A_2846 = arith.addi %iota3A_2843, %add3A_2845 : vector<16xi32>
        %or3A_2847 = arith.ori %shift_left3A_2842, %add3A_2846 : vector<16xi32>
        %bitcast_convert_type3A_2848 = tpu.bitcast %or3A_2847 : vector<16xi32> -> vector<16xi32>
        %masked_sort3A_2849 = arith.constant dense<true> : vector<16xi1>
        %masked_sort3A_2850, %masked_sort3A_2851, %masked_sort3A_2852 = tpu.sort %bitcast_convert_type3A_2848, %bitcast_convert_type3A_2848 masked %masked_sort3A_2849 {descending = true} : (vector<16xi32>, vector<16xi32>, vector<16xi1>) -> (vector<16xi1>, vector<16xi32>, vector<16xi32>)
        %get3A_2853 = arith.index_cast %rem3A_469 : i32 to index
        %get3A_2854 = arith.index_cast %add3A_2558 : i32 to index
        %get3A_2855 = arith.constant 224 : index
        %get3A_2856 = tpu.vector_load %arg6[%get3A_2853, %get3A_2854, %get3A_2855] {strides = array<i32>} : memref<2x32x256xf32, #tpu.memory_space<vmem>>, vector<16xf32>,
        %mul3A_2857 = arith.constant 0x4B000000 : f32
        %mul3A_2858 = vector.broadcast %mul3A_2857 : f32 to vector<16xf32>
        %mul3A_2859 = arith.mulf %get3A_2856, %mul3A_2858 : vector<16xf32>
        %convert_element_type3A_2860 = arith.fptosi %mul3A_2859 : vector<16xf32> to vector<16xi32>
        %shift_left3A_2861 = arith.constant 8 : i32
        %shift_left3A_2862 = vector.broadcast %shift_left3A_2861 : i32 to vector<16xi32>
        %shift_left3A_2863 = arith.shli %convert_element_type3A_2860, %shift_left3A_2862 : vector<16xi32>
        %iota3A_2864 = tpu.iota {dimensions = array<i32: 0>} : vector<16xi32>
        %add3A_2865 = arith.constant 224 : i32
        %add3A_2866 = vector.broadcast %add3A_2865 : i32 to vector<16xi32>
        %add3A_2867 = arith.addi %iota3A_2864, %add3A_2866 : vector<16xi32>
        %or3A_2868 = arith.ori %shift_left3A_2863, %add3A_2867 : vector<16xi32>
        %bitcast_convert_type3A_2869 = tpu.bitcast %or3A_2868 : vector<16xi32> -> vector<16xi32>
        %masked_sort3A_2870 = arith.constant dense<true> : vector<16xi1>
        %masked_sort3A_2871, %masked_sort3A_2872, %masked_sort3A_2873 = tpu.sort %bitcast_convert_type3A_2869, %bitcast_convert_type3A_2869 masked %masked_sort3A_2870 : (vector<16xi32>, vector<16xi32>, vector<16xi1>) -> (vector<16xi1>, vector<16xi32>, vector<16xi32>)
        %get3A_2874 = arith.index_cast %rem3A_469 : i32 to index
        %get3A_2875 = arith.index_cast %add3A_2558 : i32 to index
        %get3A_2876 = arith.constant 240 : index
        %get3A_2877 = tpu.vector_load %arg6[%get3A_2874, %get3A_2875, %get3A_2876] {strides = array<i32>} : memref<2x32x256xf32, #tpu.memory_space<vmem>>, vector<16xf32>,
        %mul3A_2878 = arith.constant 0x4B000000 : f32
        %mul3A_2879 = vector.broadcast %mul3A_2878 : f32 to vector<16xf32>
        %mul3A_2880 = arith.mulf %get3A_2877, %mul3A_2879 : vector<16xf32>
        %convert_element_type3A_2881 = arith.fptosi %mul3A_2880 : vector<16xf32> to vector<16xi32>
        %shift_left3A_2882 = arith.constant 8 : i32
        %shift_left3A_2883 = vector.broadcast %shift_left3A_2882 : i32 to vector<16xi32>
        %shift_left3A_2884 = arith.shli %convert_element_type3A_2881, %shift_left3A_2883 : vector<16xi32>
        %iota3A_2885 = tpu.iota {dimensions = array<i32: 0>} : vector<16xi32>
        %add3A_2886 = arith.constant 240 : i32
        %add3A_2887 = vector.broadcast %add3A_2886 : i32 to vector<16xi32>
        %add3A_2888 = arith.addi %iota3A_2885, %add3A_2887 : vector<16xi32>
        %or3A_2889 = arith.ori %shift_left3A_2884, %add3A_2888 : vector<16xi32>
        %bitcast_convert_type3A_2890 = tpu.bitcast %or3A_2889 : vector<16xi32> -> vector<16xi32>
        %masked_sort3A_2891 = arith.constant dense<true> : vector<16xi1>
        %masked_sort3A_2892, %masked_sort3A_2893, %masked_sort3A_2894 = tpu.sort %bitcast_convert_type3A_2890, %bitcast_convert_type3A_2890 masked %masked_sort3A_2891 {descending = true} : (vector<16xi32>, vector<16xi32>, vector<16xi1>) -> (vector<16xi1>, vector<16xi32>, vector<16xi32>)
        %min3A_2895 = arith.minui %masked_sort3A_2578, %masked_sort3A_2599 : vector<16xi32>
        %max3A_2896 = arith.maxui %masked_sort3A_2578, %masked_sort3A_2599 : vector<16xi32>
        %masked_sort3A_2897 = arith.constant dense<true> : vector<16xi1>
        %masked_sort3A_2898, %masked_sort3A_2899, %masked_sort3A_2900 = tpu.sort %min3A_2895, %min3A_2895 masked %masked_sort3A_2897 : (vector<16xi32>, vector<16xi32>, vector<16xi1>) -> (vector<16xi1>, vector<16xi32>, vector<16xi32>)
        %masked_sort3A_2901 = arith.constant dense<true> : vector<16xi1>
        %masked_sort3A_2902, %masked_sort3A_2903, %masked_sort3A_2904 = tpu.sort %max3A_2896, %max3A_2896 masked %masked_sort3A_2901 : (vector<16xi32>, vector<16xi32>, vector<16xi1>) -> (vector<16xi1>, vector<16xi32>, vector<16xi32>)
        %min3A_2905 = arith.minui %masked_sort3A_2620, %masked_sort3A_2641 : vector<16xi32>
        %max3A_2906 = arith.maxui %masked_sort3A_2620, %masked_sort3A_2641 : vector<16xi32>
        %masked_sort3A_2907 = arith.constant dense<true> : vector<16xi1>
        %masked_sort3A_2908, %masked_sort3A_2909, %masked_sort3A_2910 = tpu.sort %max3A_2906, %max3A_2906 masked %masked_sort3A_2907 {descending = true} : (vector<16xi32>, vector<16xi32>, vector<16xi1>) -> (vector<16xi1>, vector<16xi32>, vector<16xi32>)
        %masked_sort3A_2911 = arith.constant dense<true> : vector<16xi1>
        %masked_sort3A_2912, %masked_sort3A_2913, %masked_sort3A_2914 = tpu.sort %min3A_2905, %min3A_2905 masked %masked_sort3A_2911 {descending = true} : (vector<16xi32>, vector<16xi32>, vector<16xi1>) -> (vector<16xi1>, vector<16xi32>, vector<16xi32>)
        %min3A_2915 = arith.minui %masked_sort3A_2662, %masked_sort3A_2683 : vector<16xi32>
        %max3A_2916 = arith.maxui %masked_sort3A_2662, %masked_sort3A_2683 : vector<16xi32>
        %masked_sort3A_2917 = arith.constant dense<true> : vector<16xi1>
        %masked_sort3A_2918, %masked_sort3A_2919, %masked_sort3A_2920 = tpu.sort %min3A_2915, %min3A_2915 masked %masked_sort3A_2917 : (vector<16xi32>, vector<16xi32>, vector<16xi1>) -> (vector<16xi1>, vector<16xi32>, vector<16xi32>)
        %masked_sort3A_2921 = arith.constant dense<true> : vector<16xi1>
        %masked_sort3A_2922, %masked_sort3A_2923, %masked_sort3A_2924 = tpu.sort %max3A_2916, %max3A_2916 masked %masked_sort3A_2921 : (vector<16xi32>, vector<16xi32>, vector<16xi1>) -> (vector<16xi1>, vector<16xi32>, vector<16xi32>)
        %min3A_2925 = arith.minui %masked_sort3A_2704, %masked_sort3A_2725 : vector<16xi32>
        %max3A_2926 = arith.maxui %masked_sort3A_2704, %masked_sort3A_2725 : vector<16xi32>
        %masked_sort3A_2927 = arith.constant dense<true> : vector<16xi1>
        %masked_sort3A_2928, %masked_sort3A_2929, %masked_sort3A_2930 = tpu.sort %max3A_2926, %max3A_2926 masked %masked_sort3A_2927 {descending = true} : (vector<16xi32>, vector<16xi32>, vector<16xi1>) -> (vector<16xi1>, vector<16xi32>, vector<16xi32>)
        %masked_sort3A_2931 = arith.constant dense<true> : vector<16xi1>
        %masked_sort3A_2932, %masked_sort3A_2933, %masked_sort3A_2934 = tpu.sort %min3A_2925, %min3A_2925 masked %masked_sort3A_2931 {descending = true} : (vector<16xi32>, vector<16xi32>, vector<16xi1>) -> (vector<16xi1>, vector<16xi32>, vector<16xi32>)
        %min3A_2935 = arith.minui %masked_sort3A_2746, %masked_sort3A_2767 : vector<16xi32>
        %max3A_2936 = arith.maxui %masked_sort3A_2746, %masked_sort3A_2767 : vector<16xi32>
        %masked_sort3A_2937 = arith.constant dense<true> : vector<16xi1>
        %masked_sort3A_2938, %masked_sort3A_2939, %masked_sort3A_2940 = tpu.sort %min3A_2935, %min3A_2935 masked %masked_sort3A_2937 : (vector<16xi32>, vector<16xi32>, vector<16xi1>) -> (vector<16xi1>, vector<16xi32>, vector<16xi32>)
        %masked_sort3A_2941 = arith.constant dense<true> : vector<16xi1>
        %masked_sort3A_2942, %masked_sort3A_2943, %masked_sort3A_2944 = tpu.sort %max3A_2936, %max3A_2936 masked %masked_sort3A_2941 : (vector<16xi32>, vector<16xi32>, vector<16xi1>) -> (vector<16xi1>, vector<16xi32>, vector<16xi32>)
        %min3A_2945 = arith.minui %masked_sort3A_2788, %masked_sort3A_2809 : vector<16xi32>
        %max3A_2946 = arith.maxui %masked_sort3A_2788, %masked_sort3A_2809 : vector<16xi32>
        %masked_sort3A_2947 = arith.constant dense<true> : vector<16xi1>
        %masked_sort3A_2948, %masked_sort3A_2949, %masked_sort3A_2950 = tpu.sort %max3A_2946, %max3A_2946 masked %masked_sort3A_2947 {descending = true} : (vector<16xi32>, vector<16xi32>, vector<16xi1>) -> (vector<16xi1>, vector<16xi32>, vector<16xi32>)
        %masked_sort3A_2951 = arith.constant dense<true> : vector<16xi1>
        %masked_sort3A_2952, %masked_sort3A_2953, %masked_sort3A_2954 = tpu.sort %min3A_2945, %min3A_2945 masked %masked_sort3A_2951 {descending = true} : (vector<16xi32>, vector<16xi32>, vector<16xi1>) -> (vector<16xi1>, vector<16xi32>, vector<16xi32>)
        %min3A_2955 = arith.minui %masked_sort3A_2830, %masked_sort3A_2851 : vector<16xi32>
        %max3A_2956 = arith.maxui %masked_sort3A_2830, %masked_sort3A_2851 : vector<16xi32>
        %masked_sort3A_2957 = arith.constant dense<true> : vector<16xi1>
        %masked_sort3A_2958, %masked_sort3A_2959, %masked_sort3A_2960 = tpu.sort %min3A_2955, %min3A_2955 masked %masked_sort3A_2957 : (vector<16xi32>, vector<16xi32>, vector<16xi1>) -> (vector<16xi1>, vector<16xi32>, vector<16xi32>)
        %masked_sort3A_2961 = arith.constant dense<true> : vector<16xi1>
        %masked_sort3A_2962, %masked_sort3A_2963, %masked_sort3A_2964 = tpu.sort %max3A_2956, %max3A_2956 masked %masked_sort3A_2961 : (vector<16xi32>, vector<16xi32>, vector<16xi1>) -> (vector<16xi1>, vector<16xi32>, vector<16xi32>)
        %min3A_2965 = arith.minui %masked_sort3A_2872, %masked_sort3A_2893 : vector<16xi32>
        %max3A_2966 = arith.maxui %masked_sort3A_2872, %masked_sort3A_2893 : vector<16xi32>
        %masked_sort3A_2967 = arith.constant dense<true> : vector<16xi1>
        %masked_sort3A_2968, %masked_sort3A_2969, %masked_sort3A_2970 = tpu.sort %max3A_2966, %max3A_2966 masked %masked_sort3A_2967 {descending = true} : (vector<16xi32>, vector<16xi32>, vector<16xi1>) -> (vector<16xi1>, vector<16xi32>, vector<16xi32>)
        %masked_sort3A_2971 = arith.constant dense<true> : vector<16xi1>
        %masked_sort3A_2972, %masked_sort3A_2973, %masked_sort3A_2974 = tpu.sort %min3A_2965, %min3A_2965 masked %masked_sort3A_2971 {descending = true} : (vector<16xi32>, vector<16xi32>, vector<16xi1>) -> (vector<16xi1>, vector<16xi32>, vector<16xi32>)
        %min3A_2975 = arith.minui %masked_sort3A_2899, %masked_sort3A_2909 : vector<16xi32>
        %min3A_2976 = arith.minui %masked_sort3A_2903, %masked_sort3A_2913 : vector<16xi32>
        %min3A_2977 = arith.minui %min3A_2975, %min3A_2976 : vector<16xi32>
        %max3A_2978 = arith.maxui %min3A_2975, %min3A_2976 : vector<16xi32>
        %masked_sort3A_2979 = arith.constant dense<true> : vector<16xi1>
        %masked_sort3A_2980, %masked_sort3A_2981, %masked_sort3A_2982 = tpu.sort %min3A_2977, %min3A_2977 masked %masked_sort3A_2979 : (vector<16xi32>, vector<16xi32>, vector<16xi1>) -> (vector<16xi1>, vector<16xi32>, vector<16xi32>)
        %masked_sort3A_2983 = arith.constant dense<true> : vector<16xi1>
        %masked_sort3A_2984, %masked_sort3A_2985, %masked_sort3A_2986 = tpu.sort %max3A_2978, %max3A_2978 masked %masked_sort3A_2983 : (vector<16xi32>, vector<16xi32>, vector<16xi1>) -> (vector<16xi1>, vector<16xi32>, vector<16xi32>)
        %min3A_2987 = arith.minui %masked_sort3A_2919, %masked_sort3A_2929 : vector<16xi32>
        %min3A_2988 = arith.minui %masked_sort3A_2923, %masked_sort3A_2933 : vector<16xi32>
        %min3A_2989 = arith.minui %min3A_2987, %min3A_2988 : vector<16xi32>
        %max3A_2990 = arith.maxui %min3A_2987, %min3A_2988 : vector<16xi32>
        %masked_sort3A_2991 = arith.constant dense<true> : vector<16xi1>
        %masked_sort3A_2992, %masked_sort3A_2993, %masked_sort3A_2994 = tpu.sort %max3A_2990, %max3A_2990 masked %masked_sort3A_2991 {descending = true} : (vector<16xi32>, vector<16xi32>, vector<16xi1>) -> (vector<16xi1>, vector<16xi32>, vector<16xi32>)
        %masked_sort3A_2995 = arith.constant dense<true> : vector<16xi1>
        %masked_sort3A_2996, %masked_sort3A_2997, %masked_sort3A_2998 = tpu.sort %min3A_2989, %min3A_2989 masked %masked_sort3A_2995 {descending = true} : (vector<16xi32>, vector<16xi32>, vector<16xi1>) -> (vector<16xi1>, vector<16xi32>, vector<16xi32>)
        %min3A_2999 = arith.minui %masked_sort3A_2939, %masked_sort3A_2949 : vector<16xi32>
        %min3A_3000 = arith.minui %masked_sort3A_2943, %masked_sort3A_2953 : vector<16xi32>
        %min3A_3001 = arith.minui %min3A_2999, %min3A_3000 : vector<16xi32>
        %max3A_3002 = arith.maxui %min3A_2999, %min3A_3000 : vector<16xi32>
        %masked_sort3A_3003 = arith.constant dense<true> : vector<16xi1>
        %masked_sort3A_3004, %masked_sort3A_3005, %masked_sort3A_3006 = tpu.sort %min3A_3001, %min3A_3001 masked %masked_sort3A_3003 : (vector<16xi32>, vector<16xi32>, vector<16xi1>) -> (vector<16xi1>, vector<16xi32>, vector<16xi32>)
        %masked_sort3A_3007 = arith.constant dense<true> : vector<16xi1>
        %masked_sort3A_3008, %masked_sort3A_3009, %masked_sort3A_3010 = tpu.sort %max3A_3002, %max3A_3002 masked %masked_sort3A_3007 : (vector<16xi32>, vector<16xi32>, vector<16xi1>) -> (vector<16xi1>, vector<16xi32>, vector<16xi32>)
        %min3A_3011 = arith.minui %masked_sort3A_2959, %masked_sort3A_2969 : vector<16xi32>
        %min3A_3012 = arith.minui %masked_sort3A_2963, %masked_sort3A_2973 : vector<16xi32>
        %min3A_3013 = arith.minui %min3A_3011, %min3A_3012 : vector<16xi32>
        %max3A_3014 = arith.maxui %min3A_3011, %min3A_3012 : vector<16xi32>
        %masked_sort3A_3015 = arith.constant dense<true> : vector<16xi1>
        %masked_sort3A_3016, %masked_sort3A_3017, %masked_sort3A_3018 = tpu.sort %max3A_3014, %max3A_3014 masked %masked_sort3A_3015 {descending = true} : (vector<16xi32>, vector<16xi32>, vector<16xi1>) -> (vector<16xi1>, vector<16xi32>, vector<16xi32>)
        %masked_sort3A_3019 = arith.constant dense<true> : vector<16xi1>
        %masked_sort3A_3020, %masked_sort3A_3021, %masked_sort3A_3022 = tpu.sort %min3A_3013, %min3A_3013 masked %masked_sort3A_3019 {descending = true} : (vector<16xi32>, vector<16xi32>, vector<16xi1>) -> (vector<16xi1>, vector<16xi32>, vector<16xi32>)
        %min3A_3023 = arith.minui %masked_sort3A_2981, %masked_sort3A_2993 : vector<16xi32>
        %min3A_3024 = arith.minui %masked_sort3A_2985, %masked_sort3A_2997 : vector<16xi32>
        %min3A_3025 = arith.minui %min3A_3023, %min3A_3024 : vector<16xi32>
        %max3A_3026 = arith.maxui %min3A_3023, %min3A_3024 : vector<16xi32>
        %masked_sort3A_3027 = arith.constant dense<true> : vector<16xi1>
        %masked_sort3A_3028, %masked_sort3A_3029, %masked_sort3A_3030 = tpu.sort %min3A_3025, %min3A_3025 masked %masked_sort3A_3027 : (vector<16xi32>, vector<16xi32>, vector<16xi1>) -> (vector<16xi1>, vector<16xi32>, vector<16xi32>)
        %masked_sort3A_3031 = arith.constant dense<true> : vector<16xi1>
        %masked_sort3A_3032, %masked_sort3A_3033, %masked_sort3A_3034 = tpu.sort %max3A_3026, %max3A_3026 masked %masked_sort3A_3031 : (vector<16xi32>, vector<16xi32>, vector<16xi1>) -> (vector<16xi1>, vector<16xi32>, vector<16xi32>)
        %min3A_3035 = arith.minui %masked_sort3A_3005, %masked_sort3A_3017 : vector<16xi32>
        %min3A_3036 = arith.minui %masked_sort3A_3009, %masked_sort3A_3021 : vector<16xi32>
        %min3A_3037 = arith.minui %min3A_3035, %min3A_3036 : vector<16xi32>
        %max3A_3038 = arith.maxui %min3A_3035, %min3A_3036 : vector<16xi32>
        %masked_sort3A_3039 = arith.constant dense<true> : vector<16xi1>
        %masked_sort3A_3040, %masked_sort3A_3041, %masked_sort3A_3042 = tpu.sort %max3A_3038, %max3A_3038 masked %masked_sort3A_3039 {descending = true} : (vector<16xi32>, vector<16xi32>, vector<16xi1>) -> (vector<16xi1>, vector<16xi32>, vector<16xi32>)
        %masked_sort3A_3043 = arith.constant dense<true> : vector<16xi1>
        %masked_sort3A_3044, %masked_sort3A_3045, %masked_sort3A_3046 = tpu.sort %min3A_3037, %min3A_3037 masked %masked_sort3A_3043 {descending = true} : (vector<16xi32>, vector<16xi32>, vector<16xi1>) -> (vector<16xi1>, vector<16xi32>, vector<16xi32>)
        %min3A_3047 = arith.minui %masked_sort3A_3029, %masked_sort3A_3041 : vector<16xi32>
        %min3A_3048 = arith.minui %masked_sort3A_3033, %masked_sort3A_3045 : vector<16xi32>
        %min3A_3049 = arith.minui %min3A_3047, %min3A_3048 : vector<16xi32>
        %max3A_3050 = arith.maxui %min3A_3047, %min3A_3048 : vector<16xi32>
        %masked_sort3A_3051 = arith.constant dense<true> : vector<16xi1>
        %masked_sort3A_3052, %masked_sort3A_3053, %masked_sort3A_3054 = tpu.sort %min3A_3049, %min3A_3049 masked %masked_sort3A_3051 : (vector<16xi32>, vector<16xi32>, vector<16xi1>) -> (vector<16xi1>, vector<16xi32>, vector<16xi32>)
        %masked_sort3A_3055 = arith.constant dense<true> : vector<16xi1>
        %masked_sort3A_3056, %masked_sort3A_3057, %masked_sort3A_3058 = tpu.sort %max3A_3050, %max3A_3050 masked %masked_sort3A_3055 : (vector<16xi32>, vector<16xi32>, vector<16xi1>) -> (vector<16xi1>, vector<16xi32>, vector<16xi32>)
        %bitcast_convert_type3A_3059 = tpu.bitcast %masked_sort3A_3053 : vector<16xi32> -> vector<16xi32>
        %and3A_3060 = arith.constant 255 : i32
        %and3A_3061 = vector.broadcast %and3A_3060 : i32 to vector<16xi32>
        %and3A_3062 = arith.andi %bitcast_convert_type3A_3059, %and3A_3061 : vector<16xi32>
        %bitcast_convert_type3A_3063 = tpu.bitcast %masked_sort3A_3057 : vector<16xi32> -> vector<16xi32>
        %and3A_3064 = arith.constant 255 : i32
        %and3A_3065 = vector.broadcast %and3A_3064 : i32 to vector<16xi32>
        %and3A_3066 = arith.andi %bitcast_convert_type3A_3063, %and3A_3065 : vector<16xi32>
        %swap3A_3067 = arith.index_cast %rem3A_469 : i32 to index
        %swap3A_3068 = arith.index_cast %add3A_2558 : i32 to index
        %swap3A_3069 = arith.constant 0 : index
        %swap3A_3070 = tpu.vector_load %arg9[%swap3A_3067, %swap3A_3068, %swap3A_3069] {strides = array<i32>} : memref<2x32x32xi32, #tpu.memory_space<vmem>>, vector<16xi32>,
        tpu.vector_store %arg9[%swap3A_3067, %swap3A_3068, %swap3A_3069], %and3A_3062 {strides = array<i32>} : memref<2x32x32xi32, #tpu.memory_space<vmem>>, vector<16xi32>,
        %swap3A_3071 = arith.index_cast %rem3A_469 : i32 to index
        %swap3A_3072 = arith.index_cast %add3A_2558 : i32 to index
        %swap3A_3073 = arith.constant 16 : index
        %swap3A_3074 = tpu.vector_load %arg9[%swap3A_3071, %swap3A_3072, %swap3A_3073] {strides = array<i32>} : memref<2x32x32xi32, #tpu.memory_space<vmem>>, vector<16xi32>,
        tpu.vector_store %arg9[%swap3A_3071, %swap3A_3072, %swap3A_3073], %and3A_3066 {strides = array<i32>} : memref<2x32x32xi32, #tpu.memory_space<vmem>>, vector<16xi32>,
        %shift_right_arithmetic3A_3075 = arith.constant 4 : i32
        %shift_right_arithmetic3A_3076 = vector.broadcast %shift_right_arithmetic3A_3075 : i32 to vector<16xi32>
        %shift_right_arithmetic3A_3077 = arith.shrsi %and3A_3062, %shift_right_arithmetic3A_3076 : vector<16xi32>
        %shift_right_arithmetic3A_3078 = arith.constant 4 : i32
        %shift_right_arithmetic3A_3079 = vector.broadcast %shift_right_arithmetic3A_3078 : i32 to vector<16xi32>
        %shift_right_arithmetic3A_3080 = arith.shrsi %and3A_3066, %shift_right_arithmetic3A_3079 : vector<16xi32>
        %mul3A_3081 = arith.constant 16 : i32
        %mul3A_3082 = arith.muli %add3A_2558, %mul3A_3081 : i32
        %and3A_3083 = arith.constant 15 : i32
        %and3A_3084 = vector.broadcast %and3A_3083 : i32 to vector<16xi32>
        %and3A_3085 = arith.andi %and3A_3062, %and3A_3084 : vector<16xi32>
        %add3A_3086 = vector.broadcast %mul3A_3082 : i32 to vector<16xi32>
        %add3A_3087 = arith.addi %add3A_3086, %and3A_3085 : vector<16xi32>
        %mul3A_3088 = arith.constant 16 : i32
        %mul3A_3089 = arith.muli %add3A_2558, %mul3A_3088 : i32
        %and3A_3090 = arith.constant 15 : i32
        %and3A_3091 = vector.broadcast %and3A_3090 : i32 to vector<16xi32>
        %and3A_3092 = arith.andi %and3A_3066, %and3A_3091 : vector<16xi32>
        %add3A_3093 = vector.broadcast %mul3A_3089 : i32 to vector<16xi32>
        %add3A_3094 = arith.addi %add3A_3093, %and3A_3092 : vector<16xi32>
        %broadcast_in_dim3A_3095 = vector.broadcast %rem3A_469 : i32 to vector<16xi32>
        %add3A_3096 = arith.constant 0 : i32
        %add3A_3097 = vector.broadcast %add3A_3096 : i32 to vector<16xi32>
        %add3A_3098 = arith.addi %shift_right_arithmetic3A_3077, %add3A_3097 : vector<16xi32>
        %gather3A_3099 = tpu.vector_load_idx %arg7[%broadcast_in_dim3A_3095, %add3A_3098, %add3A_3087] : memref<2x48x512xf32, #tpu.memory_space<vmem>>[vector<16xi32>, vector<16xi32>, vector<16xi32>], vector<16xf32>,
        %swap3A_3100 = arith.constant 0 : i32
        %swap3A_3101 = arith.index_cast %rem3A_469 : i32 to index
        %swap3A_3102 = arith.index_cast %swap3A_3100 : i32 to index
        %swap3A_3103 = arith.index_cast %add3A_2558 : i32 to index
        %swap3A_3104 = arith.constant 0 : index
        %swap3A_3105 = tpu.vector_load %arg8[%swap3A_3101, %swap3A_3102, %swap3A_3103, %swap3A_3104] {strides = array<i32>} : memref<2x3x32x32xf32, #tpu.memory_space<vmem>>, vector<16xf32>,
        tpu.vector_store %arg8[%swap3A_3101, %swap3A_3102, %swap3A_3103, %swap3A_3104], %gather3A_3099 {strides = array<i32>} : memref<2x3x32x32xf32, #tpu.memory_space<vmem>>, vector<16xf32>,
        %add3A_3106 = arith.constant 0 : i32
        %add3A_3107 = vector.broadcast %add3A_3106 : i32 to vector<16xi32>
        %add3A_3108 = arith.addi %shift_right_arithmetic3A_3080, %add3A_3107 : vector<16xi32>
        %gather3A_3109 = tpu.vector_load_idx %arg7[%broadcast_in_dim3A_3095, %add3A_3108, %add3A_3094] : memref<2x48x512xf32, #tpu.memory_space<vmem>>[vector<16xi32>, vector<16xi32>, vector<16xi32>], vector<16xf32>,
        %swap3A_3110 = arith.constant 0 : i32
        %swap3A_3111 = arith.index_cast %rem3A_469 : i32 to index
        %swap3A_3112 = arith.index_cast %swap3A_3110 : i32 to index
        %swap3A_3113 = arith.index_cast %add3A_2558 : i32 to index
        %swap3A_3114 = arith.constant 16 : index
        %swap3A_3115 = tpu.vector_load %arg8[%swap3A_3111, %swap3A_3112, %swap3A_3113, %swap3A_3114] {strides = array<i32>} : memref<2x3x32x32xf32, #tpu.memory_space<vmem>>, vector<16xf32>,
        tpu.vector_store %arg8[%swap3A_3111, %swap3A_3112, %swap3A_3113, %swap3A_3114], %gather3A_3109 {strides = array<i32>} : memref<2x3x32x32xf32, #tpu.memory_space<vmem>>, vector<16xf32>,
        %add3A_3116 = arith.constant 16 : i32
        %add3A_3117 = vector.broadcast %add3A_3116 : i32 to vector<16xi32>
        %add3A_3118 = arith.addi %shift_right_arithmetic3A_3077, %add3A_3117 : vector<16xi32>
        %gather3A_3119 = tpu.vector_load_idx %arg7[%broadcast_in_dim3A_3095, %add3A_3118, %add3A_3087] : memref<2x48x512xf32, #tpu.memory_space<vmem>>[vector<16xi32>, vector<16xi32>, vector<16xi32>], vector<16xf32>,
        %swap3A_3120 = arith.constant 1 : i32
        %swap3A_3121 = arith.index_cast %rem3A_469 : i32 to index
        %swap3A_3122 = arith.index_cast %swap3A_3120 : i32 to index
        %swap3A_3123 = arith.index_cast %add3A_2558 : i32 to index
        %swap3A_3124 = arith.constant 0 : index
        %swap3A_3125 = tpu.vector_load %arg8[%swap3A_3121, %swap3A_3122, %swap3A_3123, %swap3A_3124] {strides = array<i32>} : memref<2x3x32x32xf32, #tpu.memory_space<vmem>>, vector<16xf32>,
        tpu.vector_store %arg8[%swap3A_3121, %swap3A_3122, %swap3A_3123, %swap3A_3124], %gather3A_3119 {strides = array<i32>} : memref<2x3x32x32xf32, #tpu.memory_space<vmem>>, vector<16xf32>,
        %add3A_3126 = arith.constant 16 : i32
        %add3A_3127 = vector.broadcast %add3A_3126 : i32 to vector<16xi32>
        %add3A_3128 = arith.addi %shift_right_arithmetic3A_3080, %add3A_3127 : vector<16xi32>
        %gather3A_3129 = tpu.vector_load_idx %arg7[%broadcast_in_dim3A_3095, %add3A_3128, %add3A_3094] : memref<2x48x512xf32, #tpu.memory_space<vmem>>[vector<16xi32>, vector<16xi32>, vector<16xi32>], vector<16xf32>,
        %swap3A_3130 = arith.constant 1 : i32
        %swap3A_3131 = arith.index_cast %rem3A_469 : i32 to index
        %swap3A_3132 = arith.index_cast %swap3A_3130 : i32 to index
        %swap3A_3133 = arith.index_cast %add3A_2558 : i32 to index
        %swap3A_3134 = arith.constant 16 : index
        %swap3A_3135 = tpu.vector_load %arg8[%swap3A_3131, %swap3A_3132, %swap3A_3133, %swap3A_3134] {strides = array<i32>} : memref<2x3x32x32xf32, #tpu.memory_space<vmem>>, vector<16xf32>,
        tpu.vector_store %arg8[%swap3A_3131, %swap3A_3132, %swap3A_3133, %swap3A_3134], %gather3A_3129 {strides = array<i32>} : memref<2x3x32x32xf32, #tpu.memory_space<vmem>>, vector<16xf32>,
        %add3A_3136 = arith.constant 32 : i32
        %add3A_3137 = vector.broadcast %add3A_3136 : i32 to vector<16xi32>
        %add3A_3138 = arith.addi %shift_right_arithmetic3A_3077, %add3A_3137 : vector<16xi32>
        %gather3A_3139 = tpu.vector_load_idx %arg7[%broadcast_in_dim3A_3095, %add3A_3138, %add3A_3087] : memref<2x48x512xf32, #tpu.memory_space<vmem>>[vector<16xi32>, vector<16xi32>, vector<16xi32>], vector<16xf32>,
        %swap3A_3140 = arith.constant 2 : i32
        %swap3A_3141 = arith.index_cast %rem3A_469 : i32 to index
        %swap3A_3142 = arith.index_cast %swap3A_3140 : i32 to index
        %swap3A_3143 = arith.index_cast %add3A_2558 : i32 to index
        %swap3A_3144 = arith.constant 0 : index
        %swap3A_3145 = tpu.vector_load %arg8[%swap3A_3141, %swap3A_3142, %swap3A_3143, %swap3A_3144] {strides = array<i32>} : memref<2x3x32x32xf32, #tpu.memory_space<vmem>>, vector<16xf32>,
        tpu.vector_store %arg8[%swap3A_3141, %swap3A_3142, %swap3A_3143, %swap3A_3144], %gather3A_3139 {strides = array<i32>} : memref<2x3x32x32xf32, #tpu.memory_space<vmem>>, vector<16xf32>,
        %add3A_3146 = arith.constant 32 : i32
        %add3A_3147 = vector.broadcast %add3A_3146 : i32 to vector<16xi32>
        %add3A_3148 = arith.addi %shift_right_arithmetic3A_3080, %add3A_3147 : vector<16xi32>
        %gather3A_3149 = tpu.vector_load_idx %arg7[%broadcast_in_dim3A_3095, %add3A_3148, %add3A_3094] : memref<2x48x512xf32, #tpu.memory_space<vmem>>[vector<16xi32>, vector<16xi32>, vector<16xi32>], vector<16xf32>,
        %swap3A_3150 = arith.constant 2 : i32
        %swap3A_3151 = arith.index_cast %rem3A_469 : i32 to index
        %swap3A_3152 = arith.index_cast %swap3A_3150 : i32 to index
        %swap3A_3153 = arith.index_cast %add3A_2558 : i32 to index
        %swap3A_3154 = arith.constant 16 : index
        %swap3A_3155 = tpu.vector_load %arg8[%swap3A_3151, %swap3A_3152, %swap3A_3153, %swap3A_3154] {strides = array<i32>} : memref<2x3x32x32xf32, #tpu.memory_space<vmem>>, vector<16xf32>,
        tpu.vector_store %arg8[%swap3A_3151, %swap3A_3152, %swap3A_3153, %swap3A_3154], %gather3A_3149 {strides = array<i32>} : memref<2x3x32x32xf32, #tpu.memory_space<vmem>>, vector<16xf32>,
      }
      %scan3A_602 = arith.constant 8 : i32
      %mul3A_603 = arith.constant 64 : i32
      %mul3A_604 = arith.muli %add3A, %mul3A_603 : i32
      %add3A_605 = arith.addi %mul3A_604, %scan3A_467 : i32
      %jit3A_606 = arith.constant 32 : i32
      %div3A_607 = arith.divsi %add3A_605, %jit3A_606 : i32
      %sign3A_608 = arith.constant 0 : i32
      %sign3A_609 = arith.cmpi sgt, %add3A_605, %sign3A_608 : i32
      %sign3A_610 = arith.extui %sign3A_609 : i1 to i32
      %sign3A_611 = arith.constant 0 : i32
      %sign3A_612 = arith.cmpi slt, %add3A_605, %sign3A_611 : i32
      %sign3A_613 = arith.extui %sign3A_612 : i1 to i32
      %sign3A_614 = arith.subi %sign3A_610, %sign3A_613 : i32
      %sign3A_615 = arith.constant 0 : i32
      %sign3A_616 = arith.cmpi sgt, %jit3A_606, %sign3A_615 : i32
      %sign3A_617 = arith.extui %sign3A_616 : i1 to i32
      %sign3A_618 = arith.constant 0 : i32
      %sign3A_619 = arith.cmpi slt, %jit3A_606, %sign3A_618 : i32
      %sign3A_620 = arith.extui %sign3A_619 : i1 to i32
      %sign3A_621 = arith.subi %sign3A_617, %sign3A_620 : i32
      %ne3A_622 = arith.cmpi ne, %sign3A_614, %sign3A_621 : i32
      %rem3A_623 = arith.remsi %add3A_605, %jit3A_606 : i32
      %ne3A_624 = arith.constant 0 : i32
      %ne3A_625 = arith.cmpi ne, %rem3A_623, %ne3A_624 : i32
      %and3A_626 = arith.andi %ne3A_622, %ne3A_625 : i1
      %sub3A_627 = arith.constant 1 : i32
      %sub3A_628 = arith.subi %div3A_607, %sub3A_627 : i32
      %select_n3A_629 = arith.select %and3A_626, %sub3A_628, %div3A_607 : i32
      %jit3A_630 = arith.constant 32 : i32
      %eq3A_631 = arith.constant 0 : i32
      %eq3A_632 = arith.cmpi eq, %jit3A_630, %eq3A_631 : i32
      %jit3A_633 = arith.constant 1 : i32
      %select_n3A_634 = arith.select %eq3A_632, %jit3A_633, %jit3A_630 : i32
      %rem3A_635 = arith.remsi %add3A_605, %select_n3A_634 : i32
      %ne3A_636 = arith.constant 0 : i32
      %ne3A_637 = arith.cmpi ne, %rem3A_635, %ne3A_636 : i32
      %lt3A_638 = arith.constant 0 : i32
      %lt3A_639 = arith.cmpi slt, %rem3A_635, %lt3A_638 : i32
      %lt3A_640 = arith.constant 0 : i32
      %lt3A_641 = arith.cmpi slt, %select_n3A_634, %lt3A_640 : i32
      %ne3A_642 = arith.xori %lt3A_639, %lt3A_641 : i1
      %and3A_643 = arith.andi %ne3A_642, %ne3A_637 : i1
      %add3A_644 = arith.addi %rem3A_635, %select_n3A_634 : i32
      %select_n3A_645 = arith.select %and3A_643, %add3A_644, %rem3A_635 : i32
      %mul3A_646 = arith.constant 32 : i32
      %mul3A_647 = arith.muli %select_n3A_645, %mul3A_646 : i32
      %mul3A_648 = arith.constant 32 : i32
      %mul3A_649 = arith.muli %select_n3A_645, %mul3A_648 : i32
      %mul3A_650 = arith.constant 32 : i32
      %mul3A_651 = arith.muli %select_n3A_645, %mul3A_650 : i32
      %mul3A_652 = arith.constant 32 : i32
      %mul3A_653 = arith.muli %select_n3A_645, %mul3A_652 : i32
      %mul3A_654 = arith.constant 32 : i32
      %mul3A_655 = arith.muli %select_n3A_645, %mul3A_654 : i32
      %mul3A_656 = arith.constant 32 : i32
      %mul3A_657 = arith.muli %select_n3A_645, %mul3A_656 : i32
      %dma_start3A_658 = arith.constant 0 : i32
      %dma_start3A_659 = arith.constant 0 : i32
      %dma_start3A_660 = arith.constant 0 : i32
      %dma_start3A_661 = arith.constant 0 : i32
      %dma_start3A_662 = tpu.memref_slice %arg8[%rem3A_469, %dma_start3A_658, %dma_start3A_660, %dma_start3A_661] : memref<2x3x32x32xf32, #tpu.memory_space<vmem>> -> memref<1x1x32x32xf32, #tpu.memory_space<vmem>>
      %dma_start3A_663 = tpu.memref_squeeze %dma_start3A_662 : memref<1x1x32x32xf32, #tpu.memory_space<vmem>> -> memref<32x32xf32, #tpu.memory_space<vmem>>
      %dma_start3A_664 = arith.constant 0 : i32
      %dma_start3A_665 = tpu.memref_slice %arg4[%select_n3A_629, %dma_start3A_659, %mul3A_647, %dma_start3A_664] : memref<64x3x1024x32xf32, #tpu.memory_space<hbm>> -> memref<1x1x32x32xf32, #tpu.memory_space<hbm>>
      %dma_start3A_666 = tpu.memref_squeeze %dma_start3A_665 : memref<1x1x32x32xf32, #tpu.memory_space<hbm>> -> memref<32x32xf32, #tpu.memory_space<hbm>>
      %dma_start3A_667 = tpu.memref_slice %arg11[%rem3A_469] : memref<2x!tpu.dma_semaphore, #tpu.memory_space<semaphore_mem>> -> memref<1x!tpu.dma_semaphore, #tpu.memory_space<semaphore_mem>>
      %dma_start3A_668 = tpu.memref_squeeze %dma_start3A_667 : memref<1x!tpu.dma_semaphore, #tpu.memory_space<semaphore_mem>> -> memref<!tpu.dma_semaphore, #tpu.memory_space<semaphore_mem>>
      %dma_start3A_669 = arith.constant 0 : i32
      %dma_start3A_670 = tpu.memref_slice %arg4[%select_n3A_629, %dma_start3A_659, %mul3A_647, %dma_start3A_669] : memref<64x3x1024x32xf32, #tpu.memory_space<hbm>> -> memref<1x1x32x32xf32, #tpu.memory_space<hbm>>
      %dma_start3A_671 = tpu.memref_squeeze %dma_start3A_670 : memref<1x1x32x32xf32, #tpu.memory_space<hbm>> -> memref<32x32xf32, #tpu.memory_space<hbm>>
      %dma_start3A_672 = arith.constant 0 : i32
      %dma_start3A_673 = arith.constant 0 : i32
      %dma_start3A_674 = tpu.memref_slice %arg8[%rem3A_469, %dma_start3A_658, %dma_start3A_672, %dma_start3A_673] : memref<2x3x32x32xf32, #tpu.memory_space<vmem>> -> memref<1x1x32x32xf32, #tpu.memory_space<vmem>>
      %dma_start3A_675 = tpu.memref_squeeze %dma_start3A_674 : memref<1x1x32x32xf32, #tpu.memory_space<vmem>> -> memref<32x32xf32, #tpu.memory_space<vmem>>
      tpu.enqueue_dma source(%dma_start3A_675 : memref<32x32xf32, #tpu.memory_space<vmem>>) target(%dma_start3A_671 : memref<32x32xf32, #tpu.memory_space<hbm>>) target_semaphore(%dma_start3A_668 : memref<!tpu.dma_semaphore, #tpu.memory_space<semaphore_mem>>)
      %dma_start3A_676 = arith.constant 0 : i32
      %dma_start3A_677 = arith.constant 0 : i32
      %dma_start3A_678 = arith.constant 0 : i32
      %dma_start3A_679 = tpu.memref_slice %arg9[%rem3A_469, %dma_start3A_677, %dma_start3A_678] : memref<2x32x32xi32, #tpu.memory_space<vmem>> -> memref<1x32x32xi32, #tpu.memory_space<vmem>>
      %dma_start3A_680 = tpu.memref_squeeze %dma_start3A_679 : memref<1x32x32xi32, #tpu.memory_space<vmem>> -> memref<32x32xi32, #tpu.memory_space<vmem>>
      %dma_start3A_681 = arith.constant 0 : i32
      %dma_start3A_682 = tpu.memref_slice %arg5[%select_n3A_629, %dma_start3A_676, %mul3A_649, %dma_start3A_681] : memref<64x3x1024x32xi32, #tpu.memory_space<hbm>> -> memref<1x1x32x32xi32, #tpu.memory_space<hbm>>
      %dma_start3A_683 = tpu.memref_squeeze %dma_start3A_682 : memref<1x1x32x32xi32, #tpu.memory_space<hbm>> -> memref<32x32xi32, #tpu.memory_space<hbm>>
      %dma_start3A_684 = tpu.memref_slice %arg11[%rem3A_469] : memref<2x!tpu.dma_semaphore, #tpu.memory_space<semaphore_mem>> -> memref<1x!tpu.dma_semaphore, #tpu.memory_space<semaphore_mem>>
      %dma_start3A_685 = tpu.memref_squeeze %dma_start3A_684 : memref<1x!tpu.dma_semaphore, #tpu.memory_space<semaphore_mem>> -> memref<!tpu.dma_semaphore, #tpu.memory_space<semaphore_mem>>
      %dma_start3A_686 = arith.constant 0 : i32
      %dma_start3A_687 = tpu.memref_slice %arg5[%select_n3A_629, %dma_start3A_676, %mul3A_649, %dma_start3A_686] : memref<64x3x1024x32xi32, #tpu.memory_space<hbm>> -> memref<1x1x32x32xi32, #tpu.memory_space<hbm>>
      %dma_start3A_688 = tpu.memref_squeeze %dma_start3A_687 : memref<1x1x32x32xi32, #tpu.memory_space<hbm>> -> memref<32x32xi32, #tpu.memory_space<hbm>>
      %dma_start3A_689 = arith.constant 0 : i32
      %dma_start3A_690 = arith.constant 0 : i32
      %dma_start3A_691 = tpu.memref_slice %arg9[%rem3A_469, %dma_start3A_689, %dma_start3A_690] : memref<2x32x32xi32, #tpu.memory_space<vmem>> -> memref<1x32x32xi32, #tpu.memory_space<vmem>>
      %dma_start3A_692 = tpu.memref_squeeze %dma_start3A_691 : memref<1x32x32xi32, #tpu.memory_space<vmem>> -> memref<32x32xi32, #tpu.memory_space<vmem>>
      tpu.enqueue_dma source(%dma_start3A_692 : memref<32x32xi32, #tpu.memory_space<vmem>>) target(%dma_start3A_688 : memref<32x32xi32, #tpu.memory_space<hbm>>) target_semaphore(%dma_start3A_685 : memref<!tpu.dma_semaphore, #tpu.memory_space<semaphore_mem>>)
      %dma_start3A_693 = arith.constant 1 : i32
      %dma_start3A_694 = arith.constant 1 : i32
      %dma_start3A_695 = arith.constant 0 : i32
      %dma_start3A_696 = arith.constant 0 : i32
      %dma_start3A_697 = tpu.memref_slice %arg8[%rem3A_469, %dma_start3A_693, %dma_start3A_695, %dma_start3A_696] : memref<2x3x32x32xf32, #tpu.memory_space<vmem>> -> memref<1x1x32x32xf32, #tpu.memory_space<vmem>>
      %dma_start3A_698 = tpu.memref_squeeze %dma_start3A_697 : memref<1x1x32x32xf32, #tpu.memory_space<vmem>> -> memref<32x32xf32, #tpu.memory_space<vmem>>
      %dma_start3A_699 = arith.constant 0 : i32
      %dma_start3A_700 = tpu.memref_slice %arg4[%select_n3A_629, %dma_start3A_694, %mul3A_651, %dma_start3A_699] : memref<64x3x1024x32xf32, #tpu.memory_space<hbm>> -> memref<1x1x32x32xf32, #tpu.memory_space<hbm>>
      %dma_start3A_701 = tpu.memref_squeeze %dma_start3A_700 : memref<1x1x32x32xf32, #tpu.memory_space<hbm>> -> memref<32x32xf32, #tpu.memory_space<hbm>>
      %dma_start3A_702 = tpu.memref_slice %arg11[%rem3A_469] : memref<2x!tpu.dma_semaphore, #tpu.memory_space<semaphore_mem>> -> memref<1x!tpu.dma_semaphore, #tpu.memory_space<semaphore_mem>>
      %dma_start3A_703 = tpu.memref_squeeze %dma_start3A_702 : memref<1x!tpu.dma_semaphore, #tpu.memory_space<semaphore_mem>> -> memref<!tpu.dma_semaphore, #tpu.memory_space<semaphore_mem>>
      %dma_start3A_704 = arith.constant 0 : i32
      %dma_start3A_705 = tpu.memref_slice %arg4[%select_n3A_629, %dma_start3A_694, %mul3A_651, %dma_start3A_704] : memref<64x3x1024x32xf32, #tpu.memory_space<hbm>> -> memref<1x1x32x32xf32, #tpu.memory_space<hbm>>
      %dma_start3A_706 = tpu.memref_squeeze %dma_start3A_705 : memref<1x1x32x32xf32, #tpu.memory_space<hbm>> -> memref<32x32xf32, #tpu.memory_space<hbm>>
      %dma_start3A_707 = arith.constant 0 : i32
      %dma_start3A_708 = arith.constant 0 : i32
      %dma_start3A_709 = tpu.memref_slice %arg8[%rem3A_469, %dma_start3A_693, %dma_start3A_707, %dma_start3A_708] : memref<2x3x32x32xf32, #tpu.memory_space<vmem>> -> memref<1x1x32x32xf32, #tpu.memory_space<vmem>>
      %dma_start3A_710 = tpu.memref_squeeze %dma_start3A_709 : memref<1x1x32x32xf32, #tpu.memory_space<vmem>> -> memref<32x32xf32, #tpu.memory_space<vmem>>
      tpu.enqueue_dma source(%dma_start3A_710 : memref<32x32xf32, #tpu.memory_space<vmem>>) target(%dma_start3A_706 : memref<32x32xf32, #tpu.memory_space<hbm>>) target_semaphore(%dma_start3A_703 : memref<!tpu.dma_semaphore, #tpu.memory_space<semaphore_mem>>)
      %dma_start3A_711 = arith.constant 1 : i32
      %dma_start3A_712 = arith.constant 0 : i32
      %dma_start3A_713 = arith.constant 0 : i32
      %dma_start3A_714 = tpu.memref_slice %arg9[%rem3A_469, %dma_start3A_712, %dma_start3A_713] : memref<2x32x32xi32, #tpu.memory_space<vmem>> -> memref<1x32x32xi32, #tpu.memory_space<vmem>>
      %dma_start3A_715 = tpu.memref_squeeze %dma_start3A_714 : memref<1x32x32xi32, #tpu.memory_space<vmem>> -> memref<32x32xi32, #tpu.memory_space<vmem>>
      %dma_start3A_716 = arith.constant 0 : i32
      %dma_start3A_717 = tpu.memref_slice %arg5[%select_n3A_629, %dma_start3A_711, %mul3A_653, %dma_start3A_716] : memref<64x3x1024x32xi32, #tpu.memory_space<hbm>> -> memref<1x1x32x32xi32, #tpu.memory_space<hbm>>
      %dma_start3A_718 = tpu.memref_squeeze %dma_start3A_717 : memref<1x1x32x32xi32, #tpu.memory_space<hbm>> -> memref<32x32xi32, #tpu.memory_space<hbm>>
      %dma_start3A_719 = tpu.memref_slice %arg11[%rem3A_469] : memref<2x!tpu.dma_semaphore, #tpu.memory_space<semaphore_mem>> -> memref<1x!tpu.dma_semaphore, #tpu.memory_space<semaphore_mem>>
      %dma_start3A_720 = tpu.memref_squeeze %dma_start3A_719 : memref<1x!tpu.dma_semaphore, #tpu.memory_space<semaphore_mem>> -> memref<!tpu.dma_semaphore, #tpu.memory_space<semaphore_mem>>
      %dma_start3A_721 = arith.constant 0 : i32
      %dma_start3A_722 = tpu.memref_slice %arg5[%select_n3A_629, %dma_start3A_711, %mul3A_653, %dma_start3A_721] : memref<64x3x1024x32xi32, #tpu.memory_space<hbm>> -> memref<1x1x32x32xi32, #tpu.memory_space<hbm>>
      %dma_start3A_723 = tpu.memref_squeeze %dma_start3A_722 : memref<1x1x32x32xi32, #tpu.memory_space<hbm>> -> memref<32x32xi32, #tpu.memory_space<hbm>>
      %dma_start3A_724 = arith.constant 0 : i32
      %dma_start3A_725 = arith.constant 0 : i32
      %dma_start3A_726 = tpu.memref_slice %arg9[%rem3A_469, %dma_start3A_724, %dma_start3A_725] : memref<2x32x32xi32, #tpu.memory_space<vmem>> -> memref<1x32x32xi32, #tpu.memory_space<vmem>>
      %dma_start3A_727 = tpu.memref_squeeze %dma_start3A_726 : memref<1x32x32xi32, #tpu.memory_space<vmem>> -> memref<32x32xi32, #tpu.memory_space<vmem>>
      tpu.enqueue_dma source(%dma_start3A_727 : memref<32x32xi32, #tpu.memory_space<vmem>>) target(%dma_start3A_723 : memref<32x32xi32, #tpu.memory_space<hbm>>) target_semaphore(%dma_start3A_720 : memref<!tpu.dma_semaphore, #tpu.memory_space<semaphore_mem>>)
      %dma_start3A_728 = arith.constant 2 : i32
      %dma_start3A_729 = arith.constant 2 : i32
      %dma_start3A_730 = arith.constant 0 : i32
      %dma_start3A_731 = arith.constant 0 : i32
      %dma_start3A_732 = tpu.memref_slice %arg8[%rem3A_469, %dma_start3A_728, %dma_start3A_730, %dma_start3A_731] : memref<2x3x32x32xf32, #tpu.memory_space<vmem>> -> memref<1x1x32x32xf32, #tpu.memory_space<vmem>>
      %dma_start3A_733 = tpu.memref_squeeze %dma_start3A_732 : memref<1x1x32x32xf32, #tpu.memory_space<vmem>> -> memref<32x32xf32, #tpu.memory_space<vmem>>
      %dma_start3A_734 = arith.constant 0 : i32
      %dma_start3A_735 = tpu.memref_slice %arg4[%select_n3A_629, %dma_start3A_729, %mul3A_655, %dma_start3A_734] : memref<64x3x1024x32xf32, #tpu.memory_space<hbm>> -> memref<1x1x32x32xf32, #tpu.memory_space<hbm>>
      %dma_start3A_736 = tpu.memref_squeeze %dma_start3A_735 : memref<1x1x32x32xf32, #tpu.memory_space<hbm>> -> memref<32x32xf32, #tpu.memory_space<hbm>>
      %dma_start3A_737 = tpu.memref_slice %arg11[%rem3A_469] : memref<2x!tpu.dma_semaphore, #tpu.memory_space<semaphore_mem>> -> memref<1x!tpu.dma_semaphore, #tpu.memory_space<semaphore_mem>>
      %dma_start3A_738 = tpu.memref_squeeze %dma_start3A_737 : memref<1x!tpu.dma_semaphore, #tpu.memory_space<semaphore_mem>> -> memref<!tpu.dma_semaphore, #tpu.memory_space<semaphore_mem>>
      %dma_start3A_739 = arith.constant 0 : i32
      %dma_start3A_740 = tpu.memref_slice %arg4[%select_n3A_629, %dma_start3A_729, %mul3A_655, %dma_start3A_739] : memref<64x3x1024x32xf32, #tpu.memory_space<hbm>> -> memref<1x1x32x32xf32, #tpu.memory_space<hbm>>
      %dma_start3A_741 = tpu.memref_squeeze %dma_start3A_740 : memref<1x1x32x32xf32, #tpu.memory_space<hbm>> -> memref<32x32xf32, #tpu.memory_space<hbm>>
      %dma_start3A_742 = arith.constant 0 : i32
      %dma_start3A_743 = arith.constant 0 : i32
      %dma_start3A_744 = tpu.memref_slice %arg8[%rem3A_469, %dma_start3A_728, %dma_start3A_742, %dma_start3A_743] : memref<2x3x32x32xf32, #tpu.memory_space<vmem>> -> memref<1x1x32x32xf32, #tpu.memory_space<vmem>>
      %dma_start3A_745 = tpu.memref_squeeze %dma_start3A_744 : memref<1x1x32x32xf32, #tpu.memory_space<vmem>> -> memref<32x32xf32, #tpu.memory_space<vmem>>
      tpu.enqueue_dma source(%dma_start3A_745 : memref<32x32xf32, #tpu.memory_space<vmem>>) target(%dma_start3A_741 : memref<32x32xf32, #tpu.memory_space<hbm>>) target_semaphore(%dma_start3A_738 : memref<!tpu.dma_semaphore, #tpu.memory_space<semaphore_mem>>)
      %dma_start3A_746 = arith.constant 2 : i32
      %dma_start3A_747 = arith.constant 0 : i32
      %dma_start3A_748 = arith.constant 0 : i32
      %dma_start3A_749 = tpu.memref_slice %arg9[%rem3A_469, %dma_start3A_747, %dma_start3A_748] : memref<2x32x32xi32, #tpu.memory_space<vmem>> -> memref<1x32x32xi32, #tpu.memory_space<vmem>>
      %dma_start3A_750 = tpu.memref_squeeze %dma_start3A_749 : memref<1x32x32xi32, #tpu.memory_space<vmem>> -> memref<32x32xi32, #tpu.memory_space<vmem>>
      %dma_start3A_751 = arith.constant 0 : i32
      %dma_start3A_752 = tpu.memref_slice %arg5[%select_n3A_629, %dma_start3A_746, %mul3A_657, %dma_start3A_751] : memref<64x3x1024x32xi32, #tpu.memory_space<hbm>> -> memref<1x1x32x32xi32, #tpu.memory_space<hbm>>
      %dma_start3A_753 = tpu.memref_squeeze %dma_start3A_752 : memref<1x1x32x32xi32, #tpu.memory_space<hbm>> -> memref<32x32xi32, #tpu.memory_space<hbm>>
      %dma_start3A_754 = tpu.memref_slice %arg11[%rem3A_469] : memref<2x!tpu.dma_semaphore, #tpu.memory_space<semaphore_mem>> -> memref<1x!tpu.dma_semaphore, #tpu.memory_space<semaphore_mem>>
      %dma_start3A_755 = tpu.memref_squeeze %dma_start3A_754 : memref<1x!tpu.dma_semaphore, #tpu.memory_space<semaphore_mem>> -> memref<!tpu.dma_semaphore, #tpu.memory_space<semaphore_mem>>
      %dma_start3A_756 = arith.constant 0 : i32
      %dma_start3A_757 = tpu.memref_slice %arg5[%select_n3A_629, %dma_start3A_746, %mul3A_657, %dma_start3A_756] : memref<64x3x1024x32xi32, #tpu.memory_space<hbm>> -> memref<1x1x32x32xi32, #tpu.memory_space<hbm>>
      %dma_start3A_758 = tpu.memref_squeeze %dma_start3A_757 : memref<1x1x32x32xi32, #tpu.memory_space<hbm>> -> memref<32x32xi32, #tpu.memory_space<hbm>>
      %dma_start3A_759 = arith.constant 0 : i32
      %dma_start3A_760 = arith.constant 0 : i32
      %dma_start3A_761 = tpu.memref_slice %arg9[%rem3A_469, %dma_start3A_759, %dma_start3A_760] : memref<2x32x32xi32, #tpu.memory_space<vmem>> -> memref<1x32x32xi32, #tpu.memory_space<vmem>>
      %dma_start3A_762 = tpu.memref_squeeze %dma_start3A_761 : memref<1x32x32xi32, #tpu.memory_space<vmem>> -> memref<32x32xi32, #tpu.memory_space<vmem>>
      tpu.enqueue_dma source(%dma_start3A_762 : memref<32x32xi32, #tpu.memory_space<vmem>>) target(%dma_start3A_758 : memref<32x32xi32, #tpu.memory_space<hbm>>) target_semaphore(%dma_start3A_755 : memref<!tpu.dma_semaphore, #tpu.memory_space<semaphore_mem>>)
    }
    %scan3A_121 = arith.constant 64 : i32
    %mul3A_122 = arith.constant 64 : i32
    %mul3A_123 = arith.muli %add3A, %mul3A_122 : i32
    %add3A_124 = arith.constant 62 : i32
    %add3A_125 = arith.addi %mul3A_123, %add3A_124 : i32
    %jit3A_126 = arith.constant 32 : i32
    %div3A_127 = arith.divsi %add3A_125, %jit3A_126 : i32
    %sign3A_128 = arith.constant 0 : i32
    %sign3A_129 = arith.cmpi sgt, %add3A_125, %sign3A_128 : i32
    %sign3A_130 = arith.extui %sign3A_129 : i1 to i32
    %sign3A_131 = arith.constant 0 : i32
    %sign3A_132 = arith.cmpi slt, %add3A_125, %sign3A_131 : i32
    %sign3A_133 = arith.extui %sign3A_132 : i1 to i32
    %sign3A_134 = arith.subi %sign3A_130, %sign3A_133 : i32
    %sign3A_135 = arith.constant 0 : i32
    %sign3A_136 = arith.cmpi sgt, %jit3A_126, %sign3A_135 : i32
    %sign3A_137 = arith.extui %sign3A_136 : i1 to i32
    %sign3A_138 = arith.constant 0 : i32
    %sign3A_139 = arith.cmpi slt, %jit3A_126, %sign3A_138 : i32
    %sign3A_140 = arith.extui %sign3A_139 : i1 to i32
    %sign3A_141 = arith.subi %sign3A_137, %sign3A_140 : i32
    %ne3A_142 = arith.cmpi ne, %sign3A_134, %sign3A_141 : i32
    %rem3A_143 = arith.remsi %add3A_125, %jit3A_126 : i32
    %ne3A_144 = arith.constant 0 : i32
    %ne3A_145 = arith.cmpi ne, %rem3A_143, %ne3A_144 : i32
    %and3A_146 = arith.andi %ne3A_142, %ne3A_145 : i1
    %sub3A_147 = arith.constant 1 : i32
    %sub3A_148 = arith.subi %div3A_127, %sub3A_147 : i32
    %select_n3A_149 = arith.select %and3A_146, %sub3A_148, %div3A_127 : i32
    %jit3A_150 = arith.constant 32 : i32
    %eq3A_151 = arith.constant 0 : i32
    %eq3A_152 = arith.cmpi eq, %jit3A_150, %eq3A_151 : i32
    %jit3A_153 = arith.constant 1 : i32
    %select_n3A_154 = arith.select %eq3A_152, %jit3A_153, %jit3A_150 : i32
    %rem3A_155 = arith.remsi %add3A_125, %select_n3A_154 : i32
    %ne3A_156 = arith.constant 0 : i32
    %ne3A_157 = arith.cmpi ne, %rem3A_155, %ne3A_156 : i32
    %lt3A_158 = arith.constant 0 : i32
    %lt3A_159 = arith.cmpi slt, %rem3A_155, %lt3A_158 : i32
    %lt3A_160 = arith.constant 0 : i32
    %lt3A_161 = arith.cmpi slt, %select_n3A_154, %lt3A_160 : i32
    %ne3A_162 = arith.xori %lt3A_159, %lt3A_161 : i1
    %and3A_163 = arith.andi %ne3A_162, %ne3A_157 : i1
    %add3A_164 = arith.addi %rem3A_155, %select_n3A_154 : i32
    %select_n3A_165 = arith.select %and3A_163, %add3A_164, %rem3A_155 : i32
    %mul3A_166 = arith.constant 32 : i32
    %mul3A_167 = arith.muli %select_n3A_165, %mul3A_166 : i32
    %mul3A_168 = arith.constant 32 : i32
    %mul3A_169 = arith.muli %select_n3A_165, %mul3A_168 : i32
    %mul3A_170 = arith.constant 32 : i32
    %mul3A_171 = arith.muli %select_n3A_165, %mul3A_170 : i32
    %mul3A_172 = arith.constant 32 : i32
    %mul3A_173 = arith.muli %select_n3A_165, %mul3A_172 : i32
    %mul3A_174 = arith.constant 32 : i32
    %mul3A_175 = arith.muli %select_n3A_165, %mul3A_174 : i32
    %mul3A_176 = arith.constant 32 : i32
    %mul3A_177 = arith.muli %select_n3A_165, %mul3A_176 : i32
    %dma_wait3A = arith.constant 0 : i32
    %dma_wait3A_178 = arith.constant 0 : i32
    %dma_wait3A_179 = arith.constant 0 : i32
    %dma_wait3A_180 = arith.constant 0 : i32
    %dma_wait3A_181 = arith.constant 0 : i32
    %dma_wait3A_182 = arith.constant 0 : i32
    %dma_wait3A_183 = tpu.memref_slice %arg8[%dma_wait3A, %dma_wait3A_178, %dma_wait3A_181, %dma_wait3A_182] : memref<2x3x32x32xf32, #tpu.memory_space<vmem>> -> memref<1x1x32x32xf32, #tpu.memory_space<vmem>>
    %dma_wait3A_184 = tpu.memref_squeeze %dma_wait3A_183 : memref<1x1x32x32xf32, #tpu.memory_space<vmem>> -> memref<32x32xf32, #tpu.memory_space<vmem>>
    %dma_wait3A_185 = arith.constant 0 : i32
    %dma_wait3A_186 = tpu.memref_slice %arg4[%select_n3A_149, %dma_wait3A_179, %mul3A_167, %dma_wait3A_185] : memref<64x3x1024x32xf32, #tpu.memory_space<hbm>> -> memref<1x1x32x32xf32, #tpu.memory_space<hbm>>
    %dma_wait3A_187 = tpu.memref_squeeze %dma_wait3A_186 : memref<1x1x32x32xf32, #tpu.memory_space<hbm>> -> memref<32x32xf32, #tpu.memory_space<hbm>>
    %dma_wait3A_188 = tpu.memref_slice %arg11[%dma_wait3A_180] : memref<2x!tpu.dma_semaphore, #tpu.memory_space<semaphore_mem>> -> memref<1x!tpu.dma_semaphore, #tpu.memory_space<semaphore_mem>>
    %dma_wait3A_189 = tpu.memref_squeeze %dma_wait3A_188 : memref<1x!tpu.dma_semaphore, #tpu.memory_space<semaphore_mem>> -> memref<!tpu.dma_semaphore, #tpu.memory_space<semaphore_mem>>
    %dma_wait3A_190 = arith.constant 0 : i32
    %dma_wait3A_191 = tpu.memref_slice %arg4[%select_n3A_149, %dma_wait3A_179, %mul3A_167, %dma_wait3A_190] : memref<64x3x1024x32xf32, #tpu.memory_space<hbm>> -> memref<1x1x32x32xf32, #tpu.memory_space<hbm>>
    %dma_wait3A_192 = tpu.memref_squeeze %dma_wait3A_191 : memref<1x1x32x32xf32, #tpu.memory_space<hbm>> -> memref<32x32xf32, #tpu.memory_space<hbm>>
    %dma_wait3A_193 = arith.constant 0 : i32
    %dma_wait3A_194 = arith.constant 0 : i32
    %dma_wait3A_195 = tpu.memref_slice %arg8[%dma_wait3A, %dma_wait3A_178, %dma_wait3A_193, %dma_wait3A_194] : memref<2x3x32x32xf32, #tpu.memory_space<vmem>> -> memref<1x1x32x32xf32, #tpu.memory_space<vmem>>
    %dma_wait3A_196 = tpu.memref_squeeze %dma_wait3A_195 : memref<1x1x32x32xf32, #tpu.memory_space<vmem>> -> memref<32x32xf32, #tpu.memory_space<vmem>>
    tpu.wait_dma2 semaphore(%dma_wait3A_189 : memref<!tpu.dma_semaphore, #tpu.memory_space<semaphore_mem>>) src(%dma_wait3A_196 : memref<32x32xf32, #tpu.memory_space<vmem>>) dst(%dma_wait3A_192 : memref<32x32xf32, #tpu.memory_space<hbm>>)
    %dma_wait3A_197 = arith.constant 0 : i32
    %dma_wait3A_198 = arith.constant 0 : i32
    %dma_wait3A_199 = arith.constant 0 : i32
    %dma_wait3A_200 = arith.constant 0 : i32
    %dma_wait3A_201 = arith.constant 0 : i32
    %dma_wait3A_202 = tpu.memref_slice %arg9[%dma_wait3A_197, %dma_wait3A_200, %dma_wait3A_201] : memref<2x32x32xi32, #tpu.memory_space<vmem>> -> memref<1x32x32xi32, #tpu.memory_space<vmem>>
    %dma_wait3A_203 = tpu.memref_squeeze %dma_wait3A_202 : memref<1x32x32xi32, #tpu.memory_space<vmem>> -> memref<32x32xi32, #tpu.memory_space<vmem>>
    %dma_wait3A_204 = arith.constant 0 : i32
    %dma_wait3A_205 = tpu.memref_slice %arg5[%select_n3A_149, %dma_wait3A_198, %mul3A_169, %dma_wait3A_204] : memref<64x3x1024x32xi32, #tpu.memory_space<hbm>> -> memref<1x1x32x32xi32, #tpu.memory_space<hbm>>
    %dma_wait3A_206 = tpu.memref_squeeze %dma_wait3A_205 : memref<1x1x32x32xi32, #tpu.memory_space<hbm>> -> memref<32x32xi32, #tpu.memory_space<hbm>>
    %dma_wait3A_207 = tpu.memref_slice %arg11[%dma_wait3A_199] : memref<2x!tpu.dma_semaphore, #tpu.memory_space<semaphore_mem>> -> memref<1x!tpu.dma_semaphore, #tpu.memory_space<semaphore_mem>>
    %dma_wait3A_208 = tpu.memref_squeeze %dma_wait3A_207 : memref<1x!tpu.dma_semaphore, #tpu.memory_space<semaphore_mem>> -> memref<!tpu.dma_semaphore, #tpu.memory_space<semaphore_mem>>
    %dma_wait3A_209 = arith.constant 0 : i32
    %dma_wait3A_210 = tpu.memref_slice %arg5[%select_n3A_149, %dma_wait3A_198, %mul3A_169, %dma_wait3A_209] : memref<64x3x1024x32xi32, #tpu.memory_space<hbm>> -> memref<1x1x32x32xi32, #tpu.memory_space<hbm>>
    %dma_wait3A_211 = tpu.memref_squeeze %dma_wait3A_210 : memref<1x1x32x32xi32, #tpu.memory_space<hbm>> -> memref<32x32xi32, #tpu.memory_space<hbm>>
    %dma_wait3A_212 = arith.constant 0 : i32
    %dma_wait3A_213 = arith.constant 0 : i32
    %dma_wait3A_214 = tpu.memref_slice %arg9[%dma_wait3A_197, %dma_wait3A_212, %dma_wait3A_213] : memref<2x32x32xi32, #tpu.memory_space<vmem>> -> memref<1x32x32xi32, #tpu.memory_space<vmem>>
    %dma_wait3A_215 = tpu.memref_squeeze %dma_wait3A_214 : memref<1x32x32xi32, #tpu.memory_space<vmem>> -> memref<32x32xi32, #tpu.memory_space<vmem>>
    tpu.wait_dma2 semaphore(%dma_wait3A_208 : memref<!tpu.dma_semaphore, #tpu.memory_space<semaphore_mem>>) src(%dma_wait3A_215 : memref<32x32xi32, #tpu.memory_space<vmem>>) dst(%dma_wait3A_211 : memref<32x32xi32, #tpu.memory_space<hbm>>)
    %dma_wait3A_216 = arith.constant 0 : i32
    %dma_wait3A_217 = arith.constant 1 : i32
    %dma_wait3A_218 = arith.constant 1 : i32
    %dma_wait3A_219 = arith.constant 0 : i32
    %dma_wait3A_220 = arith.constant 0 : i32
    %dma_wait3A_221 = arith.constant 0 : i32
    %dma_wait3A_222 = tpu.memref_slice %arg8[%dma_wait3A_216, %dma_wait3A_217, %dma_wait3A_220, %dma_wait3A_221] : memref<2x3x32x32xf32, #tpu.memory_space<vmem>> -> memref<1x1x32x32xf32, #tpu.memory_space<vmem>>
    %dma_wait3A_223 = tpu.memref_squeeze %dma_wait3A_222 : memref<1x1x32x32xf32, #tpu.memory_space<vmem>> -> memref<32x32xf32, #tpu.memory_space<vmem>>
    %dma_wait3A_224 = arith.constant 0 : i32
    %dma_wait3A_225 = tpu.memref_slice %arg4[%select_n3A_149, %dma_wait3A_218, %mul3A_171, %dma_wait3A_224] : memref<64x3x1024x32xf32, #tpu.memory_space<hbm>> -> memref<1x1x32x32xf32, #tpu.memory_space<hbm>>
    %dma_wait3A_226 = tpu.memref_squeeze %dma_wait3A_225 : memref<1x1x32x32xf32, #tpu.memory_space<hbm>> -> memref<32x32xf32, #tpu.memory_space<hbm>>
    %dma_wait3A_227 = tpu.memref_slice %arg11[%dma_wait3A_219] : memref<2x!tpu.dma_semaphore, #tpu.memory_space<semaphore_mem>> -> memref<1x!tpu.dma_semaphore, #tpu.memory_space<semaphore_mem>>
    %dma_wait3A_228 = tpu.memref_squeeze %dma_wait3A_227 : memref<1x!tpu.dma_semaphore, #tpu.memory_space<semaphore_mem>> -> memref<!tpu.dma_semaphore, #tpu.memory_space<semaphore_mem>>
    %dma_wait3A_229 = arith.constant 0 : i32
    %dma_wait3A_230 = tpu.memref_slice %arg4[%select_n3A_149, %dma_wait3A_218, %mul3A_171, %dma_wait3A_229] : memref<64x3x1024x32xf32, #tpu.memory_space<hbm>> -> memref<1x1x32x32xf32, #tpu.memory_space<hbm>>
    %dma_wait3A_231 = tpu.memref_squeeze %dma_wait3A_230 : memref<1x1x32x32xf32, #tpu.memory_space<hbm>> -> memref<32x32xf32, #tpu.memory_space<hbm>>
    %dma_wait3A_232 = arith.constant 0 : i32
    %dma_wait3A_233 = arith.constant 0 : i32
    %dma_wait3A_234 = tpu.memref_slice %arg8[%dma_wait3A_216, %dma_wait3A_217, %dma_wait3A_232, %dma_wait3A_233] : memref<2x3x32x32xf32, #tpu.memory_space<vmem>> -> memref<1x1x32x32xf32, #tpu.memory_space<vmem>>
    %dma_wait3A_235 = tpu.memref_squeeze %dma_wait3A_234 : memref<1x1x32x32xf32, #tpu.memory_space<vmem>> -> memref<32x32xf32, #tpu.memory_space<vmem>>
    tpu.wait_dma2 semaphore(%dma_wait3A_228 : memref<!tpu.dma_semaphore, #tpu.memory_space<semaphore_mem>>) src(%dma_wait3A_235 : memref<32x32xf32, #tpu.memory_space<vmem>>) dst(%dma_wait3A_231 : memref<32x32xf32, #tpu.memory_space<hbm>>)
    %dma_wait3A_236 = arith.constant 0 : i32
    %dma_wait3A_237 = arith.constant 1 : i32
    %dma_wait3A_238 = arith.constant 0 : i32
    %dma_wait3A_239 = arith.constant 0 : i32
    %dma_wait3A_240 = arith.constant 0 : i32
    %dma_wait3A_241 = tpu.memref_slice %arg9[%dma_wait3A_236, %dma_wait3A_239, %dma_wait3A_240] : memref<2x32x32xi32, #tpu.memory_space<vmem>> -> memref<1x32x32xi32, #tpu.memory_space<vmem>>
    %dma_wait3A_242 = tpu.memref_squeeze %dma_wait3A_241 : memref<1x32x32xi32, #tpu.memory_space<vmem>> -> memref<32x32xi32, #tpu.memory_space<vmem>>
    %dma_wait3A_243 = arith.constant 0 : i32
    %dma_wait3A_244 = tpu.memref_slice %arg5[%select_n3A_149, %dma_wait3A_237, %mul3A_173, %dma_wait3A_243] : memref<64x3x1024x32xi32, #tpu.memory_space<hbm>> -> memref<1x1x32x32xi32, #tpu.memory_space<hbm>>
    %dma_wait3A_245 = tpu.memref_squeeze %dma_wait3A_244 : memref<1x1x32x32xi32, #tpu.memory_space<hbm>> -> memref<32x32xi32, #tpu.memory_space<hbm>>
    %dma_wait3A_246 = tpu.memref_slice %arg11[%dma_wait3A_238] : memref<2x!tpu.dma_semaphore, #tpu.memory_space<semaphore_mem>> -> memref<1x!tpu.dma_semaphore, #tpu.memory_space<semaphore_mem>>
    %dma_wait3A_247 = tpu.memref_squeeze %dma_wait3A_246 : memref<1x!tpu.dma_semaphore, #tpu.memory_space<semaphore_mem>> -> memref<!tpu.dma_semaphore, #tpu.memory_space<semaphore_mem>>
    %dma_wait3A_248 = arith.constant 0 : i32
    %dma_wait3A_249 = tpu.memref_slice %arg5[%select_n3A_149, %dma_wait3A_237, %mul3A_173, %dma_wait3A_248] : memref<64x3x1024x32xi32, #tpu.memory_space<hbm>> -> memref<1x1x32x32xi32, #tpu.memory_space<hbm>>
    %dma_wait3A_250 = tpu.memref_squeeze %dma_wait3A_249 : memref<1x1x32x32xi32, #tpu.memory_space<hbm>> -> memref<32x32xi32, #tpu.memory_space<hbm>>
    %dma_wait3A_251 = arith.constant 0 : i32
    %dma_wait3A_252 = arith.constant 0 : i32
    %dma_wait3A_253 = tpu.memref_slice %arg9[%dma_wait3A_236, %dma_wait3A_251, %dma_wait3A_252] : memref<2x32x32xi32, #tpu.memory_space<vmem>> -> memref<1x32x32xi32, #tpu.memory_space<vmem>>
    %dma_wait3A_254 = tpu.memref_squeeze %dma_wait3A_253 : memref<1x32x32xi32, #tpu.memory_space<vmem>> -> memref<32x32xi32, #tpu.memory_space<vmem>>
    tpu.wait_dma2 semaphore(%dma_wait3A_247 : memref<!tpu.dma_semaphore, #tpu.memory_space<semaphore_mem>>) src(%dma_wait3A_254 : memref<32x32xi32, #tpu.memory_space<vmem>>) dst(%dma_wait3A_250 : memref<32x32xi32, #tpu.memory_space<hbm>>)
    %dma_wait3A_255 = arith.constant 0 : i32
    %dma_wait3A_256 = arith.constant 2 : i32
    %dma_wait3A_257 = arith.constant 2 : i32
    %dma_wait3A_258 = arith.constant 0 : i32
    %dma_wait3A_259 = arith.constant 0 : i32
    %dma_wait3A_260 = arith.constant 0 : i32
    %dma_wait3A_261 = tpu.memref_slice %arg8[%dma_wait3A_255, %dma_wait3A_256, %dma_wait3A_259, %dma_wait3A_260] : memref<2x3x32x32xf32, #tpu.memory_space<vmem>> -> memref<1x1x32x32xf32, #tpu.memory_space<vmem>>
    %dma_wait3A_262 = tpu.memref_squeeze %dma_wait3A_261 : memref<1x1x32x32xf32, #tpu.memory_space<vmem>> -> memref<32x32xf32, #tpu.memory_space<vmem>>
    %dma_wait3A_263 = arith.constant 0 : i32
    %dma_wait3A_264 = tpu.memref_slice %arg4[%select_n3A_149, %dma_wait3A_257, %mul3A_175, %dma_wait3A_263] : memref<64x3x1024x32xf32, #tpu.memory_space<hbm>> -> memref<1x1x32x32xf32, #tpu.memory_space<hbm>>
    %dma_wait3A_265 = tpu.memref_squeeze %dma_wait3A_264 : memref<1x1x32x32xf32, #tpu.memory_space<hbm>> -> memref<32x32xf32, #tpu.memory_space<hbm>>
    %dma_wait3A_266 = tpu.memref_slice %arg11[%dma_wait3A_258] : memref<2x!tpu.dma_semaphore, #tpu.memory_space<semaphore_mem>> -> memref<1x!tpu.dma_semaphore, #tpu.memory_space<semaphore_mem>>
    %dma_wait3A_267 = tpu.memref_squeeze %dma_wait3A_266 : memref<1x!tpu.dma_semaphore, #tpu.memory_space<semaphore_mem>> -> memref<!tpu.dma_semaphore, #tpu.memory_space<semaphore_mem>>
    %dma_wait3A_268 = arith.constant 0 : i32
    %dma_wait3A_269 = tpu.memref_slice %arg4[%select_n3A_149, %dma_wait3A_257, %mul3A_175, %dma_wait3A_268] : memref<64x3x1024x32xf32, #tpu.memory_space<hbm>> -> memref<1x1x32x32xf32, #tpu.memory_space<hbm>>
    %dma_wait3A_270 = tpu.memref_squeeze %dma_wait3A_269 : memref<1x1x32x32xf32, #tpu.memory_space<hbm>> -> memref<32x32xf32, #tpu.memory_space<hbm>>
    %dma_wait3A_271 = arith.constant 0 : i32
    %dma_wait3A_272 = arith.constant 0 : i32
    %dma_wait3A_273 = tpu.memref_slice %arg8[%dma_wait3A_255, %dma_wait3A_256, %dma_wait3A_271, %dma_wait3A_272] : memref<2x3x32x32xf32, #tpu.memory_space<vmem>> -> memref<1x1x32x32xf32, #tpu.memory_space<vmem>>
    %dma_wait3A_274 = tpu.memref_squeeze %dma_wait3A_273 : memref<1x1x32x32xf32, #tpu.memory_space<vmem>> -> memref<32x32xf32, #tpu.memory_space<vmem>>
    tpu.wait_dma2 semaphore(%dma_wait3A_267 : memref<!tpu.dma_semaphore, #tpu.memory_space<semaphore_mem>>) src(%dma_wait3A_274 : memref<32x32xf32, #tpu.memory_space<vmem>>) dst(%dma_wait3A_270 : memref<32x32xf32, #tpu.memory_space<hbm>>)
    %dma_wait3A_275 = arith.constant 0 : i32
    %dma_wait3A_276 = arith.constant 2 : i32
    %dma_wait3A_277 = arith.constant 0 : i32
    %dma_wait3A_278 = arith.constant 0 : i32
    %dma_wait3A_279 = arith.constant 0 : i32
    %dma_wait3A_280 = tpu.memref_slice %arg9[%dma_wait3A_275, %dma_wait3A_278, %dma_wait3A_279] : memref<2x32x32xi32, #tpu.memory_space<vmem>> -> memref<1x32x32xi32, #tpu.memory_space<vmem>>
    %dma_wait3A_281 = tpu.memref_squeeze %dma_wait3A_280 : memref<1x32x32xi32, #tpu.memory_space<vmem>> -> memref<32x32xi32, #tpu.memory_space<vmem>>
    %dma_wait3A_282 = arith.constant 0 : i32
    %dma_wait3A_283 = tpu.memref_slice %arg5[%select_n3A_149, %dma_wait3A_276, %mul3A_177, %dma_wait3A_282] : memref<64x3x1024x32xi32, #tpu.memory_space<hbm>> -> memref<1x1x32x32xi32, #tpu.memory_space<hbm>>
    %dma_wait3A_284 = tpu.memref_squeeze %dma_wait3A_283 : memref<1x1x32x32xi32, #tpu.memory_space<hbm>> -> memref<32x32xi32, #tpu.memory_space<hbm>>
    %dma_wait3A_285 = tpu.memref_slice %arg11[%dma_wait3A_277] : memref<2x!tpu.dma_semaphore, #tpu.memory_space<semaphore_mem>> -> memref<1x!tpu.dma_semaphore, #tpu.memory_space<semaphore_mem>>
    %dma_wait3A_286 = tpu.memref_squeeze %dma_wait3A_285 : memref<1x!tpu.dma_semaphore, #tpu.memory_space<semaphore_mem>> -> memref<!tpu.dma_semaphore, #tpu.memory_space<semaphore_mem>>
    %dma_wait3A_287 = arith.constant 0 : i32
    %dma_wait3A_288 = tpu.memref_slice %arg5[%select_n3A_149, %dma_wait3A_276, %mul3A_177, %dma_wait3A_287] : memref<64x3x1024x32xi32, #tpu.memory_space<hbm>> -> memref<1x1x32x32xi32, #tpu.memory_space<hbm>>
    %dma_wait3A_289 = tpu.memref_squeeze %dma_wait3A_288 : memref<1x1x32x32xi32, #tpu.memory_space<hbm>> -> memref<32x32xi32, #tpu.memory_space<hbm>>
    %dma_wait3A_290 = arith.constant 0 : i32
    %dma_wait3A_291 = arith.constant 0 : i32
    %dma_wait3A_292 = tpu.memref_slice %arg9[%dma_wait3A_275, %dma_wait3A_290, %dma_wait3A_291] : memref<2x32x32xi32, #tpu.memory_space<vmem>> -> memref<1x32x32xi32, #tpu.memory_space<vmem>>
    %dma_wait3A_293 = tpu.memref_squeeze %dma_wait3A_292 : memref<1x32x32xi32, #tpu.memory_space<vmem>> -> memref<32x32xi32, #tpu.memory_space<vmem>>
    tpu.wait_dma2 semaphore(%dma_wait3A_286 : memref<!tpu.dma_semaphore, #tpu.memory_space<semaphore_mem>>) src(%dma_wait3A_293 : memref<32x32xi32, #tpu.memory_space<vmem>>) dst(%dma_wait3A_289 : memref<32x32xi32, #tpu.memory_space<hbm>>)
    %mul3A_294 = arith.constant 64 : i32
    %mul3A_295 = arith.muli %add3A, %mul3A_294 : i32
    %add3A_296 = arith.constant 63 : i32
    %add3A_297 = arith.addi %mul3A_295, %add3A_296 : i32
    %jit3A_298 = arith.constant 32 : i32
    %div3A_299 = arith.divsi %add3A_297, %jit3A_298 : i32
    %sign3A_300 = arith.constant 0 : i32
    %sign3A_301 = arith.cmpi sgt, %add3A_297, %sign3A_300 : i32
    %sign3A_302 = arith.extui %sign3A_301 : i1 to i32
    %sign3A_303 = arith.constant 0 : i32
    %sign3A_304 = arith.cmpi slt, %add3A_297, %sign3A_303 : i32
    %sign3A_305 = arith.extui %sign3A_304 : i1 to i32
    %sign3A_306 = arith.subi %sign3A_302, %sign3A_305 : i32
    %sign3A_307 = arith.constant 0 : i32
    %sign3A_308 = arith.cmpi sgt, %jit3A_298, %sign3A_307 : i32
    %sign3A_309 = arith.extui %sign3A_308 : i1 to i32
    %sign3A_310 = arith.constant 0 : i32
    %sign3A_311 = arith.cmpi slt, %jit3A_298, %sign3A_310 : i32
    %sign3A_312 = arith.extui %sign3A_311 : i1 to i32
    %sign3A_313 = arith.subi %sign3A_309, %sign3A_312 : i32
    %ne3A_314 = arith.cmpi ne, %sign3A_306, %sign3A_313 : i32
    %rem3A_315 = arith.remsi %add3A_297, %jit3A_298 : i32
    %ne3A_316 = arith.constant 0 : i32
    %ne3A_317 = arith.cmpi ne, %rem3A_315, %ne3A_316 : i32
    %and3A_318 = arith.andi %ne3A_314, %ne3A_317 : i1
    %sub3A_319 = arith.constant 1 : i32
    %sub3A_320 = arith.subi %div3A_299, %sub3A_319 : i32
    %select_n3A_321 = arith.select %and3A_318, %sub3A_320, %div3A_299 : i32
    %jit3A_322 = arith.constant 32 : i32
    %eq3A_323 = arith.constant 0 : i32
    %eq3A_324 = arith.cmpi eq, %jit3A_322, %eq3A_323 : i32
    %jit3A_325 = arith.constant 1 : i32
    %select_n3A_326 = arith.select %eq3A_324, %jit3A_325, %jit3A_322 : i32
    %rem3A_327 = arith.remsi %add3A_297, %select_n3A_326 : i32
    %ne3A_328 = arith.constant 0 : i32
    %ne3A_329 = arith.cmpi ne, %rem3A_327, %ne3A_328 : i32
    %lt3A_330 = arith.constant 0 : i32
    %lt3A_331 = arith.cmpi slt, %rem3A_327, %lt3A_330 : i32
    %lt3A_332 = arith.constant 0 : i32
    %lt3A_333 = arith.cmpi slt, %select_n3A_326, %lt3A_332 : i32
    %ne3A_334 = arith.xori %lt3A_331, %lt3A_333 : i1
    %and3A_335 = arith.andi %ne3A_334, %ne3A_329 : i1
    %add3A_336 = arith.addi %rem3A_327, %select_n3A_326 : i32
    %select_n3A_337 = arith.select %and3A_335, %add3A_336, %rem3A_327 : i32
    %mul3A_338 = arith.constant 32 : i32
    %mul3A_339 = arith.muli %select_n3A_337, %mul3A_338 : i32
    %mul3A_340 = arith.constant 32 : i32
    %mul3A_341 = arith.muli %select_n3A_337, %mul3A_340 : i32
    %mul3A_342 = arith.constant 32 : i32
    %mul3A_343 = arith.muli %select_n3A_337, %mul3A_342 : i32
    %mul3A_344 = arith.constant 32 : i32
    %mul3A_345 = arith.muli %select_n3A_337, %mul3A_344 : i32
    %mul3A_346 = arith.constant 32 : i32
    %mul3A_347 = arith.muli %select_n3A_337, %mul3A_346 : i32
    %mul3A_348 = arith.constant 32 : i32
    %mul3A_349 = arith.muli %select_n3A_337, %mul3A_348 : i32
    %dma_wait3A_350 = arith.constant 1 : i32
    %dma_wait3A_351 = arith.constant 0 : i32
    %dma_wait3A_352 = arith.constant 0 : i32
    %dma_wait3A_353 = arith.constant 1 : i32
    %dma_wait3A_354 = arith.constant 0 : i32
    %dma_wait3A_355 = arith.constant 0 : i32
    %dma_wait3A_356 = tpu.memref_slice %arg8[%dma_wait3A_350, %dma_wait3A_351, %dma_wait3A_354, %dma_wait3A_355] : memref<2x3x32x32xf32, #tpu.memory_space<vmem>> -> memref<1x1x32x32xf32, #tpu.memory_space<vmem>>
    %dma_wait3A_357 = tpu.memref_squeeze %dma_wait3A_356 : memref<1x1x32x32xf32, #tpu.memory_space<vmem>> -> memref<32x32xf32, #tpu.memory_space<vmem>>
    %dma_wait3A_358 = arith.constant 0 : i32
    %dma_wait3A_359 = tpu.memref_slice %arg4[%select_n3A_321, %dma_wait3A_352, %mul3A_339, %dma_wait3A_358] : memref<64x3x1024x32xf32, #tpu.memory_space<hbm>> -> memref<1x1x32x32xf32, #tpu.memory_space<hbm>>
    %dma_wait3A_360 = tpu.memref_squeeze %dma_wait3A_359 : memref<1x1x32x32xf32, #tpu.memory_space<hbm>> -> memref<32x32xf32, #tpu.memory_space<hbm>>
    %dma_wait3A_361 = tpu.memref_slice %arg11[%dma_wait3A_353] : memref<2x!tpu.dma_semaphore, #tpu.memory_space<semaphore_mem>> -> memref<1x!tpu.dma_semaphore, #tpu.memory_space<semaphore_mem>>
    %dma_wait3A_362 = tpu.memref_squeeze %dma_wait3A_361 : memref<1x!tpu.dma_semaphore, #tpu.memory_space<semaphore_mem>> -> memref<!tpu.dma_semaphore, #tpu.memory_space<semaphore_mem>>
    %dma_wait3A_363 = arith.constant 0 : i32
    %dma_wait3A_364 = tpu.memref_slice %arg4[%select_n3A_321, %dma_wait3A_352, %mul3A_339, %dma_wait3A_363] : memref<64x3x1024x32xf32, #tpu.memory_space<hbm>> -> memref<1x1x32x32xf32, #tpu.memory_space<hbm>>
    %dma_wait3A_365 = tpu.memref_squeeze %dma_wait3A_364 : memref<1x1x32x32xf32, #tpu.memory_space<hbm>> -> memref<32x32xf32, #tpu.memory_space<hbm>>
    %dma_wait3A_366 = arith.constant 0 : i32
    %dma_wait3A_367 = arith.constant 0 : i32
    %dma_wait3A_368 = tpu.memref_slice %arg8[%dma_wait3A_350, %dma_wait3A_351, %dma_wait3A_366, %dma_wait3A_367] : memref<2x3x32x32xf32, #tpu.memory_space<vmem>> -> memref<1x1x32x32xf32, #tpu.memory_space<vmem>>
    %dma_wait3A_369 = tpu.memref_squeeze %dma_wait3A_368 : memref<1x1x32x32xf32, #tpu.memory_space<vmem>> -> memref<32x32xf32, #tpu.memory_space<vmem>>
    tpu.wait_dma2 semaphore(%dma_wait3A_362 : memref<!tpu.dma_semaphore, #tpu.memory_space<semaphore_mem>>) src(%dma_wait3A_369 : memref<32x32xf32, #tpu.memory_space<vmem>>) dst(%dma_wait3A_365 : memref<32x32xf32, #tpu.memory_space<hbm>>)
    %dma_wait3A_370 = arith.constant 1 : i32
    %dma_wait3A_371 = arith.constant 0 : i32
    %dma_wait3A_372 = arith.constant 1 : i32
    %dma_wait3A_373 = arith.constant 0 : i32
    %dma_wait3A_374 = arith.constant 0 : i32
    %dma_wait3A_375 = tpu.memref_slice %arg9[%dma_wait3A_370, %dma_wait3A_373, %dma_wait3A_374] : memref<2x32x32xi32, #tpu.memory_space<vmem>> -> memref<1x32x32xi32, #tpu.memory_space<vmem>>
    %dma_wait3A_376 = tpu.memref_squeeze %dma_wait3A_375 : memref<1x32x32xi32, #tpu.memory_space<vmem>> -> memref<32x32xi32, #tpu.memory_space<vmem>>
    %dma_wait3A_377 = arith.constant 0 : i32
    %dma_wait3A_378 = tpu.memref_slice %arg5[%select_n3A_321, %dma_wait3A_371, %mul3A_341, %dma_wait3A_377] : memref<64x3x1024x32xi32, #tpu.memory_space<hbm>> -> memref<1x1x32x32xi32, #tpu.memory_space<hbm>>
    %dma_wait3A_379 = tpu.memref_squeeze %dma_wait3A_378 : memref<1x1x32x32xi32, #tpu.memory_space<hbm>> -> memref<32x32xi32, #tpu.memory_space<hbm>>
    %dma_wait3A_380 = tpu.memref_slice %arg11[%dma_wait3A_372] : memref<2x!tpu.dma_semaphore, #tpu.memory_space<semaphore_mem>> -> memref<1x!tpu.dma_semaphore, #tpu.memory_space<semaphore_mem>>
    %dma_wait3A_381 = tpu.memref_squeeze %dma_wait3A_380 : memref<1x!tpu.dma_semaphore, #tpu.memory_space<semaphore_mem>> -> memref<!tpu.dma_semaphore, #tpu.memory_space<semaphore_mem>>
    %dma_wait3A_382 = arith.constant 0 : i32
    %dma_wait3A_383 = tpu.memref_slice %arg5[%select_n3A_321, %dma_wait3A_371, %mul3A_341, %dma_wait3A_382] : memref<64x3x1024x32xi32, #tpu.memory_space<hbm>> -> memref<1x1x32x32xi32, #tpu.memory_space<hbm>>
    %dma_wait3A_384 = tpu.memref_squeeze %dma_wait3A_383 : memref<1x1x32x32xi32, #tpu.memory_space<hbm>> -> memref<32x32xi32, #tpu.memory_space<hbm>>
    %dma_wait3A_385 = arith.constant 0 : i32
    %dma_wait3A_386 = arith.constant 0 : i32
    %dma_wait3A_387 = tpu.memref_slice %arg9[%dma_wait3A_370, %dma_wait3A_385, %dma_wait3A_386] : memref<2x32x32xi32, #tpu.memory_space<vmem>> -> memref<1x32x32xi32, #tpu.memory_space<vmem>>
    %dma_wait3A_388 = tpu.memref_squeeze %dma_wait3A_387 : memref<1x32x32xi32, #tpu.memory_space<vmem>> -> memref<32x32xi32, #tpu.memory_space<vmem>>
    tpu.wait_dma2 semaphore(%dma_wait3A_381 : memref<!tpu.dma_semaphore, #tpu.memory_space<semaphore_mem>>) src(%dma_wait3A_388 : memref<32x32xi32, #tpu.memory_space<vmem>>) dst(%dma_wait3A_384 : memref<32x32xi32, #tpu.memory_space<hbm>>)
    %dma_wait3A_389 = arith.constant 1 : i32
    %dma_wait3A_390 = arith.constant 1 : i32
    %dma_wait3A_391 = arith.constant 1 : i32
    %dma_wait3A_392 = arith.constant 1 : i32
    %dma_wait3A_393 = arith.constant 0 : i32
    %dma_wait3A_394 = arith.constant 0 : i32
    %dma_wait3A_395 = tpu.memref_slice %arg8[%dma_wait3A_389, %dma_wait3A_390, %dma_wait3A_393, %dma_wait3A_394] : memref<2x3x32x32xf32, #tpu.memory_space<vmem>> -> memref<1x1x32x32xf32, #tpu.memory_space<vmem>>
    %dma_wait3A_396 = tpu.memref_squeeze %dma_wait3A_395 : memref<1x1x32x32xf32, #tpu.memory_space<vmem>> -> memref<32x32xf32, #tpu.memory_space<vmem>>
    %dma_wait3A_397 = arith.constant 0 : i32
    %dma_wait3A_398 = tpu.memref_slice %arg4[%select_n3A_321, %dma_wait3A_391, %mul3A_343, %dma_wait3A_397] : memref<64x3x1024x32xf32, #tpu.memory_space<hbm>> -> memref<1x1x32x32xf32, #tpu.memory_space<hbm>>
    %dma_wait3A_399 = tpu.memref_squeeze %dma_wait3A_398 : memref<1x1x32x32xf32, #tpu.memory_space<hbm>> -> memref<32x32xf32, #tpu.memory_space<hbm>>
    %dma_wait3A_400 = tpu.memref_slice %arg11[%dma_wait3A_392] : memref<2x!tpu.dma_semaphore, #tpu.memory_space<semaphore_mem>> -> memref<1x!tpu.dma_semaphore, #tpu.memory_space<semaphore_mem>>
    %dma_wait3A_401 = tpu.memref_squeeze %dma_wait3A_400 : memref<1x!tpu.dma_semaphore, #tpu.memory_space<semaphore_mem>> -> memref<!tpu.dma_semaphore, #tpu.memory_space<semaphore_mem>>
    %dma_wait3A_402 = arith.constant 0 : i32
    %dma_wait3A_403 = tpu.memref_slice %arg4[%select_n3A_321, %dma_wait3A_391, %mul3A_343, %dma_wait3A_402] : memref<64x3x1024x32xf32, #tpu.memory_space<hbm>> -> memref<1x1x32x32xf32, #tpu.memory_space<hbm>>
    %dma_wait3A_404 = tpu.memref_squeeze %dma_wait3A_403 : memref<1x1x32x32xf32, #tpu.memory_space<hbm>> -> memref<32x32xf32, #tpu.memory_space<hbm>>
    %dma_wait3A_405 = arith.constant 0 : i32
    %dma_wait3A_406 = arith.constant 0 : i32
    %dma_wait3A_407 = tpu.memref_slice %arg8[%dma_wait3A_389, %dma_wait3A_390, %dma_wait3A_405, %dma_wait3A_406] : memref<2x3x32x32xf32, #tpu.memory_space<vmem>> -> memref<1x1x32x32xf32, #tpu.memory_space<vmem>>
    %dma_wait3A_408 = tpu.memref_squeeze %dma_wait3A_407 : memref<1x1x32x32xf32, #tpu.memory_space<vmem>> -> memref<32x32xf32, #tpu.memory_space<vmem>>
    tpu.wait_dma2 semaphore(%dma_wait3A_401 : memref<!tpu.dma_semaphore, #tpu.memory_space<semaphore_mem>>) src(%dma_wait3A_408 : memref<32x32xf32, #tpu.memory_space<vmem>>) dst(%dma_wait3A_404 : memref<32x32xf32, #tpu.memory_space<hbm>>)
    %dma_wait3A_409 = arith.constant 1 : i32
    %dma_wait3A_410 = arith.constant 1 : i32
    %dma_wait3A_411 = arith.constant 1 : i32
    %dma_wait3A_412 = arith.constant 0 : i32
    %dma_wait3A_413 = arith.constant 0 : i32
    %dma_wait3A_414 = tpu.memref_slice %arg9[%dma_wait3A_409, %dma_wait3A_412, %dma_wait3A_413] : memref<2x32x32xi32, #tpu.memory_space<vmem>> -> memref<1x32x32xi32, #tpu.memory_space<vmem>>
    %dma_wait3A_415 = tpu.memref_squeeze %dma_wait3A_414 : memref<1x32x32xi32, #tpu.memory_space<vmem>> -> memref<32x32xi32, #tpu.memory_space<vmem>>
    %dma_wait3A_416 = arith.constant 0 : i32
    %dma_wait3A_417 = tpu.memref_slice %arg5[%select_n3A_321, %dma_wait3A_410, %mul3A_345, %dma_wait3A_416] : memref<64x3x1024x32xi32, #tpu.memory_space<hbm>> -> memref<1x1x32x32xi32, #tpu.memory_space<hbm>>
    %dma_wait3A_418 = tpu.memref_squeeze %dma_wait3A_417 : memref<1x1x32x32xi32, #tpu.memory_space<hbm>> -> memref<32x32xi32, #tpu.memory_space<hbm>>
    %dma_wait3A_419 = tpu.memref_slice %arg11[%dma_wait3A_411] : memref<2x!tpu.dma_semaphore, #tpu.memory_space<semaphore_mem>> -> memref<1x!tpu.dma_semaphore, #tpu.memory_space<semaphore_mem>>
    %dma_wait3A_420 = tpu.memref_squeeze %dma_wait3A_419 : memref<1x!tpu.dma_semaphore, #tpu.memory_space<semaphore_mem>> -> memref<!tpu.dma_semaphore, #tpu.memory_space<semaphore_mem>>
    %dma_wait3A_421 = arith.constant 0 : i32
    %dma_wait3A_422 = tpu.memref_slice %arg5[%select_n3A_321, %dma_wait3A_410, %mul3A_345, %dma_wait3A_421] : memref<64x3x1024x32xi32, #tpu.memory_space<hbm>> -> memref<1x1x32x32xi32, #tpu.memory_space<hbm>>
    %dma_wait3A_423 = tpu.memref_squeeze %dma_wait3A_422 : memref<1x1x32x32xi32, #tpu.memory_space<hbm>> -> memref<32x32xi32, #tpu.memory_space<hbm>>
    %dma_wait3A_424 = arith.constant 0 : i32
    %dma_wait3A_425 = arith.constant 0 : i32
    %dma_wait3A_426 = tpu.memref_slice %arg9[%dma_wait3A_409, %dma_wait3A_424, %dma_wait3A_425] : memref<2x32x32xi32, #tpu.memory_space<vmem>> -> memref<1x32x32xi32, #tpu.memory_space<vmem>>
    %dma_wait3A_427 = tpu.memref_squeeze %dma_wait3A_426 : memref<1x32x32xi32, #tpu.memory_space<vmem>> -> memref<32x32xi32, #tpu.memory_space<vmem>>
    tpu.wait_dma2 semaphore(%dma_wait3A_420 : memref<!tpu.dma_semaphore, #tpu.memory_space<semaphore_mem>>) src(%dma_wait3A_427 : memref<32x32xi32, #tpu.memory_space<vmem>>) dst(%dma_wait3A_423 : memref<32x32xi32, #tpu.memory_space<hbm>>)
    %dma_wait3A_428 = arith.constant 1 : i32
    %dma_wait3A_429 = arith.constant 2 : i32
    %dma_wait3A_430 = arith.constant 2 : i32
    %dma_wait3A_431 = arith.constant 1 : i32
    %dma_wait3A_432 = arith.constant 0 : i32
    %dma_wait3A_433 = arith.constant 0 : i32
    %dma_wait3A_434 = tpu.memref_slice %arg8[%dma_wait3A_428, %dma_wait3A_429, %dma_wait3A_432, %dma_wait3A_433] : memref<2x3x32x32xf32, #tpu.memory_space<vmem>> -> memref<1x1x32x32xf32, #tpu.memory_space<vmem>>
    %dma_wait3A_435 = tpu.memref_squeeze %dma_wait3A_434 : memref<1x1x32x32xf32, #tpu.memory_space<vmem>> -> memref<32x32xf32, #tpu.memory_space<vmem>>
    %dma_wait3A_436 = arith.constant 0 : i32
    %dma_wait3A_437 = tpu.memref_slice %arg4[%select_n3A_321, %dma_wait3A_430, %mul3A_347, %dma_wait3A_436] : memref<64x3x1024x32xf32, #tpu.memory_space<hbm>> -> memref<1x1x32x32xf32, #tpu.memory_space<hbm>>
    %dma_wait3A_438 = tpu.memref_squeeze %dma_wait3A_437 : memref<1x1x32x32xf32, #tpu.memory_space<hbm>> -> memref<32x32xf32, #tpu.memory_space<hbm>>
    %dma_wait3A_439 = tpu.memref_slice %arg11[%dma_wait3A_431] : memref<2x!tpu.dma_semaphore, #tpu.memory_space<semaphore_mem>> -> memref<1x!tpu.dma_semaphore, #tpu.memory_space<semaphore_mem>>
    %dma_wait3A_440 = tpu.memref_squeeze %dma_wait3A_439 : memref<1x!tpu.dma_semaphore, #tpu.memory_space<semaphore_mem>> -> memref<!tpu.dma_semaphore, #tpu.memory_space<semaphore_mem>>
    %dma_wait3A_441 = arith.constant 0 : i32
    %dma_wait3A_442 = tpu.memref_slice %arg4[%select_n3A_321, %dma_wait3A_430, %mul3A_347, %dma_wait3A_441] : memref<64x3x1024x32xf32, #tpu.memory_space<hbm>> -> memref<1x1x32x32xf32, #tpu.memory_space<hbm>>
    %dma_wait3A_443 = tpu.memref_squeeze %dma_wait3A_442 : memref<1x1x32x32xf32, #tpu.memory_space<hbm>> -> memref<32x32xf32, #tpu.memory_space<hbm>>
    %dma_wait3A_444 = arith.constant 0 : i32
    %dma_wait3A_445 = arith.constant 0 : i32
    %dma_wait3A_446 = tpu.memref_slice %arg8[%dma_wait3A_428, %dma_wait3A_429, %dma_wait3A_444, %dma_wait3A_445] : memref<2x3x32x32xf32, #tpu.memory_space<vmem>> -> memref<1x1x32x32xf32, #tpu.memory_space<vmem>>
    %dma_wait3A_447 = tpu.memref_squeeze %dma_wait3A_446 : memref<1x1x32x32xf32, #tpu.memory_space<vmem>> -> memref<32x32xf32, #tpu.memory_space<vmem>>
    tpu.wait_dma2 semaphore(%dma_wait3A_440 : memref<!tpu.dma_semaphore, #tpu.memory_space<semaphore_mem>>) src(%dma_wait3A_447 : memref<32x32xf32, #tpu.memory_space<vmem>>) dst(%dma_wait3A_443 : memref<32x32xf32, #tpu.memory_space<hbm>>)
    %dma_wait3A_448 = arith.constant 1 : i32
    %dma_wait3A_449 = arith.constant 2 : i32
    %dma_wait3A_450 = arith.constant 1 : i32
    %dma_wait3A_451 = arith.constant 0 : i32
    %dma_wait3A_452 = arith.constant 0 : i32
    %dma_wait3A_453 = tpu.memref_slice %arg9[%dma_wait3A_448, %dma_wait3A_451, %dma_wait3A_452] : memref<2x32x32xi32, #tpu.memory_space<vmem>> -> memref<1x32x32xi32, #tpu.memory_space<vmem>>
    %dma_wait3A_454 = tpu.memref_squeeze %dma_wait3A_453 : memref<1x32x32xi32, #tpu.memory_space<vmem>> -> memref<32x32xi32, #tpu.memory_space<vmem>>
    %dma_wait3A_455 = arith.constant 0 : i32
    %dma_wait3A_456 = tpu.memref_slice %arg5[%select_n3A_321, %dma_wait3A_449, %mul3A_349, %dma_wait3A_455] : memref<64x3x1024x32xi32, #tpu.memory_space<hbm>> -> memref<1x1x32x32xi32, #tpu.memory_space<hbm>>
    %dma_wait3A_457 = tpu.memref_squeeze %dma_wait3A_456 : memref<1x1x32x32xi32, #tpu.memory_space<hbm>> -> memref<32x32xi32, #tpu.memory_space<hbm>>
    %dma_wait3A_458 = tpu.memref_slice %arg11[%dma_wait3A_450] : memref<2x!tpu.dma_semaphore, #tpu.memory_space<semaphore_mem>> -> memref<1x!tpu.dma_semaphore, #tpu.memory_space<semaphore_mem>>
    %dma_wait3A_459 = tpu.memref_squeeze %dma_wait3A_458 : memref<1x!tpu.dma_semaphore, #tpu.memory_space<semaphore_mem>> -> memref<!tpu.dma_semaphore, #tpu.memory_space<semaphore_mem>>
    %dma_wait3A_460 = arith.constant 0 : i32
    %dma_wait3A_461 = tpu.memref_slice %arg5[%select_n3A_321, %dma_wait3A_449, %mul3A_349, %dma_wait3A_460] : memref<64x3x1024x32xi32, #tpu.memory_space<hbm>> -> memref<1x1x32x32xi32, #tpu.memory_space<hbm>>
    %dma_wait3A_462 = tpu.memref_squeeze %dma_wait3A_461 : memref<1x1x32x32xi32, #tpu.memory_space<hbm>> -> memref<32x32xi32, #tpu.memory_space<hbm>>
    %dma_wait3A_463 = arith.constant 0 : i32
    %dma_wait3A_464 = arith.constant 0 : i32
    %dma_wait3A_465 = tpu.memref_slice %arg9[%dma_wait3A_448, %dma_wait3A_463, %dma_wait3A_464] : memref<2x32x32xi32, #tpu.memory_space<vmem>> -> memref<1x32x32xi32, #tpu.memory_space<vmem>>
    %dma_wait3A_466 = tpu.memref_squeeze %dma_wait3A_465 : memref<1x32x32xi32, #tpu.memory_space<vmem>> -> memref<32x32xi32, #tpu.memory_space<vmem>>
    tpu.wait_dma2 semaphore(%dma_wait3A_459 : memref<!tpu.dma_semaphore, #tpu.memory_space<semaphore_mem>>) src(%dma_wait3A_466 : memref<32x32xi32, #tpu.memory_space<vmem>>) dst(%dma_wait3A_462 : memref<32x32xi32, #tpu.memory_space<hbm>>)
    return
  }
}

</mosaic_0001>

<sc_bundles>
// kernel: kernel.3.cloned.1.call-start
scs
__scs_entry_jumppad:
0x0: {  	(pc) =	sbr.rel $0x88, $3  }
0x1: {  	(tag) =	ssettag $0x0;
	lr =	simm.s32 $0x1  }
0x2: {  	[smem:$0x3F9F] =	sst lr;
	_ =	strace $0xD0000000  }
0x3: {  	_ = 	snop  }
0x4: {  	_ = 	snop  }
0x5: {  	_ = 	snop  }
0x6: {  	_ = 	snop  }
0x7: {  	_ = 	snop  }
__scs_overlays_trampoline_lowered:
0x8: {  	[smem:$0x3FAE] =	sst s0  }
0x9: {  	[smem:$0x3FAF] =	sst s1  }
0xa: {  	[smem:$0x3FB0] =	sst s2  }
0xb: {  	[smem:$0x3FB1] =	sst s3  }
0xc: {  	[smem:$0x3FB2] =	sst s4  }
0xd: {  	[smem:$0x3FB3] =	sst s5  }
0xe: {  	[smem:$0x3FB4] =	sst s6  }
0xf: {  	[smem:$0x3FB5] =	sst s7  }
0x10: {  	[smem:$0x3FB6] =	sst s8  }
0x11: {  	[smem:$0x3FB7] =	sst s9;
	s0 =	simm.s32 @!p0 $0x0  }
0x12: {  	s1 =	sld [smem:$0x3F9D];
	s0 =	simm.s32 @p0 $0x1  }
0x13: {  	[smem:$0x3FB8] =	sst s0;
	s0 =	simm.s32 @!p1 $0x0  }
0x14: {  	s2 =	sld [smem:$0x3F9C];
	s0 =	simm.s32 @p1 $0x1  }
0x15: {  	[smem:$0x3FB9] =	sst s0;
	s0 =	simm.s32 @!p2 $0x0  }
0x16: {  	s3 =	sld [smem:$0x3FDB];
	s0 =	simm.s32 @p2 $0x1  }
0x17: {  	s4 =	simm.s32 $0x1BF5;
	[smem:$0x3FBB] =	sst s0  }
0x18: {  	s0 =	sld [smem:$0x3F9E];
	_ =	swait.ge [sflag:s4], $0x0  }
0x19: {  	s7 =	sld [smem:$0x3F9F]  }
0x1a: {  	s8 =	sadd.s32 $0xFFFFE003, lr  }
0x1b: {  	s9 =	sadd.s32 $0xFFFFFEF7, lr;
	s5 =	simm.s32 $0xFFFFFFFF;
	p2 =	slt.u32 s8, $0xFFFFF086  }
0x1c: {  	p1 =	slt.u32 s9, $0xF7A;
	s5 =	simm.s32 @!p2 $0x0  }
0x1d: {  	s5 =	simm.s32 @p1 $0x1;
	p0 =	seq.s32 s7, s2  }
0x1e: {  	s7 =	smul.u32 @!p0 $0xF7A, s2;
	p2 =	seq.s32 @!p0 s5, $0x0  }
0x1f: {  	s9 =	smul.u32 $0xF7A, s1;
	s8 =	simm.s32 @!p0 $0x1BF5;
	p2 =	por !p2, p0  }
0x20: {  	[sflag:s8] =	ssyncset.s32 @!p0 $0xFFFFF086;
	s6 =	sadd.s32 @!p0 s3, s7;
	s7 =	simm.s32 @!p0 $0x108  }
0x21: {  	s3 =	sadd.s32 s3, s9;
	s6 =	sadd.s32 @!p0 $0x88, s6;
	s7 =	simm.s32 @p2 $0x1082  }
0x22: {  	[simem:s7], [sflag:s8] =	dma.local @!p0 [hbm:s6], $0xF7A  }
0x23: {  	s9 =	sor.u32 $0xD0000000, s2;
	s6 =	simm.s32 $0x108;
	_ =	swait.ge @!p0 [sflag:s8], $0x0  }
0x24: {  	s3 =	sadd.s32 $0x88, s3;
	s6 =	simm.s32 @!p1 $0x1082;
	[sflag:s4] =	ssyncset.s32 $0xFFFFF086  }
0x25: {  	[simem:s6], [sflag:s4] =	dma.local [hbm:s3], $0xF7A  }
0x26: {  	[smem:$0x3F9F] =	sst s1;
	(tag) =	ssettag s2;
	_ =	strace s9  }
0x27: {  	s1 =	sld [smem:$0x3FAF]  }
0x28: {  	s2 =	sld [smem:$0x3FB0]  }
0x29: {  	s4 =	sld [smem:$0x3FB2]  }
0x2a: {  	p0 =	seq.s32 s5, $0x0;
	s5 =	sld [smem:$0x3FB3]  }
0x2b: {  	s6 =	sld [smem:$0x3FB4]  }
0x2c: {  	s7 =	sld [smem:$0x3FB5]  }
0x2d: {  	s3 =	simm.s32 $0x108;
	s8 =	sld [smem:$0x3FB6]  }
0x2e: {  	s3 =	simm.s32 @!p0 $0x1082;
	s9 =	sld [smem:$0x3FB7]  }
0x2f: {  	lr =	sadd.s32 s0, s3;
	s0 =	sld [smem:$0x3FAE]  }
0x30: {  	s3 =	sld [smem:$0x3FB1]  }
0x31: {  	[smem:$0x3FBA] =	sst s10  }
0x32: {  	s10 =	sld [smem:$0x3FB8];
	_ =	sdelay $0x3  }
0x33: {  	p0 =	seq.s32 s10, $0x1;
	s10 =	sld [smem:$0x3FBA];
	_ =	sdelay $0x3  }
0x34: {  	[smem:$0x3FBA] =	sst s10  }
0x35: {  	s10 =	sld [smem:$0x3FB9];
	_ =	sdelay $0x3  }
0x36: {  	p1 =	seq.s32 s10, $0x1;
	s10 =	sld [smem:$0x3FBA];
	_ =	sdelay $0x3  }
0x37: {  	[smem:$0x3FBA] =	sst s10  }
0x38: {  	s10 =	sld [smem:$0x3FBB]  }
0x39: {  	_ = 	snop;
	(pc) =	sbr.ind lr, $3  }
0x3a: {  	_ = 	snop  }
0x3b: {  	_ = 	snop  }
0x3c: {  	p2 =	seq.s32 s10, $0x1;
	s10 =	sld [smem:$0x3FBA]  }
0x3d: {  	_ =	shalt  }
0x3e: {  	_ =	shalt  }
0x3f: {  	_ =	shalt  }
0x40: {  	_ =	shalt  }
0x41: {  	_ =	shalt  }
0x42: {  	_ =	shalt  }
0x43: {  	_ =	shalt  }
0x44: {  	_ =	shalt  }
0x45: {  	_ =	shalt  }
0x46: {  	_ =	shalt  }
0x47: {  	_ =	shalt  }
0x48: {  	_ =	shalt  }
0x49: {  	_ =	shalt  }
0x4a: {  	_ =	shalt  }
0x4b: {  	_ =	shalt  }
0x4c: {  	_ =	shalt  }
0x4d: {  	_ =	shalt  }
0x4e: {  	_ =	shalt  }
0x4f: {  	_ =	shalt  }
0x50: {  	_ =	shalt  }
0x51: {  	_ =	shalt  }
0x52: {  	_ =	shalt  }
0x53: {  	_ =	shalt  }
0x54: {  	_ =	shalt  }
0x55: {  	_ =	shalt  }
0x56: {  	_ =	shalt  }
0x57: {  	_ =	shalt  }
0x58: {  	_ =	shalt  }
0x59: {  	_ =	shalt  }
0x5a: {  	_ =	shalt  }
0x5b: {  	_ =	shalt  }
0x5c: {  	_ =	shalt  }
0x5d: {  	_ =	shalt  }
0x5e: {  	_ =	shalt  }
0x5f: {  	_ =	shalt  }
0x60: {  	_ =	shalt  }
0x61: {  	_ =	shalt  }
0x62: {  	_ =	shalt  }
0x63: {  	_ =	shalt  }
0x64: {  	_ =	shalt  }
0x65: {  	_ =	shalt  }
0x66: {  	_ =	shalt  }
0x67: {  	_ =	shalt  }
0x68: {  	_ =	shalt  }
0x69: {  	_ =	shalt  }
0x6a: {  	_ =	shalt  }
0x6b: {  	_ =	shalt  }
0x6c: {  	_ =	shalt  }
0x6d: {  	_ =	shalt  }
0x6e: {  	_ =	shalt  }
0x6f: {  	_ =	shalt  }
0x70: {  	_ =	shalt  }
0x71: {  	_ =	shalt  }
0x72: {  	_ =	shalt  }
0x73: {  	_ =	shalt  }
0x74: {  	_ =	shalt  }
0x75: {  	_ =	shalt  }
0x76: {  	_ =	shalt  }
0x77: {  	_ =	shalt  }
0x78: {  	_ =	shalt  }
0x79: {  	_ =	shalt  }
0x7a: {  	_ =	shalt  }
0x7b: {  	_ =	shalt  }
0x7c: {  	_ =	shalt  }
0x7d: {  	_ =	shalt  }
0x7e: {  	_ =	shalt  }
0x7f: {  	_ =	shalt  }
0x80: {  	_ =	shalt  }
0x81: {  	_ =	shalt  }
0x82: {  	_ =	shalt  }
0x83: {  	_ =	shalt  }
0x84: {  	_ =	shalt  }
0x85: {  	_ =	shalt  }
0x86: {  	_ =	shalt  }
0x87: {  	_ =	shalt  }
.Lfunc_end0:
.L_simem_size_0:
called_computation_lowered:
.L_overlay_start_0:
0x88: {  	s2 =	sld [smem:$0x3FD9]  }
0x89: {  	s3 =	sld [smem:$0x3FFE];
	_ =	sdelay $0x1  }
0x8a: {  	s1 =	srdreg.scid  }
0x8b: {  	s0 =	sand.u32 $0x1, s1  }
0x8c: {  	s17 =	sshll.u32 s0, $0xA;
	s2 =	sadd.s32 s3, s2  }
0x8d: {  	s2 =	sadd.s32 s2, s17  }
0x8e: {  	[smem:$0x3FC6] =	sst s2  }
0x8f: {  	_ = 	snop  }
0x90: {  	s2 =	sld [smem:$0x3FC9]  }
0x91: {  	s18 =	sld [smem:$0x3FC8];
	(tm) =	ssettm $0x1  }
0x92: {  	s4 =	sld [smem:$0x3FFB];
	_ =	sdelay $0x3  }
0x93: {  	_ =	strace s4  }
0x94: {  	s4 =	sld [smem:$0x3FFC];
	_ =	sdelay $0x3  }
0x95: {  	_ =	strace s4  }
0x96: {  	s4 =	sld [smem:$0x3FFD];
	_ =	sdelay $0x3  }
0x97: {  	_ =	strace s4  }
0x98: {  	_ =	strace $0x8FFFFFFF  }
0x99: {  	s19 =	sld [smem:$0x3FDB];
	_ =	sdelay $0x1  }
0x9a: {  	s5 =	simm.s32 $_scs_section_size  }
0x9b: {  	s6 =	simm.s32 $_size__tile_overlayer_lowered;
	s7 =	simm.s32 $_tile_overlayer_lowered  }
0x9c: {  	s22 =	simm.s32 $0x1BFF;
	s21 =	sshll.u32 s7, $0x1;
	s4 =	sadd.s32 s5, s19  }
0x9d: {  	s8 =	simm.s32 $0x0;
	s20 =	sshll.u32 s6, $0x1;
	s6 =	sadd.s32 s21, s4  }
0x9e: {  	[timem:s8], [sflag:s22] =	dma.local [hbm:s6], s20  }
0x9f: {  	_ =	swait.ge [sflag:s22], s20  }
0xa0: {  	s5 =	ssub.s32 $0x0, s20;
	[sflag:s22] =	ssyncset.done $0x0  }
0xa1: {  	[sflag:s22] =	ssyncadd.s32 s5;
	_ =	sdelay $0x1  }
0xa2: {  	s23 =	simm.s32 $0x1B8B  }
0xa3: {  	_ =	swait.ge [sflag:s23], $0x1  }
0xa4: {  	[sflag:s23] =	ssyncset.done $0x0  }
0xa5: {  	s25 =	simm.s32 $0x1B8E;
	s24 =	sld [smem:$0x3FFE];
	[sflag:s23] =	ssyncadd.s32 $0xFFFFFFFF  }
0xa6: {  	s26 =	simm.s32 $execute0_lowered;
	[smem:$0x3FD2] =	sst s25  }
0xa7: {  	s6 =	sshll.u32 s26, $0x1;
	_ =	strace $0x80000046;
	[dreg:$0x1] =	wrdreg $0xFFFFFFFF  }
0xa8: {  	s28 =	simm.s32 $_size_execute0_lowered;
	s4 =	sadd.s32 s4, s6;
	[dreg:$0x0] =	wrdreg $0x0  }
0xa9: {  	s6 =	sshll.u32 s28, $0x1;
	[dreg:$0x2] =	wrdreg s4  }
0xaa: {  	[dreg:$0x3] =	wrdreg s6  }
0xab: {  	[dreg:$0x4] =	wrdreg $0xC0  }
0xac: {  	_ =	task [dreg:s8], $0x5FFFF  }
0xad: {  	[dreg:$0x1] =	wrdreg $0xFFFFFFFF  }
0xae: {  	[dreg:$0x0] =	wrdreg $0x60  }
0xaf: {  	[dreg:$0x2] =	wrdreg s2  }
0xb0: {  	[dreg:$0x3] =	wrdreg s18  }
0xb1: {  	[dreg:$0x4] =	wrdreg s24  }
0xb2: {  	[dreg:$0x5] =	wrdreg $0x9  }
0xb3: {  	_ =	task.clear_ibuf [dreg:s8], $0x6FFFF;
	_ =	strace $0x90000046  }
0xb4: {  	s29 =	simm.s32 $0x9;
	_ =	strace $0x80000048  }
0xb5: {  	_ =	swait.ge [sflag:s29], $0x1  }
0xb6: {  	[sflag:s29] =	ssyncadd.s32 $0xFFFFFFFF  }
0xb7: {  	_ =	strace $0x90000048  }
0xb8: {  	_ =	sfence  }
0xb9: {  	s30 =	sld [smem:$0x0];
	_ =	sdelay $0x2  }
0xba: {  	s31 =	sshll.u32 s1, $0xD;
	s1 =	sshrl.u32 s1, $0x2  }
0xbb: {  	s3 =	sand.u32 $0x4000, s31;
	s1 =	sadd.s32 s1, s30  }
0xbc: {  	s0 =	sor.u32 s3, s0;
	s1 =	sshll.u32 s1, $0x11  }
0xbd: {  	s0 =	sor.u32 s1, s0  }
0xbe: {  	s0 =	sadd.s32 $0x8F2B, s0  }
0xbf: {  	[sflag:s0] =	ssyncadd.remote.s32 $0x1  }
0xc0: {  	_ =	sfence.sel $0xFFFF  }
0xc1: {  	[dreg:$0x0] =	wrdreg $0xFFFFFFFF;
	(pc) =	sbr.abs _section_cstart, $3  }
0xc2: {  	[dreg:$0x1] =	wrdreg $0xFFFFFFFF  }
0xc3: {  	_ =	task.clear_ibuf [dreg:s8], $0x2FFFF;
	_ =	strace $0x9FFFFFFF  }
0xc4: {  	(tm) =	ssettm $0x7FFFFFFF  }
0xc5: {  	_ =	shalt  }
tec
execute0_lowered:
.L_overlay_start_1:
0x0: {  	(tag) =	ssettag $0x1  }
0x1: {  	s1 =	rddreg [dreg:$0x0]  }
0x2: {  	s2 =	srdreg.scid;
	s3 =	rddreg [dreg:$0x1]  }
0x3: {  	s0 =	stileid.u32;
	s7 =	rddreg [dreg:$0x2]  }
0x4: {  	s4 =	simm.s32 $0x0;
	s13 =	simm.s32 $0x4000;
	s2 =	sand.u32 $0x1, s2  }
0x5: {  	s14 =	simm.s32 $0x6000;
	s5 =	sshll.u32 s0, $0x7;
	s6 =	sshll.u32 s2, $0x6  }
0x6: {  	s15 =	simm.s32 $0x8000;
	s16 =	simm.s32 $0x3;
	s5 =	sor.u32 s6, s5  }
0x7: {  	v0 =	vlaneseq.u32;
	s17 =	simm.s32 $0x4;
	s18 =	simm.s32 $0x0;
	s6 =	sshrl.u32 s5, $0x5  }
0x8: {  	[smem:$0x7FF] =	sst s4;
	v1 =	vor.u32 $0x10, v0;
	v2 =	vor.u32 $0x20, v0;
	v3 =	vor.u32 $0x30, v0;
	s2 =	ssub.s32 $0x2, s2;
	s8 =	smul.u32 $0xC0000, s6  }
0x9: {  	v4 =	vor.u32 $0x40, v0;
	v5 =	vor.u32 $0x50, v0;
	v6 =	vor.u32 $0x60, v0;
	_ =	strace $0x80000047;
	s9 =	sshrl.u32 s2, $0x1;
	s10 =	sshll.u32 s5, $0xA  }
0xa: {  	v7 =	vor.u32 $0x70, v0;
	v8 =	vor.u32 $0x80, v0;
	v9 =	vor.u32 $0x90, v0;
	s2 =	ssub.s32 s2, s9;
	s6 =	sadd.s32 $0x800, s7;
	s11 =	sshrl.u32 s8, $0x3  }
0xb: {  	v10 =	vor.u32 $0xA0, v0;
	v11 =	vor.u32 $0xB0, v0;
	v12 =	vor.u32 $0xC0, v0;
	s7 =	sadd.s32 $0x300800, s7;
	s12 =	smax.u32 s2, $0x1;
	s9 =	sadd.s32 s1, s11  }
0xc: {  	v13 =	vor.u32 $0xD0, v0;
	v14 =	vor.u32 $0xE0, v0;
	v15 =	vor.u32 $0xF0, v0;
	s8 =	sadd.s32 s3, s10;
	s10 =	sadd.s32 $0x8000, s9;
	s11 =	sadd.s32 $0x10000, s9  }
.LBB2_1:
0xd: {  	[tilespmem:s4], [sflag:$0x1] =	stream.linear.gather [hbm4b:s8+s4], $0x2000, $0x38;
	[tilespmem:$0x18000] =	vst v63  }
0xe: {  	_ = 	snop  }
0xf: {  	[tilespmem:s13], [sflag:$0x1] =	stream.linear.gather [hbm4b:s9+s4], $0x2000, $0x38;
	[tilespmem:$0x18000] =	vst v63  }
0x10: {  	_ = 	snop  }
0x11: {  	[tilespmem:s14], [sflag:$0x1] =	stream.linear.gather [hbm4b:s10+s4], $0x2000, $0x38;
	[tilespmem:$0x18000] =	vst v63  }
0x12: {  	p0 =	por $0x0, $0x0;
	s20 =	simm.s32 $0x0  }
0x13: {  	[tilespmem:s15], [sflag:$0x1] =	stream.linear.gather [hbm4b:s11+s4], $0x2000, $0x38;
	[tilespmem:$0x18000] =	vst v63  }
.LBB2_2:
0x14: {  	s19 =	sadd.s32 $0x1, s20;
	p1 =	seq.s32 s20, $0x3F  }
0x15: {  	s2 =	sadd.s32 @!p1 s5, s19;
	s21 =	sand.u32 @!p1 $0x1F, s19  }
0x16: {  	s22 =	sand.u32 @!p1 $0x1, s19;
	s2 =	sshrl.u32 @!p1 s2, $0x5;
	s23 =	sshll.u32 @!p1 s21, $0xA  }
0x17: {  	s24 =	sadd.s32 @!p1 $0x1, s22;
	s26 =	sshll.u32 @!p1 s22, $0xD;
	s21 =	sshll.u32 @!p1 s21, $0xD  }
0x18: {  	s22 =	smul.u32 @!p1 $0x18000, s22;
	s25 =	sshll.u32 @!p1 s2, $0xF;
	s23 =	sadd.s32 @!p1 s3, s23  }
0x19: {  	s2 =	smul.u32 @!p1 $0xC0000, s2;
	s23 =	sadd.s32 @!p1 s25, s23;
	s25 =	simm.s32 @!p1 $0x0  }
0x1a: {  	[tilespmem:s26], [sflag:s24] =	stream.linear.gather @!p1 [hbm4b:s23+s25], $0x2000, $0x38;
	[tilespmem:$0x18000] =	vst v63  }
0x1b: {  	s2 =	sor.u32 @!p1 s21, s2  }
0x1c: {  	s21 =	sshrl.u32 @!p1 s22, $0x2;
	s2 =	sshrl.u32 @!p1 s2, $0x3  }
0x1d: {  	s22 =	sadd.s32 @!p1 $0x4000, s21;
	s2 =	sadd.s32 @!p1 s1, s2  }
0x1e: {  	[tilespmem:s22], [sflag:s24] =	stream.linear.gather @!p1 [hbm4b:s2+s25], $0x2000, $0x38;
	[tilespmem:$0x18000] =	vst v63  }
0x1f: {  	p2 =	slt.u32 @!p1 s20, $0x2;
	s22 =	sadd.s32 @!p1 $0x6000, s21;
	s23 =	sadd.s32 @!p1 $0x8000, s2  }
0x20: {  	[tilespmem:s22], [sflag:s24] =	stream.linear.gather @!p1 [hbm4b:s23+s25], $0x2000, $0x38;
	[tilespmem:$0x18000] =	vst v63  }
0x21: {  	s21 =	sor.u32 @!p1 $0x8000, s21;
	s2 =	sadd.s32 @!p1 $0x10000, s2;
	s22 =	sand.u32 $0x1, s20  }
0x22: {  	[tilespmem:s21], [sflag:s24] =	stream.linear.gather @!p1 [hbm4b:s2+s25], $0x2000, $0x38;
	[tilespmem:$0x18000] =	vst v63  }
0x23: {  	p1 =	por p1, !p2;
	s21 =	sadd.s32 $0x3, s22  }
0x24: {  	_ =	swait.ge @p1 [sflag:s21], $0x1000  }
0x25: {  	[sflag:s21] =	ssyncset.done @p1 $0x0  }
0x26: {  	[sflag:s21] =	ssyncadd.s32 @p1 $0xFFFFF000  }
0x27: {  	_ =	swait.ge @p1 [sflag:s21], $0x1000  }
0x28: {  	[sflag:s21] =	ssyncset.done @p1 $0x0  }
0x29: {  	[sflag:s21] =	ssyncadd.s32 @p1 $0xFFFFF000  }
0x2a: {  	_ =	swait.ge @p1 [sflag:s21], $0x1000  }
0x2b: {  	[sflag:s21] =	ssyncset.done @p1 $0x0  }
0x2c: {  	[sflag:s21] =	ssyncadd.s32 @p1 $0xFFFFF000  }
0x2d: {  	_ =	swait.ge @p1 [sflag:s21], $0x1000  }
0x2e: {  	[sflag:s21] =	ssyncset.done @p1 $0x0  }
0x2f: {  	[sflag:s21] =	ssyncadd.s32 @p1 $0xFFFFF000  }
0x30: {  	_ =	swait.ge @p1 [sflag:s21], $0x1000  }
0x31: {  	[sflag:s21] =	ssyncset.done @p1 $0x0  }
0x32: {  	[sflag:s21] =	ssyncadd.s32 @p1 $0xFFFFF000  }
0x33: {  	_ =	swait.ge @p1 [sflag:s21], $0x1000  }
0x34: {  	[sflag:s21] =	ssyncset.done @p1 $0x0  }
0x35: {  	s0 =	sadd.s32 $0x1, s22;
	[sflag:s21] =	ssyncadd.s32 @p1 $0xFFFFF000  }
0x36: {  	_ =	swait.ge [sflag:s0], $0x2000  }
0x37: {  	[sflag:s0] =	ssyncset.done $0x0  }
0x38: {  	[sflag:s0] =	ssyncadd.s32 $0xFFFFE000  }
0x39: {  	_ =	swait.ge [sflag:s0], $0x2000  }
0x3a: {  	[sflag:s0] =	ssyncset.done $0x0  }
0x3b: {  	s28 =	simm.s32 $0x0;
	[sflag:s0] =	ssyncadd.s32 $0xFFFFE000  }
0x3c: {  	s29 =	simm.s32 $0x0;
	s23 =	simm.s32 $0x1;
	v16 =	vmov s22;
	_ =	swait.ge [sflag:s0], $0x2000  }
0x3d: {  	s30 =	simm.s32 $0x0;
	s23 =	simm.s32 @!p0 $0x0;
	v16 =	vmul.u32 $0x6000, v16;
	[sflag:s0] =	ssyncset.done $0x0  }
0x3e: {  	s26 =	smul.u32 $0xC000, s23;
	s23 =	sshll.u32 s23, $0xC;
	[sflag:s0] =	ssyncadd.s32 $0xFFFFE000  }
0x3f: {  	s31 =	sshll.u32 s22, $0xC;
	s25 =	sor.u32 $0x16100, s23;
	v16 =	vbroadcast v16, $0x0;
	_ =	swait.ge [sflag:s0], $0x2000  }
0x40: {  	s23 =	sor.u32 $0x16000, s31;
	s24 =	sshrl.u32 s26, $0x2;
	[sflag:s0] =	ssyncset.done $0x0  }
0x41: {  	s26 =	sshll.u32 s22, $0xD;
	s24 =	sadd.s32 $0x11100, s24;
	v17 =	vadd.s32 $0x2000, v16;
	v18 =	vadd.s32 $0x4000, v16;
	[sflag:s0] =	ssyncadd.s32 $0xFFFFE000  }
.LBB2_3:
0x42: {  	s2 =	sand.u32 $0x1800, s28  }
0x43: {  	s0 =	sand.u32 $0x200, s29;
	s31 =	sadd.s32 s2, s26  }
0x44: {  	s2 =	sadd.s32 s0, s31  }
0x45: {  	v19 =	vld [tilespmem:s2+$0x0]  }
0x46: {  	v20 =	vld [tilespmem:s2+$0x10]  }
0x47: {  	v21 =	vld [tilespmem:s2+$0x20]  }
0x48: {  	v22 =	vld [tilespmem:s2+$0x30]  }
0x49: {  	v23 =	vld [tilespmem:s2+$0x40]  }
0x4a: {  	v24 =	vld [tilespmem:s2+$0x50]  }
0x4b: {  	v25 =	vld [tilespmem:s2+$0x60]  }
0x4c: {  	v26 =	vld [tilespmem:s2+$0x70]  }
0x4d: {  	v27 =	vld [tilespmem:s2+$0x400]  }
0x4e: {  	v28 =	vld [tilespmem:s2+$0x410]  }
0x4f: {  	v29 =	vld [tilespmem:s2+$0x420]  }
0x50: {  	v30 =	vld [tilespmem:s2+$0x430]  }
0x51: {  	v31 =	vld [tilespmem:s2+$0x440];
	v19 =	vmul.f32 $8.388608000e+06, v19  }
0x52: {  	v58 =	vld [tilespmem:s2+$0x450];
	v20 =	vmul.f32 $8.388608000e+06, v20;
	v21 =	vmul.f32 $8.388608000e+06, v21  }
0x53: {  	v62 =	vld [tilespmem:s2+$0x460];
	v22 =	vmul.f32 $8.388608000e+06, v22;
	v23 =	vmul.f32 $8.388608000e+06, v23  }
0x54: {  	v32 =	vld [tilespmem:s2+$0x470];
	v24 =	vmul.f32 $8.388608000e+06, v24;
	v25 =	vmul.f32 $8.388608000e+06, v25  }
0x55: {  	v26 =	vmul.f32 $8.388608000e+06, v26;
	v27 =	vmul.f32 $8.388608000e+06, v27  }
0x56: {  	v28 =	vmul.f32 $8.388608000e+06, v28;
	v57 =	vmul.f32 $8.388608000e+06, v29  }
0x57: {  	v61 =	vmul.f32 $8.388608000e+06, v30;
	v35 =	vmul.f32 $8.388608000e+06, v31  }
0x58: {  	v38 =	vmul.f32 $8.388608000e+06, v58;
	v40 =	vmul.f32 $8.388608000e+06, v62  }
0x59: {  	v42 =	vmul.f32 $8.388608000e+06, v32;
	v19 =	vtrunc.f32 v19  }
0x5a: {  	v20 =	vtrunc.f32 v20;
	v21 =	vtrunc.f32 v21  }
0x5b: {  	v22 =	vtrunc.f32 v22;
	v23 =	vtrunc.f32 v23  }
0x5c: {  	v24 =	vtrunc.f32 v24;
	v25 =	vtrunc.f32 v25  }
0x5d: {  	v26 =	vtrunc.f32 v26;
	v27 =	vtrunc.f32 v27  }
0x5e: {  	v56 =	vtrunc.f32 v28;
	v60 =	vtrunc.f32 v57  }
0x5f: {  	v34 =	vtrunc.f32 v61;
	v37 =	vtrunc.f32 v35  }
0x60: {  	v41 =	vtrunc.f32 v38;
	v19 =	vcvt.f32.s32 v19  }
0x61: {  	v45 =	vtrunc.f32 v42;
	v20 =	vcvt.f32.s32 v20  }
0x62: {  	v21 =	vcvt.f32.s32 v21;
	v22 =	vcvt.f32.s32 v22;
	v19 =	vshll.u32 v19, $0x8  }
0x63: {  	v23 =	vcvt.f32.s32 v23;
	v20 =	vshll.u32 v20, $0x8;
	v19 =	vor.u32 v0, v19  }
0x64: {  	v24 =	vcvt.f32.s32 v24;
	v21 =	vshll.u32 v21, $0x8;
	v20 =	vor.u32 v1, v20;
	(xrf1) =	vsort.ascd.msk.u32 $0xffff, v19, v19  }
0x65: {  	v25 =	vcvt.f32.s32 v25;
	v22 =	vshll.u32 v22, $0x8;
	v21 =	vor.u32 v2, v21;
	(xrf1) =	vsort.dscd.msk.u32 $0xffff, v20, v20  }
0x66: {  	v26 =	vcvt.f32.s32 v26;
	v23 =	vshll.u32 v23, $0x8;
	v22 =	vor.u32 v3, v22;
	(xrf1) =	vsort.ascd.msk.u32 $0xffff, v21, v21  }
0x67: {  	v63 =	vcvt.f32.s32 v60;
	v24 =	vshll.u32 v24, $0x8;
	v23 =	vor.u32 v4, v23;
	(xrf1) =	vsort.dscd.msk.u32 $0xffff, v22, v22  }
0x68: {  	v24 =	vor.u32 v5, v24;
	v19 =	vshll.u32 v25, $0x8;
	v20 =	vcvt.f32.s32 v27;
	(xrf1) =	vsort.ascd.msk.u32 $0xffff, v23, v23  }
0x69: {  	v59 =	vshll.u32 v26, $0x8;
	v25 =	vcvt.f32.s32 v56;
	v19 =	vor.u32 v6, v19;
	(xrf1) =	vsort.dscd.msk.u32 $0xffff, v24, v24  }
0x6a: {  	v36 =	vcvt.f32.s32 v34;
	v21 =	vor.u32 v7, v59;
	v20 =	vshll.u32 v20, $0x8;
	(xrf1) =	vsort.ascd.msk.u32 $0xffff, v19, v19  }
0x6b: {  	v39 =	vcvt.f32.s32 v37;
	v33 =	vshll.u32 v25, $0x8;
	v20 =	vor.u32 v8, v20;
	(xrf1) =	vsort.dscd.msk.u32 $0xffff, v21, v21  }
0x6c: {  	v43 =	vcvt.f32.s32 v41;
	v23 =	vor.u32 v9, v33;
	v19 =	vshll.u32 v63, $0x8;
	(xrf1) =	vsort.ascd.msk.u32 $0xffff, v20, v20  }
0x6d: {  	v22 =	vtrunc.f32 v40;
	v19 =	vor.u32 v10, v19;
	v20 =	vshll.u32 v36, $0x8;
	(xrf1) =	vsort.dscd.msk.u32 $0xffff, v23, v23  }
0x6e: {  	v44 =	vcvt.f32.s32 v22;
	v20 =	vor.u32 v11, v20;
	(xrf1) =	vsort.ascd.msk.u32 $0xffff, v19, v19;
	v19 =	vshll.u32 v39, $0x8  }
0x6f: {  	v22 =	vcvt.f32.s32 v45;
	(xrf1) =	vsort.dscd.msk.u32 $0xffff, v20, v20;
	v19 =	vor.u32 v12, v19;
	v20 =	vshll.u32 v43, $0x8  }
0x70: {  	(xrf1) =	vsort.ascd.msk.u32 $0xffff, v19, v19;
	v19 =	vor.u32 v13, v20;
	v20 =	vshll.u32 v44, $0x8  }
0x71: {  	(xrf1) =	vsort.dscd.msk.u32 $0xffff, v19, v19;
	v19 =	vor.u32 v14, v20;
	v20 =	vshll.u32 v22, $0x8  }
0x72: {  	v46, _, _ =	vpop (xrf1);
	(xrf1) =	vsort.ascd.msk.u32 $0xffff, v19, v19;
	v19 =	vor.u32 v15, v20;
	_ =	sdelay $0x1  }
0x73: {  	v20, _, _ =	vpop (xrf1)  }
0x74: {  	(xrf1) =	vsort.dscd.msk.u32 $0xffff, v19, v19;
	v19, _, _ =	vpop (xrf1);
	v47 =	vmin.u32 v46, v20  }
0x75: {  	v20 =	vmax.u32 v46, v20;
	v48, _, _ =	vpop (xrf1);
	(xrf1) =	vsort.ascd.msk.u32 $0xffff, v47, v47  }
0x76: {  	v49, _, _ =	vpop (xrf1);
	(xrf1) =	vsort.ascd.msk.u32 $0xffff, v20, v20;
	v20 =	vmax.u32 v19, v48  }
0x77: {  	v19 =	vmin.u32 v19, v48;
	v50, _, _ =	vpop (xrf1);
	(xrf1) =	vsort.dscd.msk.u32 $0xffff, v20, v20  }
0x78: {  	(xrf1) =	vsort.dscd.msk.u32 $0xffff, v19, v19;
	v19 =	vmin.u32 v49, v50  }
0x79: {  	v20, _, _ =	vpop (xrf1)  }
0x7a: {  	v21 =	vmax.u32 v49, v50;
	(xrf1) =	vsort.ascd.msk.u32 $0xffff, v19, v19;
	v51, _, _ =	vpop (xrf1)  }
0x7b: {  	(xrf1) =	vsort.ascd.msk.u32 $0xffff, v21, v21;
	v19, _, _ =	vpop (xrf1);
	v52 =	vmax.u32 v20, v51  }
0x7c: {  	v20 =	vmin.u32 v20, v51;
	v53, _, _ =	vpop (xrf1);
	(xrf1) =	vsort.dscd.msk.u32 $0xffff, v52, v52  }
0x7d: {  	v54, _, _ =	vpop (xrf1);
	(xrf1) =	vsort.dscd.msk.u32 $0xffff, v20, v20;
	v20 =	vmin.u32 v19, v53  }
0x7e: {  	v19 =	vmax.u32 v19, v53;
	v55, _, _ =	vpop (xrf1);
	(xrf1) =	vsort.ascd.msk.u32 $0xffff, v20, v20  }
0x7f: {  	(xrf1) =	vsort.ascd.msk.u32 $0xffff, v19, v19;
	v19 =	vmax.u32 v54, v55  }
0x80: {  	v20, _, _ =	vpop (xrf1)  }
0x81: {  	v21 =	vmin.u32 v54, v55;
	(xrf1) =	vsort.dscd.msk.u32 $0xffff, v19, v19;
	v56, _, _ =	vpop (xrf1)  }
0x82: {  	v19, _, _ =	vpop (xrf1);
	(xrf1) =	vsort.dscd.msk.u32 $0xffff, v21, v21;
	v57 =	vmin.u32 v20, v56  }
0x83: {  	v20 =	vmax.u32 v20, v56;
	v58, _, _ =	vpop (xrf1);
	(xrf1) =	vsort.ascd.msk.u32 $0xffff, v57, v57  }
0x84: {  	(xrf1) =	vsort.ascd.msk.u32 $0xffff, v20, v20;
	v20 =	vmax.u32 v19, v58  }
0x85: {  	v19 =	vmin.u32 v19, v58  }
0x86: {  	v59, _, _ =	vpop (xrf1);
	(xrf1) =	vsort.dscd.msk.u32 $0xffff, v20, v20  }
0x87: {  	v20, _, _ =	vpop (xrf1);
	(xrf1) =	vsort.dscd.msk.u32 $0xffff, v19, v19  }
0x88: {  	v19, _, _ =	vpop (xrf1)  }
0x89: {  	v60, _, _ =	vpop (xrf1)  }
0x8a: {  	v61, _, _ =	vpop (xrf1)  }
0x8b: {  	v62, _, _ =	vpop (xrf1)  }
0x8c: {  	v63, _, _ =	vpop (xrf1)  }
0x8d: {  	v32, _, _ =	vpop (xrf1)  }
0x8e: {  	v33, _, _ =	vpop (xrf1)  }
0x8f: {  	v20 =	vmin.u32 v20, v60;
	v34, _, _ =	vpop (xrf1)  }
0x90: {  	v19 =	vmin.u32 v59, v19;
	v35, _, _ =	vpop (xrf1)  }
0x91: {  	v22 =	vmin.u32 v19, v20;
	v19 =	vmax.u32 v19, v20;
	v36, _, _ =	vpop (xrf1)  }
0x92: {  	(xrf1) =	vsort.ascd.msk.u32 $0xffff, v22, v22;
	v37 =	vmin.u32 v61, v63;
	v38 =	vmin.u32 v62, v32;
	v20, _, _ =	vpop (xrf1)  }
0x93: {  	(xrf1) =	vsort.ascd.msk.u32 $0xffff, v19, v19;
	v19 =	vmin.u32 v37, v38;
	v22 =	vmax.u32 v37, v38;
	v39, _, _ =	vpop (xrf1)  }
0x94: {  	(xrf1) =	vsort.dscd.msk.u32 $0xffff, v22, v22;
	v41 =	vmin.u32 v33, v35;
	v21 =	vmin.u32 v34, v36;
	v40, _, _ =	vpop (xrf1)  }
0x95: {  	(xrf1) =	vsort.dscd.msk.u32 $0xffff, v19, v19;
	v19 =	vmin.u32 v41, v21;
	v21 =	vmax.u32 v41, v21;
	v42, _, _ =	vpop (xrf1)  }
0x96: {  	(xrf1) =	vsort.ascd.msk.u32 $0xffff, v19, v19;
	v19 =	vmin.u32 v20, v40;
	v20 =	vmin.u32 v39, v42  }
0x97: {  	(xrf1) =	vsort.ascd.msk.u32 $0xffff, v21, v21;
	v43 =	vmax.u32 v19, v20  }
0x98: {  	v19 =	vmin.u32 v19, v20;
	(xrf1) =	vsort.dscd.msk.u32 $0xffff, v43, v43  }
0x99: {  	(xrf1) =	vsort.dscd.msk.u32 $0xffff, v19, v19;
	_ =	sdelay $0x6  }
0x9a: {  	v19, _, _ =	vpop (xrf1)  }
0x9b: {  	v20, _, _ =	vpop (xrf1)  }
0x9c: {  	v44, _, _ =	vpop (xrf1)  }
0x9d: {  	v45, _, _ =	vpop (xrf1)  }
0x9e: {  	v46, _, _ =	vpop (xrf1)  }
0x9f: {  	v47, _, _ =	vpop (xrf1)  }
0xa0: {  	v19 =	vmin.u32 v19, v44;
	v20 =	vmin.u32 v20, v45;
	v48, _, _ =	vpop (xrf1)  }
0xa1: {  	v22 =	vmin.u32 v19, v20;
	v19 =	vmax.u32 v19, v20;
	v49, _, _ =	vpop (xrf1)  }
0xa2: {  	(xrf1) =	vsort.ascd.msk.u32 $0xffff, v22, v22;
	v20 =	vmin.u32 v46, v48;
	v21 =	vmin.u32 v47, v49  }
0xa3: {  	(xrf1) =	vsort.ascd.msk.u32 $0xffff, v19, v19;
	v19 =	vmax.u32 v20, v21  }
0xa4: {  	v20 =	vmin.u32 v20, v21;
	(xrf1) =	vsort.dscd.msk.u32 $0xffff, v19, v19  }
0xa5: {  	(xrf1) =	vsort.dscd.msk.u32 $0xffff, v20, v20;
	_ =	sdelay $0xa  }
0xa6: {  	v19, _, _ =	vpop (xrf1)  }
0xa7: {  	v20, _, _ =	vpop (xrf1)  }
0xa8: {  	v50, _, _ =	vpop (xrf1)  }
0xa9: {  	v51, _, _ =	vpop (xrf1)  }
0xaa: {  	v19 =	vmin.u32 v19, v50;
	v20 =	vmin.u32 v20, v51  }
0xab: {  	v21 =	vmin.u32 v19, v20  }
0xac: {  	(xrf1) =	vsort.ascd.msk.u32 $0xffff, v21, v21;
	_ =	sdelay $0x4  }
0xad: {  	v19 =	vmax.u32 v19, v20  }
0xae: {  	(xrf1) =	vsort.ascd.msk.u32 $0xffff, v19, v19;
	_ =	sdelay $0x7  }
0xaf: {  	v20 =	vmov s30;
	v19, _, _ =	vpop (xrf1)  }
0xb0: {  	v53 =	vand.u32 $0x40, v20;
	v20 =	vshll.u32 v20, $0x3;
	v52 =	vand.u32 $0xF, v19  }
0xb1: {  	v20 =	vand.u32 $0xC00, v20;
	v21 =	vor.u32 v53, v52  }
0xb2: {  	v54 =	vshll.u32 v19, $0x3;
	v55 =	vor.u32 v20, v21  }
0xb3: {  	v56 =	vshll.u32 v19, $0x5;
	v23 =	vand.u32 $0x380, v54;
	v24 =	vor.u32 v16, v55  }
0xb4: {  	v25 =	vand.u32 $0x1000, v56;
	v24 =	vor.u32 v23, v24  }
0xb5: {  	v57, _, _ =	vpop (xrf1);
	v24 =	vor.u32 v25, v24  }
0xb6: {  	v58 =	vand.u32 $0xF, v57  }
0xb7: {  	v19 =	vand.u32 $0xFF, v19;
	v22 =	vor.u32 v53, v58  }
0xb8: {  	v59 =	vand.u32 $0xFF, v57;
	[tilespmem:s25+$0xFFFFFF00] =	vst v19;
	v19 =	vshll.u32 v57, $0x3;
	v60 =	vor.u32 v20, v22  }
0xb9: {  	v26 =	vshll.u32 v57, $0x5;
	[tilespmem:s25+$0xFFFFFF10] =	vst v59;
	v19 =	vand.u32 $0x380, v19;
	v61 =	vor.u32 v16, v60  }
0xba: {  	v26 =	vand.u32 $0x1000, v26;
	v27 =	vor.u32 v19, v61;
	v24 =	vld.idx.msk [tilespmem:v24+s13+$0x0], $0xffff  }
0xbb: {  	v27 =	vor.u32 v26, v27;
	_ =	sdelay $0x2  }
0xbc: {  	v62 =	vor.u32 v20, v17  }
0xbd: {  	v63 =	vor.u32 v21, v62;
	[tilespmem:s24+$0xFFFFEF00] =	vst v24  }
0xbe: {  	v24 =	vor.u32 v25, v63;
	v27 =	vld.idx.msk [tilespmem:v27+s13+$0x0], $0xffff  }
0xbf: {  	v24 =	vor.u32 v23, v24;
	_ =	sdelay $0x3  }
0xc0: {  	v30 =	vor.u32 v22, v62;
	[tilespmem:s24+$0xFFFFEF10] =	vst v27  }
0xc1: {  	v27 =	vor.u32 v26, v30;
	v24 =	vld.idx.msk [tilespmem:v24+s13+$0x0], $0xffff  }
0xc2: {  	v27 =	vor.u32 v19, v27;
	_ =	sdelay $0x2  }
0xc3: {  	v20 =	vor.u32 v20, v18  }
0xc4: {  	v21 =	vor.u32 v21, v20;
	[tilespmem:s24+$0xFFFFFF00] =	vst v24  }
0xc5: {  	v21 =	vor.u32 v25, v21;
	v24 =	vld.idx.msk [tilespmem:v27+s13+$0x0], $0xffff  }
0xc6: {  	v21 =	vor.u32 v23, v21;
	_ =	sdelay $0x3  }
0xc7: {  	v20 =	vor.u32 v22, v20;
	[tilespmem:s24+$0xFFFFFF10] =	vst v24  }
0xc8: {  	v20 =	vor.u32 v26, v20;
	v21 =	vld.idx.msk [tilespmem:v21+s13+$0x0], $0xffff  }
0xc9: {  	v19 =	vor.u32 v19, v20;
	_ =	sdelay $0x3  }
0xca: {  	[tilespmem:s24+$0xF00] =	vst v21  }
0xcb: {  	v19 =	vld.idx.msk [tilespmem:v19+s13+$0x0], $0xffff;
	_ =	sdelay $0x2  }
0xcc: {  	s2 =	sadd.s32 $0x80, s29  }
0xcd: {  	s0 =	sand.u32 $0x280, s2  }
0xce: {  	s0 =	sadd.s32 s0, s31;
	[tilespmem:s24+$0xF10] =	vst v19  }
0xcf: {  	v19 =	vld [tilespmem:s0+$0x0]  }
0xd0: {  	v20 =	vld [tilespmem:s0+$0x10]  }
0xd1: {  	v21 =	vld [tilespmem:s0+$0x20]  }
0xd2: {  	v31 =	vld [tilespmem:s0+$0x30]  }
0xd3: {  	v32 =	vld [tilespmem:s0+$0x40]  }
0xd4: {  	v24 =	vld [tilespmem:s0+$0x50]  }
0xd5: {  	v33 =	vld [tilespmem:s0+$0x60]  }
0xd6: {  	v34 =	vld [tilespmem:s0+$0x70]  }
0xd7: {  	v35 =	vld [tilespmem:s0+$0x400]  }
0xd8: {  	v36 =	vld [tilespmem:s0+$0x410]  }
0xd9: {  	v37 =	vld [tilespmem:s0+$0x420]  }
0xda: {  	v38 =	vld [tilespmem:s0+$0x430]  }
0xdb: {  	v39 =	vld [tilespmem:s0+$0x440];
	v19 =	vmul.f32 $8.388608000e+06, v19  }
0xdc: {  	v42 =	vld [tilespmem:s0+$0x450];
	v20 =	vmul.f32 $8.388608000e+06, v20;
	v21 =	vmul.f32 $8.388608000e+06, v21  }
0xdd: {  	v46 =	vld [tilespmem:s0+$0x460];
	v22 =	vmul.f32 $8.388608000e+06, v31;
	v23 =	vmul.f32 $8.388608000e+06, v32  }
0xde: {  	v48 =	vld [tilespmem:s0+$0x470];
	v24 =	vmul.f32 $8.388608000e+06, v24;
	v25 =	vmul.f32 $8.388608000e+06, v33  }
0xdf: {  	v26 =	vmul.f32 $8.388608000e+06, v34;
	v27 =	vmul.f32 $8.388608000e+06, v35  }
0xe0: {  	v28 =	vmul.f32 $8.388608000e+06, v36;
	v41 =	vmul.f32 $8.388608000e+06, v37  }
0xe1: {  	v45 =	vmul.f32 $8.388608000e+06, v38;
	v51 =	vmul.f32 $8.388608000e+06, v39  }
0xe2: {  	v54 =	vmul.f32 $8.388608000e+06, v42;
	v56 =	vmul.f32 $8.388608000e+06, v46  }
0xe3: {  	v58 =	vmul.f32 $8.388608000e+06, v48;
	v19 =	vtrunc.f32 v19  }
0xe4: {  	v20 =	vtrunc.f32 v20;
	v21 =	vtrunc.f32 v21  }
0xe5: {  	v22 =	vtrunc.f32 v22;
	v23 =	vtrunc.f32 v23  }
0xe6: {  	v24 =	vtrunc.f32 v24;
	v25 =	vtrunc.f32 v25  }
0xe7: {  	v26 =	vtrunc.f32 v26;
	v27 =	vtrunc.f32 v27  }
0xe8: {  	v40 =	vtrunc.f32 v28;
	v44 =	vtrunc.f32 v41  }
0xe9: {  	v50 =	vtrunc.f32 v45;
	v53 =	vtrunc.f32 v51  }
0xea: {  	v57 =	vtrunc.f32 v54;
	v19 =	vcvt.f32.s32 v19  }
0xeb: {  	v61 =	vtrunc.f32 v58;
	v20 =	vcvt.f32.s32 v20  }
0xec: {  	v21 =	vcvt.f32.s32 v21;
	v22 =	vcvt.f32.s32 v22;
	v19 =	vshll.u32 v19, $0x8  }
0xed: {  	v23 =	vcvt.f32.s32 v23;
	v20 =	vshll.u32 v20, $0x8;
	v19 =	vor.u32 v0, v19  }
0xee: {  	v24 =	vcvt.f32.s32 v24;
	v21 =	vshll.u32 v21, $0x8;
	v20 =	vor.u32 v1, v20;
	(xrf1) =	vsort.ascd.msk.u32 $0xffff, v19, v19  }
0xef: {  	v25 =	vcvt.f32.s32 v25;
	v22 =	vshll.u32 v22, $0x8;
	v21 =	vor.u32 v2, v21;
	(xrf1) =	vsort.dscd.msk.u32 $0xffff, v20, v20  }
0xf0: {  	v26 =	vcvt.f32.s32 v26;
	v23 =	vshll.u32 v23, $0x8;
	v22 =	vor.u32 v3, v22;
	(xrf1) =	vsort.ascd.msk.u32 $0xffff, v21, v21  }
0xf1: {  	v47 =	vcvt.f32.s32 v44;
	v24 =	vshll.u32 v24, $0x8;
	v23 =	vor.u32 v4, v23;
	(xrf1) =	vsort.dscd.msk.u32 $0xffff, v22, v22  }
0xf2: {  	v24 =	vor.u32 v5, v24;
	v19 =	vshll.u32 v25, $0x8;
	v20 =	vcvt.f32.s32 v27;
	(xrf1) =	vsort.ascd.msk.u32 $0xffff, v23, v23  }
0xf3: {  	v43 =	vshll.u32 v26, $0x8;
	v25 =	vcvt.f32.s32 v40;
	v19 =	vor.u32 v6, v19;
	(xrf1) =	vsort.dscd.msk.u32 $0xffff, v24, v24  }
0xf4: {  	v52 =	vcvt.f32.s32 v50;
	v21 =	vor.u32 v7, v43;
	v20 =	vshll.u32 v20, $0x8;
	(xrf1) =	vsort.ascd.msk.u32 $0xffff, v19, v19  }
0xf5: {  	v55 =	vcvt.f32.s32 v53;
	v49 =	vshll.u32 v25, $0x8;
	v20 =	vor.u32 v8, v20;
	(xrf1) =	vsort.dscd.msk.u32 $0xffff, v21, v21  }
0xf6: {  	v59 =	vcvt.f32.s32 v57;
	v23 =	vor.u32 v9, v49;
	v19 =	vshll.u32 v47, $0x8;
	(xrf1) =	vsort.ascd.msk.u32 $0xffff, v20, v20  }
0xf7: {  	v22 =	vtrunc.f32 v56;
	v19 =	vor.u32 v10, v19;
	v20 =	vshll.u32 v52, $0x8;
	(xrf1) =	vsort.dscd.msk.u32 $0xffff, v23, v23  }
0xf8: {  	v60 =	vcvt.f32.s32 v22;
	v20 =	vor.u32 v11, v20;
	(xrf1) =	vsort.ascd.msk.u32 $0xffff, v19, v19;
	v19 =	vshll.u32 v55, $0x8  }
0xf9: {  	v22 =	vcvt.f32.s32 v61;
	(xrf1) =	vsort.dscd.msk.u32 $0xffff, v20, v20;
	v19 =	vor.u32 v12, v19;
	v20 =	vshll.u32 v59, $0x8  }
0xfa: {  	(xrf1) =	vsort.ascd.msk.u32 $0xffff, v19, v19;
	v19 =	vor.u32 v13, v20;
	v20 =	vshll.u32 v60, $0x8  }
0xfb: {  	(xrf1) =	vsort.dscd.msk.u32 $0xffff, v19, v19;
	v19 =	vor.u32 v14, v20;
	v20 =	vshll.u32 v22, $0x8  }
0xfc: {  	v62, _, _ =	vpop (xrf1);
	(xrf1) =	vsort.ascd.msk.u32 $0xffff, v19, v19;
	v19 =	vor.u32 v15, v20;
	_ =	sdelay $0x1  }
0xfd: {  	v20, _, _ =	vpop (xrf1)  }
0xfe: {  	(xrf1) =	vsort.dscd.msk.u32 $0xffff, v19, v19;
	v19, _, _ =	vpop (xrf1);
	v63 =	vmin.u32 v62, v20  }
0xff: {  	v20 =	vmax.u32 v62, v20;
	v24, _, _ =	vpop (xrf1);
	(xrf1) =	vsort.ascd.msk.u32 $0xffff, v63, v63  }
0x100: {  	v25, _, _ =	vpop (xrf1);
	(xrf1) =	vsort.ascd.msk.u32 $0xffff, v20, v20;
	v20 =	vmax.u32 v19, v24  }
0x101: {  	v19 =	vmin.u32 v19, v24;
	v26, _, _ =	vpop (xrf1);
	(xrf1) =	vsort.dscd.msk.u32 $0xffff, v20, v20  }
0x102: {  	(xrf1) =	vsort.dscd.msk.u32 $0xffff, v19, v19;
	v19 =	vmin.u32 v25, v26  }
0x103: {  	v20, _, _ =	vpop (xrf1)  }
0x104: {  	v21 =	vmax.u32 v25, v26;
	(xrf1) =	vsort.ascd.msk.u32 $0xffff, v19, v19;
	v27, _, _ =	vpop (xrf1)  }
0x105: {  	(xrf1) =	vsort.ascd.msk.u32 $0xffff, v21, v21;
	v19, _, _ =	vpop (xrf1);
	v28 =	vmax.u32 v20, v27  }
0x106: {  	v20 =	vmin.u32 v20, v27;
	v29, _, _ =	vpop (xrf1);
	(xrf1) =	vsort.dscd.msk.u32 $0xffff, v28, v28  }
0x107: {  	v30, _, _ =	vpop (xrf1);
	(xrf1) =	vsort.dscd.msk.u32 $0xffff, v20, v20;
	v20 =	vmin.u32 v19, v29  }
0x108: {  	v19 =	vmax.u32 v19, v29;
	v31, _, _ =	vpop (xrf1);
	(xrf1) =	vsort.ascd.msk.u32 $0xffff, v20, v20  }
0x109: {  	(xrf1) =	vsort.ascd.msk.u32 $0xffff, v19, v19;
	v19 =	vmax.u32 v30, v31  }
0x10a: {  	v20, _, _ =	vpop (xrf1)  }
0x10b: {  	v21 =	vmin.u32 v30, v31;
	(xrf1) =	vsort.dscd.msk.u32 $0xffff, v19, v19;
	v32, _, _ =	vpop (xrf1)  }
0x10c: {  	v19, _, _ =	vpop (xrf1);
	(xrf1) =	vsort.dscd.msk.u32 $0xffff, v21, v21;
	v33 =	vmin.u32 v20, v32  }
0x10d: {  	v20 =	vmax.u32 v20, v32;
	v34, _, _ =	vpop (xrf1);
	(xrf1) =	vsort.ascd.msk.u32 $0xffff, v33, v33  }
0x10e: {  	(xrf1) =	vsort.ascd.msk.u32 $0xffff, v20, v20;
	v20 =	vmax.u32 v19, v34  }
0x10f: {  	v19 =	vmin.u32 v19, v34  }
0x110: {  	v35, _, _ =	vpop (xrf1);
	(xrf1) =	vsort.dscd.msk.u32 $0xffff, v20, v20  }
0x111: {  	v20, _, _ =	vpop (xrf1);
	(xrf1) =	vsort.dscd.msk.u32 $0xffff, v19, v19  }
0x112: {  	v19, _, _ =	vpop (xrf1)  }
0x113: {  	v36, _, _ =	vpop (xrf1)  }
0x114: {  	v37, _, _ =	vpop (xrf1)  }
0x115: {  	v38, _, _ =	vpop (xrf1)  }
0x116: {  	v39, _, _ =	vpop (xrf1)  }
0x117: {  	v40, _, _ =	vpop (xrf1)  }
0x118: {  	v41, _, _ =	vpop (xrf1)  }
0x119: {  	v20 =	vmin.u32 v20, v36;
	v42, _, _ =	vpop (xrf1)  }
0x11a: {  	v19 =	vmin.u32 v35, v19;
	v43, _, _ =	vpop (xrf1)  }
0x11b: {  	v22 =	vmin.u32 v19, v20;
	v19 =	vmax.u32 v19, v20;
	v44, _, _ =	vpop (xrf1)  }
0x11c: {  	v45 =	vmin.u32 v37, v39;
	v46 =	vmin.u32 v38, v40;
	(xrf1) =	vsort.ascd.msk.u32 $0xffff, v22, v22;
	v20, _, _ =	vpop (xrf1)  }
0x11d: {  	v22 =	vmax.u32 v45, v46;
	v49 =	vmin.u32 v41, v43;
	v47, _, _ =	vpop (xrf1);
	(xrf1) =	vsort.ascd.msk.u32 $0xffff, v19, v19  }
0x11e: {  	v21 =	vmin.u32 v42, v44;
	v19 =	vmin.u32 v45, v46;
	v48, _, _ =	vpop (xrf1);
	(xrf1) =	vsort.dscd.msk.u32 $0xffff, v22, v22  }
0x11f: {  	v50, _, _ =	vpop (xrf1);
	(xrf1) =	vsort.dscd.msk.u32 $0xffff, v19, v19;
	v19 =	vmin.u32 v49, v21;
	v21 =	vmax.u32 v49, v21  }
0x120: {  	(xrf1) =	vsort.ascd.msk.u32 $0xffff, v19, v19;
	v19 =	vmin.u32 v20, v48;
	v20 =	vmin.u32 v47, v50  }
0x121: {  	(xrf1) =	vsort.ascd.msk.u32 $0xffff, v21, v21;
	v51 =	vmax.u32 v19, v20  }
0x122: {  	v19 =	vmin.u32 v19, v20;
	(xrf1) =	vsort.dscd.msk.u32 $0xffff, v51, v51  }
0x123: {  	(xrf1) =	vsort.dscd.msk.u32 $0xffff, v19, v19;
	_ =	sdelay $0x6  }
0x124: {  	v19, _, _ =	vpop (xrf1)  }
0x125: {  	v20, _, _ =	vpop (xrf1)  }
0x126: {  	v52, _, _ =	vpop (xrf1)  }
0x127: {  	v53, _, _ =	vpop (xrf1)  }
0x128: {  	v54, _, _ =	vpop (xrf1)  }
0x129: {  	v55, _, _ =	vpop (xrf1)  }
0x12a: {  	v19 =	vmin.u32 v19, v52;
	v20 =	vmin.u32 v20, v53;
	v56, _, _ =	vpop (xrf1)  }
0x12b: {  	v22 =	vmin.u32 v19, v20;
	v19 =	vmax.u32 v19, v20;
	v57, _, _ =	vpop (xrf1)  }
0x12c: {  	(xrf1) =	vsort.ascd.msk.u32 $0xffff, v22, v22;
	v20 =	vmin.u32 v54, v56;
	v21 =	vmin.u32 v55, v57  }
0x12d: {  	(xrf1) =	vsort.ascd.msk.u32 $0xffff, v19, v19;
	v19 =	vmax.u32 v20, v21  }
0x12e: {  	v20 =	vmin.u32 v20, v21;
	(xrf1) =	vsort.dscd.msk.u32 $0xffff, v19, v19  }
0x12f: {  	(xrf1) =	vsort.dscd.msk.u32 $0xffff, v20, v20;
	_ =	sdelay $0xa  }
0x130: {  	v19, _, _ =	vpop (xrf1)  }
0x131: {  	v20, _, _ =	vpop (xrf1)  }
0x132: {  	v58, _, _ =	vpop (xrf1)  }
0x133: {  	v59, _, _ =	vpop (xrf1)  }
0x134: {  	v19 =	vmin.u32 v19, v58;
	v20 =	vmin.u32 v20, v59  }
0x135: {  	v21 =	vmin.u32 v19, v20  }
0x136: {  	(xrf1) =	vsort.ascd.msk.u32 $0xffff, v21, v21;
	_ =	sdelay $0x4  }
0x137: {  	v19 =	vmax.u32 v19, v20  }
0x138: {  	(xrf1) =	vsort.ascd.msk.u32 $0xffff, v19, v19;
	_ =	sdelay $0x5  }
0x139: {  	s2 =	sadd.s32 $0x10, s30  }
0x13a: {  	v19 =	vmov s2  }
0x13b: {  	v60 =	vshll.u32 v19, $0x3;
	v20, _, _ =	vpop (xrf1)  }
0x13c: {  	v19 =	vand.u32 $0x50, v19;
	v21 =	vand.u32 $0x7FFFFC00, v60;
	v61 =	vand.u32 $0xF, v20  }
0x13d: {  	v63 =	vadd.s32 v16, v21;
	v62 =	vshll.u32 v20, $0x5;
	v22 =	vor.u32 v19, v61  }
0x13e: {  	v31 =	vshll.u32 v20, $0x3;
	v23 =	vand.u32 $0x1000, v62;
	v32 =	vor.u32 v22, v63  }
0x13f: {  	v25 =	vand.u32 $0x380, v31;
	v26 =	vadd.s32 v23, v32  }
0x140: {  	v26 =	vor.u32 v25, v26  }
0x141: {  	v33, _, _ =	vpop (xrf1)  }
0x142: {  	v20 =	vand.u32 $0xFF, v20;
	v34 =	vand.u32 $0xF, v33  }
0x143: {  	v35 =	vand.u32 $0xFF, v33;
	[tilespmem:s25+$0xFFFFFF80] =	vst v20;
	v20 =	vshll.u32 v33, $0x5;
	v19 =	vor.u32 v19, v34  }
0x144: {  	v27 =	vshll.u32 v33, $0x3;
	[tilespmem:s25+$0xFFFFFF90] =	vst v35;
	v20 =	vand.u32 $0x1000, v20;
	v24 =	vor.u32 v19, v63  }
0x145: {  	v27 =	vand.u32 $0x380, v27;
	v24 =	vadd.s32 v20, v24;
	v26 =	vld.idx.msk [tilespmem:v26+s13+$0x0], $0xffff  }
0x146: {  	v24 =	vor.u32 v27, v24;
	_ =	sdelay $0x2  }
0x147: {  	v36 =	vadd.s32 v17, v21  }
0x148: {  	v37 =	vor.u32 v22, v36;
	[tilespmem:s24+$0xFFFFEF80] =	vst v26  }
0x149: {  	v26 =	vadd.s32 v23, v37;
	v24 =	vld.idx.msk [tilespmem:v24+s13+$0x0], $0xffff  }
0x14a: {  	v26 =	vor.u32 v25, v26;
	_ =	sdelay $0x3  }
0x14b: {  	v38 =	vor.u32 v19, v36;
	[tilespmem:s24+$0xFFFFEF90] =	vst v24  }
0x14c: {  	v24 =	vadd.s32 v20, v38;
	v26 =	vld.idx.msk [tilespmem:v26+s13+$0x0], $0xffff  }
0x14d: {  	v24 =	vor.u32 v27, v24;
	_ =	sdelay $0x2  }
0x14e: {  	v21 =	vadd.s32 v18, v21  }
0x14f: {  	v22 =	vor.u32 v22, v21;
	[tilespmem:s24+$0xFFFFFF80] =	vst v26  }
0x150: {  	v22 =	vadd.s32 v23, v22;
	v24 =	vld.idx.msk [tilespmem:v24+s13+$0x0], $0xffff  }
0x151: {  	v22 =	vor.u32 v25, v22;
	_ =	sdelay $0x3  }
0x152: {  	v19 =	vor.u32 v19, v21;
	[tilespmem:s24+$0xFFFFFF90] =	vst v24  }
0x153: {  	v19 =	vadd.s32 v20, v19;
	v39 =	vld.idx.msk [tilespmem:v22+s13+$0x0], $0xffff  }
0x154: {  	v19 =	vor.u32 v27, v19;
	_ =	sdelay $0x3  }
0x155: {  	[tilespmem:s24+$0xF80] =	vst v39  }
0x156: {  	v19 =	vld.idx.msk [tilespmem:v19+s13+$0x0], $0xffff;
	_ =	sdelay $0x2  }
0x157: {  	s2 =	sadd.s32 $0x100, s29  }
0x158: {  	s0 =	sand.u32 $0x300, s2  }
0x159: {  	s0 =	sadd.s32 s0, s31;
	[tilespmem:s24+$0xF90] =	vst v19  }
0x15a: {  	v19 =	vld [tilespmem:s0+$0x0]  }
0x15b: {  	v20 =	vld [tilespmem:s0+$0x10]  }
0x15c: {  	v21 =	vld [tilespmem:s0+$0x20]  }
0x15d: {  	v40 =	vld [tilespmem:s0+$0x30]  }
0x15e: {  	v41 =	vld [tilespmem:s0+$0x40]  }
0x15f: {  	v24 =	vld [tilespmem:s0+$0x50]  }
0x160: {  	v42 =	vld [tilespmem:s0+$0x60]  }
0x161: {  	v26 =	vld [tilespmem:s0+$0x70]  }
0x162: {  	v43 =	vld [tilespmem:s0+$0x400]  }
0x163: {  	v44 =	vld [tilespmem:s0+$0x410]  }
0x164: {  	v29 =	vld [tilespmem:s0+$0x420]  }
0x165: {  	v45 =	vld [tilespmem:s0+$0x430]  }
0x166: {  	v46 =	vld [tilespmem:s0+$0x440];
	v19 =	vmul.f32 $8.388608000e+06, v19  }
0x167: {  	v49 =	vld [tilespmem:s0+$0x450];
	v20 =	vmul.f32 $8.388608000e+06, v20;
	v21 =	vmul.f32 $8.388608000e+06, v21  }
0x168: {  	v53 =	vld [tilespmem:s0+$0x460];
	v22 =	vmul.f32 $8.388608000e+06, v40;
	v23 =	vmul.f32 $8.388608000e+06, v41  }
0x169: {  	v55 =	vld [tilespmem:s0+$0x470];
	v24 =	vmul.f32 $8.388608000e+06, v24;
	v25 =	vmul.f32 $8.388608000e+06, v42  }
0x16a: {  	v26 =	vmul.f32 $8.388608000e+06, v26;
	v27 =	vmul.f32 $8.388608000e+06, v43  }
0x16b: {  	v28 =	vmul.f32 $8.388608000e+06, v44;
	v48 =	vmul.f32 $8.388608000e+06, v29  }
0x16c: {  	v52 =	vmul.f32 $8.388608000e+06, v45;
	v58 =	vmul.f32 $8.388608000e+06, v46  }
0x16d: {  	v61 =	vmul.f32 $8.388608000e+06, v49;
	v63 =	vmul.f32 $8.388608000e+06, v53  }
0x16e: {  	v29 =	vmul.f32 $8.388608000e+06, v55;
	v19 =	vtrunc.f32 v19  }
0x16f: {  	v20 =	vtrunc.f32 v20;
	v21 =	vtrunc.f32 v21  }
0x170: {  	v22 =	vtrunc.f32 v22;
	v23 =	vtrunc.f32 v23  }
0x171: {  	v24 =	vtrunc.f32 v24;
	v25 =	vtrunc.f32 v25  }
0x172: {  	v26 =	vtrunc.f32 v26;
	v27 =	vtrunc.f32 v27  }
0x173: {  	v47 =	vtrunc.f32 v28;
	v51 =	vtrunc.f32 v48  }
0x174: {  	v57 =	vtrunc.f32 v52;
	v60 =	vtrunc.f32 v58  }
0x175: {  	v28 =	vtrunc.f32 v61;
	v19 =	vcvt.f32.s32 v19  }
0x176: {  	v32 =	vtrunc.f32 v29;
	v20 =	vcvt.f32.s32 v20  }
0x177: {  	v21 =	vcvt.f32.s32 v21;
	v22 =	vcvt.f32.s32 v22;
	v19 =	vshll.u32 v19, $0x8  }
0x178: {  	v23 =	vcvt.f32.s32 v23;
	v20 =	vshll.u32 v20, $0x8;
	v19 =	vor.u32 v0, v19  }
0x179: {  	v24 =	vcvt.f32.s32 v24;
	v21 =	vshll.u32 v21, $0x8;
	v20 =	vor.u32 v1, v20;
	(xrf1) =	vsort.ascd.msk.u32 $0xffff, v19, v19  }
0x17a: {  	v25 =	vcvt.f32.s32 v25;
	v22 =	vshll.u32 v22, $0x8;
	v21 =	vor.u32 v2, v21;
	(xrf1) =	vsort.dscd.msk.u32 $0xffff, v20, v20  }
0x17b: {  	v26 =	vcvt.f32.s32 v26;
	v23 =	vshll.u32 v23, $0x8;
	v22 =	vor.u32 v3, v22;
	(xrf1) =	vsort.ascd.msk.u32 $0xffff, v21, v21  }
0x17c: {  	v54 =	vcvt.f32.s32 v51;
	v24 =	vshll.u32 v24, $0x8;
	v23 =	vor.u32 v4, v23;
	(xrf1) =	vsort.dscd.msk.u32 $0xffff, v22, v22  }
0x17d: {  	v24 =	vor.u32 v5, v24;
	v19 =	vshll.u32 v25, $0x8;
	v20 =	vcvt.f32.s32 v27;
	(xrf1) =	vsort.ascd.msk.u32 $0xffff, v23, v23  }
0x17e: {  	v50 =	vshll.u32 v26, $0x8;
	v25 =	vcvt.f32.s32 v47;
	v19 =	vor.u32 v6, v19;
	(xrf1) =	vsort.dscd.msk.u32 $0xffff, v24, v24  }
0x17f: {  	v59 =	vcvt.f32.s32 v57;
	v21 =	vor.u32 v7, v50;
	v20 =	vshll.u32 v20, $0x8;
	(xrf1) =	vsort.ascd.msk.u32 $0xffff, v19, v19  }
0x180: {  	v62 =	vcvt.f32.s32 v60;
	v56 =	vshll.u32 v25, $0x8;
	v20 =	vor.u32 v8, v20;
	(xrf1) =	vsort.dscd.msk.u32 $0xffff, v21, v21  }
0x181: {  	v30 =	vcvt.f32.s32 v28;
	v23 =	vor.u32 v9, v56;
	v19 =	vshll.u32 v54, $0x8;
	(xrf1) =	vsort.ascd.msk.u32 $0xffff, v20, v20  }
0x182: {  	v22 =	vtrunc.f32 v63;
	v19 =	vor.u32 v10, v19;
	v20 =	vshll.u32 v59, $0x8;
	(xrf1) =	vsort.dscd.msk.u32 $0xffff, v23, v23  }
0x183: {  	v31 =	vcvt.f32.s32 v22;
	v20 =	vor.u32 v11, v20;
	(xrf1) =	vsort.ascd.msk.u32 $0xffff, v19, v19;
	v19 =	vshll.u32 v62, $0x8  }
0x184: {  	v22 =	vcvt.f32.s32 v32;
	(xrf1) =	vsort.dscd.msk.u32 $0xffff, v20, v20;
	v19 =	vor.u32 v12, v19;
	v20 =	vshll.u32 v30, $0x8  }
0x185: {  	(xrf1) =	vsort.ascd.msk.u32 $0xffff, v19, v19;
	v19 =	vor.u32 v13, v20;
	v20 =	vshll.u32 v31, $0x8  }
0x186: {  	(xrf1) =	vsort.dscd.msk.u32 $0xffff, v19, v19;
	v19 =	vor.u32 v14, v20;
	v20 =	vshll.u32 v22, $0x8  }
0x187: {  	v33, _, _ =	vpop (xrf1);
	(xrf1) =	vsort.ascd.msk.u32 $0xffff, v19, v19;
	v19 =	vor.u32 v15, v20;
	_ =	sdelay $0x1  }
0x188: {  	v20, _, _ =	vpop (xrf1)  }
0x189: {  	(xrf1) =	vsort.dscd.msk.u32 $0xffff, v19, v19;
	v19, _, _ =	vpop (xrf1);
	v34 =	vmin.u32 v33, v20  }
0x18a: {  	v20 =	vmax.u32 v33, v20;
	v35, _, _ =	vpop (xrf1);
	(xrf1) =	vsort.ascd.msk.u32 $0xffff, v34, v34  }
0x18b: {  	v36, _, _ =	vpop (xrf1);
	(xrf1) =	vsort.ascd.msk.u32 $0xffff, v20, v20;
	v20 =	vmax.u32 v19, v35  }
0x18c: {  	v19 =	vmin.u32 v19, v35;
	v37, _, _ =	vpop (xrf1);
	(xrf1) =	vsort.dscd.msk.u32 $0xffff, v20, v20  }
0x18d: {  	(xrf1) =	vsort.dscd.msk.u32 $0xffff, v19, v19;
	v19 =	vmin.u32 v36, v37  }
0x18e: {  	v20, _, _ =	vpop (xrf1)  }
0x18f: {  	v21 =	vmax.u32 v36, v37;
	(xrf1) =	vsort.ascd.msk.u32 $0xffff, v19, v19;
	v38, _, _ =	vpop (xrf1)  }
0x190: {  	(xrf1) =	vsort.ascd.msk.u32 $0xffff, v21, v21;
	v19, _, _ =	vpop (xrf1);
	v39 =	vmax.u32 v20, v38  }
0x191: {  	v20 =	vmin.u32 v20, v38;
	v40, _, _ =	vpop (xrf1);
	(xrf1) =	vsort.dscd.msk.u32 $0xffff, v39, v39  }
0x192: {  	v41, _, _ =	vpop (xrf1);
	(xrf1) =	vsort.dscd.msk.u32 $0xffff, v20, v20;
	v20 =	vmin.u32 v19, v40  }
0x193: {  	v19 =	vmax.u32 v19, v40;
	v42, _, _ =	vpop (xrf1);
	(xrf1) =	vsort.ascd.msk.u32 $0xffff, v20, v20  }
0x194: {  	(xrf1) =	vsort.ascd.msk.u32 $0xffff, v19, v19;
	v19 =	vmax.u32 v41, v42  }
0x195: {  	v20, _, _ =	vpop (xrf1)  }
0x196: {  	v21 =	vmin.u32 v41, v42;
	(xrf1) =	vsort.dscd.msk.u32 $0xffff, v19, v19;
	v43, _, _ =	vpop (xrf1)  }
0x197: {  	v19, _, _ =	vpop (xrf1);
	(xrf1) =	vsort.dscd.msk.u32 $0xffff, v21, v21;
	v44 =	vmin.u32 v20, v43  }
0x198: {  	v20 =	vmax.u32 v20, v43;
	v45, _, _ =	vpop (xrf1);
	(xrf1) =	vsort.ascd.msk.u32 $0xffff, v44, v44  }
0x199: {  	(xrf1) =	vsort.ascd.msk.u32 $0xffff, v20, v20;
	v20 =	vmax.u32 v19, v45  }
0x19a: {  	v19 =	vmin.u32 v19, v45  }
0x19b: {  	v46, _, _ =	vpop (xrf1);
	(xrf1) =	vsort.dscd.msk.u32 $0xffff, v20, v20  }
0x19c: {  	v20, _, _ =	vpop (xrf1);
	(xrf1) =	vsort.dscd.msk.u32 $0xffff, v19, v19  }
0x19d: {  	v19, _, _ =	vpop (xrf1)  }
0x19e: {  	v47, _, _ =	vpop (xrf1)  }
0x19f: {  	v48, _, _ =	vpop (xrf1)  }
0x1a0: {  	v49, _, _ =	vpop (xrf1)  }
0x1a1: {  	v50, _, _ =	vpop (xrf1)  }
0x1a2: {  	v51, _, _ =	vpop (xrf1)  }
0x1a3: {  	v52, _, _ =	vpop (xrf1)  }
0x1a4: {  	v20 =	vmin.u32 v20, v47;
	v53, _, _ =	vpop (xrf1)  }
0x1a5: {  	v19 =	vmin.u32 v46, v19;
	v54, _, _ =	vpop (xrf1)  }
0x1a6: {  	v22 =	vmin.u32 v19, v20;
	v19 =	vmax.u32 v19, v20;
	v55, _, _ =	vpop (xrf1)  }
0x1a7: {  	(xrf1) =	vsort.ascd.msk.u32 $0xffff, v22, v22;
	v56 =	vmin.u32 v48, v50;
	v57 =	vmin.u32 v49, v51;
	v20, _, _ =	vpop (xrf1)  }
0x1a8: {  	(xrf1) =	vsort.ascd.msk.u32 $0xffff, v19, v19;
	v19 =	vmin.u32 v56, v57;
	v22 =	vmax.u32 v56, v57;
	v58, _, _ =	vpop (xrf1)  }
0x1a9: {  	(xrf1) =	vsort.dscd.msk.u32 $0xffff, v22, v22;
	v60 =	vmin.u32 v52, v54;
	v21 =	vmin.u32 v53, v55;
	v59, _, _ =	vpop (xrf1)  }
0x1aa: {  	(xrf1) =	vsort.dscd.msk.u32 $0xffff, v19, v19;
	v19 =	vmin.u32 v60, v21;
	v21 =	vmax.u32 v60, v21;
	v61, _, _ =	vpop (xrf1)  }
0x1ab: {  	(xrf1) =	vsort.ascd.msk.u32 $0xffff, v19, v19;
	v19 =	vmin.u32 v20, v59;
	v20 =	vmin.u32 v58, v61  }
0x1ac: {  	(xrf1) =	vsort.ascd.msk.u32 $0xffff, v21, v21;
	v62 =	vmax.u32 v19, v20  }
0x1ad: {  	v19 =	vmin.u32 v19, v20;
	(xrf1) =	vsort.dscd.msk.u32 $0xffff, v62, v62  }
0x1ae: {  	(xrf1) =	vsort.dscd.msk.u32 $0xffff, v19, v19;
	_ =	sdelay $0x6  }
0x1af: {  	v19, _, _ =	vpop (xrf1)  }
0x1b0: {  	v20, _, _ =	vpop (xrf1)  }
0x1b1: {  	v63, _, _ =	vpop (xrf1)  }
0x1b2: {  	v28, _, _ =	vpop (xrf1)  }
0x1b3: {  	v29, _, _ =	vpop (xrf1)  }
0x1b4: {  	v30, _, _ =	vpop (xrf1)  }
0x1b5: {  	v19 =	vmin.u32 v19, v63;
	v20 =	vmin.u32 v20, v28;
	v31, _, _ =	vpop (xrf1)  }
0x1b6: {  	v22 =	vmin.u32 v19, v20;
	v19 =	vmax.u32 v19, v20;
	v32, _, _ =	vpop (xrf1)  }
0x1b7: {  	(xrf1) =	vsort.ascd.msk.u32 $0xffff, v22, v22;
	v20 =	vmin.u32 v29, v31;
	v21 =	vmin.u32 v30, v32  }
0x1b8: {  	(xrf1) =	vsort.ascd.msk.u32 $0xffff, v19, v19;
	v19 =	vmax.u32 v20, v21  }
0x1b9: {  	v20 =	vmin.u32 v20, v21;
	(xrf1) =	vsort.dscd.msk.u32 $0xffff, v19, v19  }
0x1ba: {  	(xrf1) =	vsort.dscd.msk.u32 $0xffff, v20, v20;
	_ =	sdelay $0xa  }
0x1bb: {  	v19, _, _ =	vpop (xrf1)  }
0x1bc: {  	v20, _, _ =	vpop (xrf1)  }
0x1bd: {  	v33, _, _ =	vpop (xrf1)  }
0x1be: {  	v34, _, _ =	vpop (xrf1)  }
0x1bf: {  	v19 =	vmin.u32 v19, v33;
	v20 =	vmin.u32 v20, v34  }
0x1c0: {  	v21 =	vmin.u32 v19, v20  }
0x1c1: {  	(xrf1) =	vsort.ascd.msk.u32 $0xffff, v21, v21;
	_ =	sdelay $0x4  }
0x1c2: {  	v19 =	vmax.u32 v19, v20  }
0x1c3: {  	(xrf1) =	vsort.ascd.msk.u32 $0xffff, v19, v19;
	_ =	sdelay $0x5  }
0x1c4: {  	s2 =	sadd.s32 $0x20, s30  }
0x1c5: {  	v19 =	vmov s2  }
0x1c6: {  	v35 =	vshll.u32 v19, $0x3;
	v20, _, _ =	vpop (xrf1)  }
0x1c7: {  	v19 =	vand.u32 $0x60, v19;
	v21 =	vand.u32 $0x7FFFFC00, v35;
	v36 =	vand.u32 $0xF, v20  }
0x1c8: {  	v38 =	vadd.s32 v16, v21;
	v37 =	vshll.u32 v20, $0x5;
	v22 =	vor.u32 v19, v36  }
0x1c9: {  	v39 =	vshll.u32 v20, $0x3;
	v23 =	vand.u32 $0x1000, v37;
	v40 =	vor.u32 v22, v38  }
0x1ca: {  	v25 =	vand.u32 $0x380, v39;
	v26 =	vadd.s32 v23, v40  }
0x1cb: {  	v26 =	vor.u32 v25, v26  }
0x1cc: {  	v41, _, _ =	vpop (xrf1)  }
0x1cd: {  	v20 =	vand.u32 $0xFF, v20;
	v42 =	vand.u32 $0xF, v41  }
0x1ce: {  	v43 =	vand.u32 $0xFF, v41;
	[tilespmem:s25+$0x0] =	vst v20;
	v20 =	vshll.u32 v41, $0x5;
	v19 =	vor.u32 v19, v42  }
0x1cf: {  	v27 =	vshll.u32 v41, $0x3;
	[tilespmem:s25+$0x10] =	vst v43;
	v20 =	vand.u32 $0x1000, v20;
	v24 =	vor.u32 v19, v38  }
0x1d0: {  	v27 =	vand.u32 $0x380, v27;
	v24 =	vadd.s32 v20, v24;
	v26 =	vld.idx.msk [tilespmem:v26+s13+$0x0], $0xffff  }
0x1d1: {  	v24 =	vor.u32 v27, v24;
	_ =	sdelay $0x2  }
0x1d2: {  	v44 =	vadd.s32 v17, v21  }
0x1d3: {  	v45 =	vor.u32 v22, v44;
	[tilespmem:s24+$0xFFFFF000] =	vst v26  }
0x1d4: {  	v26 =	vadd.s32 v23, v45;
	v24 =	vld.idx.msk [tilespmem:v24+s13+$0x0], $0xffff  }
0x1d5: {  	v26 =	vor.u32 v25, v26;
	_ =	sdelay $0x3  }
0x1d6: {  	v46 =	vor.u32 v19, v44;
	[tilespmem:s24+$0xFFFFF010] =	vst v24  }
0x1d7: {  	v24 =	vadd.s32 v20, v46;
	v26 =	vld.idx.msk [tilespmem:v26+s13+$0x0], $0xffff  }
0x1d8: {  	v24 =	vor.u32 v27, v24;
	_ =	sdelay $0x2  }
0x1d9: {  	v21 =	vadd.s32 v18, v21  }
0x1da: {  	v22 =	vor.u32 v22, v21;
	[tilespmem:s24+$0x0] =	vst v26  }
0x1db: {  	v22 =	vadd.s32 v23, v22;
	v24 =	vld.idx.msk [tilespmem:v24+s13+$0x0], $0xffff  }
0x1dc: {  	v22 =	vor.u32 v25, v22;
	_ =	sdelay $0x3  }
0x1dd: {  	v19 =	vor.u32 v19, v21;
	[tilespmem:s24+$0x10] =	vst v24  }
0x1de: {  	v19 =	vadd.s32 v20, v19;
	v47 =	vld.idx.msk [tilespmem:v22+s13+$0x0], $0xffff  }
0x1df: {  	v19 =	vor.u32 v27, v19;
	_ =	sdelay $0x3  }
0x1e0: {  	[tilespmem:s24+$0x1000] =	vst v47  }
0x1e1: {  	v19 =	vld.idx.msk [tilespmem:v19+s13+$0x0], $0xffff;
	_ =	sdelay $0x2  }
0x1e2: {  	s2 =	sadd.s32 $0x180, s29  }
0x1e3: {  	s0 =	sand.u32 $0x380, s2  }
0x1e4: {  	s0 =	sadd.s32 s0, s31;
	[tilespmem:s24+$0x1010] =	vst v19  }
0x1e5: {  	v19 =	vld [tilespmem:s0+$0x0]  }
0x1e6: {  	v20 =	vld [tilespmem:s0+$0x10]  }
0x1e7: {  	v21 =	vld [tilespmem:s0+$0x20]  }
0x1e8: {  	v48 =	vld [tilespmem:s0+$0x30]  }
0x1e9: {  	v49 =	vld [tilespmem:s0+$0x40]  }
0x1ea: {  	v24 =	vld [tilespmem:s0+$0x50]  }
0x1eb: {  	v50 =	vld [tilespmem:s0+$0x60]  }
0x1ec: {  	v26 =	vld [tilespmem:s0+$0x70]  }
0x1ed: {  	v51 =	vld [tilespmem:s0+$0x400]  }
0x1ee: {  	v52 =	vld [tilespmem:s0+$0x410]  }
0x1ef: {  	v29 =	vld [tilespmem:s0+$0x420]  }
0x1f0: {  	v53 =	vld [tilespmem:s0+$0x430]  }
0x1f1: {  	v54 =	vld [tilespmem:s0+$0x440];
	v19 =	vmul.f32 $8.388608000e+06, v19  }
0x1f2: {  	v57 =	vld [tilespmem:s0+$0x450];
	v20 =	vmul.f32 $8.388608000e+06, v20;
	v21 =	vmul.f32 $8.388608000e+06, v21  }
0x1f3: {  	v61 =	vld [tilespmem:s0+$0x460];
	v22 =	vmul.f32 $8.388608000e+06, v48;
	v23 =	vmul.f32 $8.388608000e+06, v49  }
0x1f4: {  	v63 =	vld [tilespmem:s0+$0x470];
	v24 =	vmul.f32 $8.388608000e+06, v24;
	v25 =	vmul.f32 $8.388608000e+06, v50  }
0x1f5: {  	v26 =	vmul.f32 $8.388608000e+06, v26;
	v27 =	vmul.f32 $8.388608000e+06, v51  }
0x1f6: {  	v28 =	vmul.f32 $8.388608000e+06, v52;
	v56 =	vmul.f32 $8.388608000e+06, v29  }
0x1f7: {  	v60 =	vmul.f32 $8.388608000e+06, v53;
	v34 =	vmul.f32 $8.388608000e+06, v54  }
0x1f8: {  	v37 =	vmul.f32 $8.388608000e+06, v57;
	v39 =	vmul.f32 $8.388608000e+06, v61  }
0x1f9: {  	v41 =	vmul.f32 $8.388608000e+06, v63;
	v19 =	vtrunc.f32 v19  }
0x1fa: {  	v20 =	vtrunc.f32 v20;
	v21 =	vtrunc.f32 v21  }
0x1fb: {  	v22 =	vtrunc.f32 v22;
	v23 =	vtrunc.f32 v23  }
0x1fc: {  	v24 =	vtrunc.f32 v24;
	v25 =	vtrunc.f32 v25  }
0x1fd: {  	v26 =	vtrunc.f32 v26;
	v27 =	vtrunc.f32 v27  }
0x1fe: {  	v55 =	vtrunc.f32 v28;
	v59 =	vtrunc.f32 v56  }
0x1ff: {  	v33 =	vtrunc.f32 v60;
	v36 =	vtrunc.f32 v34  }
0x200: {  	v40 =	vtrunc.f32 v37;
	v19 =	vcvt.f32.s32 v19  }
0x201: {  	v44 =	vtrunc.f32 v41;
	v20 =	vcvt.f32.s32 v20  }
0x202: {  	v21 =	vcvt.f32.s32 v21;
	v22 =	vcvt.f32.s32 v22;
	v19 =	vshll.u32 v19, $0x8  }
0x203: {  	v23 =	vcvt.f32.s32 v23;
	v20 =	vshll.u32 v20, $0x8;
	v19 =	vor.u32 v0, v19  }
0x204: {  	v24 =	vcvt.f32.s32 v24;
	v21 =	vshll.u32 v21, $0x8;
	v20 =	vor.u32 v1, v20;
	(xrf1) =	vsort.ascd.msk.u32 $0xffff, v19, v19  }
0x205: {  	v25 =	vcvt.f32.s32 v25;
	v22 =	vshll.u32 v22, $0x8;
	v21 =	vor.u32 v2, v21;
	(xrf1) =	vsort.dscd.msk.u32 $0xffff, v20, v20  }
0x206: {  	v26 =	vcvt.f32.s32 v26;
	v23 =	vshll.u32 v23, $0x8;
	v22 =	vor.u32 v3, v22;
	(xrf1) =	vsort.ascd.msk.u32 $0xffff, v21, v21  }
0x207: {  	v62 =	vcvt.f32.s32 v59;
	v24 =	vshll.u32 v24, $0x8;
	v23 =	vor.u32 v4, v23;
	(xrf1) =	vsort.dscd.msk.u32 $0xffff, v22, v22  }
0x208: {  	v24 =	vor.u32 v5, v24;
	v19 =	vshll.u32 v25, $0x8;
	v20 =	vcvt.f32.s32 v27;
	(xrf1) =	vsort.ascd.msk.u32 $0xffff, v23, v23  }
0x209: {  	v58 =	vshll.u32 v26, $0x8;
	v25 =	vcvt.f32.s32 v55;
	v19 =	vor.u32 v6, v19;
	(xrf1) =	vsort.dscd.msk.u32 $0xffff, v24, v24  }
0x20a: {  	v35 =	vcvt.f32.s32 v33;
	v21 =	vor.u32 v7, v58;
	v20 =	vshll.u32 v20, $0x8;
	(xrf1) =	vsort.ascd.msk.u32 $0xffff, v19, v19  }
0x20b: {  	v38 =	vcvt.f32.s32 v36;
	v32 =	vshll.u32 v25, $0x8;
	v20 =	vor.u32 v8, v20;
	(xrf1) =	vsort.dscd.msk.u32 $0xffff, v21, v21  }
0x20c: {  	v42 =	vcvt.f32.s32 v40;
	v23 =	vor.u32 v9, v32;
	v19 =	vshll.u32 v62, $0x8;
	(xrf1) =	vsort.ascd.msk.u32 $0xffff, v20, v20  }
0x20d: {  	v22 =	vtrunc.f32 v39;
	v19 =	vor.u32 v10, v19;
	v20 =	vshll.u32 v35, $0x8;
	(xrf1) =	vsort.dscd.msk.u32 $0xffff, v23, v23  }
0x20e: {  	v43 =	vcvt.f32.s32 v22;
	v20 =	vor.u32 v11, v20;
	(xrf1) =	vsort.ascd.msk.u32 $0xffff, v19, v19;
	v19 =	vshll.u32 v38, $0x8  }
0x20f: {  	v22 =	vcvt.f32.s32 v44;
	(xrf1) =	vsort.dscd.msk.u32 $0xffff, v20, v20;
	v19 =	vor.u32 v12, v19;
	v20 =	vshll.u32 v42, $0x8  }
0x210: {  	(xrf1) =	vsort.ascd.msk.u32 $0xffff, v19, v19;
	v19 =	vor.u32 v13, v20;
	v20 =	vshll.u32 v43, $0x8  }
0x211: {  	(xrf1) =	vsort.dscd.msk.u32 $0xffff, v19, v19;
	v19 =	vor.u32 v14, v20;
	v20 =	vshll.u32 v22, $0x8  }
0x212: {  	v45, _, _ =	vpop (xrf1);
	(xrf1) =	vsort.ascd.msk.u32 $0xffff, v19, v19;
	v19 =	vor.u32 v15, v20;
	_ =	sdelay $0x1  }
0x213: {  	v20, _, _ =	vpop (xrf1)  }
0x214: {  	(xrf1) =	vsort.dscd.msk.u32 $0xffff, v19, v19;
	v19, _, _ =	vpop (xrf1);
	v46 =	vmin.u32 v45, v20  }
0x215: {  	v20 =	vmax.u32 v45, v20;
	v47, _, _ =	vpop (xrf1);
	(xrf1) =	vsort.ascd.msk.u32 $0xffff, v46, v46  }
0x216: {  	v48, _, _ =	vpop (xrf1);
	(xrf1) =	vsort.ascd.msk.u32 $0xffff, v20, v20;
	v20 =	vmax.u32 v19, v47  }
0x217: {  	v19 =	vmin.u32 v19, v47;
	v49, _, _ =	vpop (xrf1);
	(xrf1) =	vsort.dscd.msk.u32 $0xffff, v20, v20  }
0x218: {  	(xrf1) =	vsort.dscd.msk.u32 $0xffff, v19, v19;
	v19 =	vmin.u32 v48, v49  }
0x219: {  	v20, _, _ =	vpop (xrf1)  }
0x21a: {  	v21 =	vmax.u32 v48, v49;
	(xrf1) =	vsort.ascd.msk.u32 $0xffff, v19, v19;
	v50, _, _ =	vpop (xrf1)  }
0x21b: {  	(xrf1) =	vsort.ascd.msk.u32 $0xffff, v21, v21;
	v19, _, _ =	vpop (xrf1);
	v51 =	vmax.u32 v20, v50  }
0x21c: {  	v20 =	vmin.u32 v20, v50;
	v52, _, _ =	vpop (xrf1);
	(xrf1) =	vsort.dscd.msk.u32 $0xffff, v51, v51  }
0x21d: {  	v53, _, _ =	vpop (xrf1);
	(xrf1) =	vsort.dscd.msk.u32 $0xffff, v20, v20;
	v20 =	vmin.u32 v19, v52  }
0x21e: {  	v19 =	vmax.u32 v19, v52;
	v54, _, _ =	vpop (xrf1);
	(xrf1) =	vsort.ascd.msk.u32 $0xffff, v20, v20  }
0x21f: {  	(xrf1) =	vsort.ascd.msk.u32 $0xffff, v19, v19;
	v19 =	vmax.u32 v53, v54  }
0x220: {  	v20, _, _ =	vpop (xrf1)  }
0x221: {  	v21 =	vmin.u32 v53, v54;
	(xrf1) =	vsort.dscd.msk.u32 $0xffff, v19, v19;
	v55, _, _ =	vpop (xrf1)  }
0x222: {  	v19, _, _ =	vpop (xrf1);
	(xrf1) =	vsort.dscd.msk.u32 $0xffff, v21, v21;
	v56 =	vmin.u32 v20, v55  }
0x223: {  	v20 =	vmax.u32 v20, v55;
	v57, _, _ =	vpop (xrf1);
	(xrf1) =	vsort.ascd.msk.u32 $0xffff, v56, v56  }
0x224: {  	(xrf1) =	vsort.ascd.msk.u32 $0xffff, v20, v20;
	v20 =	vmax.u32 v19, v57  }
0x225: {  	v19 =	vmin.u32 v19, v57  }
0x226: {  	v58, _, _ =	vpop (xrf1);
	(xrf1) =	vsort.dscd.msk.u32 $0xffff, v20, v20  }
0x227: {  	v20, _, _ =	vpop (xrf1);
	(xrf1) =	vsort.dscd.msk.u32 $0xffff, v19, v19  }
0x228: {  	v19, _, _ =	vpop (xrf1)  }
0x229: {  	v59, _, _ =	vpop (xrf1)  }
0x22a: {  	v60, _, _ =	vpop (xrf1)  }
0x22b: {  	v61, _, _ =	vpop (xrf1)  }
0x22c: {  	v62, _, _ =	vpop (xrf1)  }
0x22d: {  	v63, _, _ =	vpop (xrf1)  }
0x22e: {  	v32, _, _ =	vpop (xrf1)  }
0x22f: {  	v20 =	vmin.u32 v20, v59;
	v33, _, _ =	vpop (xrf1)  }
0x230: {  	v19 =	vmin.u32 v58, v19;
	v34, _, _ =	vpop (xrf1)  }
0x231: {  	v22 =	vmin.u32 v19, v20;
	v19 =	vmax.u32 v19, v20;
	v35, _, _ =	vpop (xrf1)  }
0x232: {  	v36 =	vmin.u32 v60, v62;
	v37 =	vmin.u32 v61, v63;
	(xrf1) =	vsort.ascd.msk.u32 $0xffff, v22, v22;
	v20, _, _ =	vpop (xrf1)  }
0x233: {  	v22 =	vmax.u32 v36, v37;
	v40 =	vmin.u32 v32, v34;
	(xrf1) =	vsort.ascd.msk.u32 $0xffff, v19, v19;
	v38, _, _ =	vpop (xrf1)  }
0x234: {  	v19 =	vmin.u32 v36, v37;
	v21 =	vmin.u32 v33, v35;
	v39, _, _ =	vpop (xrf1);
	(xrf1) =	vsort.dscd.msk.u32 $0xffff, v22, v22  }
0x235: {  	v41, _, _ =	vpop (xrf1);
	(xrf1) =	vsort.dscd.msk.u32 $0xffff, v19, v19;
	v19 =	vmin.u32 v40, v21;
	v21 =	vmax.u32 v40, v21  }
0x236: {  	(xrf1) =	vsort.ascd.msk.u32 $0xffff, v19, v19;
	v19 =	vmin.u32 v20, v39;
	v20 =	vmin.u32 v38, v41  }
0x237: {  	(xrf1) =	vsort.ascd.msk.u32 $0xffff, v21, v21;
	v42 =	vmax.u32 v19, v20  }
0x238: {  	v19 =	vmin.u32 v19, v20;
	(xrf1) =	vsort.dscd.msk.u32 $0xffff, v42, v42  }
0x239: {  	(xrf1) =	vsort.dscd.msk.u32 $0xffff, v19, v19;
	_ =	sdelay $0x6  }
0x23a: {  	v19, _, _ =	vpop (xrf1)  }
0x23b: {  	v20, _, _ =	vpop (xrf1)  }
0x23c: {  	v43, _, _ =	vpop (xrf1)  }
0x23d: {  	v44, _, _ =	vpop (xrf1)  }
0x23e: {  	v45, _, _ =	vpop (xrf1)  }
0x23f: {  	v46, _, _ =	vpop (xrf1)  }
0x240: {  	v19 =	vmin.u32 v19, v43;
	v20 =	vmin.u32 v20, v44;
	v47, _, _ =	vpop (xrf1)  }
0x241: {  	v22 =	vmin.u32 v19, v20;
	v19 =	vmax.u32 v19, v20;
	v48, _, _ =	vpop (xrf1)  }
0x242: {  	(xrf1) =	vsort.ascd.msk.u32 $0xffff, v22, v22;
	v20 =	vmin.u32 v45, v47;
	v21 =	vmin.u32 v46, v48  }
0x243: {  	(xrf1) =	vsort.ascd.msk.u32 $0xffff, v19, v19;
	v19 =	vmax.u32 v20, v21  }
0x244: {  	v20 =	vmin.u32 v20, v21;
	(xrf1) =	vsort.dscd.msk.u32 $0xffff, v19, v19  }
0x245: {  	(xrf1) =	vsort.dscd.msk.u32 $0xffff, v20, v20;
	_ =	sdelay $0xa  }
0x246: {  	v19, _, _ =	vpop (xrf1)  }
0x247: {  	v20, _, _ =	vpop (xrf1)  }
0x248: {  	v49, _, _ =	vpop (xrf1)  }
0x249: {  	v50, _, _ =	vpop (xrf1)  }
0x24a: {  	v19 =	vmin.u32 v19, v49;
	v20 =	vmin.u32 v20, v50  }
0x24b: {  	v21 =	vmin.u32 v19, v20  }
0x24c: {  	(xrf1) =	vsort.ascd.msk.u32 $0xffff, v21, v21;
	_ =	sdelay $0x4  }
0x24d: {  	v19 =	vmax.u32 v19, v20  }
0x24e: {  	(xrf1) =	vsort.ascd.msk.u32 $0xffff, v19, v19;
	_ =	sdelay $0x5  }
0x24f: {  	s31 =	sadd.s32 $0x30, s30  }
0x250: {  	v19 =	vmov s31  }
0x251: {  	v51 =	vshll.u32 v19, $0x3;
	v20, _, _ =	vpop (xrf1)  }
0x252: {  	v19 =	vand.u32 $0x70, v19;
	v21 =	vand.u32 $0x7FFFFC00, v51;
	v52 =	vand.u32 $0xF, v20  }
0x253: {  	v54 =	vadd.s32 v16, v21;
	v53 =	vshll.u32 v20, $0x5;
	v22 =	vor.u32 v19, v52  }
0x254: {  	v55 =	vshll.u32 v20, $0x3;
	v23 =	vand.u32 $0x1000, v53;
	v56 =	vor.u32 v22, v54  }
0x255: {  	v25 =	vand.u32 $0x380, v55;
	v26 =	vadd.s32 v23, v56  }
0x256: {  	v26 =	vor.u32 v25, v26  }
0x257: {  	v57, _, _ =	vpop (xrf1)  }
0x258: {  	v20 =	vand.u32 $0xFF, v20;
	v58 =	vand.u32 $0xF, v57  }
0x259: {  	v59 =	vand.u32 $0xFF, v57;
	[tilespmem:s25+$0x80] =	vst v20;
	v20 =	vshll.u32 v57, $0x5;
	v19 =	vor.u32 v19, v58  }
0x25a: {  	v27 =	vshll.u32 v57, $0x3;
	[tilespmem:s25+$0x90] =	vst v59;
	v20 =	vand.u32 $0x1000, v20;
	v24 =	vor.u32 v19, v54  }
0x25b: {  	v27 =	vand.u32 $0x380, v27;
	v24 =	vadd.s32 v20, v24;
	v26 =	vld.idx.msk [tilespmem:v26+s13+$0x0], $0xffff  }
0x25c: {  	v24 =	vor.u32 v27, v24;
	_ =	sdelay $0x2  }
0x25d: {  	v60 =	vadd.s32 v17, v21  }
0x25e: {  	v61 =	vor.u32 v22, v60;
	[tilespmem:s24+$0xFFFFF080] =	vst v26  }
0x25f: {  	v26 =	vadd.s32 v23, v61;
	v24 =	vld.idx.msk [tilespmem:v24+s13+$0x0], $0xffff  }
0x260: {  	v26 =	vor.u32 v25, v26;
	_ =	sdelay $0x3  }
0x261: {  	v62 =	vor.u32 v19, v60;
	[tilespmem:s24+$0xFFFFF090] =	vst v24  }
0x262: {  	v24 =	vadd.s32 v20, v62;
	v26 =	vld.idx.msk [tilespmem:v26+s13+$0x0], $0xffff  }
0x263: {  	v24 =	vor.u32 v27, v24;
	_ =	sdelay $0x2  }
0x264: {  	v21 =	vadd.s32 v18, v21  }
0x265: {  	v22 =	vor.u32 v22, v21;
	[tilespmem:s24+$0x80] =	vst v26  }
0x266: {  	v22 =	vadd.s32 v23, v22;
	v24 =	vld.idx.msk [tilespmem:v24+s13+$0x0], $0xffff  }
0x267: {  	v22 =	vor.u32 v25, v22;
	_ =	sdelay $0x3  }
0x268: {  	v19 =	vor.u32 v19, v21;
	[tilespmem:s24+$0x90] =	vst v24  }
0x269: {  	v19 =	vadd.s32 v20, v19;
	v63 =	vld.idx.msk [tilespmem:v22+s13+$0x0], $0xffff  }
0x26a: {  	v19 =	vor.u32 v27, v19;
	_ =	sdelay $0x3  }
0x26b: {  	[tilespmem:s24+$0x1080] =	vst v63  }
0x26c: {  	p1 =	sne.s32 s30, $0x1C0;
	v19 =	vld.idx.msk [tilespmem:v19+s13+$0x0], $0xffff  }
.Ltmp0:
0x26d: {  	_ = 	snop;
	(pc) =	sbr.rel @p1 .LBB2_3-.Ltmp0, $3  }
0x26e: {  	_ =	sdelay $0x1  }
0x26f: {  	s28 =	sadd.s32 $0x400, s28;
	s29 =	sadd.s32 $0x200, s29  }
0x270: {  	s30 =	sadd.s32 $0x40, s30;
	s25 =	sadd.s32 $0x200, s25;
	[tilespmem:s24+$0x1090] =	vst v19;
	s24 =	sadd.s32 $0x200, s24  }
0x271: {  	s0 =	sor.u32 s5, s20;
	s2 =	sand.u32 $0x1F, s20  }
0x272: {  	p1 =	seq.s32 s0, $0x0;
	p2 =	sne.s32 s2, $0x0  }
0x273: {  	p1 =	por !p1, !p2  }
0x274: {  	s2 =	simm.s32 $0x1;
	p1 =	por !p1, !p1  }
0x275: {  	s0 =	sshrl.u32 s0, $0x5;
	s2 =	simm.s32 @!p1 $0x0  }
0x276: {  	s0 =	ssub.s32 s0, s2  }
0x277: {  	s24 =	sshll.u32 s20, $0xC;
	s0 =	smul.u32 $0x60000, s0  }
0x278: {  	s25 =	smul.u32 $0xC000, s22;
	s2 =	sand.u32 $0x1F000, s24  }
0x279: {  	s0 =	sor.u32 s2, s0  }
0x27a: {  	s20 =	sshrl.u32 s25, $0x2;
	s2 =	sshrl.u32 s0, $0x3  }
0x27b: {  	s24 =	sor.u32 $0x10000, s20;
	s26 =	sadd.s32 s6, s2  }
0x27c: {  	[hbm4b:s26+s4] =	stream.linear.scatter [tilespmem:s24], [sflag:s21], $0x1000, $0x38;
	[tilespmem:$0x18000] =	vst v63  }
0x27d: {  	s28 =	sadd.s32 $0x20000, s0;
	s2 =	sadd.s32 s7, s2  }
0x27e: {  	[hbm4b:s2+s4] =	stream.linear.scatter [tilespmem:s23], [sflag:s21], $0x1000, $0x38;
	[tilespmem:$0x18000] =	vst v63  }
0x27f: {  	s2 =	sshrl.u32 s28, $0x3  }
0x280: {  	s30 =	sadd.s32 $0x11000, s20;
	s29 =	sadd.s32 s6, s2  }
0x281: {  	[hbm4b:s29+s4] =	stream.linear.scatter [tilespmem:s30], [sflag:s21], $0x1000, $0x38;
	[tilespmem:$0x18000] =	vst v63  }
0x282: {  	p1 =	sne.s32 s19, $0x40;
	s0 =	sadd.s32 $0x40000, s0;
	s2 =	sadd.s32 s7, s2  }
0x283: {  	[hbm4b:s2+s4] =	stream.linear.scatter [tilespmem:s23], [sflag:s21], $0x1000, $0x38;
	[tilespmem:$0x18000] =	vst v63  }
.Ltmp1:
0x284: {  	s0 =	sshrl.u32 s0, $0x3;
	(pc) =	sbr.rel @p1 .LBB2_2-.Ltmp1, $4  }
0x285: {  	s20 =	sadd.s32 $0x12000, s20;
	s31 =	sadd.s32 s6, s0  }
0x286: {  	[hbm4b:s31+s4] =	stream.linear.scatter [tilespmem:s20], [sflag:s21], $0x1000, $0x38;
	[tilespmem:$0x18000] =	vst v63  }
0x287: {  	p0 =	por !p0, !p0;
	s0 =	sadd.s32 s7, s0;
	s20 =	smov.u32 s19  }
0x288: {  	[hbm4b:s0+s4] =	stream.linear.scatter [tilespmem:s23], [sflag:s21], $0x1000, $0x38;
	[tilespmem:$0x18000] =	vst v63  }
0x289: {  	_ =	swait.ge [sflag:s16], $0x1000  }
0x28a: {  	[sflag:s16] =	ssyncset.done $0x0  }
0x28b: {  	[sflag:s16] =	ssyncadd.s32 $0xFFFFF000  }
0x28c: {  	_ =	swait.ge [sflag:s16], $0x1000  }
0x28d: {  	[sflag:s16] =	ssyncset.done $0x0  }
0x28e: {  	[sflag:s16] =	ssyncadd.s32 $0xFFFFF000  }
0x28f: {  	_ =	swait.ge [sflag:s16], $0x1000  }
0x290: {  	[sflag:s16] =	ssyncset.done $0x0  }
0x291: {  	[sflag:s16] =	ssyncadd.s32 $0xFFFFF000  }
0x292: {  	_ =	swait.ge [sflag:s16], $0x1000  }
0x293: {  	[sflag:s16] =	ssyncset.done $0x0  }
0x294: {  	[sflag:s16] =	ssyncadd.s32 $0xFFFFF000  }
0x295: {  	_ =	swait.ge [sflag:s16], $0x1000  }
0x296: {  	[sflag:s16] =	ssyncset.done $0x0  }
0x297: {  	[sflag:s16] =	ssyncadd.s32 $0xFFFFF000  }
0x298: {  	_ =	swait.ge [sflag:s16], $0x1000  }
0x299: {  	[sflag:s16] =	ssyncset.done $0x0  }
0x29a: {  	[sflag:s16] =	ssyncadd.s32 $0xFFFFF000  }
0x29b: {  	_ =	swait.ge [sflag:s17], $0x1000  }
0x29c: {  	[sflag:s17] =	ssyncset.done $0x0  }
0x29d: {  	[sflag:s17] =	ssyncadd.s32 $0xFFFFF000  }
0x29e: {  	_ =	swait.ge [sflag:s17], $0x1000  }
0x29f: {  	[sflag:s17] =	ssyncset.done $0x0  }
0x2a0: {  	[sflag:s17] =	ssyncadd.s32 $0xFFFFF000  }
0x2a1: {  	_ =	swait.ge [sflag:s17], $0x1000  }
0x2a2: {  	[sflag:s17] =	ssyncset.done $0x0  }
0x2a3: {  	[sflag:s17] =	ssyncadd.s32 $0xFFFFF000  }
0x2a4: {  	_ =	swait.ge [sflag:s17], $0x1000  }
0x2a5: {  	[sflag:s17] =	ssyncset.done $0x0  }
0x2a6: {  	s18 =	sadd.s32 $0x1, s18;
	[sflag:s17] =	ssyncadd.s32 $0xFFFFF000  }
0x2a7: {  	p0 =	sne.s32 s18, s12;
	_ =	swait.ge [sflag:s17], $0x1000  }
.Ltmp2:
0x2a8: {  	[sflag:s17] =	ssyncset.done $0x0;
	(pc) =	sbr.rel @p0 .LBB2_1-.Ltmp2, $4  }
0x2a9: {  	[sflag:s17] =	ssyncadd.s32 $0xFFFFF000  }
0x2aa: {  	_ =	swait.ge [sflag:s17], $0x1000  }
0x2ab: {  	[sflag:s17] =	ssyncset.done $0x0  }
0x2ac: {  	[sflag:s17] =	ssyncadd.s32 $0xFFFFF000  }
0x2ad: {  	_ =	sfence.sel $0x180000  }
0x2ae: {  	[bflag:$0x0] =	sbarrier.arrive $0xFFFF  }
0x2af: {  	_ =	strace $0x90000047  }
0x2b0: {  	s0 =	stileid.u32;
	[bflag:$0x2] =	sbarrier.arrive $0xFFFF  }
0x2b1: {  	p0 =	sne.s32 s0, $0x0;
	s0 =	rddreg [dreg:$0x3]  }
0x2b2: {  	s0 =	sadd.s32 @!p0 $0x100000, s0  }
0x2b3: {  	[sflag:s0] =	ssyncadd.tile.s32 @!p0 $0x1;
	_ =	shalt  }
.Lfunc_end2:
_tile_overlayer_lowered:
.L_overlay_start_2:
0x2b4: {  	(tag) =	ssettag $0x2  }
0x2b5: {  	s0 =	rddreg [dreg:$0x0];
	s2 =	stileid.u32  }
0x2b6: {  	s1 =	rddreg [dreg:$0x1];
	p0 =	sne.s32 s2, $0x0  }
0x2b7: {  	s3 =	rddreg [dreg:$0x2];
	[bflag:$0x3] =	sbarrier.arrive $0xFFFF;
	s2 =	simm.s32 @!p0 $0x1C05  }
0x2b8: {  	[timem:s3], [sflag:s2] =	dma.local @!p0 [hbm:s0], s1  }
0x2b9: {  	s0 =	simm.s32 @!p0 $0x5  }
0x2ba: {  	_ =	swait.ge @!p0 [sflag:s0], s1  }
0x2bb: {  	s1 =	ssub.s32 @!p0 $0x0, s1;
	[sflag:s0] =	ssyncset.done @!p0 $0x0  }
0x2bc: {  	[sflag:s0] =	ssyncadd.s32 @!p0 s1  }
0x2bd: {  	[bflag:$0x3] =	sbarrier.arrive $0xFFFF  }
0x2be: {  	_ =	shalt  }

</sc_bundles>
